<compile_context>
chip_gen: v7x
topology: tpu7x:2x2x1
jax: 0.10.2.dev20260603
libtpu: 0.0.44.dev20260713+nightly
codegen_flags: <defaults>
</compile_context>

<pallas_src>
import functools

import jax
import jax.numpy as jnp
from jax import lax
from jax.experimental import pallas as pl
from jax.experimental.pallas import tpu as pltpu
from jax.experimental.pallas import tpu_sc as plsc

N = 100000
E = 3200000
F = 16

CHUNK = 128
K = 5
GSZ = K * CHUNK
NCORE, NSUB = 2, 16
NW = NCORE * NSUB
EG = E // GSZ
NBIG = 4
GBIG, GSMALL = 158, 156
NPAD = 100096
RPT = NPAD // NSUB
ZROWS = 391

P = N * F // 128
PALL = NPAD * F // 128
BP = 3128


def _edge_pass(h, row2d, col2d, with_gather):
  mesh = plsc.VectorSubcoreMesh(core_axis_name="c", subcore_axis_name="s")

  @functools.partial(
      pl.kernel,
      out_type=jax.ShapeDtypeStruct((NCORE, NPAD, F), jnp.float32),
      mesh=mesh,
      scratch_types=[
          pltpu.VMEM((2, GSZ), jnp.int32),
          pltpu.VMEM((2, GSZ), jnp.int32),
          pltpu.VMEM((2, GSZ, F), jnp.float32),
          pltpu.VMEM((ZROWS, F), jnp.float32),
          pltpu.VMEM_SHARED((NPAD, F), jnp.float32),
          pltpu.SemaphoreType.DMA,
          pltpu.SemaphoreType.DMA,
          pltpu.SemaphoreType.DMA,
          pltpu.SemaphoreType.DMA,
          pltpu.SemaphoreType.DMA,
          pltpu.SemaphoreType.DMA,
      ],
      compiler_params=pltpu.CompilerParams(use_tc_tiling_on_sc=False),
  )
  def k(h_hbm, row_hbm, col_hbm, out_hbm, ridx, cidx, msg, zbuf, agg,
        gsem0, gsem1, ssem0, ssem1, isem0, isem1):
    c = lax.axis_index("c")
    s = lax.axis_index("s")
    wid = s * NCORE + c

    gw = GBIG - 2 * (wid >= NBIG).astype(jnp.int32)
    base = GSMALL * wid + 2 * jnp.minimum(wid, NBIG)
    gmax = base + gw - 1
    gsems = (gsem0, gsem1)
    ssems = (ssem0, ssem1)
    isems = (isem0, isem1)

    def pidx(b, g):
      off = jnp.minimum(base + g, gmax)
      if with_gather:
        pltpu.make_async_copy(row_hbm.at[off], ridx.at[b], isems[b]).start()
      pltpu.make_async_copy(col_hbm.at[off], cidx.at[b], isems[b]).start()

    def widx(b):
      if with_gather:
        pltpu.make_async_copy(row_hbm.at[0], ridx.at[b], isems[b]).wait()
      pltpu.make_async_copy(col_hbm.at[0], cidx.at[b], isems[b]).wait()

    def gat(b):
      if with_gather:
        pltpu.make_async_copy(h_hbm.at[ridx.at[b]], msg.at[b],
                              gsems[b]).start()

    def wgat(b):
      if with_gather:
        pltpu.make_async_copy(h_hbm.at[ridx.at[b]], msg.at[b],
                              gsems[b]).wait()

    def sca(b):
      pltpu.make_async_copy(msg.at[b], agg.at[cidx.at[b]],
                            ssems[b]).start(add=True)

    def wsca(b):
      pltpu.make_async_copy(msg.at[b], agg.at[cidx.at[b]], ssems[b]).wait()

    pidx(0, 0)
    pidx(1, 1)

    def zb(i, _):
      zbuf[i, :] = jnp.zeros((F,), jnp.float32)
      return 0
    lax.fori_loop(0, ZROWS, zb, 0)

    if not with_gather:
      def ob(i, _):
        for b in range(2):
          msg[b, i, :] = jnp.ones((F,), jnp.float32)
        return 0
      lax.fori_loop(0, GSZ, ob, 0)

    def zs(i, _):
      pltpu.sync_copy(zbuf, agg.at[pl.ds(s * RPT + i * ZROWS, ZROWS)])
      return 0
    lax.fori_loop(0, RPT // ZROWS, zs, 0)
    plsc.subcore_barrier()

    widx(0)
    gat(0)
    wgat(0)
    sca(0)
    widx(1)
    gat(1)
    wsca(0)
    pidx(0, 2)
    wgat(1)
    sca(1)

    def body(i, _):
      g = 2 * i + 2
      widx(0)
      gat(0)
      wsca(1)
      pidx(1, g + 1)
      wgat(0)
      sca(0)
      widx(1)
      gat(1)
      wsca(0)
      pidx(0, g + 2)
      wgat(1)
      sca(1)
      return 0
    lax.fori_loop(0, (gw - 2) // 2, body, 0)

    wsca(1)
    widx(0)

    plsc.subcore_barrier()
    pltpu.sync_copy(agg.at[pl.ds(s * RPT, RPT)],
                    out_hbm.at[c, pl.ds(s * RPT, RPT)])

  return k(h, row2d, col2d)


def _tc_layer1(xp2, degp_r, W1i, W1r, b1t):
  def body(x_ref, dg_ref, w1i_ref, w1r_ref, b1_ref, h1p_ref, root1_ref,
           dinv_ref):
    deg = dg_ref[0] + dg_ref[1]
    dinv = jnp.where(deg > 0, lax.rsqrt(jnp.maximum(deg, 1.0)), 0.0)
    xb = x_ref[...]
    h1p_ref[...] = jnp.dot(xb, w1i_ref[...],
                           preferred_element_type=jnp.float32) * dinv
    root1_ref[...] = jnp.dot(xb, w1r_ref[...],
                             preferred_element_type=jnp.float32) + b1_ref[...]
    dinv_ref[...] = dinv

  return pl.pallas_call(
      body,
      grid=(PALL // BP,),
      in_specs=[
          pl.BlockSpec((BP, 128), lambda i: (i, 0)),
          pl.BlockSpec((NCORE, BP, 128), lambda i: (0, i, 0)),
          pl.BlockSpec((128, 128), lambda i: (0, 0)),
          pl.BlockSpec((128, 128), lambda i: (0, 0)),
          pl.BlockSpec((1, 128), lambda i: (0, 0)),
      ],
      out_specs=[pl.BlockSpec((BP, 128), lambda i: (i, 0))] * 3,
      out_shape=[jax.ShapeDtypeStruct((PALL, 128), jnp.float32)] * 3,
  )(xp2, degp_r, W1i, W1r, b1t)


def _tc_layer2(aggp_r, dinv, root1, W2i, W2r, b2t):
  def body(ag_ref, dinv_ref, root1_ref, w2i_ref, w2r_ref, b2_ref,
           h2p_ref, root2_ref):
    dv = dinv_ref[...]
    out1 = jax.nn.relu((ag_ref[0] + ag_ref[1]) * dv + root1_ref[...])
    h2p_ref[...] = jnp.dot(out1, w2i_ref[...],
                           preferred_element_type=jnp.float32) * dv
    root2_ref[...] = jnp.dot(out1, w2r_ref[...],
                             preferred_element_type=jnp.float32) + b2_ref[...]

  return pl.pallas_call(
      body,
      grid=(PALL // BP,),
      in_specs=[
          pl.BlockSpec((NCORE, BP, 128), lambda i: (0, i, 0)),
          pl.BlockSpec((BP, 128), lambda i: (i, 0)),
          pl.BlockSpec((BP, 128), lambda i: (i, 0)),
          pl.BlockSpec((128, 128), lambda i: (0, 0)),
          pl.BlockSpec((128, 128), lambda i: (0, 0)),
          pl.BlockSpec((1, 128), lambda i: (0, 0)),
      ],
      out_specs=[pl.BlockSpec((BP, 128), lambda i: (i, 0))] * 2,
      out_shape=[jax.ShapeDtypeStruct((PALL, 128), jnp.float32)] * 2,
  )(aggp_r, dinv, root1, W2i, W2r, b2t)


def _tc_final(aggp_r, dinv, root2):
  def body(ag_ref, dinv_ref, root2_ref, out_ref):
    out_ref[...] = jax.nn.relu(
        (ag_ref[0] + ag_ref[1]) * dinv_ref[...] + root2_ref[...])

  return pl.pallas_call(
      body,
      grid=(PALL // BP,),
      in_specs=[
          pl.BlockSpec((NCORE, BP, 128), lambda i: (0, i, 0)),
          pl.BlockSpec((BP, 128), lambda i: (i, 0)),
          pl.BlockSpec((BP, 128), lambda i: (i, 0)),
      ],
      out_specs=pl.BlockSpec((BP, 128), lambda i: (i, 0)),
      out_shape=jax.ShapeDtypeStruct((PALL, 128), jnp.float32),
  )(aggp_r, dinv, root2)


def kernel(x, edge_index, w1_init, w1_root, b1, w2_init, w2_root, b2):
  rowp = edge_index[0].reshape(EG, GSZ)
  colp = edge_index[1].reshape(EG, GSZ)

  eye8 = jnp.eye(8, dtype=jnp.float32)
  w1ip = jnp.zeros((16, F), jnp.float32).at[:8].set(w1_init)
  w1rp = jnp.zeros((16, F), jnp.float32).at[:8].set(w1_root)
  W1i = jnp.kron(eye8, w1ip)
  W1r = jnp.kron(eye8, w1rp)
  W2i = jnp.kron(eye8, w2_init)
  W2r = jnp.kron(eye8, w2_root)
  b1t = jnp.tile(b1, 8).reshape(1, 128)
  b2t = jnp.tile(b2, 8).reshape(1, 128)
  xp2 = jnp.pad(x.reshape(P, 8, 8), ((0, PALL - P), (0, 0), (0, 8)),
                ).reshape(PALL, 128)

  dummy_h = jnp.zeros((1, F), jnp.float32)
  degp = _edge_pass(dummy_h, rowp, colp, with_gather=False)
  h1p, root1, dinv = _tc_layer1(xp2, degp.reshape(NCORE, PALL, 128),
                                W1i, W1r, b1t)
  aggp1 = _edge_pass(h1p.reshape(NPAD, F), rowp, colp, with_gather=True)
  h2p, root2 = _tc_layer2(aggp1.reshape(NCORE, PALL, 128), dinv, root1,
                          W2i, W2r, b2t)
  aggp2 = _edge_pass(h2p.reshape(NPAD, F), rowp, colp, with_gather=True)
  out = _tc_final(aggp2.reshape(NCORE, PALL, 128), dinv, root2)
  return out[:P].reshape(N, F)

# --- scband reference (transcript-rebuilt; emitter-appended) ---
"""Pipeline reference for scband-my-model-14259291423267 (READ-ONLY COPY).

The authoritative reference and input builder live on the scoring server;
editing this copy changes nothing except your own understanding.
"""

import jax, jax.numpy as jnp
import numpy as np

N = 100000
E = 3200000
F_IN = 8
F_HID = 16


def setup_inputs(seed: int = 0) -> dict:
    key = jax.random.key(seed)
    ks = jax.random.split(key, 8)
    x = jax.random.normal(ks[0], (N, F_IN), dtype=jnp.float32)
    edge_index = jax.random.randint(ks[1], (2, E), 0, N, dtype=jnp.int32)
    # ARMAConv(8,16): num_stacks=1, num_layers=1 -> init_weight [F_in,F_out], root_weight [F_in,F_out], bias [F_out]
    w1_init = jax.random.normal(ks[2], (F_IN, F_HID), dtype=jnp.float32) * 0.1
    w1_root = jax.random.normal(ks[3], (F_IN, F_HID), dtype=jnp.float32) * 0.1
    b1 = jax.random.normal(ks[4], (F_HID,), dtype=jnp.float32) * 0.1
    # ARMAConv(16,16)
    w2_init = jax.random.normal(ks[5], (F_HID, F_HID), dtype=jnp.float32) * 0.1
    w2_root = jax.random.normal(ks[6], (F_HID, F_HID), dtype=jnp.float32) * 0.1
    b2 = jax.random.normal(ks[7], (F_HID,), dtype=jnp.float32) * 0.1
    return {"x": x, "edge_index": edge_index,
            "w1_init": w1_init, "w1_root": w1_root, "b1": b1,
            "w2_init": w2_init, "w2_root": w2_root, "b2": b2}


def _gcn_norm(edge_index, num_nodes, dtype):
    # PyG ARMAConv uses gcn_norm with add_self_loops=False
    row, col = edge_index[0], edge_index[1]
    ew = jnp.ones(row.shape[0], dtype=dtype)
    deg = jnp.zeros((num_nodes,), dtype=dtype).at[col].add(ew)
    deg_inv_sqrt = jnp.where(deg > 0, 1.0 / jnp.sqrt(jnp.where(deg > 0, deg, 1.0)), 0.0)
    return deg_inv_sqrt[row] * ew * deg_inv_sqrt[col]


def _arma_conv(x, edge_index, norm, w_init, w_root, bias):
    # num_stacks=1, num_layers=1, shared_weights=False, dropout=0, act=ReLU
    h = x @ w_init
    msg = norm[:, None] * jnp.take(h, edge_index[0], axis=0)
    agg = jnp.zeros_like(h).at[edge_index[1]].add(msg)
    out = agg + x @ w_root + bias
    out = jax.nn.relu(out)
    # mean over num_stacks dim (size 1) is identity
    return out


def reference(x, edge_index, w1_init, w1_root, b1, w2_init, w2_root, b2):
    num_nodes = x.shape[0]
    norm = _gcn_norm(edge_index, num_nodes, x.dtype)
    h = _arma_conv(x, edge_index, norm, w1_init, w1_root, b1)
    h = jax.nn.relu(h)  # extra .relu() in MyModel.forward (no-op after internal ReLU, kept for fidelity)
    out = _arma_conv(h, edge_index, norm, w2_init, w2_root, b2)
    return out

if __name__ == "__main__":
    import jax
    _d = setup_inputs()
    print(jax.jit(kernel)(*tuple(_d.values())))

</pallas_src>

<mosaic_0001>
#map = affine_map<(d0, d1) -> (0, 0)>
#map1 = affine_map<(d0, d1) -> (0, 0, 0)>
module attributes {stable_mosaic.version = 14 : i64} {
  func.func @k(%arg0: i32, %arg1: i32, %arg2: memref<100096x16xf32, #tpu.memory_space<hbm>>, %arg3: memref<5000x640xi32, #tpu.memory_space<hbm>>, %arg4: memref<5000x640xi32, #tpu.memory_space<hbm>>, %arg5: memref<2x100096x16xf32, #tpu.memory_space<hbm>>, %arg6: memref<2x640xi32, #tpu.memory_space<vmem>>, %arg7: memref<2x640xi32, #tpu.memory_space<vmem>>, %arg8: memref<2x640x16xf32, #tpu.memory_space<vmem>>, %arg9: memref<391x16xf32, #tpu.memory_space<vmem>>, %arg10: memref<100096x16xf32, #tpu.memory_space<vmem_shared>>, %arg11: memref<!tpu.dma_semaphore, #tpu.memory_space<semaphore_mem>>, %arg12: memref<!tpu.dma_semaphore, #tpu.memory_space<semaphore_mem>>, %arg13: memref<!tpu.dma_semaphore, #tpu.memory_space<semaphore_mem>>, %arg14: memref<!tpu.dma_semaphore, #tpu.memory_space<semaphore_mem>>, %arg15: memref<!tpu.dma_semaphore, #tpu.memory_space<semaphore_mem>>, %arg16: memref<!tpu.dma_semaphore, #tpu.memory_space<semaphore_mem>>) attributes {dimension_semantics = [#tpu.dimension_semantics<core_parallel>, #tpu.dimension_semantics<subcore_parallel>], iteration_bounds = array<i64: 2, 16>, scalar_prefetch = 0 : i64, scratch_operands = 11 : i64, tpu.core_type = #tpu.core_type<sc_vector_subcore>, window_params = [{transform_indices = #map}, {transform_indices = #map}, {transform_indices = #map}, {transform_indices = #map1}]} {
    %mul3A = arith.constant 2 : i32
    %mul3A_0 = arith.muli %arg1, %mul3A : i32
    %add3A = arith.addi %mul3A_0, %arg0 : i32
    %ge3A = arith.constant 4 : i32
    %ge3A_1 = arith.cmpi sge, %add3A, %ge3A : i32
    %convert_element_type3A = arith.extui %ge3A_1 : i1 to i32
    %mul3A_2 = arith.constant 2 : i32
    %mul3A_3 = arith.muli %mul3A_2, %convert_element_type3A : i32
    %sub3A = arith.constant 158 : i32
    %sub3A_4 = arith.subi %sub3A, %mul3A_3 : i32
    %mul3A_5 = arith.constant 156 : i32
    %mul3A_6 = arith.muli %mul3A_5, %add3A : i32
    %min3A = arith.constant 4 : i32
    %min3A_7 = arith.minsi %add3A, %min3A : i32
    %mul3A_8 = arith.constant 2 : i32
    %mul3A_9 = arith.muli %mul3A_8, %min3A_7 : i32
    %add3A_10 = arith.addi %mul3A_6, %mul3A_9 : i32
    %add3A_11 = arith.addi %add3A_10, %sub3A_4 : i32
    %sub3A_12 = arith.constant 1 : i32
    %sub3A_13 = arith.subi %add3A_11, %sub3A_12 : i32
    %add3A_14 = arith.constant 0 : i32
    %add3A_15 = arith.addi %add3A_10, %add3A_14 : i32
    %min3A_16 = arith.minsi %add3A_15, %sub3A_13 : i32
    %dma_start3A = arith.constant 0 : i32
    %dma_start3A_17 = arith.constant 0 : i32
    %dma_start3A_18 = tpu.memref_slice %arg6[%dma_start3A, %dma_start3A_17] : memref<2x640xi32, #tpu.memory_space<vmem>> -> memref<1x640xi32, #tpu.memory_space<vmem>>
    %dma_start3A_19 = tpu.memref_squeeze %dma_start3A_18 : memref<1x640xi32, #tpu.memory_space<vmem>> -> memref<640xi32, #tpu.memory_space<vmem>>
    %dma_start3A_20 = arith.constant 0 : i32
    %dma_start3A_21 = tpu.memref_slice %arg3[%min3A_16, %dma_start3A_20] : memref<5000x640xi32, #tpu.memory_space<hbm>> -> memref<1x640xi32, #tpu.memory_space<hbm>>
    %dma_start3A_22 = tpu.memref_squeeze %dma_start3A_21 : memref<1x640xi32, #tpu.memory_space<hbm>> -> memref<640xi32, #tpu.memory_space<hbm>>
    %dma_start3A_23 = arith.constant 0 : i32
    %dma_start3A_24 = tpu.memref_slice %arg6[%dma_start3A, %dma_start3A_23] : memref<2x640xi32, #tpu.memory_space<vmem>> -> memref<1x640xi32, #tpu.memory_space<vmem>>
    %dma_start3A_25 = tpu.memref_squeeze %dma_start3A_24 : memref<1x640xi32, #tpu.memory_space<vmem>> -> memref<640xi32, #tpu.memory_space<vmem>>
    %dma_start3A_26 = arith.constant 0 : i32
    %dma_start3A_27 = tpu.memref_slice %arg3[%min3A_16, %dma_start3A_26] : memref<5000x640xi32, #tpu.memory_space<hbm>> -> memref<1x640xi32, #tpu.memory_space<hbm>>
    %dma_start3A_28 = tpu.memref_squeeze %dma_start3A_27 : memref<1x640xi32, #tpu.memory_space<hbm>> -> memref<640xi32, #tpu.memory_space<hbm>>
    tpu.enqueue_dma source(%dma_start3A_28 : memref<640xi32, #tpu.memory_space<hbm>>) target(%dma_start3A_25 : memref<640xi32, #tpu.memory_space<vmem>>) target_semaphore(%arg15 : memref<!tpu.dma_semaphore, #tpu.memory_space<semaphore_mem>>)
    %dma_start3A_29 = arith.constant 0 : i32
    %dma_start3A_30 = arith.constant 0 : i32
    %dma_start3A_31 = tpu.memref_slice %arg7[%dma_start3A_29, %dma_start3A_30] : memref<2x640xi32, #tpu.memory_space<vmem>> -> memref<1x640xi32, #tpu.memory_space<vmem>>
    %dma_start3A_32 = tpu.memref_squeeze %dma_start3A_31 : memref<1x640xi32, #tpu.memory_space<vmem>> -> memref<640xi32, #tpu.memory_space<vmem>>
    %dma_start3A_33 = arith.constant 0 : i32
    %dma_start3A_34 = tpu.memref_slice %arg4[%min3A_16, %dma_start3A_33] : memref<5000x640xi32, #tpu.memory_space<hbm>> -> memref<1x640xi32, #tpu.memory_space<hbm>>
    %dma_start3A_35 = tpu.memref_squeeze %dma_start3A_34 : memref<1x640xi32, #tpu.memory_space<hbm>> -> memref<640xi32, #tpu.memory_space<hbm>>
    %dma_start3A_36 = arith.constant 0 : i32
    %dma_start3A_37 = tpu.memref_slice %arg7[%dma_start3A_29, %dma_start3A_36] : memref<2x640xi32, #tpu.memory_space<vmem>> -> memref<1x640xi32, #tpu.memory_space<vmem>>
    %dma_start3A_38 = tpu.memref_squeeze %dma_start3A_37 : memref<1x640xi32, #tpu.memory_space<vmem>> -> memref<640xi32, #tpu.memory_space<vmem>>
    %dma_start3A_39 = arith.constant 0 : i32
    %dma_start3A_40 = tpu.memref_slice %arg4[%min3A_16, %dma_start3A_39] : memref<5000x640xi32, #tpu.memory_space<hbm>> -> memref<1x640xi32, #tpu.memory_space<hbm>>
    %dma_start3A_41 = tpu.memref_squeeze %dma_start3A_40 : memref<1x640xi32, #tpu.memory_space<hbm>> -> memref<640xi32, #tpu.memory_space<hbm>>
    tpu.enqueue_dma source(%dma_start3A_41 : memref<640xi32, #tpu.memory_space<hbm>>) target(%dma_start3A_38 : memref<640xi32, #tpu.memory_space<vmem>>) target_semaphore(%arg15 : memref<!tpu.dma_semaphore, #tpu.memory_space<semaphore_mem>>)
    %add3A_42 = arith.constant 1 : i32
    %add3A_43 = arith.addi %add3A_10, %add3A_42 : i32
    %min3A_44 = arith.minsi %add3A_43, %sub3A_13 : i32
    %dma_start3A_45 = arith.constant 1 : i32
    %dma_start3A_46 = arith.constant 0 : i32
    %dma_start3A_47 = tpu.memref_slice %arg6[%dma_start3A_45, %dma_start3A_46] : memref<2x640xi32, #tpu.memory_space<vmem>> -> memref<1x640xi32, #tpu.memory_space<vmem>>
    %dma_start3A_48 = tpu.memref_squeeze %dma_start3A_47 : memref<1x640xi32, #tpu.memory_space<vmem>> -> memref<640xi32, #tpu.memory_space<vmem>>
    %dma_start3A_49 = arith.constant 0 : i32
    %dma_start3A_50 = tpu.memref_slice %arg3[%min3A_44, %dma_start3A_49] : memref<5000x640xi32, #tpu.memory_space<hbm>> -> memref<1x640xi32, #tpu.memory_space<hbm>>
    %dma_start3A_51 = tpu.memref_squeeze %dma_start3A_50 : memref<1x640xi32, #tpu.memory_space<hbm>> -> memref<640xi32, #tpu.memory_space<hbm>>
    %dma_start3A_52 = arith.constant 0 : i32
    %dma_start3A_53 = tpu.memref_slice %arg6[%dma_start3A_45, %dma_start3A_52] : memref<2x640xi32, #tpu.memory_space<vmem>> -> memref<1x640xi32, #tpu.memory_space<vmem>>
    %dma_start3A_54 = tpu.memref_squeeze %dma_start3A_53 : memref<1x640xi32, #tpu.memory_space<vmem>> -> memref<640xi32, #tpu.memory_space<vmem>>
    %dma_start3A_55 = arith.constant 0 : i32
    %dma_start3A_56 = tpu.memref_slice %arg3[%min3A_44, %dma_start3A_55] : memref<5000x640xi32, #tpu.memory_space<hbm>> -> memref<1x640xi32, #tpu.memory_space<hbm>>
    %dma_start3A_57 = tpu.memref_squeeze %dma_start3A_56 : memref<1x640xi32, #tpu.memory_space<hbm>> -> memref<640xi32, #tpu.memory_space<hbm>>
    tpu.enqueue_dma source(%dma_start3A_57 : memref<640xi32, #tpu.memory_space<hbm>>) target(%dma_start3A_54 : memref<640xi32, #tpu.memory_space<vmem>>) target_semaphore(%arg16 : memref<!tpu.dma_semaphore, #tpu.memory_space<semaphore_mem>>)
    %dma_start3A_58 = arith.constant 1 : i32
    %dma_start3A_59 = arith.constant 0 : i32
    %dma_start3A_60 = tpu.memref_slice %arg7[%dma_start3A_58, %dma_start3A_59] : memref<2x640xi32, #tpu.memory_space<vmem>> -> memref<1x640xi32, #tpu.memory_space<vmem>>
    %dma_start3A_61 = tpu.memref_squeeze %dma_start3A_60 : memref<1x640xi32, #tpu.memory_space<vmem>> -> memref<640xi32, #tpu.memory_space<vmem>>
    %dma_start3A_62 = arith.constant 0 : i32
    %dma_start3A_63 = tpu.memref_slice %arg4[%min3A_44, %dma_start3A_62] : memref<5000x640xi32, #tpu.memory_space<hbm>> -> memref<1x640xi32, #tpu.memory_space<hbm>>
    %dma_start3A_64 = tpu.memref_squeeze %dma_start3A_63 : memref<1x640xi32, #tpu.memory_space<hbm>> -> memref<640xi32, #tpu.memory_space<hbm>>
    %dma_start3A_65 = arith.constant 0 : i32
    %dma_start3A_66 = tpu.memref_slice %arg7[%dma_start3A_58, %dma_start3A_65] : memref<2x640xi32, #tpu.memory_space<vmem>> -> memref<1x640xi32, #tpu.memory_space<vmem>>
    %dma_start3A_67 = tpu.memref_squeeze %dma_start3A_66 : memref<1x640xi32, #tpu.memory_space<vmem>> -> memref<640xi32, #tpu.memory_space<vmem>>
    %dma_start3A_68 = arith.constant 0 : i32
    %dma_start3A_69 = tpu.memref_slice %arg4[%min3A_44, %dma_start3A_68] : memref<5000x640xi32, #tpu.memory_space<hbm>> -> memref<1x640xi32, #tpu.memory_space<hbm>>
    %dma_start3A_70 = tpu.memref_squeeze %dma_start3A_69 : memref<1x640xi32, #tpu.memory_space<hbm>> -> memref<640xi32, #tpu.memory_space<hbm>>
    tpu.enqueue_dma source(%dma_start3A_70 : memref<640xi32, #tpu.memory_space<hbm>>) target(%dma_start3A_67 : memref<640xi32, #tpu.memory_space<vmem>>) target_semaphore(%arg16 : memref<!tpu.dma_semaphore, #tpu.memory_space<semaphore_mem>>)
    %scan3A = arith.constant 0 : i32
    %scan3A_71 = arith.constant 0 : i32
    %scan3A_72 = arith.constant 391 : i32
    %scan3A_73 = arith.addi %scan3A_71, %scan3A_72 : i32
    %scan3A_74 = arith.constant 1 : i32
    %scan3A_75 = scf.for %scan3A_327 = %scan3A_71 to %scan3A_73 step %scan3A_74 iter_args(%scan3A_328 = %scan3A) -> (i32)  : i32 {
      %broadcast_in_dim3A = arith.constant 0.000000e+00 : f32
      %broadcast_in_dim3A_329 = vector.broadcast %broadcast_in_dim3A : f32 to vector<16xf32>
      %swap3A = arith.index_cast %scan3A_327 : i32 to index
      %swap3A_330 = arith.constant 0 : index
      %swap3A_331 = tpu.vector_load %arg9[%swap3A, %swap3A_330] {strides = array<i32>} : memref<391x16xf32, #tpu.memory_space<vmem>>, vector<1x16xf32>,
      %swap3A_332 = vector.shape_cast %swap3A_331 : vector<1x16xf32> to vector<16xf32>
      %swap3A_333 = vector.shape_cast %broadcast_in_dim3A_329 : vector<16xf32> to vector<1x16xf32>
      tpu.vector_store %arg9[%swap3A, %swap3A_330], %swap3A_333 {strides = array<i32>} : memref<391x16xf32, #tpu.memory_space<vmem>>, vector<1x16xf32>,
      %scan3A_334 = arith.constant 0 : i32
      scf.yield %scan3A_334 : i32
    }
    %scan3A_76 = arith.constant 391 : i32
    %scan3A_77 = arith.constant 0 : i32
    %scan3A_78 = arith.constant 0 : i32
    %scan3A_79 = arith.constant 16 : i32
    %scan3A_80 = arith.addi %scan3A_78, %scan3A_79 : i32
    %scan3A_81 = arith.constant 1 : i32
    %scan3A_82 = scf.for %scan3A_327 = %scan3A_78 to %scan3A_80 step %scan3A_81 iter_args(%scan3A_328 = %scan3A_77) -> (i32)  : i32 {
      %mul3A_329 = arith.constant 6256 : i32
      %mul3A_330 = arith.muli %arg1, %mul3A_329 : i32
      %mul3A_331 = arith.constant 391 : i32
      %mul3A_332 = arith.muli %scan3A_327, %mul3A_331 : i32
      %add3A_333 = arith.addi %mul3A_330, %mul3A_332 : i32
      "tpu.region"() ({
        %run_scoped3A = tpu.sem_alloc : memref<!tpu.dma_semaphore, #tpu.memory_space<semaphore_mem>>
        %dma_start3A_335 = arith.constant 0 : i32
        %dma_start3A_336 = tpu.memref_slice %arg10[%add3A_333, %dma_start3A_335] : memref<100096x16xf32, #tpu.memory_space<vmem_shared>> -> memref<391x16xf32, #tpu.memory_space<vmem_shared>>
        %dma_start3A_337 = arith.constant 0 : i32
        %dma_start3A_338 = tpu.memref_slice %arg10[%add3A_333, %dma_start3A_337] : memref<100096x16xf32, #tpu.memory_space<vmem_shared>> -> memref<391x16xf32, #tpu.memory_space<vmem_shared>>
        tpu.enqueue_dma source(%arg9 : memref<391x16xf32, #tpu.memory_space<vmem>>) target(%dma_start3A_338 : memref<391x16xf32, #tpu.memory_space<vmem_shared>>) target_semaphore(%run_scoped3A : memref<!tpu.dma_semaphore, #tpu.memory_space<semaphore_mem>>)
        %dma_wait3A_339 = arith.constant 0 : i32
        %dma_wait3A_340 = tpu.memref_slice %arg10[%add3A_333, %dma_wait3A_339] : memref<100096x16xf32, #tpu.memory_space<vmem_shared>> -> memref<391x16xf32, #tpu.memory_space<vmem_shared>>
        %dma_wait3A_341 = arith.constant 0 : i32
        %dma_wait3A_342 = tpu.memref_slice %arg10[%add3A_333, %dma_wait3A_341] : memref<100096x16xf32, #tpu.memory_space<vmem_shared>> -> memref<391x16xf32, #tpu.memory_space<vmem_shared>>
        tpu.wait_dma2 semaphore(%run_scoped3A : memref<!tpu.dma_semaphore, #tpu.memory_space<semaphore_mem>>) src(%arg9 : memref<391x16xf32, #tpu.memory_space<vmem>>) dst(%dma_wait3A_342 : memref<391x16xf32, #tpu.memory_space<vmem_shared>>)
        tpu.yield
      }) : () -> ()
      %scan3A_334 = arith.constant 0 : i32
      scf.yield %scan3A_334 : i32
    }
    %scan3A_83 = arith.constant 16 : i32
    %barrier3A = arith.constant 0 : index
    tpu.barrier barrier_id(%barrier3A)
    %dma_wait3A = arith.constant 0 : i32
    %dma_wait3A_84 = arith.constant 0 : i32
    %dma_wait3A_85 = arith.constant 0 : i32
    %dma_wait3A_86 = tpu.memref_slice %arg6[%dma_wait3A_84, %dma_wait3A_85] : memref<2x640xi32, #tpu.memory_space<vmem>> -> memref<1x640xi32, #tpu.memory_space<vmem>>
    %dma_wait3A_87 = tpu.memref_squeeze %dma_wait3A_86 : memref<1x640xi32, #tpu.memory_space<vmem>> -> memref<640xi32, #tpu.memory_space<vmem>>
    %dma_wait3A_88 = arith.constant 0 : i32
    %dma_wait3A_89 = tpu.memref_slice %arg3[%dma_wait3A, %dma_wait3A_88] : memref<5000x640xi32, #tpu.memory_space<hbm>> -> memref<1x640xi32, #tpu.memory_space<hbm>>
    %dma_wait3A_90 = tpu.memref_squeeze %dma_wait3A_89 : memref<1x640xi32, #tpu.memory_space<hbm>> -> memref<640xi32, #tpu.memory_space<hbm>>
    %dma_wait3A_91 = arith.constant 0 : i32
    %dma_wait3A_92 = tpu.memref_slice %arg6[%dma_wait3A_84, %dma_wait3A_91] : memref<2x640xi32, #tpu.memory_space<vmem>> -> memref<1x640xi32, #tpu.memory_space<vmem>>
    %dma_wait3A_93 = tpu.memref_squeeze %dma_wait3A_92 : memref<1x640xi32, #tpu.memory_space<vmem>> -> memref<640xi32, #tpu.memory_space<vmem>>
    %dma_wait3A_94 = arith.constant 0 : i32
    %dma_wait3A_95 = tpu.memref_slice %arg3[%dma_wait3A, %dma_wait3A_94] : memref<5000x640xi32, #tpu.memory_space<hbm>> -> memref<1x640xi32, #tpu.memory_space<hbm>>
    %dma_wait3A_96 = tpu.memref_squeeze %dma_wait3A_95 : memref<1x640xi32, #tpu.memory_space<hbm>> -> memref<640xi32, #tpu.memory_space<hbm>>
    tpu.wait_dma2 semaphore(%arg15 : memref<!tpu.dma_semaphore, #tpu.memory_space<semaphore_mem>>) src(%dma_wait3A_96 : memref<640xi32, #tpu.memory_space<hbm>>) dst(%dma_wait3A_93 : memref<640xi32, #tpu.memory_space<vmem>>)
    %dma_wait3A_97 = arith.constant 0 : i32
    %dma_wait3A_98 = arith.constant 0 : i32
    %dma_wait3A_99 = arith.constant 0 : i32
    %dma_wait3A_100 = tpu.memref_slice %arg7[%dma_wait3A_98, %dma_wait3A_99] : memref<2x640xi32, #tpu.memory_space<vmem>> -> memref<1x640xi32, #tpu.memory_space<vmem>>
    %dma_wait3A_101 = tpu.memref_squeeze %dma_wait3A_100 : memref<1x640xi32, #tpu.memory_space<vmem>> -> memref<640xi32, #tpu.memory_space<vmem>>
    %dma_wait3A_102 = arith.constant 0 : i32
    %dma_wait3A_103 = tpu.memref_slice %arg4[%dma_wait3A_97, %dma_wait3A_102] : memref<5000x640xi32, #tpu.memory_space<hbm>> -> memref<1x640xi32, #tpu.memory_space<hbm>>
    %dma_wait3A_104 = tpu.memref_squeeze %dma_wait3A_103 : memref<1x640xi32, #tpu.memory_space<hbm>> -> memref<640xi32, #tpu.memory_space<hbm>>
    %dma_wait3A_105 = arith.constant 0 : i32
    %dma_wait3A_106 = tpu.memref_slice %arg7[%dma_wait3A_98, %dma_wait3A_105] : memref<2x640xi32, #tpu.memory_space<vmem>> -> memref<1x640xi32, #tpu.memory_space<vmem>>
    %dma_wait3A_107 = tpu.memref_squeeze %dma_wait3A_106 : memref<1x640xi32, #tpu.memory_space<vmem>> -> memref<640xi32, #tpu.memory_space<vmem>>
    %dma_wait3A_108 = arith.constant 0 : i32
    %dma_wait3A_109 = tpu.memref_slice %arg4[%dma_wait3A_97, %dma_wait3A_108] : memref<5000x640xi32, #tpu.memory_space<hbm>> -> memref<1x640xi32, #tpu.memory_space<hbm>>
    %dma_wait3A_110 = tpu.memref_squeeze %dma_wait3A_109 : memref<1x640xi32, #tpu.memory_space<hbm>> -> memref<640xi32, #tpu.memory_space<hbm>>
    tpu.wait_dma2 semaphore(%arg15 : memref<!tpu.dma_semaphore, #tpu.memory_space<semaphore_mem>>) src(%dma_wait3A_110 : memref<640xi32, #tpu.memory_space<hbm>>) dst(%dma_wait3A_107 : memref<640xi32, #tpu.memory_space<vmem>>)
    %dma_start3A_111 = arith.constant 0 : i32
    %dma_start3A_112 = arith.constant 0 : i32
    %dma_start3A_113 = arith.constant 0 : i32
    %dma_start3A_114 = arith.constant 0 : i32
    %dma_start3A_115 = tpu.memref_slice %arg8[%dma_start3A_112, %dma_start3A_113, %dma_start3A_114] : memref<2x640x16xf32, #tpu.memory_space<vmem>> -> memref<1x640x16xf32, #tpu.memory_space<vmem>>
    %dma_start3A_116 = tpu.memref_squeeze %dma_start3A_115 : memref<1x640x16xf32, #tpu.memory_space<vmem>> -> memref<640x16xf32, #tpu.memory_space<vmem>>
    %dma_start3A_117 = arith.constant 0 : i32
    %dma_start3A_118 = tpu.memref_slice %arg6[%dma_start3A_111, %dma_start3A_117] : memref<2x640xi32, #tpu.memory_space<vmem>> -> memref<1x640xi32, #tpu.memory_space<vmem>>
    %dma_start3A_119 = tpu.memref_squeeze %dma_start3A_118 : memref<1x640xi32, #tpu.memory_space<vmem>> -> memref<640xi32, #tpu.memory_space<vmem>>
    %dma_start3A_120 = arith.constant 0 : i32
    %dma_start3A_121 = arith.constant 0 : i32
    %dma_start3A_122 = tpu.memref_slice %arg2[%dma_start3A_120, %dma_start3A_121] : memref<100096x16xf32, #tpu.memory_space<hbm>> -> memref<100096x16xf32, #tpu.memory_space<hbm>>
    tpu.enqueue_indirect_dma source(%dma_start3A_122 : memref<100096x16xf32, #tpu.memory_space<hbm>>) target(%dma_start3A_116 : memref<640x16xf32, #tpu.memory_space<vmem>>) offsets(%dma_start3A_119 : memref<640xi32, #tpu.memory_space<vmem>>) semaphore(%arg11 : memref<!tpu.dma_semaphore, #tpu.memory_space<semaphore_mem>>)
    %dma_wait3A_123 = arith.constant 0 : i32
    %dma_wait3A_124 = arith.constant 0 : i32
    %dma_wait3A_125 = arith.constant 0 : i32
    %dma_wait3A_126 = arith.constant 0 : i32
    %dma_wait3A_127 = tpu.memref_slice %arg8[%dma_wait3A_124, %dma_wait3A_125, %dma_wait3A_126] : memref<2x640x16xf32, #tpu.memory_space<vmem>> -> memref<1x640x16xf32, #tpu.memory_space<vmem>>
    %dma_wait3A_128 = tpu.memref_squeeze %dma_wait3A_127 : memref<1x640x16xf32, #tpu.memory_space<vmem>> -> memref<640x16xf32, #tpu.memory_space<vmem>>
    %dma_wait3A_129 = arith.constant 0 : i32
    %dma_wait3A_130 = tpu.memref_slice %arg6[%dma_wait3A_123, %dma_wait3A_129] : memref<2x640xi32, #tpu.memory_space<vmem>> -> memref<1x640xi32, #tpu.memory_space<vmem>>
    %dma_wait3A_131 = tpu.memref_squeeze %dma_wait3A_130 : memref<1x640xi32, #tpu.memory_space<vmem>> -> memref<640xi32, #tpu.memory_space<vmem>>
    %dma_wait3A_132 = arith.constant 0 : i32
    %dma_wait3A_133 = arith.constant 0 : i32
    %dma_wait3A_134 = tpu.memref_slice %arg2[%dma_wait3A_132, %dma_wait3A_133] : memref<100096x16xf32, #tpu.memory_space<hbm>> -> memref<100096x16xf32, #tpu.memory_space<hbm>>
    tpu.wait_indirect_dma semaphore(%arg11 : memref<!tpu.dma_semaphore, #tpu.memory_space<semaphore_mem>>) src(%dma_wait3A_134 : memref<100096x16xf32, #tpu.memory_space<hbm>>) dst(%dma_wait3A_128 : memref<640x16xf32, #tpu.memory_space<vmem>>)
    %dma_start3A_135 = arith.constant 0 : i32
    %dma_start3A_136 = arith.constant 0 : i32
    %dma_start3A_137 = arith.constant 0 : i32
    %dma_start3A_138 = arith.constant 0 : i32
    %dma_start3A_139 = tpu.memref_slice %arg8[%dma_start3A_135, %dma_start3A_137, %dma_start3A_138] : memref<2x640x16xf32, #tpu.memory_space<vmem>> -> memref<1x640x16xf32, #tpu.memory_space<vmem>>
    %dma_start3A_140 = tpu.memref_squeeze %dma_start3A_139 : memref<1x640x16xf32, #tpu.memory_space<vmem>> -> memref<640x16xf32, #tpu.memory_space<vmem>>
    %dma_start3A_141 = arith.constant 0 : i32
    %dma_start3A_142 = tpu.memref_slice %arg7[%dma_start3A_136, %dma_start3A_141] : memref<2x640xi32, #tpu.memory_space<vmem>> -> memref<1x640xi32, #tpu.memory_space<vmem>>
    %dma_start3A_143 = tpu.memref_squeeze %dma_start3A_142 : memref<1x640xi32, #tpu.memory_space<vmem>> -> memref<640xi32, #tpu.memory_space<vmem>>
    %dma_start3A_144 = arith.constant 0 : i32
    %dma_start3A_145 = arith.constant 0 : i32
    %dma_start3A_146 = tpu.memref_slice %arg10[%dma_start3A_144, %dma_start3A_145] : memref<100096x16xf32, #tpu.memory_space<vmem_shared>> -> memref<100096x16xf32, #tpu.memory_space<vmem_shared>>
    tpu.enqueue_indirect_dma source(%dma_start3A_140 : memref<640x16xf32, #tpu.memory_space<vmem>>) target(%dma_start3A_146 : memref<100096x16xf32, #tpu.memory_space<vmem_shared>>) offsets(%dma_start3A_143 : memref<640xi32, #tpu.memory_space<vmem>>) semaphore(%arg13 : memref<!tpu.dma_semaphore, #tpu.memory_space<semaphore_mem>>) {add = true}
    %dma_wait3A_147 = arith.constant 0 : i32
    %dma_wait3A_148 = arith.constant 1 : i32
    %dma_wait3A_149 = arith.constant 0 : i32
    %dma_wait3A_150 = tpu.memref_slice %arg6[%dma_wait3A_148, %dma_wait3A_149] : memref<2x640xi32, #tpu.memory_space<vmem>> -> memref<1x640xi32, #tpu.memory_space<vmem>>
    %dma_wait3A_151 = tpu.memref_squeeze %dma_wait3A_150 : memref<1x640xi32, #tpu.memory_space<vmem>> -> memref<640xi32, #tpu.memory_space<vmem>>
    %dma_wait3A_152 = arith.constant 0 : i32
    %dma_wait3A_153 = tpu.memref_slice %arg3[%dma_wait3A_147, %dma_wait3A_152] : memref<5000x640xi32, #tpu.memory_space<hbm>> -> memref<1x640xi32, #tpu.memory_space<hbm>>
    %dma_wait3A_154 = tpu.memref_squeeze %dma_wait3A_153 : memref<1x640xi32, #tpu.memory_space<hbm>> -> memref<640xi32, #tpu.memory_space<hbm>>
    %dma_wait3A_155 = arith.constant 0 : i32
    %dma_wait3A_156 = tpu.memref_slice %arg6[%dma_wait3A_148, %dma_wait3A_155] : memref<2x640xi32, #tpu.memory_space<vmem>> -> memref<1x640xi32, #tpu.memory_space<vmem>>
    %dma_wait3A_157 = tpu.memref_squeeze %dma_wait3A_156 : memref<1x640xi32, #tpu.memory_space<vmem>> -> memref<640xi32, #tpu.memory_space<vmem>>
    %dma_wait3A_158 = arith.constant 0 : i32
    %dma_wait3A_159 = tpu.memref_slice %arg3[%dma_wait3A_147, %dma_wait3A_158] : memref<5000x640xi32, #tpu.memory_space<hbm>> -> memref<1x640xi32, #tpu.memory_space<hbm>>
    %dma_wait3A_160 = tpu.memref_squeeze %dma_wait3A_159 : memref<1x640xi32, #tpu.memory_space<hbm>> -> memref<640xi32, #tpu.memory_space<hbm>>
    tpu.wait_dma2 semaphore(%arg16 : memref<!tpu.dma_semaphore, #tpu.memory_space<semaphore_mem>>) src(%dma_wait3A_160 : memref<640xi32, #tpu.memory_space<hbm>>) dst(%dma_wait3A_157 : memref<640xi32, #tpu.memory_space<vmem>>)
    %dma_wait3A_161 = arith.constant 0 : i32
    %dma_wait3A_162 = arith.constant 1 : i32
    %dma_wait3A_163 = arith.constant 0 : i32
    %dma_wait3A_164 = tpu.memref_slice %arg7[%dma_wait3A_162, %dma_wait3A_163] : memref<2x640xi32, #tpu.memory_space<vmem>> -> memref<1x640xi32, #tpu.memory_space<vmem>>
    %dma_wait3A_165 = tpu.memref_squeeze %dma_wait3A_164 : memref<1x640xi32, #tpu.memory_space<vmem>> -> memref<640xi32, #tpu.memory_space<vmem>>
    %dma_wait3A_166 = arith.constant 0 : i32
    %dma_wait3A_167 = tpu.memref_slice %arg4[%dma_wait3A_161, %dma_wait3A_166] : memref<5000x640xi32, #tpu.memory_space<hbm>> -> memref<1x640xi32, #tpu.memory_space<hbm>>
    %dma_wait3A_168 = tpu.memref_squeeze %dma_wait3A_167 : memref<1x640xi32, #tpu.memory_space<hbm>> -> memref<640xi32, #tpu.memory_space<hbm>>
    %dma_wait3A_169 = arith.constant 0 : i32
    %dma_wait3A_170 = tpu.memref_slice %arg7[%dma_wait3A_162, %dma_wait3A_169] : memref<2x640xi32, #tpu.memory_space<vmem>> -> memref<1x640xi32, #tpu.memory_space<vmem>>
    %dma_wait3A_171 = tpu.memref_squeeze %dma_wait3A_170 : memref<1x640xi32, #tpu.memory_space<vmem>> -> memref<640xi32, #tpu.memory_space<vmem>>
    %dma_wait3A_172 = arith.constant 0 : i32
    %dma_wait3A_173 = tpu.memref_slice %arg4[%dma_wait3A_161, %dma_wait3A_172] : memref<5000x640xi32, #tpu.memory_space<hbm>> -> memref<1x640xi32, #tpu.memory_space<hbm>>
    %dma_wait3A_174 = tpu.memref_squeeze %dma_wait3A_173 : memref<1x640xi32, #tpu.memory_space<hbm>> -> memref<640xi32, #tpu.memory_space<hbm>>
    tpu.wait_dma2 semaphore(%arg16 : memref<!tpu.dma_semaphore, #tpu.memory_space<semaphore_mem>>) src(%dma_wait3A_174 : memref<640xi32, #tpu.memory_space<hbm>>) dst(%dma_wait3A_171 : memref<640xi32, #tpu.memory_space<vmem>>)
    %dma_start3A_175 = arith.constant 1 : i32
    %dma_start3A_176 = arith.constant 1 : i32
    %dma_start3A_177 = arith.constant 0 : i32
    %dma_start3A_178 = arith.constant 0 : i32
    %dma_start3A_179 = tpu.memref_slice %arg8[%dma_start3A_176, %dma_start3A_177, %dma_start3A_178] : memref<2x640x16xf32, #tpu.memory_space<vmem>> -> memref<1x640x16xf32, #tpu.memory_space<vmem>>
    %dma_start3A_180 = tpu.memref_squeeze %dma_start3A_179 : memref<1x640x16xf32, #tpu.memory_space<vmem>> -> memref<640x16xf32, #tpu.memory_space<vmem>>
    %dma_start3A_181 = arith.constant 0 : i32
    %dma_start3A_182 = tpu.memref_slice %arg6[%dma_start3A_175, %dma_start3A_181] : memref<2x640xi32, #tpu.memory_space<vmem>> -> memref<1x640xi32, #tpu.memory_space<vmem>>
    %dma_start3A_183 = tpu.memref_squeeze %dma_start3A_182 : memref<1x640xi32, #tpu.memory_space<vmem>> -> memref<640xi32, #tpu.memory_space<vmem>>
    %dma_start3A_184 = arith.constant 0 : i32
    %dma_start3A_185 = arith.constant 0 : i32
    %dma_start3A_186 = tpu.memref_slice %arg2[%dma_start3A_184, %dma_start3A_185] : memref<100096x16xf32, #tpu.memory_space<hbm>> -> memref<100096x16xf32, #tpu.memory_space<hbm>>
    tpu.enqueue_indirect_dma source(%dma_start3A_186 : memref<100096x16xf32, #tpu.memory_space<hbm>>) target(%dma_start3A_180 : memref<640x16xf32, #tpu.memory_space<vmem>>) offsets(%dma_start3A_183 : memref<640xi32, #tpu.memory_space<vmem>>) semaphore(%arg12 : memref<!tpu.dma_semaphore, #tpu.memory_space<semaphore_mem>>)
    %dma_wait3A_187 = arith.constant 0 : i32
    %dma_wait3A_188 = arith.constant 0 : i32
    %dma_wait3A_189 = arith.constant 0 : i32
    %dma_wait3A_190 = arith.constant 0 : i32
    %dma_wait3A_191 = tpu.memref_slice %arg8[%dma_wait3A_187, %dma_wait3A_189, %dma_wait3A_190] : memref<2x640x16xf32, #tpu.memory_space<vmem>> -> memref<1x640x16xf32, #tpu.memory_space<vmem>>
    %dma_wait3A_192 = tpu.memref_squeeze %dma_wait3A_191 : memref<1x640x16xf32, #tpu.memory_space<vmem>> -> memref<640x16xf32, #tpu.memory_space<vmem>>
    %dma_wait3A_193 = arith.constant 0 : i32
    %dma_wait3A_194 = tpu.memref_slice %arg7[%dma_wait3A_188, %dma_wait3A_193] : memref<2x640xi32, #tpu.memory_space<vmem>> -> memref<1x640xi32, #tpu.memory_space<vmem>>
    %dma_wait3A_195 = tpu.memref_squeeze %dma_wait3A_194 : memref<1x640xi32, #tpu.memory_space<vmem>> -> memref<640xi32, #tpu.memory_space<vmem>>
    %dma_wait3A_196 = arith.constant 0 : i32
    %dma_wait3A_197 = arith.constant 0 : i32
    %dma_wait3A_198 = tpu.memref_slice %arg10[%dma_wait3A_196, %dma_wait3A_197] : memref<100096x16xf32, #tpu.memory_space<vmem_shared>> -> memref<100096x16xf32, #tpu.memory_space<vmem_shared>>
    tpu.wait_indirect_dma semaphore(%arg13 : memref<!tpu.dma_semaphore, #tpu.memory_space<semaphore_mem>>) src(%dma_wait3A_192 : memref<640x16xf32, #tpu.memory_space<vmem>>) dst(%dma_wait3A_198 : memref<100096x16xf32, #tpu.memory_space<vmem_shared>>)
    %add3A_199 = arith.constant 2 : i32
    %add3A_200 = arith.addi %add3A_10, %add3A_199 : i32
    %min3A_201 = arith.minsi %add3A_200, %sub3A_13 : i32
    %dma_start3A_202 = arith.constant 0 : i32
    %dma_start3A_203 = arith.constant 0 : i32
    %dma_start3A_204 = tpu.memref_slice %arg6[%dma_start3A_202, %dma_start3A_203] : memref<2x640xi32, #tpu.memory_space<vmem>> -> memref<1x640xi32, #tpu.memory_space<vmem>>
    %dma_start3A_205 = tpu.memref_squeeze %dma_start3A_204 : memref<1x640xi32, #tpu.memory_space<vmem>> -> memref<640xi32, #tpu.memory_space<vmem>>
    %dma_start3A_206 = arith.constant 0 : i32
    %dma_start3A_207 = tpu.memref_slice %arg3[%min3A_201, %dma_start3A_206] : memref<5000x640xi32, #tpu.memory_space<hbm>> -> memref<1x640xi32, #tpu.memory_space<hbm>>
    %dma_start3A_208 = tpu.memref_squeeze %dma_start3A_207 : memref<1x640xi32, #tpu.memory_space<hbm>> -> memref<640xi32, #tpu.memory_space<hbm>>
    %dma_start3A_209 = arith.constant 0 : i32
    %dma_start3A_210 = tpu.memref_slice %arg6[%dma_start3A_202, %dma_start3A_209] : memref<2x640xi32, #tpu.memory_space<vmem>> -> memref<1x640xi32, #tpu.memory_space<vmem>>
    %dma_start3A_211 = tpu.memref_squeeze %dma_start3A_210 : memref<1x640xi32, #tpu.memory_space<vmem>> -> memref<640xi32, #tpu.memory_space<vmem>>
    %dma_start3A_212 = arith.constant 0 : i32
    %dma_start3A_213 = tpu.memref_slice %arg3[%min3A_201, %dma_start3A_212] : memref<5000x640xi32, #tpu.memory_space<hbm>> -> memref<1x640xi32, #tpu.memory_space<hbm>>
    %dma_start3A_214 = tpu.memref_squeeze %dma_start3A_213 : memref<1x640xi32, #tpu.memory_space<hbm>> -> memref<640xi32, #tpu.memory_space<hbm>>
    tpu.enqueue_dma source(%dma_start3A_214 : memref<640xi32, #tpu.memory_space<hbm>>) target(%dma_start3A_211 : memref<640xi32, #tpu.memory_space<vmem>>) target_semaphore(%arg15 : memref<!tpu.dma_semaphore, #tpu.memory_space<semaphore_mem>>)
    %dma_start3A_215 = arith.constant 0 : i32
    %dma_start3A_216 = arith.constant 0 : i32
    %dma_start3A_217 = tpu.memref_slice %arg7[%dma_start3A_215, %dma_start3A_216] : memref<2x640xi32, #tpu.memory_space<vmem>> -> memref<1x640xi32, #tpu.memory_space<vmem>>
    %dma_start3A_218 = tpu.memref_squeeze %dma_start3A_217 : memref<1x640xi32, #tpu.memory_space<vmem>> -> memref<640xi32, #tpu.memory_space<vmem>>
    %dma_start3A_219 = arith.constant 0 : i32
    %dma_start3A_220 = tpu.memref_slice %arg4[%min3A_201, %dma_start3A_219] : memref<5000x640xi32, #tpu.memory_space<hbm>> -> memref<1x640xi32, #tpu.memory_space<hbm>>
    %dma_start3A_221 = tpu.memref_squeeze %dma_start3A_220 : memref<1x640xi32, #tpu.memory_space<hbm>> -> memref<640xi32, #tpu.memory_space<hbm>>
    %dma_start3A_222 = arith.constant 0 : i32
    %dma_start3A_223 = tpu.memref_slice %arg7[%dma_start3A_215, %dma_start3A_222] : memref<2x640xi32, #tpu.memory_space<vmem>> -> memref<1x640xi32, #tpu.memory_space<vmem>>
    %dma_start3A_224 = tpu.memref_squeeze %dma_start3A_223 : memref<1x640xi32, #tpu.memory_space<vmem>> -> memref<640xi32, #tpu.memory_space<vmem>>
    %dma_start3A_225 = arith.constant 0 : i32
    %dma_start3A_226 = tpu.memref_slice %arg4[%min3A_201, %dma_start3A_225] : memref<5000x640xi32, #tpu.memory_space<hbm>> -> memref<1x640xi32, #tpu.memory_space<hbm>>
    %dma_start3A_227 = tpu.memref_squeeze %dma_start3A_226 : memref<1x640xi32, #tpu.memory_space<hbm>> -> memref<640xi32, #tpu.memory_space<hbm>>
    tpu.enqueue_dma source(%dma_start3A_227 : memref<640xi32, #tpu.memory_space<hbm>>) target(%dma_start3A_224 : memref<640xi32, #tpu.memory_space<vmem>>) target_semaphore(%arg15 : memref<!tpu.dma_semaphore, #tpu.memory_space<semaphore_mem>>)
    %dma_wait3A_228 = arith.constant 1 : i32
    %dma_wait3A_229 = arith.constant 1 : i32
    %dma_wait3A_230 = arith.constant 0 : i32
    %dma_wait3A_231 = arith.constant 0 : i32
    %dma_wait3A_232 = tpu.memref_slice %arg8[%dma_wait3A_229, %dma_wait3A_230, %dma_wait3A_231] : memref<2x640x16xf32, #tpu.memory_space<vmem>> -> memref<1x640x16xf32, #tpu.memory_space<vmem>>
    %dma_wait3A_233 = tpu.memref_squeeze %dma_wait3A_232 : memref<1x640x16xf32, #tpu.memory_space<vmem>> -> memref<640x16xf32, #tpu.memory_space<vmem>>
    %dma_wait3A_234 = arith.constant 0 : i32
    %dma_wait3A_235 = tpu.memref_slice %arg6[%dma_wait3A_228, %dma_wait3A_234] : memref<2x640xi32, #tpu.memory_space<vmem>> -> memref<1x640xi32, #tpu.memory_space<vmem>>
    %dma_wait3A_236 = tpu.memref_squeeze %dma_wait3A_235 : memref<1x640xi32, #tpu.memory_space<vmem>> -> memref<640xi32, #tpu.memory_space<vmem>>
    %dma_wait3A_237 = arith.constant 0 : i32
    %dma_wait3A_238 = arith.constant 0 : i32
    %dma_wait3A_239 = tpu.memref_slice %arg2[%dma_wait3A_237, %dma_wait3A_238] : memref<100096x16xf32, #tpu.memory_space<hbm>> -> memref<100096x16xf32, #tpu.memory_space<hbm>>
    tpu.wait_indirect_dma semaphore(%arg12 : memref<!tpu.dma_semaphore, #tpu.memory_space<semaphore_mem>>) src(%dma_wait3A_239 : memref<100096x16xf32, #tpu.memory_space<hbm>>) dst(%dma_wait3A_233 : memref<640x16xf32, #tpu.memory_space<vmem>>)
    %dma_start3A_240 = arith.constant 1 : i32
    %dma_start3A_241 = arith.constant 1 : i32
    %dma_start3A_242 = arith.constant 0 : i32
    %dma_start3A_243 = arith.constant 0 : i32
    %dma_start3A_244 = tpu.memref_slice %arg8[%dma_start3A_240, %dma_start3A_242, %dma_start3A_243] : memref<2x640x16xf32, #tpu.memory_space<vmem>> -> memref<1x640x16xf32, #tpu.memory_space<vmem>>
    %dma_start3A_245 = tpu.memref_squeeze %dma_start3A_244 : memref<1x640x16xf32, #tpu.memory_space<vmem>> -> memref<640x16xf32, #tpu.memory_space<vmem>>
    %dma_start3A_246 = arith.constant 0 : i32
    %dma_start3A_247 = tpu.memref_slice %arg7[%dma_start3A_241, %dma_start3A_246] : memref<2x640xi32, #tpu.memory_space<vmem>> -> memref<1x640xi32, #tpu.memory_space<vmem>>
    %dma_start3A_248 = tpu.memref_squeeze %dma_start3A_247 : memref<1x640xi32, #tpu.memory_space<vmem>> -> memref<640xi32, #tpu.memory_space<vmem>>
    %dma_start3A_249 = arith.constant 0 : i32
    %dma_start3A_250 = arith.constant 0 : i32
    %dma_start3A_251 = tpu.memref_slice %arg10[%dma_start3A_249, %dma_start3A_250] : memref<100096x16xf32, #tpu.memory_space<vmem_shared>> -> memref<100096x16xf32, #tpu.memory_space<vmem_shared>>
    tpu.enqueue_indirect_dma source(%dma_start3A_245 : memref<640x16xf32, #tpu.memory_space<vmem>>) target(%dma_start3A_251 : memref<100096x16xf32, #tpu.memory_space<vmem_shared>>) offsets(%dma_start3A_248 : memref<640xi32, #tpu.memory_space<vmem>>) semaphore(%arg14 : memref<!tpu.dma_semaphore, #tpu.memory_space<semaphore_mem>>) {add = true}
    %sub3A_252 = arith.constant 2 : i32
    %sub3A_253 = arith.subi %sub3A_4, %sub3A_252 : i32
    %jit3A = arith.constant 2 : i32
    %div3A = arith.divsi %sub3A_253, %jit3A : i32
    %sign3A = arith.constant 0 : i32
    %sign3A_254 = arith.cmpi sgt, %sub3A_253, %sign3A : i32
    %sign3A_255 = arith.extui %sign3A_254 : i1 to i32
    %sign3A_256 = arith.constant 0 : i32
    %sign3A_257 = arith.cmpi slt, %sub3A_253, %sign3A_256 : i32
    %sign3A_258 = arith.extui %sign3A_257 : i1 to i32
    %sign3A_259 = arith.subi %sign3A_255, %sign3A_258 : i32
    %sign3A_260 = arith.constant 0 : i32
    %sign3A_261 = arith.cmpi sgt, %jit3A, %sign3A_260 : i32
    %sign3A_262 = arith.extui %sign3A_261 : i1 to i32
    %sign3A_263 = arith.constant 0 : i32
    %sign3A_264 = arith.cmpi slt, %jit3A, %sign3A_263 : i32
    %sign3A_265 = arith.extui %sign3A_264 : i1 to i32
    %sign3A_266 = arith.subi %sign3A_262, %sign3A_265 : i32
    %ne3A = arith.cmpi ne, %sign3A_259, %sign3A_266 : i32
    %rem3A = arith.remsi %sub3A_253, %jit3A : i32
    %ne3A_267 = arith.constant 0 : i32
    %ne3A_268 = arith.cmpi ne, %rem3A, %ne3A_267 : i32
    %and3A = arith.andi %ne3A, %ne3A_268 : i1
    %sub3A_269 = arith.constant 1 : i32
    %sub3A_270 = arith.subi %div3A, %sub3A_269 : i32
    %select_n3A = arith.select %and3A, %sub3A_270, %div3A : i32
    %while3A = arith.constant 0 : i32
    %while3A_271 = arith.constant 0 : i32
    %while3A_272 = arith.subi %select_n3A, %while3A : i32
    %while3A_273 = arith.addi %while3A, %while3A_272 : i32
    %while3A_274 = arith.constant 1 : i32
    %while3A_275 = arith.divsi %while3A_272, %while3A_274 : i32
    %while3A_276 = arith.muli %while3A_275, %while3A_274 : i32
    %while3A_277 = arith.addi %while3A, %while3A_276 : i32
    %while3A_278 = arith.constant 1 : i32
    %while3A_279 = scf.for %while3A_327 = %while3A to %while3A_277 step %while3A_278 iter_args(%while3A_328 = %while3A_271) -> (i32)  : i32 {
      %mul3A_329 = arith.constant 2 : i32
      %mul3A_330 = arith.muli %mul3A_329, %while3A_327 : i32
      %add3A_331 = arith.constant 2 : i32
      %add3A_332 = arith.addi %mul3A_330, %add3A_331 : i32
      %dma_wait3A_333 = arith.constant 0 : i32
      %dma_wait3A_334 = arith.constant 0 : i32
      %dma_wait3A_335 = arith.constant 0 : i32
      %dma_wait3A_336 = tpu.memref_slice %arg6[%dma_wait3A_334, %dma_wait3A_335] : memref<2x640xi32, #tpu.memory_space<vmem>> -> memref<1x640xi32, #tpu.memory_space<vmem>>
      %dma_wait3A_337 = tpu.memref_squeeze %dma_wait3A_336 : memref<1x640xi32, #tpu.memory_space<vmem>> -> memref<640xi32, #tpu.memory_space<vmem>>
      %dma_wait3A_338 = arith.constant 0 : i32
      %dma_wait3A_339 = tpu.memref_slice %arg3[%dma_wait3A_333, %dma_wait3A_338] : memref<5000x640xi32, #tpu.memory_space<hbm>> -> memref<1x640xi32, #tpu.memory_space<hbm>>
      %dma_wait3A_340 = tpu.memref_squeeze %dma_wait3A_339 : memref<1x640xi32, #tpu.memory_space<hbm>> -> memref<640xi32, #tpu.memory_space<hbm>>
      %dma_wait3A_341 = arith.constant 0 : i32
      %dma_wait3A_342 = tpu.memref_slice %arg6[%dma_wait3A_334, %dma_wait3A_341] : memref<2x640xi32, #tpu.memory_space<vmem>> -> memref<1x640xi32, #tpu.memory_space<vmem>>
      %dma_wait3A_343 = tpu.memref_squeeze %dma_wait3A_342 : memref<1x640xi32, #tpu.memory_space<vmem>> -> memref<640xi32, #tpu.memory_space<vmem>>
      %dma_wait3A_344 = arith.constant 0 : i32
      %dma_wait3A_345 = tpu.memref_slice %arg3[%dma_wait3A_333, %dma_wait3A_344] : memref<5000x640xi32, #tpu.memory_space<hbm>> -> memref<1x640xi32, #tpu.memory_space<hbm>>
      %dma_wait3A_346 = tpu.memref_squeeze %dma_wait3A_345 : memref<1x640xi32, #tpu.memory_space<hbm>> -> memref<640xi32, #tpu.memory_space<hbm>>
      tpu.wait_dma2 semaphore(%arg15 : memref<!tpu.dma_semaphore, #tpu.memory_space<semaphore_mem>>) src(%dma_wait3A_346 : memref<640xi32, #tpu.memory_space<hbm>>) dst(%dma_wait3A_343 : memref<640xi32, #tpu.memory_space<vmem>>)
      %dma_wait3A_347 = arith.constant 0 : i32
      %dma_wait3A_348 = arith.constant 0 : i32
      %dma_wait3A_349 = arith.constant 0 : i32
      %dma_wait3A_350 = tpu.memref_slice %arg7[%dma_wait3A_348, %dma_wait3A_349] : memref<2x640xi32, #tpu.memory_space<vmem>> -> memref<1x640xi32, #tpu.memory_space<vmem>>
      %dma_wait3A_351 = tpu.memref_squeeze %dma_wait3A_350 : memref<1x640xi32, #tpu.memory_space<vmem>> -> memref<640xi32, #tpu.memory_space<vmem>>
      %dma_wait3A_352 = arith.constant 0 : i32
      %dma_wait3A_353 = tpu.memref_slice %arg4[%dma_wait3A_347, %dma_wait3A_352] : memref<5000x640xi32, #tpu.memory_space<hbm>> -> memref<1x640xi32, #tpu.memory_space<hbm>>
      %dma_wait3A_354 = tpu.memref_squeeze %dma_wait3A_353 : memref<1x640xi32, #tpu.memory_space<hbm>> -> memref<640xi32, #tpu.memory_space<hbm>>
      %dma_wait3A_355 = arith.constant 0 : i32
      %dma_wait3A_356 = tpu.memref_slice %arg7[%dma_wait3A_348, %dma_wait3A_355] : memref<2x640xi32, #tpu.memory_space<vmem>> -> memref<1x640xi32, #tpu.memory_space<vmem>>
      %dma_wait3A_357 = tpu.memref_squeeze %dma_wait3A_356 : memref<1x640xi32, #tpu.memory_space<vmem>> -> memref<640xi32, #tpu.memory_space<vmem>>
      %dma_wait3A_358 = arith.constant 0 : i32
      %dma_wait3A_359 = tpu.memref_slice %arg4[%dma_wait3A_347, %dma_wait3A_358] : memref<5000x640xi32, #tpu.memory_space<hbm>> -> memref<1x640xi32, #tpu.memory_space<hbm>>
      %dma_wait3A_360 = tpu.memref_squeeze %dma_wait3A_359 : memref<1x640xi32, #tpu.memory_space<hbm>> -> memref<640xi32, #tpu.memory_space<hbm>>
      tpu.wait_dma2 semaphore(%arg15 : memref<!tpu.dma_semaphore, #tpu.memory_space<semaphore_mem>>) src(%dma_wait3A_360 : memref<640xi32, #tpu.memory_space<hbm>>) dst(%dma_wait3A_357 : memref<640xi32, #tpu.memory_space<vmem>>)
      %dma_start3A_361 = arith.constant 0 : i32
      %dma_start3A_362 = arith.constant 0 : i32
      %dma_start3A_363 = arith.constant 0 : i32
      %dma_start3A_364 = arith.constant 0 : i32
      %dma_start3A_365 = tpu.memref_slice %arg8[%dma_start3A_362, %dma_start3A_363, %dma_start3A_364] : memref<2x640x16xf32, #tpu.memory_space<vmem>> -> memref<1x640x16xf32, #tpu.memory_space<vmem>>
      %dma_start3A_366 = tpu.memref_squeeze %dma_start3A_365 : memref<1x640x16xf32, #tpu.memory_space<vmem>> -> memref<640x16xf32, #tpu.memory_space<vmem>>
      %dma_start3A_367 = arith.constant 0 : i32
      %dma_start3A_368 = tpu.memref_slice %arg6[%dma_start3A_361, %dma_start3A_367] : memref<2x640xi32, #tpu.memory_space<vmem>> -> memref<1x640xi32, #tpu.memory_space<vmem>>
      %dma_start3A_369 = tpu.memref_squeeze %dma_start3A_368 : memref<1x640xi32, #tpu.memory_space<vmem>> -> memref<640xi32, #tpu.memory_space<vmem>>
      %dma_start3A_370 = arith.constant 0 : i32
      %dma_start3A_371 = arith.constant 0 : i32
      %dma_start3A_372 = tpu.memref_slice %arg2[%dma_start3A_370, %dma_start3A_371] : memref<100096x16xf32, #tpu.memory_space<hbm>> -> memref<100096x16xf32, #tpu.memory_space<hbm>>
      tpu.enqueue_indirect_dma source(%dma_start3A_372 : memref<100096x16xf32, #tpu.memory_space<hbm>>) target(%dma_start3A_366 : memref<640x16xf32, #tpu.memory_space<vmem>>) offsets(%dma_start3A_369 : memref<640xi32, #tpu.memory_space<vmem>>) semaphore(%arg11 : memref<!tpu.dma_semaphore, #tpu.memory_space<semaphore_mem>>)
      %dma_wait3A_373 = arith.constant 1 : i32
      %dma_wait3A_374 = arith.constant 1 : i32
      %dma_wait3A_375 = arith.constant 0 : i32
      %dma_wait3A_376 = arith.constant 0 : i32
      %dma_wait3A_377 = tpu.memref_slice %arg8[%dma_wait3A_373, %dma_wait3A_375, %dma_wait3A_376] : memref<2x640x16xf32, #tpu.memory_space<vmem>> -> memref<1x640x16xf32, #tpu.memory_space<vmem>>
      %dma_wait3A_378 = tpu.memref_squeeze %dma_wait3A_377 : memref<1x640x16xf32, #tpu.memory_space<vmem>> -> memref<640x16xf32, #tpu.memory_space<vmem>>
      %dma_wait3A_379 = arith.constant 0 : i32
      %dma_wait3A_380 = tpu.memref_slice %arg7[%dma_wait3A_374, %dma_wait3A_379] : memref<2x640xi32, #tpu.memory_space<vmem>> -> memref<1x640xi32, #tpu.memory_space<vmem>>
      %dma_wait3A_381 = tpu.memref_squeeze %dma_wait3A_380 : memref<1x640xi32, #tpu.memory_space<vmem>> -> memref<640xi32, #tpu.memory_space<vmem>>
      %dma_wait3A_382 = arith.constant 0 : i32
      %dma_wait3A_383 = arith.constant 0 : i32
      %dma_wait3A_384 = tpu.memref_slice %arg10[%dma_wait3A_382, %dma_wait3A_383] : memref<100096x16xf32, #tpu.memory_space<vmem_shared>> -> memref<100096x16xf32, #tpu.memory_space<vmem_shared>>
      tpu.wait_indirect_dma semaphore(%arg14 : memref<!tpu.dma_semaphore, #tpu.memory_space<semaphore_mem>>) src(%dma_wait3A_378 : memref<640x16xf32, #tpu.memory_space<vmem>>) dst(%dma_wait3A_384 : memref<100096x16xf32, #tpu.memory_space<vmem_shared>>)
      %add3A_385 = arith.constant 1 : i32
      %add3A_386 = arith.addi %add3A_332, %add3A_385 : i32
      %add3A_387 = arith.addi %add3A_10, %add3A_386 : i32
      %min3A_388 = arith.minsi %add3A_387, %sub3A_13 : i32
      %dma_start3A_389 = arith.constant 1 : i32
      %dma_start3A_390 = arith.constant 0 : i32
      %dma_start3A_391 = tpu.memref_slice %arg6[%dma_start3A_389, %dma_start3A_390] : memref<2x640xi32, #tpu.memory_space<vmem>> -> memref<1x640xi32, #tpu.memory_space<vmem>>
      %dma_start3A_392 = tpu.memref_squeeze %dma_start3A_391 : memref<1x640xi32, #tpu.memory_space<vmem>> -> memref<640xi32, #tpu.memory_space<vmem>>
      %dma_start3A_393 = arith.constant 0 : i32
      %dma_start3A_394 = tpu.memref_slice %arg3[%min3A_388, %dma_start3A_393] : memref<5000x640xi32, #tpu.memory_space<hbm>> -> memref<1x640xi32, #tpu.memory_space<hbm>>
      %dma_start3A_395 = tpu.memref_squeeze %dma_start3A_394 : memref<1x640xi32, #tpu.memory_space<hbm>> -> memref<640xi32, #tpu.memory_space<hbm>>
      %dma_start3A_396 = arith.constant 0 : i32
      %dma_start3A_397 = tpu.memref_slice %arg6[%dma_start3A_389, %dma_start3A_396] : memref<2x640xi32, #tpu.memory_space<vmem>> -> memref<1x640xi32, #tpu.memory_space<vmem>>
      %dma_start3A_398 = tpu.memref_squeeze %dma_start3A_397 : memref<1x640xi32, #tpu.memory_space<vmem>> -> memref<640xi32, #tpu.memory_space<vmem>>
      %dma_start3A_399 = arith.constant 0 : i32
      %dma_start3A_400 = tpu.memref_slice %arg3[%min3A_388, %dma_start3A_399] : memref<5000x640xi32, #tpu.memory_space<hbm>> -> memref<1x640xi32, #tpu.memory_space<hbm>>
      %dma_start3A_401 = tpu.memref_squeeze %dma_start3A_400 : memref<1x640xi32, #tpu.memory_space<hbm>> -> memref<640xi32, #tpu.memory_space<hbm>>
      tpu.enqueue_dma source(%dma_start3A_401 : memref<640xi32, #tpu.memory_space<hbm>>) target(%dma_start3A_398 : memref<640xi32, #tpu.memory_space<vmem>>) target_semaphore(%arg16 : memref<!tpu.dma_semaphore, #tpu.memory_space<semaphore_mem>>)
      %dma_start3A_402 = arith.constant 1 : i32
      %dma_start3A_403 = arith.constant 0 : i32
      %dma_start3A_404 = tpu.memref_slice %arg7[%dma_start3A_402, %dma_start3A_403] : memref<2x640xi32, #tpu.memory_space<vmem>> -> memref<1x640xi32, #tpu.memory_space<vmem>>
      %dma_start3A_405 = tpu.memref_squeeze %dma_start3A_404 : memref<1x640xi32, #tpu.memory_space<vmem>> -> memref<640xi32, #tpu.memory_space<vmem>>
      %dma_start3A_406 = arith.constant 0 : i32
      %dma_start3A_407 = tpu.memref_slice %arg4[%min3A_388, %dma_start3A_406] : memref<5000x640xi32, #tpu.memory_space<hbm>> -> memref<1x640xi32, #tpu.memory_space<hbm>>
      %dma_start3A_408 = tpu.memref_squeeze %dma_start3A_407 : memref<1x640xi32, #tpu.memory_space<hbm>> -> memref<640xi32, #tpu.memory_space<hbm>>
      %dma_start3A_409 = arith.constant 0 : i32
      %dma_start3A_410 = tpu.memref_slice %arg7[%dma_start3A_402, %dma_start3A_409] : memref<2x640xi32, #tpu.memory_space<vmem>> -> memref<1x640xi32, #tpu.memory_space<vmem>>
      %dma_start3A_411 = tpu.memref_squeeze %dma_start3A_410 : memref<1x640xi32, #tpu.memory_space<vmem>> -> memref<640xi32, #tpu.memory_space<vmem>>
      %dma_start3A_412 = arith.constant 0 : i32
      %dma_start3A_413 = tpu.memref_slice %arg4[%min3A_388, %dma_start3A_412] : memref<5000x640xi32, #tpu.memory_space<hbm>> -> memref<1x640xi32, #tpu.memory_space<hbm>>
      %dma_start3A_414 = tpu.memref_squeeze %dma_start3A_413 : memref<1x640xi32, #tpu.memory_space<hbm>> -> memref<640xi32, #tpu.memory_space<hbm>>
      tpu.enqueue_dma source(%dma_start3A_414 : memref<640xi32, #tpu.memory_space<hbm>>) target(%dma_start3A_411 : memref<640xi32, #tpu.memory_space<vmem>>) target_semaphore(%arg16 : memref<!tpu.dma_semaphore, #tpu.memory_space<semaphore_mem>>)
      %dma_wait3A_415 = arith.constant 0 : i32
      %dma_wait3A_416 = arith.constant 0 : i32
      %dma_wait3A_417 = arith.constant 0 : i32
      %dma_wait3A_418 = arith.constant 0 : i32
      %dma_wait3A_419 = tpu.memref_slice %arg8[%dma_wait3A_416, %dma_wait3A_417, %dma_wait3A_418] : memref<2x640x16xf32, #tpu.memory_space<vmem>> -> memref<1x640x16xf32, #tpu.memory_space<vmem>>
      %dma_wait3A_420 = tpu.memref_squeeze %dma_wait3A_419 : memref<1x640x16xf32, #tpu.memory_space<vmem>> -> memref<640x16xf32, #tpu.memory_space<vmem>>
      %dma_wait3A_421 = arith.constant 0 : i32
      %dma_wait3A_422 = tpu.memref_slice %arg6[%dma_wait3A_415, %dma_wait3A_421] : memref<2x640xi32, #tpu.memory_space<vmem>> -> memref<1x640xi32, #tpu.memory_space<vmem>>
      %dma_wait3A_423 = tpu.memref_squeeze %dma_wait3A_422 : memref<1x640xi32, #tpu.memory_space<vmem>> -> memref<640xi32, #tpu.memory_space<vmem>>
      %dma_wait3A_424 = arith.constant 0 : i32
      %dma_wait3A_425 = arith.constant 0 : i32
      %dma_wait3A_426 = tpu.memref_slice %arg2[%dma_wait3A_424, %dma_wait3A_425] : memref<100096x16xf32, #tpu.memory_space<hbm>> -> memref<100096x16xf32, #tpu.memory_space<hbm>>
      tpu.wait_indirect_dma semaphore(%arg11 : memref<!tpu.dma_semaphore, #tpu.memory_space<semaphore_mem>>) src(%dma_wait3A_426 : memref<100096x16xf32, #tpu.memory_space<hbm>>) dst(%dma_wait3A_420 : memref<640x16xf32, #tpu.memory_space<vmem>>)
      %dma_start3A_427 = arith.constant 0 : i32
      %dma_start3A_428 = arith.constant 0 : i32
      %dma_start3A_429 = arith.constant 0 : i32
      %dma_start3A_430 = arith.constant 0 : i32
      %dma_start3A_431 = tpu.memref_slice %arg8[%dma_start3A_427, %dma_start3A_429, %dma_start3A_430] : memref<2x640x16xf32, #tpu.memory_space<vmem>> -> memref<1x640x16xf32, #tpu.memory_space<vmem>>
      %dma_start3A_432 = tpu.memref_squeeze %dma_start3A_431 : memref<1x640x16xf32, #tpu.memory_space<vmem>> -> memref<640x16xf32, #tpu.memory_space<vmem>>
      %dma_start3A_433 = arith.constant 0 : i32
      %dma_start3A_434 = tpu.memref_slice %arg7[%dma_start3A_428, %dma_start3A_433] : memref<2x640xi32, #tpu.memory_space<vmem>> -> memref<1x640xi32, #tpu.memory_space<vmem>>
      %dma_start3A_435 = tpu.memref_squeeze %dma_start3A_434 : memref<1x640xi32, #tpu.memory_space<vmem>> -> memref<640xi32, #tpu.memory_space<vmem>>
      %dma_start3A_436 = arith.constant 0 : i32
      %dma_start3A_437 = arith.constant 0 : i32
      %dma_start3A_438 = tpu.memref_slice %arg10[%dma_start3A_436, %dma_start3A_437] : memref<100096x16xf32, #tpu.memory_space<vmem_shared>> -> memref<100096x16xf32, #tpu.memory_space<vmem_shared>>
      tpu.enqueue_indirect_dma source(%dma_start3A_432 : memref<640x16xf32, #tpu.memory_space<vmem>>) target(%dma_start3A_438 : memref<100096x16xf32, #tpu.memory_space<vmem_shared>>) offsets(%dma_start3A_435 : memref<640xi32, #tpu.memory_space<vmem>>) semaphore(%arg13 : memref<!tpu.dma_semaphore, #tpu.memory_space<semaphore_mem>>) {add = true}
      %dma_wait3A_439 = arith.constant 0 : i32
      %dma_wait3A_440 = arith.constant 1 : i32
      %dma_wait3A_441 = arith.constant 0 : i32
      %dma_wait3A_442 = tpu.memref_slice %arg6[%dma_wait3A_440, %dma_wait3A_441] : memref<2x640xi32, #tpu.memory_space<vmem>> -> memref<1x640xi32, #tpu.memory_space<vmem>>
      %dma_wait3A_443 = tpu.memref_squeeze %dma_wait3A_442 : memref<1x640xi32, #tpu.memory_space<vmem>> -> memref<640xi32, #tpu.memory_space<vmem>>
      %dma_wait3A_444 = arith.constant 0 : i32
      %dma_wait3A_445 = tpu.memref_slice %arg3[%dma_wait3A_439, %dma_wait3A_444] : memref<5000x640xi32, #tpu.memory_space<hbm>> -> memref<1x640xi32, #tpu.memory_space<hbm>>
      %dma_wait3A_446 = tpu.memref_squeeze %dma_wait3A_445 : memref<1x640xi32, #tpu.memory_space<hbm>> -> memref<640xi32, #tpu.memory_space<hbm>>
      %dma_wait3A_447 = arith.constant 0 : i32
      %dma_wait3A_448 = tpu.memref_slice %arg6[%dma_wait3A_440, %dma_wait3A_447] : memref<2x640xi32, #tpu.memory_space<vmem>> -> memref<1x640xi32, #tpu.memory_space<vmem>>
      %dma_wait3A_449 = tpu.memref_squeeze %dma_wait3A_448 : memref<1x640xi32, #tpu.memory_space<vmem>> -> memref<640xi32, #tpu.memory_space<vmem>>
      %dma_wait3A_450 = arith.constant 0 : i32
      %dma_wait3A_451 = tpu.memref_slice %arg3[%dma_wait3A_439, %dma_wait3A_450] : memref<5000x640xi32, #tpu.memory_space<hbm>> -> memref<1x640xi32, #tpu.memory_space<hbm>>
      %dma_wait3A_452 = tpu.memref_squeeze %dma_wait3A_451 : memref<1x640xi32, #tpu.memory_space<hbm>> -> memref<640xi32, #tpu.memory_space<hbm>>
      tpu.wait_dma2 semaphore(%arg16 : memref<!tpu.dma_semaphore, #tpu.memory_space<semaphore_mem>>) src(%dma_wait3A_452 : memref<640xi32, #tpu.memory_space<hbm>>) dst(%dma_wait3A_449 : memref<640xi32, #tpu.memory_space<vmem>>)
      %dma_wait3A_453 = arith.constant 0 : i32
      %dma_wait3A_454 = arith.constant 1 : i32
      %dma_wait3A_455 = arith.constant 0 : i32
      %dma_wait3A_456 = tpu.memref_slice %arg7[%dma_wait3A_454, %dma_wait3A_455] : memref<2x640xi32, #tpu.memory_space<vmem>> -> memref<1x640xi32, #tpu.memory_space<vmem>>
      %dma_wait3A_457 = tpu.memref_squeeze %dma_wait3A_456 : memref<1x640xi32, #tpu.memory_space<vmem>> -> memref<640xi32, #tpu.memory_space<vmem>>
      %dma_wait3A_458 = arith.constant 0 : i32
      %dma_wait3A_459 = tpu.memref_slice %arg4[%dma_wait3A_453, %dma_wait3A_458] : memref<5000x640xi32, #tpu.memory_space<hbm>> -> memref<1x640xi32, #tpu.memory_space<hbm>>
      %dma_wait3A_460 = tpu.memref_squeeze %dma_wait3A_459 : memref<1x640xi32, #tpu.memory_space<hbm>> -> memref<640xi32, #tpu.memory_space<hbm>>
      %dma_wait3A_461 = arith.constant 0 : i32
      %dma_wait3A_462 = tpu.memref_slice %arg7[%dma_wait3A_454, %dma_wait3A_461] : memref<2x640xi32, #tpu.memory_space<vmem>> -> memref<1x640xi32, #tpu.memory_space<vmem>>
      %dma_wait3A_463 = tpu.memref_squeeze %dma_wait3A_462 : memref<1x640xi32, #tpu.memory_space<vmem>> -> memref<640xi32, #tpu.memory_space<vmem>>
      %dma_wait3A_464 = arith.constant 0 : i32
      %dma_wait3A_465 = tpu.memref_slice %arg4[%dma_wait3A_453, %dma_wait3A_464] : memref<5000x640xi32, #tpu.memory_space<hbm>> -> memref<1x640xi32, #tpu.memory_space<hbm>>
      %dma_wait3A_466 = tpu.memref_squeeze %dma_wait3A_465 : memref<1x640xi32, #tpu.memory_space<hbm>> -> memref<640xi32, #tpu.memory_space<hbm>>
      tpu.wait_dma2 semaphore(%arg16 : memref<!tpu.dma_semaphore, #tpu.memory_space<semaphore_mem>>) src(%dma_wait3A_466 : memref<640xi32, #tpu.memory_space<hbm>>) dst(%dma_wait3A_463 : memref<640xi32, #tpu.memory_space<vmem>>)
      %dma_start3A_467 = arith.constant 1 : i32
      %dma_start3A_468 = arith.constant 1 : i32
      %dma_start3A_469 = arith.constant 0 : i32
      %dma_start3A_470 = arith.constant 0 : i32
      %dma_start3A_471 = tpu.memref_slice %arg8[%dma_start3A_468, %dma_start3A_469, %dma_start3A_470] : memref<2x640x16xf32, #tpu.memory_space<vmem>> -> memref<1x640x16xf32, #tpu.memory_space<vmem>>
      %dma_start3A_472 = tpu.memref_squeeze %dma_start3A_471 : memref<1x640x16xf32, #tpu.memory_space<vmem>> -> memref<640x16xf32, #tpu.memory_space<vmem>>
      %dma_start3A_473 = arith.constant 0 : i32
      %dma_start3A_474 = tpu.memref_slice %arg6[%dma_start3A_467, %dma_start3A_473] : memref<2x640xi32, #tpu.memory_space<vmem>> -> memref<1x640xi32, #tpu.memory_space<vmem>>
      %dma_start3A_475 = tpu.memref_squeeze %dma_start3A_474 : memref<1x640xi32, #tpu.memory_space<vmem>> -> memref<640xi32, #tpu.memory_space<vmem>>
      %dma_start3A_476 = arith.constant 0 : i32
      %dma_start3A_477 = arith.constant 0 : i32
      %dma_start3A_478 = tpu.memref_slice %arg2[%dma_start3A_476, %dma_start3A_477] : memref<100096x16xf32, #tpu.memory_space<hbm>> -> memref<100096x16xf32, #tpu.memory_space<hbm>>
      tpu.enqueue_indirect_dma source(%dma_start3A_478 : memref<100096x16xf32, #tpu.memory_space<hbm>>) target(%dma_start3A_472 : memref<640x16xf32, #tpu.memory_space<vmem>>) offsets(%dma_start3A_475 : memref<640xi32, #tpu.memory_space<vmem>>) semaphore(%arg12 : memref<!tpu.dma_semaphore, #tpu.memory_space<semaphore_mem>>)
      %dma_wait3A_479 = arith.constant 0 : i32
      %dma_wait3A_480 = arith.constant 0 : i32
      %dma_wait3A_481 = arith.constant 0 : i32
      %dma_wait3A_482 = arith.constant 0 : i32
      %dma_wait3A_483 = tpu.memref_slice %arg8[%dma_wait3A_479, %dma_wait3A_481, %dma_wait3A_482] : memref<2x640x16xf32, #tpu.memory_space<vmem>> -> memref<1x640x16xf32, #tpu.memory_space<vmem>>
      %dma_wait3A_484 = tpu.memref_squeeze %dma_wait3A_483 : memref<1x640x16xf32, #tpu.memory_space<vmem>> -> memref<640x16xf32, #tpu.memory_space<vmem>>
      %dma_wait3A_485 = arith.constant 0 : i32
      %dma_wait3A_486 = tpu.memref_slice %arg7[%dma_wait3A_480, %dma_wait3A_485] : memref<2x640xi32, #tpu.memory_space<vmem>> -> memref<1x640xi32, #tpu.memory_space<vmem>>
      %dma_wait3A_487 = tpu.memref_squeeze %dma_wait3A_486 : memref<1x640xi32, #tpu.memory_space<vmem>> -> memref<640xi32, #tpu.memory_space<vmem>>
      %dma_wait3A_488 = arith.constant 0 : i32
      %dma_wait3A_489 = arith.constant 0 : i32
      %dma_wait3A_490 = tpu.memref_slice %arg10[%dma_wait3A_488, %dma_wait3A_489] : memref<100096x16xf32, #tpu.memory_space<vmem_shared>> -> memref<100096x16xf32, #tpu.memory_space<vmem_shared>>
      tpu.wait_indirect_dma semaphore(%arg13 : memref<!tpu.dma_semaphore, #tpu.memory_space<semaphore_mem>>) src(%dma_wait3A_484 : memref<640x16xf32, #tpu.memory_space<vmem>>) dst(%dma_wait3A_490 : memref<100096x16xf32, #tpu.memory_space<vmem_shared>>)
      %add3A_491 = arith.constant 2 : i32
      %add3A_492 = arith.addi %add3A_332, %add3A_491 : i32
      %add3A_493 = arith.addi %add3A_10, %add3A_492 : i32
      %min3A_494 = arith.minsi %add3A_493, %sub3A_13 : i32
      %dma_start3A_495 = arith.constant 0 : i32
      %dma_start3A_496 = arith.constant 0 : i32
      %dma_start3A_497 = tpu.memref_slice %arg6[%dma_start3A_495, %dma_start3A_496] : memref<2x640xi32, #tpu.memory_space<vmem>> -> memref<1x640xi32, #tpu.memory_space<vmem>>
      %dma_start3A_498 = tpu.memref_squeeze %dma_start3A_497 : memref<1x640xi32, #tpu.memory_space<vmem>> -> memref<640xi32, #tpu.memory_space<vmem>>
      %dma_start3A_499 = arith.constant 0 : i32
      %dma_start3A_500 = tpu.memref_slice %arg3[%min3A_494, %dma_start3A_499] : memref<5000x640xi32, #tpu.memory_space<hbm>> -> memref<1x640xi32, #tpu.memory_space<hbm>>
      %dma_start3A_501 = tpu.memref_squeeze %dma_start3A_500 : memref<1x640xi32, #tpu.memory_space<hbm>> -> memref<640xi32, #tpu.memory_space<hbm>>
      %dma_start3A_502 = arith.constant 0 : i32
      %dma_start3A_503 = tpu.memref_slice %arg6[%dma_start3A_495, %dma_start3A_502] : memref<2x640xi32, #tpu.memory_space<vmem>> -> memref<1x640xi32, #tpu.memory_space<vmem>>
      %dma_start3A_504 = tpu.memref_squeeze %dma_start3A_503 : memref<1x640xi32, #tpu.memory_space<vmem>> -> memref<640xi32, #tpu.memory_space<vmem>>
      %dma_start3A_505 = arith.constant 0 : i32
      %dma_start3A_506 = tpu.memref_slice %arg3[%min3A_494, %dma_start3A_505] : memref<5000x640xi32, #tpu.memory_space<hbm>> -> memref<1x640xi32, #tpu.memory_space<hbm>>
      %dma_start3A_507 = tpu.memref_squeeze %dma_start3A_506 : memref<1x640xi32, #tpu.memory_space<hbm>> -> memref<640xi32, #tpu.memory_space<hbm>>
      tpu.enqueue_dma source(%dma_start3A_507 : memref<640xi32, #tpu.memory_space<hbm>>) target(%dma_start3A_504 : memref<640xi32, #tpu.memory_space<vmem>>) target_semaphore(%arg15 : memref<!tpu.dma_semaphore, #tpu.memory_space<semaphore_mem>>)
      %dma_start3A_508 = arith.constant 0 : i32
      %dma_start3A_509 = arith.constant 0 : i32
      %dma_start3A_510 = tpu.memref_slice %arg7[%dma_start3A_508, %dma_start3A_509] : memref<2x640xi32, #tpu.memory_space<vmem>> -> memref<1x640xi32, #tpu.memory_space<vmem>>
      %dma_start3A_511 = tpu.memref_squeeze %dma_start3A_510 : memref<1x640xi32, #tpu.memory_space<vmem>> -> memref<640xi32, #tpu.memory_space<vmem>>
      %dma_start3A_512 = arith.constant 0 : i32
      %dma_start3A_513 = tpu.memref_slice %arg4[%min3A_494, %dma_start3A_512] : memref<5000x640xi32, #tpu.memory_space<hbm>> -> memref<1x640xi32, #tpu.memory_space<hbm>>
      %dma_start3A_514 = tpu.memref_squeeze %dma_start3A_513 : memref<1x640xi32, #tpu.memory_space<hbm>> -> memref<640xi32, #tpu.memory_space<hbm>>
      %dma_start3A_515 = arith.constant 0 : i32
      %dma_start3A_516 = tpu.memref_slice %arg7[%dma_start3A_508, %dma_start3A_515] : memref<2x640xi32, #tpu.memory_space<vmem>> -> memref<1x640xi32, #tpu.memory_space<vmem>>
      %dma_start3A_517 = tpu.memref_squeeze %dma_start3A_516 : memref<1x640xi32, #tpu.memory_space<vmem>> -> memref<640xi32, #tpu.memory_space<vmem>>
      %dma_start3A_518 = arith.constant 0 : i32
      %dma_start3A_519 = tpu.memref_slice %arg4[%min3A_494, %dma_start3A_518] : memref<5000x640xi32, #tpu.memory_space<hbm>> -> memref<1x640xi32, #tpu.memory_space<hbm>>
      %dma_start3A_520 = tpu.memref_squeeze %dma_start3A_519 : memref<1x640xi32, #tpu.memory_space<hbm>> -> memref<640xi32, #tpu.memory_space<hbm>>
      tpu.enqueue_dma source(%dma_start3A_520 : memref<640xi32, #tpu.memory_space<hbm>>) target(%dma_start3A_517 : memref<640xi32, #tpu.memory_space<vmem>>) target_semaphore(%arg15 : memref<!tpu.dma_semaphore, #tpu.memory_space<semaphore_mem>>)
      %dma_wait3A_521 = arith.constant 1 : i32
      %dma_wait3A_522 = arith.constant 1 : i32
      %dma_wait3A_523 = arith.constant 0 : i32
      %dma_wait3A_524 = arith.constant 0 : i32
      %dma_wait3A_525 = tpu.memref_slice %arg8[%dma_wait3A_522, %dma_wait3A_523, %dma_wait3A_524] : memref<2x640x16xf32, #tpu.memory_space<vmem>> -> memref<1x640x16xf32, #tpu.memory_space<vmem>>
      %dma_wait3A_526 = tpu.memref_squeeze %dma_wait3A_525 : memref<1x640x16xf32, #tpu.memory_space<vmem>> -> memref<640x16xf32, #tpu.memory_space<vmem>>
      %dma_wait3A_527 = arith.constant 0 : i32
      %dma_wait3A_528 = tpu.memref_slice %arg6[%dma_wait3A_521, %dma_wait3A_527] : memref<2x640xi32, #tpu.memory_space<vmem>> -> memref<1x640xi32, #tpu.memory_space<vmem>>
      %dma_wait3A_529 = tpu.memref_squeeze %dma_wait3A_528 : memref<1x640xi32, #tpu.memory_space<vmem>> -> memref<640xi32, #tpu.memory_space<vmem>>
      %dma_wait3A_530 = arith.constant 0 : i32
      %dma_wait3A_531 = arith.constant 0 : i32
      %dma_wait3A_532 = tpu.memref_slice %arg2[%dma_wait3A_530, %dma_wait3A_531] : memref<100096x16xf32, #tpu.memory_space<hbm>> -> memref<100096x16xf32, #tpu.memory_space<hbm>>
      tpu.wait_indirect_dma semaphore(%arg12 : memref<!tpu.dma_semaphore, #tpu.memory_space<semaphore_mem>>) src(%dma_wait3A_532 : memref<100096x16xf32, #tpu.memory_space<hbm>>) dst(%dma_wait3A_526 : memref<640x16xf32, #tpu.memory_space<vmem>>)
      %dma_start3A_533 = arith.constant 1 : i32
      %dma_start3A_534 = arith.constant 1 : i32
      %dma_start3A_535 = arith.constant 0 : i32
      %dma_start3A_536 = arith.constant 0 : i32
      %dma_start3A_537 = tpu.memref_slice %arg8[%dma_start3A_533, %dma_start3A_535, %dma_start3A_536] : memref<2x640x16xf32, #tpu.memory_space<vmem>> -> memref<1x640x16xf32, #tpu.memory_space<vmem>>
      %dma_start3A_538 = tpu.memref_squeeze %dma_start3A_537 : memref<1x640x16xf32, #tpu.memory_space<vmem>> -> memref<640x16xf32, #tpu.memory_space<vmem>>
      %dma_start3A_539 = arith.constant 0 : i32
      %dma_start3A_540 = tpu.memref_slice %arg7[%dma_start3A_534, %dma_start3A_539] : memref<2x640xi32, #tpu.memory_space<vmem>> -> memref<1x640xi32, #tpu.memory_space<vmem>>
      %dma_start3A_541 = tpu.memref_squeeze %dma_start3A_540 : memref<1x640xi32, #tpu.memory_space<vmem>> -> memref<640xi32, #tpu.memory_space<vmem>>
      %dma_start3A_542 = arith.constant 0 : i32
      %dma_start3A_543 = arith.constant 0 : i32
      %dma_start3A_544 = tpu.memref_slice %arg10[%dma_start3A_542, %dma_start3A_543] : memref<100096x16xf32, #tpu.memory_space<vmem_shared>> -> memref<100096x16xf32, #tpu.memory_space<vmem_shared>>
      tpu.enqueue_indirect_dma source(%dma_start3A_538 : memref<640x16xf32, #tpu.memory_space<vmem>>) target(%dma_start3A_544 : memref<100096x16xf32, #tpu.memory_space<vmem_shared>>) offsets(%dma_start3A_541 : memref<640xi32, #tpu.memory_space<vmem>>) semaphore(%arg14 : memref<!tpu.dma_semaphore, #tpu.memory_space<semaphore_mem>>) {add = true}
      %while3A_545 = arith.constant 0 : i32
      scf.yield %while3A_545 : i32
    }
    %while3A_280 = arith.constant 1 : i32
    %while3A_281 = scf.for %while3A_327 = %while3A_277 to %while3A_273 step %while3A_280 iter_args(%while3A_328 = %while3A_279) -> (i32)  : i32 {
      %mul3A_329 = arith.constant 2 : i32
      %mul3A_330 = arith.muli %mul3A_329, %while3A_327 : i32
      %add3A_331 = arith.constant 2 : i32
      %add3A_332 = arith.addi %mul3A_330, %add3A_331 : i32
      %dma_wait3A_333 = arith.constant 0 : i32
      %dma_wait3A_334 = arith.constant 0 : i32
      %dma_wait3A_335 = arith.constant 0 : i32
      %dma_wait3A_336 = tpu.memref_slice %arg6[%dma_wait3A_334, %dma_wait3A_335] : memref<2x640xi32, #tpu.memory_space<vmem>> -> memref<1x640xi32, #tpu.memory_space<vmem>>
      %dma_wait3A_337 = tpu.memref_squeeze %dma_wait3A_336 : memref<1x640xi32, #tpu.memory_space<vmem>> -> memref<640xi32, #tpu.memory_space<vmem>>
      %dma_wait3A_338 = arith.constant 0 : i32
      %dma_wait3A_339 = tpu.memref_slice %arg3[%dma_wait3A_333, %dma_wait3A_338] : memref<5000x640xi32, #tpu.memory_space<hbm>> -> memref<1x640xi32, #tpu.memory_space<hbm>>
      %dma_wait3A_340 = tpu.memref_squeeze %dma_wait3A_339 : memref<1x640xi32, #tpu.memory_space<hbm>> -> memref<640xi32, #tpu.memory_space<hbm>>
      %dma_wait3A_341 = arith.constant 0 : i32
      %dma_wait3A_342 = tpu.memref_slice %arg6[%dma_wait3A_334, %dma_wait3A_341] : memref<2x640xi32, #tpu.memory_space<vmem>> -> memref<1x640xi32, #tpu.memory_space<vmem>>
      %dma_wait3A_343 = tpu.memref_squeeze %dma_wait3A_342 : memref<1x640xi32, #tpu.memory_space<vmem>> -> memref<640xi32, #tpu.memory_space<vmem>>
      %dma_wait3A_344 = arith.constant 0 : i32
      %dma_wait3A_345 = tpu.memref_slice %arg3[%dma_wait3A_333, %dma_wait3A_344] : memref<5000x640xi32, #tpu.memory_space<hbm>> -> memref<1x640xi32, #tpu.memory_space<hbm>>
      %dma_wait3A_346 = tpu.memref_squeeze %dma_wait3A_345 : memref<1x640xi32, #tpu.memory_space<hbm>> -> memref<640xi32, #tpu.memory_space<hbm>>
      tpu.wait_dma2 semaphore(%arg15 : memref<!tpu.dma_semaphore, #tpu.memory_space<semaphore_mem>>) src(%dma_wait3A_346 : memref<640xi32, #tpu.memory_space<hbm>>) dst(%dma_wait3A_343 : memref<640xi32, #tpu.memory_space<vmem>>)
      %dma_wait3A_347 = arith.constant 0 : i32
      %dma_wait3A_348 = arith.constant 0 : i32
      %dma_wait3A_349 = arith.constant 0 : i32
      %dma_wait3A_350 = tpu.memref_slice %arg7[%dma_wait3A_348, %dma_wait3A_349] : memref<2x640xi32, #tpu.memory_space<vmem>> -> memref<1x640xi32, #tpu.memory_space<vmem>>
      %dma_wait3A_351 = tpu.memref_squeeze %dma_wait3A_350 : memref<1x640xi32, #tpu.memory_space<vmem>> -> memref<640xi32, #tpu.memory_space<vmem>>
      %dma_wait3A_352 = arith.constant 0 : i32
      %dma_wait3A_353 = tpu.memref_slice %arg4[%dma_wait3A_347, %dma_wait3A_352] : memref<5000x640xi32, #tpu.memory_space<hbm>> -> memref<1x640xi32, #tpu.memory_space<hbm>>
      %dma_wait3A_354 = tpu.memref_squeeze %dma_wait3A_353 : memref<1x640xi32, #tpu.memory_space<hbm>> -> memref<640xi32, #tpu.memory_space<hbm>>
      %dma_wait3A_355 = arith.constant 0 : i32
      %dma_wait3A_356 = tpu.memref_slice %arg7[%dma_wait3A_348, %dma_wait3A_355] : memref<2x640xi32, #tpu.memory_space<vmem>> -> memref<1x640xi32, #tpu.memory_space<vmem>>
      %dma_wait3A_357 = tpu.memref_squeeze %dma_wait3A_356 : memref<1x640xi32, #tpu.memory_space<vmem>> -> memref<640xi32, #tpu.memory_space<vmem>>
      %dma_wait3A_358 = arith.constant 0 : i32
      %dma_wait3A_359 = tpu.memref_slice %arg4[%dma_wait3A_347, %dma_wait3A_358] : memref<5000x640xi32, #tpu.memory_space<hbm>> -> memref<1x640xi32, #tpu.memory_space<hbm>>
      %dma_wait3A_360 = tpu.memref_squeeze %dma_wait3A_359 : memref<1x640xi32, #tpu.memory_space<hbm>> -> memref<640xi32, #tpu.memory_space<hbm>>
      tpu.wait_dma2 semaphore(%arg15 : memref<!tpu.dma_semaphore, #tpu.memory_space<semaphore_mem>>) src(%dma_wait3A_360 : memref<640xi32, #tpu.memory_space<hbm>>) dst(%dma_wait3A_357 : memref<640xi32, #tpu.memory_space<vmem>>)
      %dma_start3A_361 = arith.constant 0 : i32
      %dma_start3A_362 = arith.constant 0 : i32
      %dma_start3A_363 = arith.constant 0 : i32
      %dma_start3A_364 = arith.constant 0 : i32
      %dma_start3A_365 = tpu.memref_slice %arg8[%dma_start3A_362, %dma_start3A_363, %dma_start3A_364] : memref<2x640x16xf32, #tpu.memory_space<vmem>> -> memref<1x640x16xf32, #tpu.memory_space<vmem>>
      %dma_start3A_366 = tpu.memref_squeeze %dma_start3A_365 : memref<1x640x16xf32, #tpu.memory_space<vmem>> -> memref<640x16xf32, #tpu.memory_space<vmem>>
      %dma_start3A_367 = arith.constant 0 : i32
      %dma_start3A_368 = tpu.memref_slice %arg6[%dma_start3A_361, %dma_start3A_367] : memref<2x640xi32, #tpu.memory_space<vmem>> -> memref<1x640xi32, #tpu.memory_space<vmem>>
      %dma_start3A_369 = tpu.memref_squeeze %dma_start3A_368 : memref<1x640xi32, #tpu.memory_space<vmem>> -> memref<640xi32, #tpu.memory_space<vmem>>
      %dma_start3A_370 = arith.constant 0 : i32
      %dma_start3A_371 = arith.constant 0 : i32
      %dma_start3A_372 = tpu.memref_slice %arg2[%dma_start3A_370, %dma_start3A_371] : memref<100096x16xf32, #tpu.memory_space<hbm>> -> memref<100096x16xf32, #tpu.memory_space<hbm>>
      tpu.enqueue_indirect_dma source(%dma_start3A_372 : memref<100096x16xf32, #tpu.memory_space<hbm>>) target(%dma_start3A_366 : memref<640x16xf32, #tpu.memory_space<vmem>>) offsets(%dma_start3A_369 : memref<640xi32, #tpu.memory_space<vmem>>) semaphore(%arg11 : memref<!tpu.dma_semaphore, #tpu.memory_space<semaphore_mem>>)
      %dma_wait3A_373 = arith.constant 1 : i32
      %dma_wait3A_374 = arith.constant 1 : i32
      %dma_wait3A_375 = arith.constant 0 : i32
      %dma_wait3A_376 = arith.constant 0 : i32
      %dma_wait3A_377 = tpu.memref_slice %arg8[%dma_wait3A_373, %dma_wait3A_375, %dma_wait3A_376] : memref<2x640x16xf32, #tpu.memory_space<vmem>> -> memref<1x640x16xf32, #tpu.memory_space<vmem>>
      %dma_wait3A_378 = tpu.memref_squeeze %dma_wait3A_377 : memref<1x640x16xf32, #tpu.memory_space<vmem>> -> memref<640x16xf32, #tpu.memory_space<vmem>>
      %dma_wait3A_379 = arith.constant 0 : i32
      %dma_wait3A_380 = tpu.memref_slice %arg7[%dma_wait3A_374, %dma_wait3A_379] : memref<2x640xi32, #tpu.memory_space<vmem>> -> memref<1x640xi32, #tpu.memory_space<vmem>>
      %dma_wait3A_381 = tpu.memref_squeeze %dma_wait3A_380 : memref<1x640xi32, #tpu.memory_space<vmem>> -> memref<640xi32, #tpu.memory_space<vmem>>
      %dma_wait3A_382 = arith.constant 0 : i32
      %dma_wait3A_383 = arith.constant 0 : i32
      %dma_wait3A_384 = tpu.memref_slice %arg10[%dma_wait3A_382, %dma_wait3A_383] : memref<100096x16xf32, #tpu.memory_space<vmem_shared>> -> memref<100096x16xf32, #tpu.memory_space<vmem_shared>>
      tpu.wait_indirect_dma semaphore(%arg14 : memref<!tpu.dma_semaphore, #tpu.memory_space<semaphore_mem>>) src(%dma_wait3A_378 : memref<640x16xf32, #tpu.memory_space<vmem>>) dst(%dma_wait3A_384 : memref<100096x16xf32, #tpu.memory_space<vmem_shared>>)
      %add3A_385 = arith.constant 1 : i32
      %add3A_386 = arith.addi %add3A_332, %add3A_385 : i32
      %add3A_387 = arith.addi %add3A_10, %add3A_386 : i32
      %min3A_388 = arith.minsi %add3A_387, %sub3A_13 : i32
      %dma_start3A_389 = arith.constant 1 : i32
      %dma_start3A_390 = arith.constant 0 : i32
      %dma_start3A_391 = tpu.memref_slice %arg6[%dma_start3A_389, %dma_start3A_390] : memref<2x640xi32, #tpu.memory_space<vmem>> -> memref<1x640xi32, #tpu.memory_space<vmem>>
      %dma_start3A_392 = tpu.memref_squeeze %dma_start3A_391 : memref<1x640xi32, #tpu.memory_space<vmem>> -> memref<640xi32, #tpu.memory_space<vmem>>
      %dma_start3A_393 = arith.constant 0 : i32
      %dma_start3A_394 = tpu.memref_slice %arg3[%min3A_388, %dma_start3A_393] : memref<5000x640xi32, #tpu.memory_space<hbm>> -> memref<1x640xi32, #tpu.memory_space<hbm>>
      %dma_start3A_395 = tpu.memref_squeeze %dma_start3A_394 : memref<1x640xi32, #tpu.memory_space<hbm>> -> memref<640xi32, #tpu.memory_space<hbm>>
      %dma_start3A_396 = arith.constant 0 : i32
      %dma_start3A_397 = tpu.memref_slice %arg6[%dma_start3A_389, %dma_start3A_396] : memref<2x640xi32, #tpu.memory_space<vmem>> -> memref<1x640xi32, #tpu.memory_space<vmem>>
      %dma_start3A_398 = tpu.memref_squeeze %dma_start3A_397 : memref<1x640xi32, #tpu.memory_space<vmem>> -> memref<640xi32, #tpu.memory_space<vmem>>
      %dma_start3A_399 = arith.constant 0 : i32
      %dma_start3A_400 = tpu.memref_slice %arg3[%min3A_388, %dma_start3A_399] : memref<5000x640xi32, #tpu.memory_space<hbm>> -> memref<1x640xi32, #tpu.memory_space<hbm>>
      %dma_start3A_401 = tpu.memref_squeeze %dma_start3A_400 : memref<1x640xi32, #tpu.memory_space<hbm>> -> memref<640xi32, #tpu.memory_space<hbm>>
      tpu.enqueue_dma source(%dma_start3A_401 : memref<640xi32, #tpu.memory_space<hbm>>) target(%dma_start3A_398 : memref<640xi32, #tpu.memory_space<vmem>>) target_semaphore(%arg16 : memref<!tpu.dma_semaphore, #tpu.memory_space<semaphore_mem>>)
      %dma_start3A_402 = arith.constant 1 : i32
      %dma_start3A_403 = arith.constant 0 : i32
      %dma_start3A_404 = tpu.memref_slice %arg7[%dma_start3A_402, %dma_start3A_403] : memref<2x640xi32, #tpu.memory_space<vmem>> -> memref<1x640xi32, #tpu.memory_space<vmem>>
      %dma_start3A_405 = tpu.memref_squeeze %dma_start3A_404 : memref<1x640xi32, #tpu.memory_space<vmem>> -> memref<640xi32, #tpu.memory_space<vmem>>
      %dma_start3A_406 = arith.constant 0 : i32
      %dma_start3A_407 = tpu.memref_slice %arg4[%min3A_388, %dma_start3A_406] : memref<5000x640xi32, #tpu.memory_space<hbm>> -> memref<1x640xi32, #tpu.memory_space<hbm>>
      %dma_start3A_408 = tpu.memref_squeeze %dma_start3A_407 : memref<1x640xi32, #tpu.memory_space<hbm>> -> memref<640xi32, #tpu.memory_space<hbm>>
      %dma_start3A_409 = arith.constant 0 : i32
      %dma_start3A_410 = tpu.memref_slice %arg7[%dma_start3A_402, %dma_start3A_409] : memref<2x640xi32, #tpu.memory_space<vmem>> -> memref<1x640xi32, #tpu.memory_space<vmem>>
      %dma_start3A_411 = tpu.memref_squeeze %dma_start3A_410 : memref<1x640xi32, #tpu.memory_space<vmem>> -> memref<640xi32, #tpu.memory_space<vmem>>
      %dma_start3A_412 = arith.constant 0 : i32
      %dma_start3A_413 = tpu.memref_slice %arg4[%min3A_388, %dma_start3A_412] : memref<5000x640xi32, #tpu.memory_space<hbm>> -> memref<1x640xi32, #tpu.memory_space<hbm>>
      %dma_start3A_414 = tpu.memref_squeeze %dma_start3A_413 : memref<1x640xi32, #tpu.memory_space<hbm>> -> memref<640xi32, #tpu.memory_space<hbm>>
      tpu.enqueue_dma source(%dma_start3A_414 : memref<640xi32, #tpu.memory_space<hbm>>) target(%dma_start3A_411 : memref<640xi32, #tpu.memory_space<vmem>>) target_semaphore(%arg16 : memref<!tpu.dma_semaphore, #tpu.memory_space<semaphore_mem>>)
      %dma_wait3A_415 = arith.constant 0 : i32
      %dma_wait3A_416 = arith.constant 0 : i32
      %dma_wait3A_417 = arith.constant 0 : i32
      %dma_wait3A_418 = arith.constant 0 : i32
      %dma_wait3A_419 = tpu.memref_slice %arg8[%dma_wait3A_416, %dma_wait3A_417, %dma_wait3A_418] : memref<2x640x16xf32, #tpu.memory_space<vmem>> -> memref<1x640x16xf32, #tpu.memory_space<vmem>>
      %dma_wait3A_420 = tpu.memref_squeeze %dma_wait3A_419 : memref<1x640x16xf32, #tpu.memory_space<vmem>> -> memref<640x16xf32, #tpu.memory_space<vmem>>
      %dma_wait3A_421 = arith.constant 0 : i32
      %dma_wait3A_422 = tpu.memref_slice %arg6[%dma_wait3A_415, %dma_wait3A_421] : memref<2x640xi32, #tpu.memory_space<vmem>> -> memref<1x640xi32, #tpu.memory_space<vmem>>
      %dma_wait3A_423 = tpu.memref_squeeze %dma_wait3A_422 : memref<1x640xi32, #tpu.memory_space<vmem>> -> memref<640xi32, #tpu.memory_space<vmem>>
      %dma_wait3A_424 = arith.constant 0 : i32
      %dma_wait3A_425 = arith.constant 0 : i32
      %dma_wait3A_426 = tpu.memref_slice %arg2[%dma_wait3A_424, %dma_wait3A_425] : memref<100096x16xf32, #tpu.memory_space<hbm>> -> memref<100096x16xf32, #tpu.memory_space<hbm>>
      tpu.wait_indirect_dma semaphore(%arg11 : memref<!tpu.dma_semaphore, #tpu.memory_space<semaphore_mem>>) src(%dma_wait3A_426 : memref<100096x16xf32, #tpu.memory_space<hbm>>) dst(%dma_wait3A_420 : memref<640x16xf32, #tpu.memory_space<vmem>>)
      %dma_start3A_427 = arith.constant 0 : i32
      %dma_start3A_428 = arith.constant 0 : i32
      %dma_start3A_429 = arith.constant 0 : i32
      %dma_start3A_430 = arith.constant 0 : i32
      %dma_start3A_431 = tpu.memref_slice %arg8[%dma_start3A_427, %dma_start3A_429, %dma_start3A_430] : memref<2x640x16xf32, #tpu.memory_space<vmem>> -> memref<1x640x16xf32, #tpu.memory_space<vmem>>
      %dma_start3A_432 = tpu.memref_squeeze %dma_start3A_431 : memref<1x640x16xf32, #tpu.memory_space<vmem>> -> memref<640x16xf32, #tpu.memory_space<vmem>>
      %dma_start3A_433 = arith.constant 0 : i32
      %dma_start3A_434 = tpu.memref_slice %arg7[%dma_start3A_428, %dma_start3A_433] : memref<2x640xi32, #tpu.memory_space<vmem>> -> memref<1x640xi32, #tpu.memory_space<vmem>>
      %dma_start3A_435 = tpu.memref_squeeze %dma_start3A_434 : memref<1x640xi32, #tpu.memory_space<vmem>> -> memref<640xi32, #tpu.memory_space<vmem>>
      %dma_start3A_436 = arith.constant 0 : i32
      %dma_start3A_437 = arith.constant 0 : i32
      %dma_start3A_438 = tpu.memref_slice %arg10[%dma_start3A_436, %dma_start3A_437] : memref<100096x16xf32, #tpu.memory_space<vmem_shared>> -> memref<100096x16xf32, #tpu.memory_space<vmem_shared>>
      tpu.enqueue_indirect_dma source(%dma_start3A_432 : memref<640x16xf32, #tpu.memory_space<vmem>>) target(%dma_start3A_438 : memref<100096x16xf32, #tpu.memory_space<vmem_shared>>) offsets(%dma_start3A_435 : memref<640xi32, #tpu.memory_space<vmem>>) semaphore(%arg13 : memref<!tpu.dma_semaphore, #tpu.memory_space<semaphore_mem>>) {add = true}
      %dma_wait3A_439 = arith.constant 0 : i32
      %dma_wait3A_440 = arith.constant 1 : i32
      %dma_wait3A_441 = arith.constant 0 : i32
      %dma_wait3A_442 = tpu.memref_slice %arg6[%dma_wait3A_440, %dma_wait3A_441] : memref<2x640xi32, #tpu.memory_space<vmem>> -> memref<1x640xi32, #tpu.memory_space<vmem>>
      %dma_wait3A_443 = tpu.memref_squeeze %dma_wait3A_442 : memref<1x640xi32, #tpu.memory_space<vmem>> -> memref<640xi32, #tpu.memory_space<vmem>>
      %dma_wait3A_444 = arith.constant 0 : i32
      %dma_wait3A_445 = tpu.memref_slice %arg3[%dma_wait3A_439, %dma_wait3A_444] : memref<5000x640xi32, #tpu.memory_space<hbm>> -> memref<1x640xi32, #tpu.memory_space<hbm>>
      %dma_wait3A_446 = tpu.memref_squeeze %dma_wait3A_445 : memref<1x640xi32, #tpu.memory_space<hbm>> -> memref<640xi32, #tpu.memory_space<hbm>>
      %dma_wait3A_447 = arith.constant 0 : i32
      %dma_wait3A_448 = tpu.memref_slice %arg6[%dma_wait3A_440, %dma_wait3A_447] : memref<2x640xi32, #tpu.memory_space<vmem>> -> memref<1x640xi32, #tpu.memory_space<vmem>>
      %dma_wait3A_449 = tpu.memref_squeeze %dma_wait3A_448 : memref<1x640xi32, #tpu.memory_space<vmem>> -> memref<640xi32, #tpu.memory_space<vmem>>
      %dma_wait3A_450 = arith.constant 0 : i32
      %dma_wait3A_451 = tpu.memref_slice %arg3[%dma_wait3A_439, %dma_wait3A_450] : memref<5000x640xi32, #tpu.memory_space<hbm>> -> memref<1x640xi32, #tpu.memory_space<hbm>>
      %dma_wait3A_452 = tpu.memref_squeeze %dma_wait3A_451 : memref<1x640xi32, #tpu.memory_space<hbm>> -> memref<640xi32, #tpu.memory_space<hbm>>
      tpu.wait_dma2 semaphore(%arg16 : memref<!tpu.dma_semaphore, #tpu.memory_space<semaphore_mem>>) src(%dma_wait3A_452 : memref<640xi32, #tpu.memory_space<hbm>>) dst(%dma_wait3A_449 : memref<640xi32, #tpu.memory_space<vmem>>)
      %dma_wait3A_453 = arith.constant 0 : i32
      %dma_wait3A_454 = arith.constant 1 : i32
      %dma_wait3A_455 = arith.constant 0 : i32
      %dma_wait3A_456 = tpu.memref_slice %arg7[%dma_wait3A_454, %dma_wait3A_455] : memref<2x640xi32, #tpu.memory_space<vmem>> -> memref<1x640xi32, #tpu.memory_space<vmem>>
      %dma_wait3A_457 = tpu.memref_squeeze %dma_wait3A_456 : memref<1x640xi32, #tpu.memory_space<vmem>> -> memref<640xi32, #tpu.memory_space<vmem>>
      %dma_wait3A_458 = arith.constant 0 : i32
      %dma_wait3A_459 = tpu.memref_slice %arg4[%dma_wait3A_453, %dma_wait3A_458] : memref<5000x640xi32, #tpu.memory_space<hbm>> -> memref<1x640xi32, #tpu.memory_space<hbm>>
      %dma_wait3A_460 = tpu.memref_squeeze %dma_wait3A_459 : memref<1x640xi32, #tpu.memory_space<hbm>> -> memref<640xi32, #tpu.memory_space<hbm>>
      %dma_wait3A_461 = arith.constant 0 : i32
      %dma_wait3A_462 = tpu.memref_slice %arg7[%dma_wait3A_454, %dma_wait3A_461] : memref<2x640xi32, #tpu.memory_space<vmem>> -> memref<1x640xi32, #tpu.memory_space<vmem>>
      %dma_wait3A_463 = tpu.memref_squeeze %dma_wait3A_462 : memref<1x640xi32, #tpu.memory_space<vmem>> -> memref<640xi32, #tpu.memory_space<vmem>>
      %dma_wait3A_464 = arith.constant 0 : i32
      %dma_wait3A_465 = tpu.memref_slice %arg4[%dma_wait3A_453, %dma_wait3A_464] : memref<5000x640xi32, #tpu.memory_space<hbm>> -> memref<1x640xi32, #tpu.memory_space<hbm>>
      %dma_wait3A_466 = tpu.memref_squeeze %dma_wait3A_465 : memref<1x640xi32, #tpu.memory_space<hbm>> -> memref<640xi32, #tpu.memory_space<hbm>>
      tpu.wait_dma2 semaphore(%arg16 : memref<!tpu.dma_semaphore, #tpu.memory_space<semaphore_mem>>) src(%dma_wait3A_466 : memref<640xi32, #tpu.memory_space<hbm>>) dst(%dma_wait3A_463 : memref<640xi32, #tpu.memory_space<vmem>>)
      %dma_start3A_467 = arith.constant 1 : i32
      %dma_start3A_468 = arith.constant 1 : i32
      %dma_start3A_469 = arith.constant 0 : i32
      %dma_start3A_470 = arith.constant 0 : i32
      %dma_start3A_471 = tpu.memref_slice %arg8[%dma_start3A_468, %dma_start3A_469, %dma_start3A_470] : memref<2x640x16xf32, #tpu.memory_space<vmem>> -> memref<1x640x16xf32, #tpu.memory_space<vmem>>
      %dma_start3A_472 = tpu.memref_squeeze %dma_start3A_471 : memref<1x640x16xf32, #tpu.memory_space<vmem>> -> memref<640x16xf32, #tpu.memory_space<vmem>>
      %dma_start3A_473 = arith.constant 0 : i32
      %dma_start3A_474 = tpu.memref_slice %arg6[%dma_start3A_467, %dma_start3A_473] : memref<2x640xi32, #tpu.memory_space<vmem>> -> memref<1x640xi32, #tpu.memory_space<vmem>>
      %dma_start3A_475 = tpu.memref_squeeze %dma_start3A_474 : memref<1x640xi32, #tpu.memory_space<vmem>> -> memref<640xi32, #tpu.memory_space<vmem>>
      %dma_start3A_476 = arith.constant 0 : i32
      %dma_start3A_477 = arith.constant 0 : i32
      %dma_start3A_478 = tpu.memref_slice %arg2[%dma_start3A_476, %dma_start3A_477] : memref<100096x16xf32, #tpu.memory_space<hbm>> -> memref<100096x16xf32, #tpu.memory_space<hbm>>
      tpu.enqueue_indirect_dma source(%dma_start3A_478 : memref<100096x16xf32, #tpu.memory_space<hbm>>) target(%dma_start3A_472 : memref<640x16xf32, #tpu.memory_space<vmem>>) offsets(%dma_start3A_475 : memref<640xi32, #tpu.memory_space<vmem>>) semaphore(%arg12 : memref<!tpu.dma_semaphore, #tpu.memory_space<semaphore_mem>>)
      %dma_wait3A_479 = arith.constant 0 : i32
      %dma_wait3A_480 = arith.constant 0 : i32
      %dma_wait3A_481 = arith.constant 0 : i32
      %dma_wait3A_482 = arith.constant 0 : i32
      %dma_wait3A_483 = tpu.memref_slice %arg8[%dma_wait3A_479, %dma_wait3A_481, %dma_wait3A_482] : memref<2x640x16xf32, #tpu.memory_space<vmem>> -> memref<1x640x16xf32, #tpu.memory_space<vmem>>
      %dma_wait3A_484 = tpu.memref_squeeze %dma_wait3A_483 : memref<1x640x16xf32, #tpu.memory_space<vmem>> -> memref<640x16xf32, #tpu.memory_space<vmem>>
      %dma_wait3A_485 = arith.constant 0 : i32
      %dma_wait3A_486 = tpu.memref_slice %arg7[%dma_wait3A_480, %dma_wait3A_485] : memref<2x640xi32, #tpu.memory_space<vmem>> -> memref<1x640xi32, #tpu.memory_space<vmem>>
      %dma_wait3A_487 = tpu.memref_squeeze %dma_wait3A_486 : memref<1x640xi32, #tpu.memory_space<vmem>> -> memref<640xi32, #tpu.memory_space<vmem>>
      %dma_wait3A_488 = arith.constant 0 : i32
      %dma_wait3A_489 = arith.constant 0 : i32
      %dma_wait3A_490 = tpu.memref_slice %arg10[%dma_wait3A_488, %dma_wait3A_489] : memref<100096x16xf32, #tpu.memory_space<vmem_shared>> -> memref<100096x16xf32, #tpu.memory_space<vmem_shared>>
      tpu.wait_indirect_dma semaphore(%arg13 : memref<!tpu.dma_semaphore, #tpu.memory_space<semaphore_mem>>) src(%dma_wait3A_484 : memref<640x16xf32, #tpu.memory_space<vmem>>) dst(%dma_wait3A_490 : memref<100096x16xf32, #tpu.memory_space<vmem_shared>>)
      %add3A_491 = arith.constant 2 : i32
      %add3A_492 = arith.addi %add3A_332, %add3A_491 : i32
      %add3A_493 = arith.addi %add3A_10, %add3A_492 : i32
      %min3A_494 = arith.minsi %add3A_493, %sub3A_13 : i32
      %dma_start3A_495 = arith.constant 0 : i32
      %dma_start3A_496 = arith.constant 0 : i32
      %dma_start3A_497 = tpu.memref_slice %arg6[%dma_start3A_495, %dma_start3A_496] : memref<2x640xi32, #tpu.memory_space<vmem>> -> memref<1x640xi32, #tpu.memory_space<vmem>>
      %dma_start3A_498 = tpu.memref_squeeze %dma_start3A_497 : memref<1x640xi32, #tpu.memory_space<vmem>> -> memref<640xi32, #tpu.memory_space<vmem>>
      %dma_start3A_499 = arith.constant 0 : i32
      %dma_start3A_500 = tpu.memref_slice %arg3[%min3A_494, %dma_start3A_499] : memref<5000x640xi32, #tpu.memory_space<hbm>> -> memref<1x640xi32, #tpu.memory_space<hbm>>
      %dma_start3A_501 = tpu.memref_squeeze %dma_start3A_500 : memref<1x640xi32, #tpu.memory_space<hbm>> -> memref<640xi32, #tpu.memory_space<hbm>>
      %dma_start3A_502 = arith.constant 0 : i32
      %dma_start3A_503 = tpu.memref_slice %arg6[%dma_start3A_495, %dma_start3A_502] : memref<2x640xi32, #tpu.memory_space<vmem>> -> memref<1x640xi32, #tpu.memory_space<vmem>>
      %dma_start3A_504 = tpu.memref_squeeze %dma_start3A_503 : memref<1x640xi32, #tpu.memory_space<vmem>> -> memref<640xi32, #tpu.memory_space<vmem>>
      %dma_start3A_505 = arith.constant 0 : i32
      %dma_start3A_506 = tpu.memref_slice %arg3[%min3A_494, %dma_start3A_505] : memref<5000x640xi32, #tpu.memory_space<hbm>> -> memref<1x640xi32, #tpu.memory_space<hbm>>
      %dma_start3A_507 = tpu.memref_squeeze %dma_start3A_506 : memref<1x640xi32, #tpu.memory_space<hbm>> -> memref<640xi32, #tpu.memory_space<hbm>>
      tpu.enqueue_dma source(%dma_start3A_507 : memref<640xi32, #tpu.memory_space<hbm>>) target(%dma_start3A_504 : memref<640xi32, #tpu.memory_space<vmem>>) target_semaphore(%arg15 : memref<!tpu.dma_semaphore, #tpu.memory_space<semaphore_mem>>)
      %dma_start3A_508 = arith.constant 0 : i32
      %dma_start3A_509 = arith.constant 0 : i32
      %dma_start3A_510 = tpu.memref_slice %arg7[%dma_start3A_508, %dma_start3A_509] : memref<2x640xi32, #tpu.memory_space<vmem>> -> memref<1x640xi32, #tpu.memory_space<vmem>>
      %dma_start3A_511 = tpu.memref_squeeze %dma_start3A_510 : memref<1x640xi32, #tpu.memory_space<vmem>> -> memref<640xi32, #tpu.memory_space<vmem>>
      %dma_start3A_512 = arith.constant 0 : i32
      %dma_start3A_513 = tpu.memref_slice %arg4[%min3A_494, %dma_start3A_512] : memref<5000x640xi32, #tpu.memory_space<hbm>> -> memref<1x640xi32, #tpu.memory_space<hbm>>
      %dma_start3A_514 = tpu.memref_squeeze %dma_start3A_513 : memref<1x640xi32, #tpu.memory_space<hbm>> -> memref<640xi32, #tpu.memory_space<hbm>>
      %dma_start3A_515 = arith.constant 0 : i32
      %dma_start3A_516 = tpu.memref_slice %arg7[%dma_start3A_508, %dma_start3A_515] : memref<2x640xi32, #tpu.memory_space<vmem>> -> memref<1x640xi32, #tpu.memory_space<vmem>>
      %dma_start3A_517 = tpu.memref_squeeze %dma_start3A_516 : memref<1x640xi32, #tpu.memory_space<vmem>> -> memref<640xi32, #tpu.memory_space<vmem>>
      %dma_start3A_518 = arith.constant 0 : i32
      %dma_start3A_519 = tpu.memref_slice %arg4[%min3A_494, %dma_start3A_518] : memref<5000x640xi32, #tpu.memory_space<hbm>> -> memref<1x640xi32, #tpu.memory_space<hbm>>
      %dma_start3A_520 = tpu.memref_squeeze %dma_start3A_519 : memref<1x640xi32, #tpu.memory_space<hbm>> -> memref<640xi32, #tpu.memory_space<hbm>>
      tpu.enqueue_dma source(%dma_start3A_520 : memref<640xi32, #tpu.memory_space<hbm>>) target(%dma_start3A_517 : memref<640xi32, #tpu.memory_space<vmem>>) target_semaphore(%arg15 : memref<!tpu.dma_semaphore, #tpu.memory_space<semaphore_mem>>)
      %dma_wait3A_521 = arith.constant 1 : i32
      %dma_wait3A_522 = arith.constant 1 : i32
      %dma_wait3A_523 = arith.constant 0 : i32
      %dma_wait3A_524 = arith.constant 0 : i32
      %dma_wait3A_525 = tpu.memref_slice %arg8[%dma_wait3A_522, %dma_wait3A_523, %dma_wait3A_524] : memref<2x640x16xf32, #tpu.memory_space<vmem>> -> memref<1x640x16xf32, #tpu.memory_space<vmem>>
      %dma_wait3A_526 = tpu.memref_squeeze %dma_wait3A_525 : memref<1x640x16xf32, #tpu.memory_space<vmem>> -> memref<640x16xf32, #tpu.memory_space<vmem>>
      %dma_wait3A_527 = arith.constant 0 : i32
      %dma_wait3A_528 = tpu.memref_slice %arg6[%dma_wait3A_521, %dma_wait3A_527] : memref<2x640xi32, #tpu.memory_space<vmem>> -> memref<1x640xi32, #tpu.memory_space<vmem>>
      %dma_wait3A_529 = tpu.memref_squeeze %dma_wait3A_528 : memref<1x640xi32, #tpu.memory_space<vmem>> -> memref<640xi32, #tpu.memory_space<vmem>>
      %dma_wait3A_530 = arith.constant 0 : i32
      %dma_wait3A_531 = arith.constant 0 : i32
      %dma_wait3A_532 = tpu.memref_slice %arg2[%dma_wait3A_530, %dma_wait3A_531] : memref<100096x16xf32, #tpu.memory_space<hbm>> -> memref<100096x16xf32, #tpu.memory_space<hbm>>
      tpu.wait_indirect_dma semaphore(%arg12 : memref<!tpu.dma_semaphore, #tpu.memory_space<semaphore_mem>>) src(%dma_wait3A_532 : memref<100096x16xf32, #tpu.memory_space<hbm>>) dst(%dma_wait3A_526 : memref<640x16xf32, #tpu.memory_space<vmem>>)
      %dma_start3A_533 = arith.constant 1 : i32
      %dma_start3A_534 = arith.constant 1 : i32
      %dma_start3A_535 = arith.constant 0 : i32
      %dma_start3A_536 = arith.constant 0 : i32
      %dma_start3A_537 = tpu.memref_slice %arg8[%dma_start3A_533, %dma_start3A_535, %dma_start3A_536] : memref<2x640x16xf32, #tpu.memory_space<vmem>> -> memref<1x640x16xf32, #tpu.memory_space<vmem>>
      %dma_start3A_538 = tpu.memref_squeeze %dma_start3A_537 : memref<1x640x16xf32, #tpu.memory_space<vmem>> -> memref<640x16xf32, #tpu.memory_space<vmem>>
      %dma_start3A_539 = arith.constant 0 : i32
      %dma_start3A_540 = tpu.memref_slice %arg7[%dma_start3A_534, %dma_start3A_539] : memref<2x640xi32, #tpu.memory_space<vmem>> -> memref<1x640xi32, #tpu.memory_space<vmem>>
      %dma_start3A_541 = tpu.memref_squeeze %dma_start3A_540 : memref<1x640xi32, #tpu.memory_space<vmem>> -> memref<640xi32, #tpu.memory_space<vmem>>
      %dma_start3A_542 = arith.constant 0 : i32
      %dma_start3A_543 = arith.constant 0 : i32
      %dma_start3A_544 = tpu.memref_slice %arg10[%dma_start3A_542, %dma_start3A_543] : memref<100096x16xf32, #tpu.memory_space<vmem_shared>> -> memref<100096x16xf32, #tpu.memory_space<vmem_shared>>
      tpu.enqueue_indirect_dma source(%dma_start3A_538 : memref<640x16xf32, #tpu.memory_space<vmem>>) target(%dma_start3A_544 : memref<100096x16xf32, #tpu.memory_space<vmem_shared>>) offsets(%dma_start3A_541 : memref<640xi32, #tpu.memory_space<vmem>>) semaphore(%arg14 : memref<!tpu.dma_semaphore, #tpu.memory_space<semaphore_mem>>) {add = true}
      %while3A_545 = arith.constant 0 : i32
      scf.yield %while3A_545 : i32
    }
    %dma_wait3A_282 = arith.constant 1 : i32
    %dma_wait3A_283 = arith.constant 1 : i32
    %dma_wait3A_284 = arith.constant 0 : i32
    %dma_wait3A_285 = arith.constant 0 : i32
    %dma_wait3A_286 = tpu.memref_slice %arg8[%dma_wait3A_282, %dma_wait3A_284, %dma_wait3A_285] : memref<2x640x16xf32, #tpu.memory_space<vmem>> -> memref<1x640x16xf32, #tpu.memory_space<vmem>>
    %dma_wait3A_287 = tpu.memref_squeeze %dma_wait3A_286 : memref<1x640x16xf32, #tpu.memory_space<vmem>> -> memref<640x16xf32, #tpu.memory_space<vmem>>
    %dma_wait3A_288 = arith.constant 0 : i32
    %dma_wait3A_289 = tpu.memref_slice %arg7[%dma_wait3A_283, %dma_wait3A_288] : memref<2x640xi32, #tpu.memory_space<vmem>> -> memref<1x640xi32, #tpu.memory_space<vmem>>
    %dma_wait3A_290 = tpu.memref_squeeze %dma_wait3A_289 : memref<1x640xi32, #tpu.memory_space<vmem>> -> memref<640xi32, #tpu.memory_space<vmem>>
    %dma_wait3A_291 = arith.constant 0 : i32
    %dma_wait3A_292 = arith.constant 0 : i32
    %dma_wait3A_293 = tpu.memref_slice %arg10[%dma_wait3A_291, %dma_wait3A_292] : memref<100096x16xf32, #tpu.memory_space<vmem_shared>> -> memref<100096x16xf32, #tpu.memory_space<vmem_shared>>
    tpu.wait_indirect_dma semaphore(%arg14 : memref<!tpu.dma_semaphore, #tpu.memory_space<semaphore_mem>>) src(%dma_wait3A_287 : memref<640x16xf32, #tpu.memory_space<vmem>>) dst(%dma_wait3A_293 : memref<100096x16xf32, #tpu.memory_space<vmem_shared>>)
    %dma_wait3A_294 = arith.constant 0 : i32
    %dma_wait3A_295 = arith.constant 0 : i32
    %dma_wait3A_296 = arith.constant 0 : i32
    %dma_wait3A_297 = tpu.memref_slice %arg6[%dma_wait3A_295, %dma_wait3A_296] : memref<2x640xi32, #tpu.memory_space<vmem>> -> memref<1x640xi32, #tpu.memory_space<vmem>>
    %dma_wait3A_298 = tpu.memref_squeeze %dma_wait3A_297 : memref<1x640xi32, #tpu.memory_space<vmem>> -> memref<640xi32, #tpu.memory_space<vmem>>
    %dma_wait3A_299 = arith.constant 0 : i32
    %dma_wait3A_300 = tpu.memref_slice %arg3[%dma_wait3A_294, %dma_wait3A_299] : memref<5000x640xi32, #tpu.memory_space<hbm>> -> memref<1x640xi32, #tpu.memory_space<hbm>>
    %dma_wait3A_301 = tpu.memref_squeeze %dma_wait3A_300 : memref<1x640xi32, #tpu.memory_space<hbm>> -> memref<640xi32, #tpu.memory_space<hbm>>
    %dma_wait3A_302 = arith.constant 0 : i32
    %dma_wait3A_303 = tpu.memref_slice %arg6[%dma_wait3A_295, %dma_wait3A_302] : memref<2x640xi32, #tpu.memory_space<vmem>> -> memref<1x640xi32, #tpu.memory_space<vmem>>
    %dma_wait3A_304 = tpu.memref_squeeze %dma_wait3A_303 : memref<1x640xi32, #tpu.memory_space<vmem>> -> memref<640xi32, #tpu.memory_space<vmem>>
    %dma_wait3A_305 = arith.constant 0 : i32
    %dma_wait3A_306 = tpu.memref_slice %arg3[%dma_wait3A_294, %dma_wait3A_305] : memref<5000x640xi32, #tpu.memory_space<hbm>> -> memref<1x640xi32, #tpu.memory_space<hbm>>
    %dma_wait3A_307 = tpu.memref_squeeze %dma_wait3A_306 : memref<1x640xi32, #tpu.memory_space<hbm>> -> memref<640xi32, #tpu.memory_space<hbm>>
    tpu.wait_dma2 semaphore(%arg15 : memref<!tpu.dma_semaphore, #tpu.memory_space<semaphore_mem>>) src(%dma_wait3A_307 : memref<640xi32, #tpu.memory_space<hbm>>) dst(%dma_wait3A_304 : memref<640xi32, #tpu.memory_space<vmem>>)
    %dma_wait3A_308 = arith.constant 0 : i32
    %dma_wait3A_309 = arith.constant 0 : i32
    %dma_wait3A_310 = arith.constant 0 : i32
    %dma_wait3A_311 = tpu.memref_slice %arg7[%dma_wait3A_309, %dma_wait3A_310] : memref<2x640xi32, #tpu.memory_space<vmem>> -> memref<1x640xi32, #tpu.memory_space<vmem>>
    %dma_wait3A_312 = tpu.memref_squeeze %dma_wait3A_311 : memref<1x640xi32, #tpu.memory_space<vmem>> -> memref<640xi32, #tpu.memory_space<vmem>>
    %dma_wait3A_313 = arith.constant 0 : i32
    %dma_wait3A_314 = tpu.memref_slice %arg4[%dma_wait3A_308, %dma_wait3A_313] : memref<5000x640xi32, #tpu.memory_space<hbm>> -> memref<1x640xi32, #tpu.memory_space<hbm>>
    %dma_wait3A_315 = tpu.memref_squeeze %dma_wait3A_314 : memref<1x640xi32, #tpu.memory_space<hbm>> -> memref<640xi32, #tpu.memory_space<hbm>>
    %dma_wait3A_316 = arith.constant 0 : i32
    %dma_wait3A_317 = tpu.memref_slice %arg7[%dma_wait3A_309, %dma_wait3A_316] : memref<2x640xi32, #tpu.memory_space<vmem>> -> memref<1x640xi32, #tpu.memory_space<vmem>>
    %dma_wait3A_318 = tpu.memref_squeeze %dma_wait3A_317 : memref<1x640xi32, #tpu.memory_space<vmem>> -> memref<640xi32, #tpu.memory_space<vmem>>
    %dma_wait3A_319 = arith.constant 0 : i32
    %dma_wait3A_320 = tpu.memref_slice %arg4[%dma_wait3A_308, %dma_wait3A_319] : memref<5000x640xi32, #tpu.memory_space<hbm>> -> memref<1x640xi32, #tpu.memory_space<hbm>>
    %dma_wait3A_321 = tpu.memref_squeeze %dma_wait3A_320 : memref<1x640xi32, #tpu.memory_space<hbm>> -> memref<640xi32, #tpu.memory_space<hbm>>
    tpu.wait_dma2 semaphore(%arg15 : memref<!tpu.dma_semaphore, #tpu.memory_space<semaphore_mem>>) src(%dma_wait3A_321 : memref<640xi32, #tpu.memory_space<hbm>>) dst(%dma_wait3A_318 : memref<640xi32, #tpu.memory_space<vmem>>)
    %barrier3A_322 = arith.constant 0 : index
    tpu.barrier barrier_id(%barrier3A_322)
    %mul3A_323 = arith.constant 6256 : i32
    %mul3A_324 = arith.muli %arg1, %mul3A_323 : i32
    %mul3A_325 = arith.constant 6256 : i32
    %mul3A_326 = arith.muli %arg1, %mul3A_325 : i32
    "tpu.region"() ({
      %run_scoped3A = tpu.sem_alloc : memref<!tpu.dma_semaphore, #tpu.memory_space<semaphore_mem>>
      %dma_start3A_327 = arith.constant 0 : i32
      %dma_start3A_328 = tpu.memref_slice %arg5[%arg0, %mul3A_326, %dma_start3A_327] : memref<2x100096x16xf32, #tpu.memory_space<hbm>> -> memref<1x6256x16xf32, #tpu.memory_space<hbm>>
      %dma_start3A_329 = tpu.memref_squeeze %dma_start3A_328 : memref<1x6256x16xf32, #tpu.memory_space<hbm>> -> memref<6256x16xf32, #tpu.memory_space<hbm>>
      %dma_start3A_330 = arith.constant 0 : i32
      %dma_start3A_331 = tpu.memref_slice %arg10[%mul3A_324, %dma_start3A_330] : memref<100096x16xf32, #tpu.memory_space<vmem_shared>> -> memref<6256x16xf32, #tpu.memory_space<vmem_shared>>
      tpu.enqueue_dma source(%dma_start3A_331 : memref<6256x16xf32, #tpu.memory_space<vmem_shared>>) target(%dma_start3A_329 : memref<6256x16xf32, #tpu.memory_space<hbm>>) target_semaphore(%run_scoped3A : memref<!tpu.dma_semaphore, #tpu.memory_space<semaphore_mem>>)
      %dma_wait3A_332 = arith.constant 0 : i32
      %dma_wait3A_333 = tpu.memref_slice %arg5[%arg0, %mul3A_326, %dma_wait3A_332] : memref<2x100096x16xf32, #tpu.memory_space<hbm>> -> memref<1x6256x16xf32, #tpu.memory_space<hbm>>
      %dma_wait3A_334 = tpu.memref_squeeze %dma_wait3A_333 : memref<1x6256x16xf32, #tpu.memory_space<hbm>> -> memref<6256x16xf32, #tpu.memory_space<hbm>>
      %dma_wait3A_335 = arith.constant 0 : i32
      %dma_wait3A_336 = tpu.memref_slice %arg10[%mul3A_324, %dma_wait3A_335] : memref<100096x16xf32, #tpu.memory_space<vmem_shared>> -> memref<6256x16xf32, #tpu.memory_space<vmem_shared>>
      tpu.wait_dma2 semaphore(%run_scoped3A : memref<!tpu.dma_semaphore, #tpu.memory_space<semaphore_mem>>) src(%dma_wait3A_336 : memref<6256x16xf32, #tpu.memory_space<vmem_shared>>) dst(%dma_wait3A_334 : memref<6256x16xf32, #tpu.memory_space<hbm>>)
      tpu.yield
    }) : () -> ()
    return
  }
}

#map = affine_map<(d0, d1) -> (0, 0)>
#map1 = affine_map<(d0, d1) -> (0, 0, 0)>
module attributes {stable_mosaic.version = 14 : i64} {
  func.func @k(%arg0: i32, %arg1: i32, %arg2: memref<1x16xf32, #tpu.memory_space<hbm>>, %arg3: memref<5000x640xi32, #tpu.memory_space<hbm>>, %arg4: memref<5000x640xi32, #tpu.memory_space<hbm>>, %arg5: memref<2x100096x16xf32, #tpu.memory_space<hbm>>, %arg6: memref<2x640xi32, #tpu.memory_space<vmem>>, %arg7: memref<2x640xi32, #tpu.memory_space<vmem>>, %arg8: memref<2x640x16xf32, #tpu.memory_space<vmem>>, %arg9: memref<391x16xf32, #tpu.memory_space<vmem>>, %arg10: memref<100096x16xf32, #tpu.memory_space<vmem_shared>>, %arg11: memref<!tpu.dma_semaphore, #tpu.memory_space<semaphore_mem>>, %arg12: memref<!tpu.dma_semaphore, #tpu.memory_space<semaphore_mem>>, %arg13: memref<!tpu.dma_semaphore, #tpu.memory_space<semaphore_mem>>, %arg14: memref<!tpu.dma_semaphore, #tpu.memory_space<semaphore_mem>>, %arg15: memref<!tpu.dma_semaphore, #tpu.memory_space<semaphore_mem>>, %arg16: memref<!tpu.dma_semaphore, #tpu.memory_space<semaphore_mem>>) attributes {dimension_semantics = [#tpu.dimension_semantics<core_parallel>, #tpu.dimension_semantics<subcore_parallel>], iteration_bounds = array<i64: 2, 16>, scalar_prefetch = 0 : i64, scratch_operands = 11 : i64, tpu.core_type = #tpu.core_type<sc_vector_subcore>, window_params = [{transform_indices = #map}, {transform_indices = #map}, {transform_indices = #map}, {transform_indices = #map1}]} {
    %mul3A = arith.constant 2 : i32
    %mul3A_0 = arith.muli %arg1, %mul3A : i32
    %add3A = arith.addi %mul3A_0, %arg0 : i32
    %ge3A = arith.constant 4 : i32
    %ge3A_1 = arith.cmpi sge, %add3A, %ge3A : i32
    %convert_element_type3A = arith.extui %ge3A_1 : i1 to i32
    %mul3A_2 = arith.constant 2 : i32
    %mul3A_3 = arith.muli %mul3A_2, %convert_element_type3A : i32
    %sub3A = arith.constant 158 : i32
    %sub3A_4 = arith.subi %sub3A, %mul3A_3 : i32
    %mul3A_5 = arith.constant 156 : i32
    %mul3A_6 = arith.muli %mul3A_5, %add3A : i32
    %min3A = arith.constant 4 : i32
    %min3A_7 = arith.minsi %add3A, %min3A : i32
    %mul3A_8 = arith.constant 2 : i32
    %mul3A_9 = arith.muli %mul3A_8, %min3A_7 : i32
    %add3A_10 = arith.addi %mul3A_6, %mul3A_9 : i32
    %add3A_11 = arith.addi %add3A_10, %sub3A_4 : i32
    %sub3A_12 = arith.constant 1 : i32
    %sub3A_13 = arith.subi %add3A_11, %sub3A_12 : i32
    %add3A_14 = arith.constant 0 : i32
    %add3A_15 = arith.addi %add3A_10, %add3A_14 : i32
    %min3A_16 = arith.minsi %add3A_15, %sub3A_13 : i32
    %dma_start3A = arith.constant 0 : i32
    %dma_start3A_17 = arith.constant 0 : i32
    %dma_start3A_18 = tpu.memref_slice %arg7[%dma_start3A, %dma_start3A_17] : memref<2x640xi32, #tpu.memory_space<vmem>> -> memref<1x640xi32, #tpu.memory_space<vmem>>
    %dma_start3A_19 = tpu.memref_squeeze %dma_start3A_18 : memref<1x640xi32, #tpu.memory_space<vmem>> -> memref<640xi32, #tpu.memory_space<vmem>>
    %dma_start3A_20 = arith.constant 0 : i32
    %dma_start3A_21 = tpu.memref_slice %arg4[%min3A_16, %dma_start3A_20] : memref<5000x640xi32, #tpu.memory_space<hbm>> -> memref<1x640xi32, #tpu.memory_space<hbm>>
    %dma_start3A_22 = tpu.memref_squeeze %dma_start3A_21 : memref<1x640xi32, #tpu.memory_space<hbm>> -> memref<640xi32, #tpu.memory_space<hbm>>
    %dma_start3A_23 = arith.constant 0 : i32
    %dma_start3A_24 = tpu.memref_slice %arg7[%dma_start3A, %dma_start3A_23] : memref<2x640xi32, #tpu.memory_space<vmem>> -> memref<1x640xi32, #tpu.memory_space<vmem>>
    %dma_start3A_25 = tpu.memref_squeeze %dma_start3A_24 : memref<1x640xi32, #tpu.memory_space<vmem>> -> memref<640xi32, #tpu.memory_space<vmem>>
    %dma_start3A_26 = arith.constant 0 : i32
    %dma_start3A_27 = tpu.memref_slice %arg4[%min3A_16, %dma_start3A_26] : memref<5000x640xi32, #tpu.memory_space<hbm>> -> memref<1x640xi32, #tpu.memory_space<hbm>>
    %dma_start3A_28 = tpu.memref_squeeze %dma_start3A_27 : memref<1x640xi32, #tpu.memory_space<hbm>> -> memref<640xi32, #tpu.memory_space<hbm>>
    tpu.enqueue_dma source(%dma_start3A_28 : memref<640xi32, #tpu.memory_space<hbm>>) target(%dma_start3A_25 : memref<640xi32, #tpu.memory_space<vmem>>) target_semaphore(%arg15 : memref<!tpu.dma_semaphore, #tpu.memory_space<semaphore_mem>>)
    %add3A_29 = arith.constant 1 : i32
    %add3A_30 = arith.addi %add3A_10, %add3A_29 : i32
    %min3A_31 = arith.minsi %add3A_30, %sub3A_13 : i32
    %dma_start3A_32 = arith.constant 1 : i32
    %dma_start3A_33 = arith.constant 0 : i32
    %dma_start3A_34 = tpu.memref_slice %arg7[%dma_start3A_32, %dma_start3A_33] : memref<2x640xi32, #tpu.memory_space<vmem>> -> memref<1x640xi32, #tpu.memory_space<vmem>>
    %dma_start3A_35 = tpu.memref_squeeze %dma_start3A_34 : memref<1x640xi32, #tpu.memory_space<vmem>> -> memref<640xi32, #tpu.memory_space<vmem>>
    %dma_start3A_36 = arith.constant 0 : i32
    %dma_start3A_37 = tpu.memref_slice %arg4[%min3A_31, %dma_start3A_36] : memref<5000x640xi32, #tpu.memory_space<hbm>> -> memref<1x640xi32, #tpu.memory_space<hbm>>
    %dma_start3A_38 = tpu.memref_squeeze %dma_start3A_37 : memref<1x640xi32, #tpu.memory_space<hbm>> -> memref<640xi32, #tpu.memory_space<hbm>>
    %dma_start3A_39 = arith.constant 0 : i32
    %dma_start3A_40 = tpu.memref_slice %arg7[%dma_start3A_32, %dma_start3A_39] : memref<2x640xi32, #tpu.memory_space<vmem>> -> memref<1x640xi32, #tpu.memory_space<vmem>>
    %dma_start3A_41 = tpu.memref_squeeze %dma_start3A_40 : memref<1x640xi32, #tpu.memory_space<vmem>> -> memref<640xi32, #tpu.memory_space<vmem>>
    %dma_start3A_42 = arith.constant 0 : i32
    %dma_start3A_43 = tpu.memref_slice %arg4[%min3A_31, %dma_start3A_42] : memref<5000x640xi32, #tpu.memory_space<hbm>> -> memref<1x640xi32, #tpu.memory_space<hbm>>
    %dma_start3A_44 = tpu.memref_squeeze %dma_start3A_43 : memref<1x640xi32, #tpu.memory_space<hbm>> -> memref<640xi32, #tpu.memory_space<hbm>>
    tpu.enqueue_dma source(%dma_start3A_44 : memref<640xi32, #tpu.memory_space<hbm>>) target(%dma_start3A_41 : memref<640xi32, #tpu.memory_space<vmem>>) target_semaphore(%arg16 : memref<!tpu.dma_semaphore, #tpu.memory_space<semaphore_mem>>)
    %scan3A = arith.constant 0 : i32
    %scan3A_45 = arith.constant 0 : i32
    %scan3A_46 = arith.constant 391 : i32
    %scan3A_47 = arith.addi %scan3A_45, %scan3A_46 : i32
    %scan3A_48 = arith.constant 1 : i32
    %scan3A_49 = scf.for %scan3A_205 = %scan3A_45 to %scan3A_47 step %scan3A_48 iter_args(%scan3A_206 = %scan3A) -> (i32)  : i32 {
      %broadcast_in_dim3A = arith.constant 0.000000e+00 : f32
      %broadcast_in_dim3A_207 = vector.broadcast %broadcast_in_dim3A : f32 to vector<16xf32>
      %swap3A = arith.index_cast %scan3A_205 : i32 to index
      %swap3A_208 = arith.constant 0 : index
      %swap3A_209 = tpu.vector_load %arg9[%swap3A, %swap3A_208] {strides = array<i32>} : memref<391x16xf32, #tpu.memory_space<vmem>>, vector<1x16xf32>,
      %swap3A_210 = vector.shape_cast %swap3A_209 : vector<1x16xf32> to vector<16xf32>
      %swap3A_211 = vector.shape_cast %broadcast_in_dim3A_207 : vector<16xf32> to vector<1x16xf32>
      tpu.vector_store %arg9[%swap3A, %swap3A_208], %swap3A_211 {strides = array<i32>} : memref<391x16xf32, #tpu.memory_space<vmem>>, vector<1x16xf32>,
      %scan3A_212 = arith.constant 0 : i32
      scf.yield %scan3A_212 : i32
    }
    %scan3A_50 = arith.constant 391 : i32
    %scan3A_51 = arith.constant 0 : i32
    %scan3A_52 = arith.constant 0 : i32
    %scan3A_53 = arith.constant 640 : i32
    %scan3A_54 = arith.addi %scan3A_52, %scan3A_53 : i32
    %scan3A_55 = arith.constant 1 : i32
    %scan3A_56 = scf.for %scan3A_205 = %scan3A_52 to %scan3A_54 step %scan3A_55 iter_args(%scan3A_206 = %scan3A_51) -> (i32)  : i32 {
      %broadcast_in_dim3A = arith.constant 1.000000e+00 : f32
      %broadcast_in_dim3A_207 = vector.broadcast %broadcast_in_dim3A : f32 to vector<16xf32>
      %swap3A = arith.constant 0 : i32
      %swap3A_208 = arith.index_cast %swap3A : i32 to index
      %swap3A_209 = arith.index_cast %scan3A_205 : i32 to index
      %swap3A_210 = arith.constant 0 : index
      %swap3A_211 = tpu.vector_load %arg8[%swap3A_208, %swap3A_209, %swap3A_210] {strides = array<i32>} : memref<2x640x16xf32, #tpu.memory_space<vmem>>, vector<1x1x16xf32>,
      %swap3A_212 = vector.shape_cast %swap3A_211 : vector<1x1x16xf32> to vector<16xf32>
      %swap3A_213 = vector.shape_cast %broadcast_in_dim3A_207 : vector<16xf32> to vector<1x1x16xf32>
      tpu.vector_store %arg8[%swap3A_208, %swap3A_209, %swap3A_210], %swap3A_213 {strides = array<i32>} : memref<2x640x16xf32, #tpu.memory_space<vmem>>, vector<1x1x16xf32>,
      %broadcast_in_dim3A_214 = arith.constant 1.000000e+00 : f32
      %broadcast_in_dim3A_215 = vector.broadcast %broadcast_in_dim3A_214 : f32 to vector<16xf32>
      %swap3A_216 = arith.constant 1 : i32
      %swap3A_217 = arith.index_cast %swap3A_216 : i32 to index
      %swap3A_218 = arith.index_cast %scan3A_205 : i32 to index
      %swap3A_219 = arith.constant 0 : index
      %swap3A_220 = tpu.vector_load %arg8[%swap3A_217, %swap3A_218, %swap3A_219] {strides = array<i32>} : memref<2x640x16xf32, #tpu.memory_space<vmem>>, vector<1x1x16xf32>,
      %swap3A_221 = vector.shape_cast %swap3A_220 : vector<1x1x16xf32> to vector<16xf32>
      %swap3A_222 = vector.shape_cast %broadcast_in_dim3A_215 : vector<16xf32> to vector<1x1x16xf32>
      tpu.vector_store %arg8[%swap3A_217, %swap3A_218, %swap3A_219], %swap3A_222 {strides = array<i32>} : memref<2x640x16xf32, #tpu.memory_space<vmem>>, vector<1x1x16xf32>,
      %scan3A_223 = arith.constant 0 : i32
      scf.yield %scan3A_223 : i32
    }
    %scan3A_57 = arith.constant 640 : i32
    %scan3A_58 = arith.constant 0 : i32
    %scan3A_59 = arith.constant 0 : i32
    %scan3A_60 = arith.constant 16 : i32
    %scan3A_61 = arith.addi %scan3A_59, %scan3A_60 : i32
    %scan3A_62 = arith.constant 1 : i32
    %scan3A_63 = scf.for %scan3A_205 = %scan3A_59 to %scan3A_61 step %scan3A_62 iter_args(%scan3A_206 = %scan3A_58) -> (i32)  : i32 {
      %mul3A_207 = arith.constant 6256 : i32
      %mul3A_208 = arith.muli %arg1, %mul3A_207 : i32
      %mul3A_209 = arith.constant 391 : i32
      %mul3A_210 = arith.muli %scan3A_205, %mul3A_209 : i32
      %add3A_211 = arith.addi %mul3A_208, %mul3A_210 : i32
      "tpu.region"() ({
        %run_scoped3A = tpu.sem_alloc : memref<!tpu.dma_semaphore, #tpu.memory_space<semaphore_mem>>
        %dma_start3A_213 = arith.constant 0 : i32
        %dma_start3A_214 = tpu.memref_slice %arg10[%add3A_211, %dma_start3A_213] : memref<100096x16xf32, #tpu.memory_space<vmem_shared>> -> memref<391x16xf32, #tpu.memory_space<vmem_shared>>
        %dma_start3A_215 = arith.constant 0 : i32
        %dma_start3A_216 = tpu.memref_slice %arg10[%add3A_211, %dma_start3A_215] : memref<100096x16xf32, #tpu.memory_space<vmem_shared>> -> memref<391x16xf32, #tpu.memory_space<vmem_shared>>
        tpu.enqueue_dma source(%arg9 : memref<391x16xf32, #tpu.memory_space<vmem>>) target(%dma_start3A_216 : memref<391x16xf32, #tpu.memory_space<vmem_shared>>) target_semaphore(%run_scoped3A : memref<!tpu.dma_semaphore, #tpu.memory_space<semaphore_mem>>)
        %dma_wait3A_217 = arith.constant 0 : i32
        %dma_wait3A_218 = tpu.memref_slice %arg10[%add3A_211, %dma_wait3A_217] : memref<100096x16xf32, #tpu.memory_space<vmem_shared>> -> memref<391x16xf32, #tpu.memory_space<vmem_shared>>
        %dma_wait3A_219 = arith.constant 0 : i32
        %dma_wait3A_220 = tpu.memref_slice %arg10[%add3A_211, %dma_wait3A_219] : memref<100096x16xf32, #tpu.memory_space<vmem_shared>> -> memref<391x16xf32, #tpu.memory_space<vmem_shared>>
        tpu.wait_dma2 semaphore(%run_scoped3A : memref<!tpu.dma_semaphore, #tpu.memory_space<semaphore_mem>>) src(%arg9 : memref<391x16xf32, #tpu.memory_space<vmem>>) dst(%dma_wait3A_220 : memref<391x16xf32, #tpu.memory_space<vmem_shared>>)
        tpu.yield
      }) : () -> ()
      %scan3A_212 = arith.constant 0 : i32
      scf.yield %scan3A_212 : i32
    }
    %scan3A_64 = arith.constant 16 : i32
    %barrier3A = arith.constant 0 : index
    tpu.barrier barrier_id(%barrier3A)
    %dma_wait3A = arith.constant 0 : i32
    %dma_wait3A_65 = arith.constant 0 : i32
    %dma_wait3A_66 = arith.constant 0 : i32
    %dma_wait3A_67 = tpu.memref_slice %arg7[%dma_wait3A_65, %dma_wait3A_66] : memref<2x640xi32, #tpu.memory_space<vmem>> -> memref<1x640xi32, #tpu.memory_space<vmem>>
    %dma_wait3A_68 = tpu.memref_squeeze %dma_wait3A_67 : memref<1x640xi32, #tpu.memory_space<vmem>> -> memref<640xi32, #tpu.memory_space<vmem>>
    %dma_wait3A_69 = arith.constant 0 : i32
    %dma_wait3A_70 = tpu.memref_slice %arg4[%dma_wait3A, %dma_wait3A_69] : memref<5000x640xi32, #tpu.memory_space<hbm>> -> memref<1x640xi32, #tpu.memory_space<hbm>>
    %dma_wait3A_71 = tpu.memref_squeeze %dma_wait3A_70 : memref<1x640xi32, #tpu.memory_space<hbm>> -> memref<640xi32, #tpu.memory_space<hbm>>
    %dma_wait3A_72 = arith.constant 0 : i32
    %dma_wait3A_73 = tpu.memref_slice %arg7[%dma_wait3A_65, %dma_wait3A_72] : memref<2x640xi32, #tpu.memory_space<vmem>> -> memref<1x640xi32, #tpu.memory_space<vmem>>
    %dma_wait3A_74 = tpu.memref_squeeze %dma_wait3A_73 : memref<1x640xi32, #tpu.memory_space<vmem>> -> memref<640xi32, #tpu.memory_space<vmem>>
    %dma_wait3A_75 = arith.constant 0 : i32
    %dma_wait3A_76 = tpu.memref_slice %arg4[%dma_wait3A, %dma_wait3A_75] : memref<5000x640xi32, #tpu.memory_space<hbm>> -> memref<1x640xi32, #tpu.memory_space<hbm>>
    %dma_wait3A_77 = tpu.memref_squeeze %dma_wait3A_76 : memref<1x640xi32, #tpu.memory_space<hbm>> -> memref<640xi32, #tpu.memory_space<hbm>>
    tpu.wait_dma2 semaphore(%arg15 : memref<!tpu.dma_semaphore, #tpu.memory_space<semaphore_mem>>) src(%dma_wait3A_77 : memref<640xi32, #tpu.memory_space<hbm>>) dst(%dma_wait3A_74 : memref<640xi32, #tpu.memory_space<vmem>>)
    %dma_start3A_78 = arith.constant 0 : i32
    %dma_start3A_79 = arith.constant 0 : i32
    %dma_start3A_80 = arith.constant 0 : i32
    %dma_start3A_81 = arith.constant 0 : i32
    %dma_start3A_82 = tpu.memref_slice %arg8[%dma_start3A_78, %dma_start3A_80, %dma_start3A_81] : memref<2x640x16xf32, #tpu.memory_space<vmem>> -> memref<1x640x16xf32, #tpu.memory_space<vmem>>
    %dma_start3A_83 = tpu.memref_squeeze %dma_start3A_82 : memref<1x640x16xf32, #tpu.memory_space<vmem>> -> memref<640x16xf32, #tpu.memory_space<vmem>>
    %dma_start3A_84 = arith.constant 0 : i32
    %dma_start3A_85 = tpu.memref_slice %arg7[%dma_start3A_79, %dma_start3A_84] : memref<2x640xi32, #tpu.memory_space<vmem>> -> memref<1x640xi32, #tpu.memory_space<vmem>>
    %dma_start3A_86 = tpu.memref_squeeze %dma_start3A_85 : memref<1x640xi32, #tpu.memory_space<vmem>> -> memref<640xi32, #tpu.memory_space<vmem>>
    %dma_start3A_87 = arith.constant 0 : i32
    %dma_start3A_88 = arith.constant 0 : i32
    %dma_start3A_89 = tpu.memref_slice %arg10[%dma_start3A_87, %dma_start3A_88] : memref<100096x16xf32, #tpu.memory_space<vmem_shared>> -> memref<100096x16xf32, #tpu.memory_space<vmem_shared>>
    tpu.enqueue_indirect_dma source(%dma_start3A_83 : memref<640x16xf32, #tpu.memory_space<vmem>>) target(%dma_start3A_89 : memref<100096x16xf32, #tpu.memory_space<vmem_shared>>) offsets(%dma_start3A_86 : memref<640xi32, #tpu.memory_space<vmem>>) semaphore(%arg13 : memref<!tpu.dma_semaphore, #tpu.memory_space<semaphore_mem>>) {add = true}
    %dma_wait3A_90 = arith.constant 0 : i32
    %dma_wait3A_91 = arith.constant 1 : i32
    %dma_wait3A_92 = arith.constant 0 : i32
    %dma_wait3A_93 = tpu.memref_slice %arg7[%dma_wait3A_91, %dma_wait3A_92] : memref<2x640xi32, #tpu.memory_space<vmem>> -> memref<1x640xi32, #tpu.memory_space<vmem>>
    %dma_wait3A_94 = tpu.memref_squeeze %dma_wait3A_93 : memref<1x640xi32, #tpu.memory_space<vmem>> -> memref<640xi32, #tpu.memory_space<vmem>>
    %dma_wait3A_95 = arith.constant 0 : i32
    %dma_wait3A_96 = tpu.memref_slice %arg4[%dma_wait3A_90, %dma_wait3A_95] : memref<5000x640xi32, #tpu.memory_space<hbm>> -> memref<1x640xi32, #tpu.memory_space<hbm>>
    %dma_wait3A_97 = tpu.memref_squeeze %dma_wait3A_96 : memref<1x640xi32, #tpu.memory_space<hbm>> -> memref<640xi32, #tpu.memory_space<hbm>>
    %dma_wait3A_98 = arith.constant 0 : i32
    %dma_wait3A_99 = tpu.memref_slice %arg7[%dma_wait3A_91, %dma_wait3A_98] : memref<2x640xi32, #tpu.memory_space<vmem>> -> memref<1x640xi32, #tpu.memory_space<vmem>>
    %dma_wait3A_100 = tpu.memref_squeeze %dma_wait3A_99 : memref<1x640xi32, #tpu.memory_space<vmem>> -> memref<640xi32, #tpu.memory_space<vmem>>
    %dma_wait3A_101 = arith.constant 0 : i32
    %dma_wait3A_102 = tpu.memref_slice %arg4[%dma_wait3A_90, %dma_wait3A_101] : memref<5000x640xi32, #tpu.memory_space<hbm>> -> memref<1x640xi32, #tpu.memory_space<hbm>>
    %dma_wait3A_103 = tpu.memref_squeeze %dma_wait3A_102 : memref<1x640xi32, #tpu.memory_space<hbm>> -> memref<640xi32, #tpu.memory_space<hbm>>
    tpu.wait_dma2 semaphore(%arg16 : memref<!tpu.dma_semaphore, #tpu.memory_space<semaphore_mem>>) src(%dma_wait3A_103 : memref<640xi32, #tpu.memory_space<hbm>>) dst(%dma_wait3A_100 : memref<640xi32, #tpu.memory_space<vmem>>)
    %dma_wait3A_104 = arith.constant 0 : i32
    %dma_wait3A_105 = arith.constant 0 : i32
    %dma_wait3A_106 = arith.constant 0 : i32
    %dma_wait3A_107 = arith.constant 0 : i32
    %dma_wait3A_108 = tpu.memref_slice %arg8[%dma_wait3A_104, %dma_wait3A_106, %dma_wait3A_107] : memref<2x640x16xf32, #tpu.memory_space<vmem>> -> memref<1x640x16xf32, #tpu.memory_space<vmem>>
    %dma_wait3A_109 = tpu.memref_squeeze %dma_wait3A_108 : memref<1x640x16xf32, #tpu.memory_space<vmem>> -> memref<640x16xf32, #tpu.memory_space<vmem>>
    %dma_wait3A_110 = arith.constant 0 : i32
    %dma_wait3A_111 = tpu.memref_slice %arg7[%dma_wait3A_105, %dma_wait3A_110] : memref<2x640xi32, #tpu.memory_space<vmem>> -> memref<1x640xi32, #tpu.memory_space<vmem>>
    %dma_wait3A_112 = tpu.memref_squeeze %dma_wait3A_111 : memref<1x640xi32, #tpu.memory_space<vmem>> -> memref<640xi32, #tpu.memory_space<vmem>>
    %dma_wait3A_113 = arith.constant 0 : i32
    %dma_wait3A_114 = arith.constant 0 : i32
    %dma_wait3A_115 = tpu.memref_slice %arg10[%dma_wait3A_113, %dma_wait3A_114] : memref<100096x16xf32, #tpu.memory_space<vmem_shared>> -> memref<100096x16xf32, #tpu.memory_space<vmem_shared>>
    tpu.wait_indirect_dma semaphore(%arg13 : memref<!tpu.dma_semaphore, #tpu.memory_space<semaphore_mem>>) src(%dma_wait3A_109 : memref<640x16xf32, #tpu.memory_space<vmem>>) dst(%dma_wait3A_115 : memref<100096x16xf32, #tpu.memory_space<vmem_shared>>)
    %add3A_116 = arith.constant 2 : i32
    %add3A_117 = arith.addi %add3A_10, %add3A_116 : i32
    %min3A_118 = arith.minsi %add3A_117, %sub3A_13 : i32
    %dma_start3A_119 = arith.constant 0 : i32
    %dma_start3A_120 = arith.constant 0 : i32
    %dma_start3A_121 = tpu.memref_slice %arg7[%dma_start3A_119, %dma_start3A_120] : memref<2x640xi32, #tpu.memory_space<vmem>> -> memref<1x640xi32, #tpu.memory_space<vmem>>
    %dma_start3A_122 = tpu.memref_squeeze %dma_start3A_121 : memref<1x640xi32, #tpu.memory_space<vmem>> -> memref<640xi32, #tpu.memory_space<vmem>>
    %dma_start3A_123 = arith.constant 0 : i32
    %dma_start3A_124 = tpu.memref_slice %arg4[%min3A_118, %dma_start3A_123] : memref<5000x640xi32, #tpu.memory_space<hbm>> -> memref<1x640xi32, #tpu.memory_space<hbm>>
    %dma_start3A_125 = tpu.memref_squeeze %dma_start3A_124 : memref<1x640xi32, #tpu.memory_space<hbm>> -> memref<640xi32, #tpu.memory_space<hbm>>
    %dma_start3A_126 = arith.constant 0 : i32
    %dma_start3A_127 = tpu.memref_slice %arg7[%dma_start3A_119, %dma_start3A_126] : memref<2x640xi32, #tpu.memory_space<vmem>> -> memref<1x640xi32, #tpu.memory_space<vmem>>
    %dma_start3A_128 = tpu.memref_squeeze %dma_start3A_127 : memref<1x640xi32, #tpu.memory_space<vmem>> -> memref<640xi32, #tpu.memory_space<vmem>>
    %dma_start3A_129 = arith.constant 0 : i32
    %dma_start3A_130 = tpu.memref_slice %arg4[%min3A_118, %dma_start3A_129] : memref<5000x640xi32, #tpu.memory_space<hbm>> -> memref<1x640xi32, #tpu.memory_space<hbm>>
    %dma_start3A_131 = tpu.memref_squeeze %dma_start3A_130 : memref<1x640xi32, #tpu.memory_space<hbm>> -> memref<640xi32, #tpu.memory_space<hbm>>
    tpu.enqueue_dma source(%dma_start3A_131 : memref<640xi32, #tpu.memory_space<hbm>>) target(%dma_start3A_128 : memref<640xi32, #tpu.memory_space<vmem>>) target_semaphore(%arg15 : memref<!tpu.dma_semaphore, #tpu.memory_space<semaphore_mem>>)
    %dma_start3A_132 = arith.constant 1 : i32
    %dma_start3A_133 = arith.constant 1 : i32
    %dma_start3A_134 = arith.constant 0 : i32
    %dma_start3A_135 = arith.constant 0 : i32
    %dma_start3A_136 = tpu.memref_slice %arg8[%dma_start3A_132, %dma_start3A_134, %dma_start3A_135] : memref<2x640x16xf32, #tpu.memory_space<vmem>> -> memref<1x640x16xf32, #tpu.memory_space<vmem>>
    %dma_start3A_137 = tpu.memref_squeeze %dma_start3A_136 : memref<1x640x16xf32, #tpu.memory_space<vmem>> -> memref<640x16xf32, #tpu.memory_space<vmem>>
    %dma_start3A_138 = arith.constant 0 : i32
    %dma_start3A_139 = tpu.memref_slice %arg7[%dma_start3A_133, %dma_start3A_138] : memref<2x640xi32, #tpu.memory_space<vmem>> -> memref<1x640xi32, #tpu.memory_space<vmem>>
    %dma_start3A_140 = tpu.memref_squeeze %dma_start3A_139 : memref<1x640xi32, #tpu.memory_space<vmem>> -> memref<640xi32, #tpu.memory_space<vmem>>
    %dma_start3A_141 = arith.constant 0 : i32
    %dma_start3A_142 = arith.constant 0 : i32
    %dma_start3A_143 = tpu.memref_slice %arg10[%dma_start3A_141, %dma_start3A_142] : memref<100096x16xf32, #tpu.memory_space<vmem_shared>> -> memref<100096x16xf32, #tpu.memory_space<vmem_shared>>
    tpu.enqueue_indirect_dma source(%dma_start3A_137 : memref<640x16xf32, #tpu.memory_space<vmem>>) target(%dma_start3A_143 : memref<100096x16xf32, #tpu.memory_space<vmem_shared>>) offsets(%dma_start3A_140 : memref<640xi32, #tpu.memory_space<vmem>>) semaphore(%arg14 : memref<!tpu.dma_semaphore, #tpu.memory_space<semaphore_mem>>) {add = true}
    %sub3A_144 = arith.constant 2 : i32
    %sub3A_145 = arith.subi %sub3A_4, %sub3A_144 : i32
    %jit3A = arith.constant 2 : i32
    %div3A = arith.divsi %sub3A_145, %jit3A : i32
    %sign3A = arith.constant 0 : i32
    %sign3A_146 = arith.cmpi sgt, %sub3A_145, %sign3A : i32
    %sign3A_147 = arith.extui %sign3A_146 : i1 to i32
    %sign3A_148 = arith.constant 0 : i32
    %sign3A_149 = arith.cmpi slt, %sub3A_145, %sign3A_148 : i32
    %sign3A_150 = arith.extui %sign3A_149 : i1 to i32
    %sign3A_151 = arith.subi %sign3A_147, %sign3A_150 : i32
    %sign3A_152 = arith.constant 0 : i32
    %sign3A_153 = arith.cmpi sgt, %jit3A, %sign3A_152 : i32
    %sign3A_154 = arith.extui %sign3A_153 : i1 to i32
    %sign3A_155 = arith.constant 0 : i32
    %sign3A_156 = arith.cmpi slt, %jit3A, %sign3A_155 : i32
    %sign3A_157 = arith.extui %sign3A_156 : i1 to i32
    %sign3A_158 = arith.subi %sign3A_154, %sign3A_157 : i32
    %ne3A = arith.cmpi ne, %sign3A_151, %sign3A_158 : i32
    %rem3A = arith.remsi %sub3A_145, %jit3A : i32
    %ne3A_159 = arith.constant 0 : i32
    %ne3A_160 = arith.cmpi ne, %rem3A, %ne3A_159 : i32
    %and3A = arith.andi %ne3A, %ne3A_160 : i1
    %sub3A_161 = arith.constant 1 : i32
    %sub3A_162 = arith.subi %div3A, %sub3A_161 : i32
    %select_n3A = arith.select %and3A, %sub3A_162, %div3A : i32
    %while3A = arith.constant 0 : i32
    %while3A_163 = arith.constant 0 : i32
    %while3A_164 = arith.subi %select_n3A, %while3A : i32
    %while3A_165 = arith.addi %while3A, %while3A_164 : i32
    %while3A_166 = arith.constant 1 : i32
    %while3A_167 = arith.divsi %while3A_164, %while3A_166 : i32
    %while3A_168 = arith.muli %while3A_167, %while3A_166 : i32
    %while3A_169 = arith.addi %while3A, %while3A_168 : i32
    %while3A_170 = arith.constant 1 : i32
    %while3A_171 = scf.for %while3A_205 = %while3A to %while3A_169 step %while3A_170 iter_args(%while3A_206 = %while3A_163) -> (i32)  : i32 {
      %mul3A_207 = arith.constant 2 : i32
      %mul3A_208 = arith.muli %mul3A_207, %while3A_205 : i32
      %add3A_209 = arith.constant 2 : i32
      %add3A_210 = arith.addi %mul3A_208, %add3A_209 : i32
      %dma_wait3A_211 = arith.constant 0 : i32
      %dma_wait3A_212 = arith.constant 0 : i32
      %dma_wait3A_213 = arith.constant 0 : i32
      %dma_wait3A_214 = tpu.memref_slice %arg7[%dma_wait3A_212, %dma_wait3A_213] : memref<2x640xi32, #tpu.memory_space<vmem>> -> memref<1x640xi32, #tpu.memory_space<vmem>>
      %dma_wait3A_215 = tpu.memref_squeeze %dma_wait3A_214 : memref<1x640xi32, #tpu.memory_space<vmem>> -> memref<640xi32, #tpu.memory_space<vmem>>
      %dma_wait3A_216 = arith.constant 0 : i32
      %dma_wait3A_217 = tpu.memref_slice %arg4[%dma_wait3A_211, %dma_wait3A_216] : memref<5000x640xi32, #tpu.memory_space<hbm>> -> memref<1x640xi32, #tpu.memory_space<hbm>>
      %dma_wait3A_218 = tpu.memref_squeeze %dma_wait3A_217 : memref<1x640xi32, #tpu.memory_space<hbm>> -> memref<640xi32, #tpu.memory_space<hbm>>
      %dma_wait3A_219 = arith.constant 0 : i32
      %dma_wait3A_220 = tpu.memref_slice %arg7[%dma_wait3A_212, %dma_wait3A_219] : memref<2x640xi32, #tpu.memory_space<vmem>> -> memref<1x640xi32, #tpu.memory_space<vmem>>
      %dma_wait3A_221 = tpu.memref_squeeze %dma_wait3A_220 : memref<1x640xi32, #tpu.memory_space<vmem>> -> memref<640xi32, #tpu.memory_space<vmem>>
      %dma_wait3A_222 = arith.constant 0 : i32
      %dma_wait3A_223 = tpu.memref_slice %arg4[%dma_wait3A_211, %dma_wait3A_222] : memref<5000x640xi32, #tpu.memory_space<hbm>> -> memref<1x640xi32, #tpu.memory_space<hbm>>
      %dma_wait3A_224 = tpu.memref_squeeze %dma_wait3A_223 : memref<1x640xi32, #tpu.memory_space<hbm>> -> memref<640xi32, #tpu.memory_space<hbm>>
      tpu.wait_dma2 semaphore(%arg15 : memref<!tpu.dma_semaphore, #tpu.memory_space<semaphore_mem>>) src(%dma_wait3A_224 : memref<640xi32, #tpu.memory_space<hbm>>) dst(%dma_wait3A_221 : memref<640xi32, #tpu.memory_space<vmem>>)
      %dma_wait3A_225 = arith.constant 1 : i32
      %dma_wait3A_226 = arith.constant 1 : i32
      %dma_wait3A_227 = arith.constant 0 : i32
      %dma_wait3A_228 = arith.constant 0 : i32
      %dma_wait3A_229 = tpu.memref_slice %arg8[%dma_wait3A_225, %dma_wait3A_227, %dma_wait3A_228] : memref<2x640x16xf32, #tpu.memory_space<vmem>> -> memref<1x640x16xf32, #tpu.memory_space<vmem>>
      %dma_wait3A_230 = tpu.memref_squeeze %dma_wait3A_229 : memref<1x640x16xf32, #tpu.memory_space<vmem>> -> memref<640x16xf32, #tpu.memory_space<vmem>>
      %dma_wait3A_231 = arith.constant 0 : i32
      %dma_wait3A_232 = tpu.memref_slice %arg7[%dma_wait3A_226, %dma_wait3A_231] : memref<2x640xi32, #tpu.memory_space<vmem>> -> memref<1x640xi32, #tpu.memory_space<vmem>>
      %dma_wait3A_233 = tpu.memref_squeeze %dma_wait3A_232 : memref<1x640xi32, #tpu.memory_space<vmem>> -> memref<640xi32, #tpu.memory_space<vmem>>
      %dma_wait3A_234 = arith.constant 0 : i32
      %dma_wait3A_235 = arith.constant 0 : i32
      %dma_wait3A_236 = tpu.memref_slice %arg10[%dma_wait3A_234, %dma_wait3A_235] : memref<100096x16xf32, #tpu.memory_space<vmem_shared>> -> memref<100096x16xf32, #tpu.memory_space<vmem_shared>>
      tpu.wait_indirect_dma semaphore(%arg14 : memref<!tpu.dma_semaphore, #tpu.memory_space<semaphore_mem>>) src(%dma_wait3A_230 : memref<640x16xf32, #tpu.memory_space<vmem>>) dst(%dma_wait3A_236 : memref<100096x16xf32, #tpu.memory_space<vmem_shared>>)
      %add3A_237 = arith.constant 1 : i32
      %add3A_238 = arith.addi %add3A_210, %add3A_237 : i32
      %add3A_239 = arith.addi %add3A_10, %add3A_238 : i32
      %min3A_240 = arith.minsi %add3A_239, %sub3A_13 : i32
      %dma_start3A_241 = arith.constant 1 : i32
      %dma_start3A_242 = arith.constant 0 : i32
      %dma_start3A_243 = tpu.memref_slice %arg7[%dma_start3A_241, %dma_start3A_242] : memref<2x640xi32, #tpu.memory_space<vmem>> -> memref<1x640xi32, #tpu.memory_space<vmem>>
      %dma_start3A_244 = tpu.memref_squeeze %dma_start3A_243 : memref<1x640xi32, #tpu.memory_space<vmem>> -> memref<640xi32, #tpu.memory_space<vmem>>
      %dma_start3A_245 = arith.constant 0 : i32
      %dma_start3A_246 = tpu.memref_slice %arg4[%min3A_240, %dma_start3A_245] : memref<5000x640xi32, #tpu.memory_space<hbm>> -> memref<1x640xi32, #tpu.memory_space<hbm>>
      %dma_start3A_247 = tpu.memref_squeeze %dma_start3A_246 : memref<1x640xi32, #tpu.memory_space<hbm>> -> memref<640xi32, #tpu.memory_space<hbm>>
      %dma_start3A_248 = arith.constant 0 : i32
      %dma_start3A_249 = tpu.memref_slice %arg7[%dma_start3A_241, %dma_start3A_248] : memref<2x640xi32, #tpu.memory_space<vmem>> -> memref<1x640xi32, #tpu.memory_space<vmem>>
      %dma_start3A_250 = tpu.memref_squeeze %dma_start3A_249 : memref<1x640xi32, #tpu.memory_space<vmem>> -> memref<640xi32, #tpu.memory_space<vmem>>
      %dma_start3A_251 = arith.constant 0 : i32
      %dma_start3A_252 = tpu.memref_slice %arg4[%min3A_240, %dma_start3A_251] : memref<5000x640xi32, #tpu.memory_space<hbm>> -> memref<1x640xi32, #tpu.memory_space<hbm>>
      %dma_start3A_253 = tpu.memref_squeeze %dma_start3A_252 : memref<1x640xi32, #tpu.memory_space<hbm>> -> memref<640xi32, #tpu.memory_space<hbm>>
      tpu.enqueue_dma source(%dma_start3A_253 : memref<640xi32, #tpu.memory_space<hbm>>) target(%dma_start3A_250 : memref<640xi32, #tpu.memory_space<vmem>>) target_semaphore(%arg16 : memref<!tpu.dma_semaphore, #tpu.memory_space<semaphore_mem>>)
      %dma_start3A_254 = arith.constant 0 : i32
      %dma_start3A_255 = arith.constant 0 : i32
      %dma_start3A_256 = arith.constant 0 : i32
      %dma_start3A_257 = arith.constant 0 : i32
      %dma_start3A_258 = tpu.memref_slice %arg8[%dma_start3A_254, %dma_start3A_256, %dma_start3A_257] : memref<2x640x16xf32, #tpu.memory_space<vmem>> -> memref<1x640x16xf32, #tpu.memory_space<vmem>>
      %dma_start3A_259 = tpu.memref_squeeze %dma_start3A_258 : memref<1x640x16xf32, #tpu.memory_space<vmem>> -> memref<640x16xf32, #tpu.memory_space<vmem>>
      %dma_start3A_260 = arith.constant 0 : i32
      %dma_start3A_261 = tpu.memref_slice %arg7[%dma_start3A_255, %dma_start3A_260] : memref<2x640xi32, #tpu.memory_space<vmem>> -> memref<1x640xi32, #tpu.memory_space<vmem>>
      %dma_start3A_262 = tpu.memref_squeeze %dma_start3A_261 : memref<1x640xi32, #tpu.memory_space<vmem>> -> memref<640xi32, #tpu.memory_space<vmem>>
      %dma_start3A_263 = arith.constant 0 : i32
      %dma_start3A_264 = arith.constant 0 : i32
      %dma_start3A_265 = tpu.memref_slice %arg10[%dma_start3A_263, %dma_start3A_264] : memref<100096x16xf32, #tpu.memory_space<vmem_shared>> -> memref<100096x16xf32, #tpu.memory_space<vmem_shared>>
      tpu.enqueue_indirect_dma source(%dma_start3A_259 : memref<640x16xf32, #tpu.memory_space<vmem>>) target(%dma_start3A_265 : memref<100096x16xf32, #tpu.memory_space<vmem_shared>>) offsets(%dma_start3A_262 : memref<640xi32, #tpu.memory_space<vmem>>) semaphore(%arg13 : memref<!tpu.dma_semaphore, #tpu.memory_space<semaphore_mem>>) {add = true}
      %dma_wait3A_266 = arith.constant 0 : i32
      %dma_wait3A_267 = arith.constant 1 : i32
      %dma_wait3A_268 = arith.constant 0 : i32
      %dma_wait3A_269 = tpu.memref_slice %arg7[%dma_wait3A_267, %dma_wait3A_268] : memref<2x640xi32, #tpu.memory_space<vmem>> -> memref<1x640xi32, #tpu.memory_space<vmem>>
      %dma_wait3A_270 = tpu.memref_squeeze %dma_wait3A_269 : memref<1x640xi32, #tpu.memory_space<vmem>> -> memref<640xi32, #tpu.memory_space<vmem>>
      %dma_wait3A_271 = arith.constant 0 : i32
      %dma_wait3A_272 = tpu.memref_slice %arg4[%dma_wait3A_266, %dma_wait3A_271] : memref<5000x640xi32, #tpu.memory_space<hbm>> -> memref<1x640xi32, #tpu.memory_space<hbm>>
      %dma_wait3A_273 = tpu.memref_squeeze %dma_wait3A_272 : memref<1x640xi32, #tpu.memory_space<hbm>> -> memref<640xi32, #tpu.memory_space<hbm>>
      %dma_wait3A_274 = arith.constant 0 : i32
      %dma_wait3A_275 = tpu.memref_slice %arg7[%dma_wait3A_267, %dma_wait3A_274] : memref<2x640xi32, #tpu.memory_space<vmem>> -> memref<1x640xi32, #tpu.memory_space<vmem>>
      %dma_wait3A_276 = tpu.memref_squeeze %dma_wait3A_275 : memref<1x640xi32, #tpu.memory_space<vmem>> -> memref<640xi32, #tpu.memory_space<vmem>>
      %dma_wait3A_277 = arith.constant 0 : i32
      %dma_wait3A_278 = tpu.memref_slice %arg4[%dma_wait3A_266, %dma_wait3A_277] : memref<5000x640xi32, #tpu.memory_space<hbm>> -> memref<1x640xi32, #tpu.memory_space<hbm>>
      %dma_wait3A_279 = tpu.memref_squeeze %dma_wait3A_278 : memref<1x640xi32, #tpu.memory_space<hbm>> -> memref<640xi32, #tpu.memory_space<hbm>>
      tpu.wait_dma2 semaphore(%arg16 : memref<!tpu.dma_semaphore, #tpu.memory_space<semaphore_mem>>) src(%dma_wait3A_279 : memref<640xi32, #tpu.memory_space<hbm>>) dst(%dma_wait3A_276 : memref<640xi32, #tpu.memory_space<vmem>>)
      %dma_wait3A_280 = arith.constant 0 : i32
      %dma_wait3A_281 = arith.constant 0 : i32
      %dma_wait3A_282 = arith.constant 0 : i32
      %dma_wait3A_283 = arith.constant 0 : i32
      %dma_wait3A_284 = tpu.memref_slice %arg8[%dma_wait3A_280, %dma_wait3A_282, %dma_wait3A_283] : memref<2x640x16xf32, #tpu.memory_space<vmem>> -> memref<1x640x16xf32, #tpu.memory_space<vmem>>
      %dma_wait3A_285 = tpu.memref_squeeze %dma_wait3A_284 : memref<1x640x16xf32, #tpu.memory_space<vmem>> -> memref<640x16xf32, #tpu.memory_space<vmem>>
      %dma_wait3A_286 = arith.constant 0 : i32
      %dma_wait3A_287 = tpu.memref_slice %arg7[%dma_wait3A_281, %dma_wait3A_286] : memref<2x640xi32, #tpu.memory_space<vmem>> -> memref<1x640xi32, #tpu.memory_space<vmem>>
      %dma_wait3A_288 = tpu.memref_squeeze %dma_wait3A_287 : memref<1x640xi32, #tpu.memory_space<vmem>> -> memref<640xi32, #tpu.memory_space<vmem>>
      %dma_wait3A_289 = arith.constant 0 : i32
      %dma_wait3A_290 = arith.constant 0 : i32
      %dma_wait3A_291 = tpu.memref_slice %arg10[%dma_wait3A_289, %dma_wait3A_290] : memref<100096x16xf32, #tpu.memory_space<vmem_shared>> -> memref<100096x16xf32, #tpu.memory_space<vmem_shared>>
      tpu.wait_indirect_dma semaphore(%arg13 : memref<!tpu.dma_semaphore, #tpu.memory_space<semaphore_mem>>) src(%dma_wait3A_285 : memref<640x16xf32, #tpu.memory_space<vmem>>) dst(%dma_wait3A_291 : memref<100096x16xf32, #tpu.memory_space<vmem_shared>>)
      %add3A_292 = arith.constant 2 : i32
      %add3A_293 = arith.addi %add3A_210, %add3A_292 : i32
      %add3A_294 = arith.addi %add3A_10, %add3A_293 : i32
      %min3A_295 = arith.minsi %add3A_294, %sub3A_13 : i32
      %dma_start3A_296 = arith.constant 0 : i32
      %dma_start3A_297 = arith.constant 0 : i32
      %dma_start3A_298 = tpu.memref_slice %arg7[%dma_start3A_296, %dma_start3A_297] : memref<2x640xi32, #tpu.memory_space<vmem>> -> memref<1x640xi32, #tpu.memory_space<vmem>>
      %dma_start3A_299 = tpu.memref_squeeze %dma_start3A_298 : memref<1x640xi32, #tpu.memory_space<vmem>> -> memref<640xi32, #tpu.memory_space<vmem>>
      %dma_start3A_300 = arith.constant 0 : i32
      %dma_start3A_301 = tpu.memref_slice %arg4[%min3A_295, %dma_start3A_300] : memref<5000x640xi32, #tpu.memory_space<hbm>> -> memref<1x640xi32, #tpu.memory_space<hbm>>
      %dma_start3A_302 = tpu.memref_squeeze %dma_start3A_301 : memref<1x640xi32, #tpu.memory_space<hbm>> -> memref<640xi32, #tpu.memory_space<hbm>>
      %dma_start3A_303 = arith.constant 0 : i32
      %dma_start3A_304 = tpu.memref_slice %arg7[%dma_start3A_296, %dma_start3A_303] : memref<2x640xi32, #tpu.memory_space<vmem>> -> memref<1x640xi32, #tpu.memory_space<vmem>>
      %dma_start3A_305 = tpu.memref_squeeze %dma_start3A_304 : memref<1x640xi32, #tpu.memory_space<vmem>> -> memref<640xi32, #tpu.memory_space<vmem>>
      %dma_start3A_306 = arith.constant 0 : i32
      %dma_start3A_307 = tpu.memref_slice %arg4[%min3A_295, %dma_start3A_306] : memref<5000x640xi32, #tpu.memory_space<hbm>> -> memref<1x640xi32, #tpu.memory_space<hbm>>
      %dma_start3A_308 = tpu.memref_squeeze %dma_start3A_307 : memref<1x640xi32, #tpu.memory_space<hbm>> -> memref<640xi32, #tpu.memory_space<hbm>>
      tpu.enqueue_dma source(%dma_start3A_308 : memref<640xi32, #tpu.memory_space<hbm>>) target(%dma_start3A_305 : memref<640xi32, #tpu.memory_space<vmem>>) target_semaphore(%arg15 : memref<!tpu.dma_semaphore, #tpu.memory_space<semaphore_mem>>)
      %dma_start3A_309 = arith.constant 1 : i32
      %dma_start3A_310 = arith.constant 1 : i32
      %dma_start3A_311 = arith.constant 0 : i32
      %dma_start3A_312 = arith.constant 0 : i32
      %dma_start3A_313 = tpu.memref_slice %arg8[%dma_start3A_309, %dma_start3A_311, %dma_start3A_312] : memref<2x640x16xf32, #tpu.memory_space<vmem>> -> memref<1x640x16xf32, #tpu.memory_space<vmem>>
      %dma_start3A_314 = tpu.memref_squeeze %dma_start3A_313 : memref<1x640x16xf32, #tpu.memory_space<vmem>> -> memref<640x16xf32, #tpu.memory_space<vmem>>
      %dma_start3A_315 = arith.constant 0 : i32
      %dma_start3A_316 = tpu.memref_slice %arg7[%dma_start3A_310, %dma_start3A_315] : memref<2x640xi32, #tpu.memory_space<vmem>> -> memref<1x640xi32, #tpu.memory_space<vmem>>
      %dma_start3A_317 = tpu.memref_squeeze %dma_start3A_316 : memref<1x640xi32, #tpu.memory_space<vmem>> -> memref<640xi32, #tpu.memory_space<vmem>>
      %dma_start3A_318 = arith.constant 0 : i32
      %dma_start3A_319 = arith.constant 0 : i32
      %dma_start3A_320 = tpu.memref_slice %arg10[%dma_start3A_318, %dma_start3A_319] : memref<100096x16xf32, #tpu.memory_space<vmem_shared>> -> memref<100096x16xf32, #tpu.memory_space<vmem_shared>>
      tpu.enqueue_indirect_dma source(%dma_start3A_314 : memref<640x16xf32, #tpu.memory_space<vmem>>) target(%dma_start3A_320 : memref<100096x16xf32, #tpu.memory_space<vmem_shared>>) offsets(%dma_start3A_317 : memref<640xi32, #tpu.memory_space<vmem>>) semaphore(%arg14 : memref<!tpu.dma_semaphore, #tpu.memory_space<semaphore_mem>>) {add = true}
      %while3A_321 = arith.constant 0 : i32
      scf.yield %while3A_321 : i32
    }
    %while3A_172 = arith.constant 1 : i32
    %while3A_173 = scf.for %while3A_205 = %while3A_169 to %while3A_165 step %while3A_172 iter_args(%while3A_206 = %while3A_171) -> (i32)  : i32 {
      %mul3A_207 = arith.constant 2 : i32
      %mul3A_208 = arith.muli %mul3A_207, %while3A_205 : i32
      %add3A_209 = arith.constant 2 : i32
      %add3A_210 = arith.addi %mul3A_208, %add3A_209 : i32
      %dma_wait3A_211 = arith.constant 0 : i32
      %dma_wait3A_212 = arith.constant 0 : i32
      %dma_wait3A_213 = arith.constant 0 : i32
      %dma_wait3A_214 = tpu.memref_slice %arg7[%dma_wait3A_212, %dma_wait3A_213] : memref<2x640xi32, #tpu.memory_space<vmem>> -> memref<1x640xi32, #tpu.memory_space<vmem>>
      %dma_wait3A_215 = tpu.memref_squeeze %dma_wait3A_214 : memref<1x640xi32, #tpu.memory_space<vmem>> -> memref<640xi32, #tpu.memory_space<vmem>>
      %dma_wait3A_216 = arith.constant 0 : i32
      %dma_wait3A_217 = tpu.memref_slice %arg4[%dma_wait3A_211, %dma_wait3A_216] : memref<5000x640xi32, #tpu.memory_space<hbm>> -> memref<1x640xi32, #tpu.memory_space<hbm>>
      %dma_wait3A_218 = tpu.memref_squeeze %dma_wait3A_217 : memref<1x640xi32, #tpu.memory_space<hbm>> -> memref<640xi32, #tpu.memory_space<hbm>>
      %dma_wait3A_219 = arith.constant 0 : i32
      %dma_wait3A_220 = tpu.memref_slice %arg7[%dma_wait3A_212, %dma_wait3A_219] : memref<2x640xi32, #tpu.memory_space<vmem>> -> memref<1x640xi32, #tpu.memory_space<vmem>>
      %dma_wait3A_221 = tpu.memref_squeeze %dma_wait3A_220 : memref<1x640xi32, #tpu.memory_space<vmem>> -> memref<640xi32, #tpu.memory_space<vmem>>
      %dma_wait3A_222 = arith.constant 0 : i32
      %dma_wait3A_223 = tpu.memref_slice %arg4[%dma_wait3A_211, %dma_wait3A_222] : memref<5000x640xi32, #tpu.memory_space<hbm>> -> memref<1x640xi32, #tpu.memory_space<hbm>>
      %dma_wait3A_224 = tpu.memref_squeeze %dma_wait3A_223 : memref<1x640xi32, #tpu.memory_space<hbm>> -> memref<640xi32, #tpu.memory_space<hbm>>
      tpu.wait_dma2 semaphore(%arg15 : memref<!tpu.dma_semaphore, #tpu.memory_space<semaphore_mem>>) src(%dma_wait3A_224 : memref<640xi32, #tpu.memory_space<hbm>>) dst(%dma_wait3A_221 : memref<640xi32, #tpu.memory_space<vmem>>)
      %dma_wait3A_225 = arith.constant 1 : i32
      %dma_wait3A_226 = arith.constant 1 : i32
      %dma_wait3A_227 = arith.constant 0 : i32
      %dma_wait3A_228 = arith.constant 0 : i32
      %dma_wait3A_229 = tpu.memref_slice %arg8[%dma_wait3A_225, %dma_wait3A_227, %dma_wait3A_228] : memref<2x640x16xf32, #tpu.memory_space<vmem>> -> memref<1x640x16xf32, #tpu.memory_space<vmem>>
      %dma_wait3A_230 = tpu.memref_squeeze %dma_wait3A_229 : memref<1x640x16xf32, #tpu.memory_space<vmem>> -> memref<640x16xf32, #tpu.memory_space<vmem>>
      %dma_wait3A_231 = arith.constant 0 : i32
      %dma_wait3A_232 = tpu.memref_slice %arg7[%dma_wait3A_226, %dma_wait3A_231] : memref<2x640xi32, #tpu.memory_space<vmem>> -> memref<1x640xi32, #tpu.memory_space<vmem>>
      %dma_wait3A_233 = tpu.memref_squeeze %dma_wait3A_232 : memref<1x640xi32, #tpu.memory_space<vmem>> -> memref<640xi32, #tpu.memory_space<vmem>>
      %dma_wait3A_234 = arith.constant 0 : i32
      %dma_wait3A_235 = arith.constant 0 : i32
      %dma_wait3A_236 = tpu.memref_slice %arg10[%dma_wait3A_234, %dma_wait3A_235] : memref<100096x16xf32, #tpu.memory_space<vmem_shared>> -> memref<100096x16xf32, #tpu.memory_space<vmem_shared>>
      tpu.wait_indirect_dma semaphore(%arg14 : memref<!tpu.dma_semaphore, #tpu.memory_space<semaphore_mem>>) src(%dma_wait3A_230 : memref<640x16xf32, #tpu.memory_space<vmem>>) dst(%dma_wait3A_236 : memref<100096x16xf32, #tpu.memory_space<vmem_shared>>)
      %add3A_237 = arith.constant 1 : i32
      %add3A_238 = arith.addi %add3A_210, %add3A_237 : i32
      %add3A_239 = arith.addi %add3A_10, %add3A_238 : i32
      %min3A_240 = arith.minsi %add3A_239, %sub3A_13 : i32
      %dma_start3A_241 = arith.constant 1 : i32
      %dma_start3A_242 = arith.constant 0 : i32
      %dma_start3A_243 = tpu.memref_slice %arg7[%dma_start3A_241, %dma_start3A_242] : memref<2x640xi32, #tpu.memory_space<vmem>> -> memref<1x640xi32, #tpu.memory_space<vmem>>
      %dma_start3A_244 = tpu.memref_squeeze %dma_start3A_243 : memref<1x640xi32, #tpu.memory_space<vmem>> -> memref<640xi32, #tpu.memory_space<vmem>>
      %dma_start3A_245 = arith.constant 0 : i32
      %dma_start3A_246 = tpu.memref_slice %arg4[%min3A_240, %dma_start3A_245] : memref<5000x640xi32, #tpu.memory_space<hbm>> -> memref<1x640xi32, #tpu.memory_space<hbm>>
      %dma_start3A_247 = tpu.memref_squeeze %dma_start3A_246 : memref<1x640xi32, #tpu.memory_space<hbm>> -> memref<640xi32, #tpu.memory_space<hbm>>
      %dma_start3A_248 = arith.constant 0 : i32
      %dma_start3A_249 = tpu.memref_slice %arg7[%dma_start3A_241, %dma_start3A_248] : memref<2x640xi32, #tpu.memory_space<vmem>> -> memref<1x640xi32, #tpu.memory_space<vmem>>
      %dma_start3A_250 = tpu.memref_squeeze %dma_start3A_249 : memref<1x640xi32, #tpu.memory_space<vmem>> -> memref<640xi32, #tpu.memory_space<vmem>>
      %dma_start3A_251 = arith.constant 0 : i32
      %dma_start3A_252 = tpu.memref_slice %arg4[%min3A_240, %dma_start3A_251] : memref<5000x640xi32, #tpu.memory_space<hbm>> -> memref<1x640xi32, #tpu.memory_space<hbm>>
      %dma_start3A_253 = tpu.memref_squeeze %dma_start3A_252 : memref<1x640xi32, #tpu.memory_space<hbm>> -> memref<640xi32, #tpu.memory_space<hbm>>
      tpu.enqueue_dma source(%dma_start3A_253 : memref<640xi32, #tpu.memory_space<hbm>>) target(%dma_start3A_250 : memref<640xi32, #tpu.memory_space<vmem>>) target_semaphore(%arg16 : memref<!tpu.dma_semaphore, #tpu.memory_space<semaphore_mem>>)
      %dma_start3A_254 = arith.constant 0 : i32
      %dma_start3A_255 = arith.constant 0 : i32
      %dma_start3A_256 = arith.constant 0 : i32
      %dma_start3A_257 = arith.constant 0 : i32
      %dma_start3A_258 = tpu.memref_slice %arg8[%dma_start3A_254, %dma_start3A_256, %dma_start3A_257] : memref<2x640x16xf32, #tpu.memory_space<vmem>> -> memref<1x640x16xf32, #tpu.memory_space<vmem>>
      %dma_start3A_259 = tpu.memref_squeeze %dma_start3A_258 : memref<1x640x16xf32, #tpu.memory_space<vmem>> -> memref<640x16xf32, #tpu.memory_space<vmem>>
      %dma_start3A_260 = arith.constant 0 : i32
      %dma_start3A_261 = tpu.memref_slice %arg7[%dma_start3A_255, %dma_start3A_260] : memref<2x640xi32, #tpu.memory_space<vmem>> -> memref<1x640xi32, #tpu.memory_space<vmem>>
      %dma_start3A_262 = tpu.memref_squeeze %dma_start3A_261 : memref<1x640xi32, #tpu.memory_space<vmem>> -> memref<640xi32, #tpu.memory_space<vmem>>
      %dma_start3A_263 = arith.constant 0 : i32
      %dma_start3A_264 = arith.constant 0 : i32
      %dma_start3A_265 = tpu.memref_slice %arg10[%dma_start3A_263, %dma_start3A_264] : memref<100096x16xf32, #tpu.memory_space<vmem_shared>> -> memref<100096x16xf32, #tpu.memory_space<vmem_shared>>
      tpu.enqueue_indirect_dma source(%dma_start3A_259 : memref<640x16xf32, #tpu.memory_space<vmem>>) target(%dma_start3A_265 : memref<100096x16xf32, #tpu.memory_space<vmem_shared>>) offsets(%dma_start3A_262 : memref<640xi32, #tpu.memory_space<vmem>>) semaphore(%arg13 : memref<!tpu.dma_semaphore, #tpu.memory_space<semaphore_mem>>) {add = true}
      %dma_wait3A_266 = arith.constant 0 : i32
      %dma_wait3A_267 = arith.constant 1 : i32
      %dma_wait3A_268 = arith.constant 0 : i32
      %dma_wait3A_269 = tpu.memref_slice %arg7[%dma_wait3A_267, %dma_wait3A_268] : memref<2x640xi32, #tpu.memory_space<vmem>> -> memref<1x640xi32, #tpu.memory_space<vmem>>
      %dma_wait3A_270 = tpu.memref_squeeze %dma_wait3A_269 : memref<1x640xi32, #tpu.memory_space<vmem>> -> memref<640xi32, #tpu.memory_space<vmem>>
      %dma_wait3A_271 = arith.constant 0 : i32
      %dma_wait3A_272 = tpu.memref_slice %arg4[%dma_wait3A_266, %dma_wait3A_271] : memref<5000x640xi32, #tpu.memory_space<hbm>> -> memref<1x640xi32, #tpu.memory_space<hbm>>
      %dma_wait3A_273 = tpu.memref_squeeze %dma_wait3A_272 : memref<1x640xi32, #tpu.memory_space<hbm>> -> memref<640xi32, #tpu.memory_space<hbm>>
      %dma_wait3A_274 = arith.constant 0 : i32
      %dma_wait3A_275 = tpu.memref_slice %arg7[%dma_wait3A_267, %dma_wait3A_274] : memref<2x640xi32, #tpu.memory_space<vmem>> -> memref<1x640xi32, #tpu.memory_space<vmem>>
      %dma_wait3A_276 = tpu.memref_squeeze %dma_wait3A_275 : memref<1x640xi32, #tpu.memory_space<vmem>> -> memref<640xi32, #tpu.memory_space<vmem>>
      %dma_wait3A_277 = arith.constant 0 : i32
      %dma_wait3A_278 = tpu.memref_slice %arg4[%dma_wait3A_266, %dma_wait3A_277] : memref<5000x640xi32, #tpu.memory_space<hbm>> -> memref<1x640xi32, #tpu.memory_space<hbm>>
      %dma_wait3A_279 = tpu.memref_squeeze %dma_wait3A_278 : memref<1x640xi32, #tpu.memory_space<hbm>> -> memref<640xi32, #tpu.memory_space<hbm>>
      tpu.wait_dma2 semaphore(%arg16 : memref<!tpu.dma_semaphore, #tpu.memory_space<semaphore_mem>>) src(%dma_wait3A_279 : memref<640xi32, #tpu.memory_space<hbm>>) dst(%dma_wait3A_276 : memref<640xi32, #tpu.memory_space<vmem>>)
      %dma_wait3A_280 = arith.constant 0 : i32
      %dma_wait3A_281 = arith.constant 0 : i32
      %dma_wait3A_282 = arith.constant 0 : i32
      %dma_wait3A_283 = arith.constant 0 : i32
      %dma_wait3A_284 = tpu.memref_slice %arg8[%dma_wait3A_280, %dma_wait3A_282, %dma_wait3A_283] : memref<2x640x16xf32, #tpu.memory_space<vmem>> -> memref<1x640x16xf32, #tpu.memory_space<vmem>>
      %dma_wait3A_285 = tpu.memref_squeeze %dma_wait3A_284 : memref<1x640x16xf32, #tpu.memory_space<vmem>> -> memref<640x16xf32, #tpu.memory_space<vmem>>
      %dma_wait3A_286 = arith.constant 0 : i32
      %dma_wait3A_287 = tpu.memref_slice %arg7[%dma_wait3A_281, %dma_wait3A_286] : memref<2x640xi32, #tpu.memory_space<vmem>> -> memref<1x640xi32, #tpu.memory_space<vmem>>
      %dma_wait3A_288 = tpu.memref_squeeze %dma_wait3A_287 : memref<1x640xi32, #tpu.memory_space<vmem>> -> memref<640xi32, #tpu.memory_space<vmem>>
      %dma_wait3A_289 = arith.constant 0 : i32
      %dma_wait3A_290 = arith.constant 0 : i32
      %dma_wait3A_291 = tpu.memref_slice %arg10[%dma_wait3A_289, %dma_wait3A_290] : memref<100096x16xf32, #tpu.memory_space<vmem_shared>> -> memref<100096x16xf32, #tpu.memory_space<vmem_shared>>
      tpu.wait_indirect_dma semaphore(%arg13 : memref<!tpu.dma_semaphore, #tpu.memory_space<semaphore_mem>>) src(%dma_wait3A_285 : memref<640x16xf32, #tpu.memory_space<vmem>>) dst(%dma_wait3A_291 : memref<100096x16xf32, #tpu.memory_space<vmem_shared>>)
      %add3A_292 = arith.constant 2 : i32
      %add3A_293 = arith.addi %add3A_210, %add3A_292 : i32
      %add3A_294 = arith.addi %add3A_10, %add3A_293 : i32
      %min3A_295 = arith.minsi %add3A_294, %sub3A_13 : i32
      %dma_start3A_296 = arith.constant 0 : i32
      %dma_start3A_297 = arith.constant 0 : i32
      %dma_start3A_298 = tpu.memref_slice %arg7[%dma_start3A_296, %dma_start3A_297] : memref<2x640xi32, #tpu.memory_space<vmem>> -> memref<1x640xi32, #tpu.memory_space<vmem>>
      %dma_start3A_299 = tpu.memref_squeeze %dma_start3A_298 : memref<1x640xi32, #tpu.memory_space<vmem>> -> memref<640xi32, #tpu.memory_space<vmem>>
      %dma_start3A_300 = arith.constant 0 : i32
      %dma_start3A_301 = tpu.memref_slice %arg4[%min3A_295, %dma_start3A_300] : memref<5000x640xi32, #tpu.memory_space<hbm>> -> memref<1x640xi32, #tpu.memory_space<hbm>>
      %dma_start3A_302 = tpu.memref_squeeze %dma_start3A_301 : memref<1x640xi32, #tpu.memory_space<hbm>> -> memref<640xi32, #tpu.memory_space<hbm>>
      %dma_start3A_303 = arith.constant 0 : i32
      %dma_start3A_304 = tpu.memref_slice %arg7[%dma_start3A_296, %dma_start3A_303] : memref<2x640xi32, #tpu.memory_space<vmem>> -> memref<1x640xi32, #tpu.memory_space<vmem>>
      %dma_start3A_305 = tpu.memref_squeeze %dma_start3A_304 : memref<1x640xi32, #tpu.memory_space<vmem>> -> memref<640xi32, #tpu.memory_space<vmem>>
      %dma_start3A_306 = arith.constant 0 : i32
      %dma_start3A_307 = tpu.memref_slice %arg4[%min3A_295, %dma_start3A_306] : memref<5000x640xi32, #tpu.memory_space<hbm>> -> memref<1x640xi32, #tpu.memory_space<hbm>>
      %dma_start3A_308 = tpu.memref_squeeze %dma_start3A_307 : memref<1x640xi32, #tpu.memory_space<hbm>> -> memref<640xi32, #tpu.memory_space<hbm>>
      tpu.enqueue_dma source(%dma_start3A_308 : memref<640xi32, #tpu.memory_space<hbm>>) target(%dma_start3A_305 : memref<640xi32, #tpu.memory_space<vmem>>) target_semaphore(%arg15 : memref<!tpu.dma_semaphore, #tpu.memory_space<semaphore_mem>>)
      %dma_start3A_309 = arith.constant 1 : i32
      %dma_start3A_310 = arith.constant 1 : i32
      %dma_start3A_311 = arith.constant 0 : i32
      %dma_start3A_312 = arith.constant 0 : i32
      %dma_start3A_313 = tpu.memref_slice %arg8[%dma_start3A_309, %dma_start3A_311, %dma_start3A_312] : memref<2x640x16xf32, #tpu.memory_space<vmem>> -> memref<1x640x16xf32, #tpu.memory_space<vmem>>
      %dma_start3A_314 = tpu.memref_squeeze %dma_start3A_313 : memref<1x640x16xf32, #tpu.memory_space<vmem>> -> memref<640x16xf32, #tpu.memory_space<vmem>>
      %dma_start3A_315 = arith.constant 0 : i32
      %dma_start3A_316 = tpu.memref_slice %arg7[%dma_start3A_310, %dma_start3A_315] : memref<2x640xi32, #tpu.memory_space<vmem>> -> memref<1x640xi32, #tpu.memory_space<vmem>>
      %dma_start3A_317 = tpu.memref_squeeze %dma_start3A_316 : memref<1x640xi32, #tpu.memory_space<vmem>> -> memref<640xi32, #tpu.memory_space<vmem>>
      %dma_start3A_318 = arith.constant 0 : i32
      %dma_start3A_319 = arith.constant 0 : i32
      %dma_start3A_320 = tpu.memref_slice %arg10[%dma_start3A_318, %dma_start3A_319] : memref<100096x16xf32, #tpu.memory_space<vmem_shared>> -> memref<100096x16xf32, #tpu.memory_space<vmem_shared>>
      tpu.enqueue_indirect_dma source(%dma_start3A_314 : memref<640x16xf32, #tpu.memory_space<vmem>>) target(%dma_start3A_320 : memref<100096x16xf32, #tpu.memory_space<vmem_shared>>) offsets(%dma_start3A_317 : memref<640xi32, #tpu.memory_space<vmem>>) semaphore(%arg14 : memref<!tpu.dma_semaphore, #tpu.memory_space<semaphore_mem>>) {add = true}
      %while3A_321 = arith.constant 0 : i32
      scf.yield %while3A_321 : i32
    }
    %dma_wait3A_174 = arith.constant 1 : i32
    %dma_wait3A_175 = arith.constant 1 : i32
    %dma_wait3A_176 = arith.constant 0 : i32
    %dma_wait3A_177 = arith.constant 0 : i32
    %dma_wait3A_178 = tpu.memref_slice %arg8[%dma_wait3A_174, %dma_wait3A_176, %dma_wait3A_177] : memref<2x640x16xf32, #tpu.memory_space<vmem>> -> memref<1x640x16xf32, #tpu.memory_space<vmem>>
    %dma_wait3A_179 = tpu.memref_squeeze %dma_wait3A_178 : memref<1x640x16xf32, #tpu.memory_space<vmem>> -> memref<640x16xf32, #tpu.memory_space<vmem>>
    %dma_wait3A_180 = arith.constant 0 : i32
    %dma_wait3A_181 = tpu.memref_slice %arg7[%dma_wait3A_175, %dma_wait3A_180] : memref<2x640xi32, #tpu.memory_space<vmem>> -> memref<1x640xi32, #tpu.memory_space<vmem>>
    %dma_wait3A_182 = tpu.memref_squeeze %dma_wait3A_181 : memref<1x640xi32, #tpu.memory_space<vmem>> -> memref<640xi32, #tpu.memory_space<vmem>>
    %dma_wait3A_183 = arith.constant 0 : i32
    %dma_wait3A_184 = arith.constant 0 : i32
    %dma_wait3A_185 = tpu.memref_slice %arg10[%dma_wait3A_183, %dma_wait3A_184] : memref<100096x16xf32, #tpu.memory_space<vmem_shared>> -> memref<100096x16xf32, #tpu.memory_space<vmem_shared>>
    tpu.wait_indirect_dma semaphore(%arg14 : memref<!tpu.dma_semaphore, #tpu.memory_space<semaphore_mem>>) src(%dma_wait3A_179 : memref<640x16xf32, #tpu.memory_space<vmem>>) dst(%dma_wait3A_185 : memref<100096x16xf32, #tpu.memory_space<vmem_shared>>)
    %dma_wait3A_186 = arith.constant 0 : i32
    %dma_wait3A_187 = arith.constant 0 : i32
    %dma_wait3A_188 = arith.constant 0 : i32
    %dma_wait3A_189 = tpu.memref_slice %arg7[%dma_wait3A_187, %dma_wait3A_188] : memref<2x640xi32, #tpu.memory_space<vmem>> -> memref<1x640xi32, #tpu.memory_space<vmem>>
    %dma_wait3A_190 = tpu.memref_squeeze %dma_wait3A_189 : memref<1x640xi32, #tpu.memory_space<vmem>> -> memref<640xi32, #tpu.memory_space<vmem>>
    %dma_wait3A_191 = arith.constant 0 : i32
    %dma_wait3A_192 = tpu.memref_slice %arg4[%dma_wait3A_186, %dma_wait3A_191] : memref<5000x640xi32, #tpu.memory_space<hbm>> -> memref<1x640xi32, #tpu.memory_space<hbm>>
    %dma_wait3A_193 = tpu.memref_squeeze %dma_wait3A_192 : memref<1x640xi32, #tpu.memory_space<hbm>> -> memref<640xi32, #tpu.memory_space<hbm>>
    %dma_wait3A_194 = arith.constant 0 : i32
    %dma_wait3A_195 = tpu.memref_slice %arg7[%dma_wait3A_187, %dma_wait3A_194] : memref<2x640xi32, #tpu.memory_space<vmem>> -> memref<1x640xi32, #tpu.memory_space<vmem>>
    %dma_wait3A_196 = tpu.memref_squeeze %dma_wait3A_195 : memref<1x640xi32, #tpu.memory_space<vmem>> -> memref<640xi32, #tpu.memory_space<vmem>>
    %dma_wait3A_197 = arith.constant 0 : i32
    %dma_wait3A_198 = tpu.memref_slice %arg4[%dma_wait3A_186, %dma_wait3A_197] : memref<5000x640xi32, #tpu.memory_space<hbm>> -> memref<1x640xi32, #tpu.memory_space<hbm>>
    %dma_wait3A_199 = tpu.memref_squeeze %dma_wait3A_198 : memref<1x640xi32, #tpu.memory_space<hbm>> -> memref<640xi32, #tpu.memory_space<hbm>>
    tpu.wait_dma2 semaphore(%arg15 : memref<!tpu.dma_semaphore, #tpu.memory_space<semaphore_mem>>) src(%dma_wait3A_199 : memref<640xi32, #tpu.memory_space<hbm>>) dst(%dma_wait3A_196 : memref<640xi32, #tpu.memory_space<vmem>>)
    %barrier3A_200 = arith.constant 0 : index
    tpu.barrier barrier_id(%barrier3A_200)
    %mul3A_201 = arith.constant 6256 : i32
    %mul3A_202 = arith.muli %arg1, %mul3A_201 : i32
    %mul3A_203 = arith.constant 6256 : i32
    %mul3A_204 = arith.muli %arg1, %mul3A_203 : i32
    "tpu.region"() ({
      %run_scoped3A = tpu.sem_alloc : memref<!tpu.dma_semaphore, #tpu.memory_space<semaphore_mem>>
      %dma_start3A_205 = arith.constant 0 : i32
      %dma_start3A_206 = tpu.memref_slice %arg5[%arg0, %mul3A_204, %dma_start3A_205] : memref<2x100096x16xf32, #tpu.memory_space<hbm>> -> memref<1x6256x16xf32, #tpu.memory_space<hbm>>
      %dma_start3A_207 = tpu.memref_squeeze %dma_start3A_206 : memref<1x6256x16xf32, #tpu.memory_space<hbm>> -> memref<6256x16xf32, #tpu.memory_space<hbm>>
      %dma_start3A_208 = arith.constant 0 : i32
      %dma_start3A_209 = tpu.memref_slice %arg10[%mul3A_202, %dma_start3A_208] : memref<100096x16xf32, #tpu.memory_space<vmem_shared>> -> memref<6256x16xf32, #tpu.memory_space<vmem_shared>>
      tpu.enqueue_dma source(%dma_start3A_209 : memref<6256x16xf32, #tpu.memory_space<vmem_shared>>) target(%dma_start3A_207 : memref<6256x16xf32, #tpu.memory_space<hbm>>) target_semaphore(%run_scoped3A : memref<!tpu.dma_semaphore, #tpu.memory_space<semaphore_mem>>)
      %dma_wait3A_210 = arith.constant 0 : i32
      %dma_wait3A_211 = tpu.memref_slice %arg5[%arg0, %mul3A_204, %dma_wait3A_210] : memref<2x100096x16xf32, #tpu.memory_space<hbm>> -> memref<1x6256x16xf32, #tpu.memory_space<hbm>>
      %dma_wait3A_212 = tpu.memref_squeeze %dma_wait3A_211 : memref<1x6256x16xf32, #tpu.memory_space<hbm>> -> memref<6256x16xf32, #tpu.memory_space<hbm>>
      %dma_wait3A_213 = arith.constant 0 : i32
      %dma_wait3A_214 = tpu.memref_slice %arg10[%mul3A_202, %dma_wait3A_213] : memref<100096x16xf32, #tpu.memory_space<vmem_shared>> -> memref<6256x16xf32, #tpu.memory_space<vmem_shared>>
      tpu.wait_dma2 semaphore(%run_scoped3A : memref<!tpu.dma_semaphore, #tpu.memory_space<semaphore_mem>>) src(%dma_wait3A_214 : memref<6256x16xf32, #tpu.memory_space<vmem_shared>>) dst(%dma_wait3A_212 : memref<6256x16xf32, #tpu.memory_space<hbm>>)
      tpu.yield
    }) : () -> ()
    return
  }
}

#map = affine_map<(d0, d1) -> (0, 0)>
#map1 = affine_map<(d0, d1) -> (0, 0, 0)>
module attributes {stable_mosaic.version = 14 : i64} {
  func.func @k(%arg0: i32, %arg1: i32, %arg2: memref<100096x16xf32, #tpu.memory_space<hbm>>, %arg3: memref<5000x640xi32, #tpu.memory_space<hbm>>, %arg4: memref<5000x640xi32, #tpu.memory_space<hbm>>, %arg5: memref<2x100096x16xf32, #tpu.memory_space<hbm>>, %arg6: memref<2x640xi32, #tpu.memory_space<vmem>>, %arg7: memref<2x640xi32, #tpu.memory_space<vmem>>, %arg8: memref<2x640x16xf32, #tpu.memory_space<vmem>>, %arg9: memref<391x16xf32, #tpu.memory_space<vmem>>, %arg10: memref<100096x16xf32, #tpu.memory_space<vmem_shared>>, %arg11: memref<!tpu.dma_semaphore, #tpu.memory_space<semaphore_mem>>, %arg12: memref<!tpu.dma_semaphore, #tpu.memory_space<semaphore_mem>>, %arg13: memref<!tpu.dma_semaphore, #tpu.memory_space<semaphore_mem>>, %arg14: memref<!tpu.dma_semaphore, #tpu.memory_space<semaphore_mem>>, %arg15: memref<!tpu.dma_semaphore, #tpu.memory_space<semaphore_mem>>, %arg16: memref<!tpu.dma_semaphore, #tpu.memory_space<semaphore_mem>>) attributes {dimension_semantics = [#tpu.dimension_semantics<core_parallel>, #tpu.dimension_semantics<subcore_parallel>], iteration_bounds = array<i64: 2, 16>, scalar_prefetch = 0 : i64, scratch_operands = 11 : i64, tpu.core_type = #tpu.core_type<sc_vector_subcore>, window_params = [{transform_indices = #map}, {transform_indices = #map}, {transform_indices = #map}, {transform_indices = #map1}]} {
    %mul3A = arith.constant 2 : i32
    %mul3A_0 = arith.muli %arg1, %mul3A : i32
    %add3A = arith.addi %mul3A_0, %arg0 : i32
    %ge3A = arith.constant 4 : i32
    %ge3A_1 = arith.cmpi sge, %add3A, %ge3A : i32
    %convert_element_type3A = arith.extui %ge3A_1 : i1 to i32
    %mul3A_2 = arith.constant 2 : i32
    %mul3A_3 = arith.muli %mul3A_2, %convert_element_type3A : i32
    %sub3A = arith.constant 158 : i32
    %sub3A_4 = arith.subi %sub3A, %mul3A_3 : i32
    %mul3A_5 = arith.constant 156 : i32
    %mul3A_6 = arith.muli %mul3A_5, %add3A : i32
    %min3A = arith.constant 4 : i32
    %min3A_7 = arith.minsi %add3A, %min3A : i32
    %mul3A_8 = arith.constant 2 : i32
    %mul3A_9 = arith.muli %mul3A_8, %min3A_7 : i32
    %add3A_10 = arith.addi %mul3A_6, %mul3A_9 : i32
    %add3A_11 = arith.addi %add3A_10, %sub3A_4 : i32
    %sub3A_12 = arith.constant 1 : i32
    %sub3A_13 = arith.subi %add3A_11, %sub3A_12 : i32
    %add3A_14 = arith.constant 0 : i32
    %add3A_15 = arith.addi %add3A_10, %add3A_14 : i32
    %min3A_16 = arith.minsi %add3A_15, %sub3A_13 : i32
    %dma_start3A = arith.constant 0 : i32
    %dma_start3A_17 = arith.constant 0 : i32
    %dma_start3A_18 = tpu.memref_slice %arg6[%dma_start3A, %dma_start3A_17] : memref<2x640xi32, #tpu.memory_space<vmem>> -> memref<1x640xi32, #tpu.memory_space<vmem>>
    %dma_start3A_19 = tpu.memref_squeeze %dma_start3A_18 : memref<1x640xi32, #tpu.memory_space<vmem>> -> memref<640xi32, #tpu.memory_space<vmem>>
    %dma_start3A_20 = arith.constant 0 : i32
    %dma_start3A_21 = tpu.memref_slice %arg3[%min3A_16, %dma_start3A_20] : memref<5000x640xi32, #tpu.memory_space<hbm>> -> memref<1x640xi32, #tpu.memory_space<hbm>>
    %dma_start3A_22 = tpu.memref_squeeze %dma_start3A_21 : memref<1x640xi32, #tpu.memory_space<hbm>> -> memref<640xi32, #tpu.memory_space<hbm>>
    %dma_start3A_23 = arith.constant 0 : i32
    %dma_start3A_24 = tpu.memref_slice %arg6[%dma_start3A, %dma_start3A_23] : memref<2x640xi32, #tpu.memory_space<vmem>> -> memref<1x640xi32, #tpu.memory_space<vmem>>
    %dma_start3A_25 = tpu.memref_squeeze %dma_start3A_24 : memref<1x640xi32, #tpu.memory_space<vmem>> -> memref<640xi32, #tpu.memory_space<vmem>>
    %dma_start3A_26 = arith.constant 0 : i32
    %dma_start3A_27 = tpu.memref_slice %arg3[%min3A_16, %dma_start3A_26] : memref<5000x640xi32, #tpu.memory_space<hbm>> -> memref<1x640xi32, #tpu.memory_space<hbm>>
    %dma_start3A_28 = tpu.memref_squeeze %dma_start3A_27 : memref<1x640xi32, #tpu.memory_space<hbm>> -> memref<640xi32, #tpu.memory_space<hbm>>
    tpu.enqueue_dma source(%dma_start3A_28 : memref<640xi32, #tpu.memory_space<hbm>>) target(%dma_start3A_25 : memref<640xi32, #tpu.memory_space<vmem>>) target_semaphore(%arg15 : memref<!tpu.dma_semaphore, #tpu.memory_space<semaphore_mem>>)
    %dma_start3A_29 = arith.constant 0 : i32
    %dma_start3A_30 = arith.constant 0 : i32
    %dma_start3A_31 = tpu.memref_slice %arg7[%dma_start3A_29, %dma_start3A_30] : memref<2x640xi32, #tpu.memory_space<vmem>> -> memref<1x640xi32, #tpu.memory_space<vmem>>
    %dma_start3A_32 = tpu.memref_squeeze %dma_start3A_31 : memref<1x640xi32, #tpu.memory_space<vmem>> -> memref<640xi32, #tpu.memory_space<vmem>>
    %dma_start3A_33 = arith.constant 0 : i32
    %dma_start3A_34 = tpu.memref_slice %arg4[%min3A_16, %dma_start3A_33] : memref<5000x640xi32, #tpu.memory_space<hbm>> -> memref<1x640xi32, #tpu.memory_space<hbm>>
    %dma_start3A_35 = tpu.memref_squeeze %dma_start3A_34 : memref<1x640xi32, #tpu.memory_space<hbm>> -> memref<640xi32, #tpu.memory_space<hbm>>
    %dma_start3A_36 = arith.constant 0 : i32
    %dma_start3A_37 = tpu.memref_slice %arg7[%dma_start3A_29, %dma_start3A_36] : memref<2x640xi32, #tpu.memory_space<vmem>> -> memref<1x640xi32, #tpu.memory_space<vmem>>
    %dma_start3A_38 = tpu.memref_squeeze %dma_start3A_37 : memref<1x640xi32, #tpu.memory_space<vmem>> -> memref<640xi32, #tpu.memory_space<vmem>>
    %dma_start3A_39 = arith.constant 0 : i32
    %dma_start3A_40 = tpu.memref_slice %arg4[%min3A_16, %dma_start3A_39] : memref<5000x640xi32, #tpu.memory_space<hbm>> -> memref<1x640xi32, #tpu.memory_space<hbm>>
    %dma_start3A_41 = tpu.memref_squeeze %dma_start3A_40 : memref<1x640xi32, #tpu.memory_space<hbm>> -> memref<640xi32, #tpu.memory_space<hbm>>
    tpu.enqueue_dma source(%dma_start3A_41 : memref<640xi32, #tpu.memory_space<hbm>>) target(%dma_start3A_38 : memref<640xi32, #tpu.memory_space<vmem>>) target_semaphore(%arg15 : memref<!tpu.dma_semaphore, #tpu.memory_space<semaphore_mem>>)
    %add3A_42 = arith.constant 1 : i32
    %add3A_43 = arith.addi %add3A_10, %add3A_42 : i32
    %min3A_44 = arith.minsi %add3A_43, %sub3A_13 : i32
    %dma_start3A_45 = arith.constant 1 : i32
    %dma_start3A_46 = arith.constant 0 : i32
    %dma_start3A_47 = tpu.memref_slice %arg6[%dma_start3A_45, %dma_start3A_46] : memref<2x640xi32, #tpu.memory_space<vmem>> -> memref<1x640xi32, #tpu.memory_space<vmem>>
    %dma_start3A_48 = tpu.memref_squeeze %dma_start3A_47 : memref<1x640xi32, #tpu.memory_space<vmem>> -> memref<640xi32, #tpu.memory_space<vmem>>
    %dma_start3A_49 = arith.constant 0 : i32
    %dma_start3A_50 = tpu.memref_slice %arg3[%min3A_44, %dma_start3A_49] : memref<5000x640xi32, #tpu.memory_space<hbm>> -> memref<1x640xi32, #tpu.memory_space<hbm>>
    %dma_start3A_51 = tpu.memref_squeeze %dma_start3A_50 : memref<1x640xi32, #tpu.memory_space<hbm>> -> memref<640xi32, #tpu.memory_space<hbm>>
    %dma_start3A_52 = arith.constant 0 : i32
    %dma_start3A_53 = tpu.memref_slice %arg6[%dma_start3A_45, %dma_start3A_52] : memref<2x640xi32, #tpu.memory_space<vmem>> -> memref<1x640xi32, #tpu.memory_space<vmem>>
    %dma_start3A_54 = tpu.memref_squeeze %dma_start3A_53 : memref<1x640xi32, #tpu.memory_space<vmem>> -> memref<640xi32, #tpu.memory_space<vmem>>
    %dma_start3A_55 = arith.constant 0 : i32
    %dma_start3A_56 = tpu.memref_slice %arg3[%min3A_44, %dma_start3A_55] : memref<5000x640xi32, #tpu.memory_space<hbm>> -> memref<1x640xi32, #tpu.memory_space<hbm>>
    %dma_start3A_57 = tpu.memref_squeeze %dma_start3A_56 : memref<1x640xi32, #tpu.memory_space<hbm>> -> memref<640xi32, #tpu.memory_space<hbm>>
    tpu.enqueue_dma source(%dma_start3A_57 : memref<640xi32, #tpu.memory_space<hbm>>) target(%dma_start3A_54 : memref<640xi32, #tpu.memory_space<vmem>>) target_semaphore(%arg16 : memref<!tpu.dma_semaphore, #tpu.memory_space<semaphore_mem>>)
    %dma_start3A_58 = arith.constant 1 : i32
    %dma_start3A_59 = arith.constant 0 : i32
    %dma_start3A_60 = tpu.memref_slice %arg7[%dma_start3A_58, %dma_start3A_59] : memref<2x640xi32, #tpu.memory_space<vmem>> -> memref<1x640xi32, #tpu.memory_space<vmem>>
    %dma_start3A_61 = tpu.memref_squeeze %dma_start3A_60 : memref<1x640xi32, #tpu.memory_space<vmem>> -> memref<640xi32, #tpu.memory_space<vmem>>
    %dma_start3A_62 = arith.constant 0 : i32
    %dma_start3A_63 = tpu.memref_slice %arg4[%min3A_44, %dma_start3A_62] : memref<5000x640xi32, #tpu.memory_space<hbm>> -> memref<1x640xi32, #tpu.memory_space<hbm>>
    %dma_start3A_64 = tpu.memref_squeeze %dma_start3A_63 : memref<1x640xi32, #tpu.memory_space<hbm>> -> memref<640xi32, #tpu.memory_space<hbm>>
    %dma_start3A_65 = arith.constant 0 : i32
    %dma_start3A_66 = tpu.memref_slice %arg7[%dma_start3A_58, %dma_start3A_65] : memref<2x640xi32, #tpu.memory_space<vmem>> -> memref<1x640xi32, #tpu.memory_space<vmem>>
    %dma_start3A_67 = tpu.memref_squeeze %dma_start3A_66 : memref<1x640xi32, #tpu.memory_space<vmem>> -> memref<640xi32, #tpu.memory_space<vmem>>
    %dma_start3A_68 = arith.constant 0 : i32
    %dma_start3A_69 = tpu.memref_slice %arg4[%min3A_44, %dma_start3A_68] : memref<5000x640xi32, #tpu.memory_space<hbm>> -> memref<1x640xi32, #tpu.memory_space<hbm>>
    %dma_start3A_70 = tpu.memref_squeeze %dma_start3A_69 : memref<1x640xi32, #tpu.memory_space<hbm>> -> memref<640xi32, #tpu.memory_space<hbm>>
    tpu.enqueue_dma source(%dma_start3A_70 : memref<640xi32, #tpu.memory_space<hbm>>) target(%dma_start3A_67 : memref<640xi32, #tpu.memory_space<vmem>>) target_semaphore(%arg16 : memref<!tpu.dma_semaphore, #tpu.memory_space<semaphore_mem>>)
    %scan3A = arith.constant 0 : i32
    %scan3A_71 = arith.constant 0 : i32
    %scan3A_72 = arith.constant 391 : i32
    %scan3A_73 = arith.addi %scan3A_71, %scan3A_72 : i32
    %scan3A_74 = arith.constant 1 : i32
    %scan3A_75 = scf.for %scan3A_327 = %scan3A_71 to %scan3A_73 step %scan3A_74 iter_args(%scan3A_328 = %scan3A) -> (i32)  : i32 {
      %broadcast_in_dim3A = arith.constant 0.000000e+00 : f32
      %broadcast_in_dim3A_329 = vector.broadcast %broadcast_in_dim3A : f32 to vector<16xf32>
      %swap3A = arith.index_cast %scan3A_327 : i32 to index
      %swap3A_330 = arith.constant 0 : index
      %swap3A_331 = tpu.vector_load %arg9[%swap3A, %swap3A_330] {strides = array<i32>} : memref<391x16xf32, #tpu.memory_space<vmem>>, vector<1x16xf32>,
      %swap3A_332 = vector.shape_cast %swap3A_331 : vector<1x16xf32> to vector<16xf32>
      %swap3A_333 = vector.shape_cast %broadcast_in_dim3A_329 : vector<16xf32> to vector<1x16xf32>
      tpu.vector_store %arg9[%swap3A, %swap3A_330], %swap3A_333 {strides = array<i32>} : memref<391x16xf32, #tpu.memory_space<vmem>>, vector<1x16xf32>,
      %scan3A_334 = arith.constant 0 : i32
      scf.yield %scan3A_334 : i32
    }
    %scan3A_76 = arith.constant 391 : i32
    %scan3A_77 = arith.constant 0 : i32
    %scan3A_78 = arith.constant 0 : i32
    %scan3A_79 = arith.constant 16 : i32
    %scan3A_80 = arith.addi %scan3A_78, %scan3A_79 : i32
    %scan3A_81 = arith.constant 1 : i32
    %scan3A_82 = scf.for %scan3A_327 = %scan3A_78 to %scan3A_80 step %scan3A_81 iter_args(%scan3A_328 = %scan3A_77) -> (i32)  : i32 {
      %mul3A_329 = arith.constant 6256 : i32
      %mul3A_330 = arith.muli %arg1, %mul3A_329 : i32
      %mul3A_331 = arith.constant 391 : i32
      %mul3A_332 = arith.muli %scan3A_327, %mul3A_331 : i32
      %add3A_333 = arith.addi %mul3A_330, %mul3A_332 : i32
      "tpu.region"() ({
        %run_scoped3A = tpu.sem_alloc : memref<!tpu.dma_semaphore, #tpu.memory_space<semaphore_mem>>
        %dma_start3A_335 = arith.constant 0 : i32
        %dma_start3A_336 = tpu.memref_slice %arg10[%add3A_333, %dma_start3A_335] : memref<100096x16xf32, #tpu.memory_space<vmem_shared>> -> memref<391x16xf32, #tpu.memory_space<vmem_shared>>
        %dma_start3A_337 = arith.constant 0 : i32
        %dma_start3A_338 = tpu.memref_slice %arg10[%add3A_333, %dma_start3A_337] : memref<100096x16xf32, #tpu.memory_space<vmem_shared>> -> memref<391x16xf32, #tpu.memory_space<vmem_shared>>
        tpu.enqueue_dma source(%arg9 : memref<391x16xf32, #tpu.memory_space<vmem>>) target(%dma_start3A_338 : memref<391x16xf32, #tpu.memory_space<vmem_shared>>) target_semaphore(%run_scoped3A : memref<!tpu.dma_semaphore, #tpu.memory_space<semaphore_mem>>)
        %dma_wait3A_339 = arith.constant 0 : i32
        %dma_wait3A_340 = tpu.memref_slice %arg10[%add3A_333, %dma_wait3A_339] : memref<100096x16xf32, #tpu.memory_space<vmem_shared>> -> memref<391x16xf32, #tpu.memory_space<vmem_shared>>
        %dma_wait3A_341 = arith.constant 0 : i32
        %dma_wait3A_342 = tpu.memref_slice %arg10[%add3A_333, %dma_wait3A_341] : memref<100096x16xf32, #tpu.memory_space<vmem_shared>> -> memref<391x16xf32, #tpu.memory_space<vmem_shared>>
        tpu.wait_dma2 semaphore(%run_scoped3A : memref<!tpu.dma_semaphore, #tpu.memory_space<semaphore_mem>>) src(%arg9 : memref<391x16xf32, #tpu.memory_space<vmem>>) dst(%dma_wait3A_342 : memref<391x16xf32, #tpu.memory_space<vmem_shared>>)
        tpu.yield
      }) : () -> ()
      %scan3A_334 = arith.constant 0 : i32
      scf.yield %scan3A_334 : i32
    }
    %scan3A_83 = arith.constant 16 : i32
    %barrier3A = arith.constant 0 : index
    tpu.barrier barrier_id(%barrier3A)
    %dma_wait3A = arith.constant 0 : i32
    %dma_wait3A_84 = arith.constant 0 : i32
    %dma_wait3A_85 = arith.constant 0 : i32
    %dma_wait3A_86 = tpu.memref_slice %arg6[%dma_wait3A_84, %dma_wait3A_85] : memref<2x640xi32, #tpu.memory_space<vmem>> -> memref<1x640xi32, #tpu.memory_space<vmem>>
    %dma_wait3A_87 = tpu.memref_squeeze %dma_wait3A_86 : memref<1x640xi32, #tpu.memory_space<vmem>> -> memref<640xi32, #tpu.memory_space<vmem>>
    %dma_wait3A_88 = arith.constant 0 : i32
    %dma_wait3A_89 = tpu.memref_slice %arg3[%dma_wait3A, %dma_wait3A_88] : memref<5000x640xi32, #tpu.memory_space<hbm>> -> memref<1x640xi32, #tpu.memory_space<hbm>>
    %dma_wait3A_90 = tpu.memref_squeeze %dma_wait3A_89 : memref<1x640xi32, #tpu.memory_space<hbm>> -> memref<640xi32, #tpu.memory_space<hbm>>
    %dma_wait3A_91 = arith.constant 0 : i32
    %dma_wait3A_92 = tpu.memref_slice %arg6[%dma_wait3A_84, %dma_wait3A_91] : memref<2x640xi32, #tpu.memory_space<vmem>> -> memref<1x640xi32, #tpu.memory_space<vmem>>
    %dma_wait3A_93 = tpu.memref_squeeze %dma_wait3A_92 : memref<1x640xi32, #tpu.memory_space<vmem>> -> memref<640xi32, #tpu.memory_space<vmem>>
    %dma_wait3A_94 = arith.constant 0 : i32
    %dma_wait3A_95 = tpu.memref_slice %arg3[%dma_wait3A, %dma_wait3A_94] : memref<5000x640xi32, #tpu.memory_space<hbm>> -> memref<1x640xi32, #tpu.memory_space<hbm>>
    %dma_wait3A_96 = tpu.memref_squeeze %dma_wait3A_95 : memref<1x640xi32, #tpu.memory_space<hbm>> -> memref<640xi32, #tpu.memory_space<hbm>>
    tpu.wait_dma2 semaphore(%arg15 : memref<!tpu.dma_semaphore, #tpu.memory_space<semaphore_mem>>) src(%dma_wait3A_96 : memref<640xi32, #tpu.memory_space<hbm>>) dst(%dma_wait3A_93 : memref<640xi32, #tpu.memory_space<vmem>>)
    %dma_wait3A_97 = arith.constant 0 : i32
    %dma_wait3A_98 = arith.constant 0 : i32
    %dma_wait3A_99 = arith.constant 0 : i32
    %dma_wait3A_100 = tpu.memref_slice %arg7[%dma_wait3A_98, %dma_wait3A_99] : memref<2x640xi32, #tpu.memory_space<vmem>> -> memref<1x640xi32, #tpu.memory_space<vmem>>
    %dma_wait3A_101 = tpu.memref_squeeze %dma_wait3A_100 : memref<1x640xi32, #tpu.memory_space<vmem>> -> memref<640xi32, #tpu.memory_space<vmem>>
    %dma_wait3A_102 = arith.constant 0 : i32
    %dma_wait3A_103 = tpu.memref_slice %arg4[%dma_wait3A_97, %dma_wait3A_102] : memref<5000x640xi32, #tpu.memory_space<hbm>> -> memref<1x640xi32, #tpu.memory_space<hbm>>
    %dma_wait3A_104 = tpu.memref_squeeze %dma_wait3A_103 : memref<1x640xi32, #tpu.memory_space<hbm>> -> memref<640xi32, #tpu.memory_space<hbm>>
    %dma_wait3A_105 = arith.constant 0 : i32
    %dma_wait3A_106 = tpu.memref_slice %arg7[%dma_wait3A_98, %dma_wait3A_105] : memref<2x640xi32, #tpu.memory_space<vmem>> -> memref<1x640xi32, #tpu.memory_space<vmem>>
    %dma_wait3A_107 = tpu.memref_squeeze %dma_wait3A_106 : memref<1x640xi32, #tpu.memory_space<vmem>> -> memref<640xi32, #tpu.memory_space<vmem>>
    %dma_wait3A_108 = arith.constant 0 : i32
    %dma_wait3A_109 = tpu.memref_slice %arg4[%dma_wait3A_97, %dma_wait3A_108] : memref<5000x640xi32, #tpu.memory_space<hbm>> -> memref<1x640xi32, #tpu.memory_space<hbm>>
    %dma_wait3A_110 = tpu.memref_squeeze %dma_wait3A_109 : memref<1x640xi32, #tpu.memory_space<hbm>> -> memref<640xi32, #tpu.memory_space<hbm>>
    tpu.wait_dma2 semaphore(%arg15 : memref<!tpu.dma_semaphore, #tpu.memory_space<semaphore_mem>>) src(%dma_wait3A_110 : memref<640xi32, #tpu.memory_space<hbm>>) dst(%dma_wait3A_107 : memref<640xi32, #tpu.memory_space<vmem>>)
    %dma_start3A_111 = arith.constant 0 : i32
    %dma_start3A_112 = arith.constant 0 : i32
    %dma_start3A_113 = arith.constant 0 : i32
    %dma_start3A_114 = arith.constant 0 : i32
    %dma_start3A_115 = tpu.memref_slice %arg8[%dma_start3A_112, %dma_start3A_113, %dma_start3A_114] : memref<2x640x16xf32, #tpu.memory_space<vmem>> -> memref<1x640x16xf32, #tpu.memory_space<vmem>>
    %dma_start3A_116 = tpu.memref_squeeze %dma_start3A_115 : memref<1x640x16xf32, #tpu.memory_space<vmem>> -> memref<640x16xf32, #tpu.memory_space<vmem>>
    %dma_start3A_117 = arith.constant 0 : i32
    %dma_start3A_118 = tpu.memref_slice %arg6[%dma_start3A_111, %dma_start3A_117] : memref<2x640xi32, #tpu.memory_space<vmem>> -> memref<1x640xi32, #tpu.memory_space<vmem>>
    %dma_start3A_119 = tpu.memref_squeeze %dma_start3A_118 : memref<1x640xi32, #tpu.memory_space<vmem>> -> memref<640xi32, #tpu.memory_space<vmem>>
    %dma_start3A_120 = arith.constant 0 : i32
    %dma_start3A_121 = arith.constant 0 : i32
    %dma_start3A_122 = tpu.memref_slice %arg2[%dma_start3A_120, %dma_start3A_121] : memref<100096x16xf32, #tpu.memory_space<hbm>> -> memref<100096x16xf32, #tpu.memory_space<hbm>>
    tpu.enqueue_indirect_dma source(%dma_start3A_122 : memref<100096x16xf32, #tpu.memory_space<hbm>>) target(%dma_start3A_116 : memref<640x16xf32, #tpu.memory_space<vmem>>) offsets(%dma_start3A_119 : memref<640xi32, #tpu.memory_space<vmem>>) semaphore(%arg11 : memref<!tpu.dma_semaphore, #tpu.memory_space<semaphore_mem>>)
    %dma_wait3A_123 = arith.constant 0 : i32
    %dma_wait3A_124 = arith.constant 0 : i32
    %dma_wait3A_125 = arith.constant 0 : i32
    %dma_wait3A_126 = arith.constant 0 : i32
    %dma_wait3A_127 = tpu.memref_slice %arg8[%dma_wait3A_124, %dma_wait3A_125, %dma_wait3A_126] : memref<2x640x16xf32, #tpu.memory_space<vmem>> -> memref<1x640x16xf32, #tpu.memory_space<vmem>>
    %dma_wait3A_128 = tpu.memref_squeeze %dma_wait3A_127 : memref<1x640x16xf32, #tpu.memory_space<vmem>> -> memref<640x16xf32, #tpu.memory_space<vmem>>
    %dma_wait3A_129 = arith.constant 0 : i32
    %dma_wait3A_130 = tpu.memref_slice %arg6[%dma_wait3A_123, %dma_wait3A_129] : memref<2x640xi32, #tpu.memory_space<vmem>> -> memref<1x640xi32, #tpu.memory_space<vmem>>
    %dma_wait3A_131 = tpu.memref_squeeze %dma_wait3A_130 : memref<1x640xi32, #tpu.memory_space<vmem>> -> memref<640xi32, #tpu.memory_space<vmem>>
    %dma_wait3A_132 = arith.constant 0 : i32
    %dma_wait3A_133 = arith.constant 0 : i32
    %dma_wait3A_134 = tpu.memref_slice %arg2[%dma_wait3A_132, %dma_wait3A_133] : memref<100096x16xf32, #tpu.memory_space<hbm>> -> memref<100096x16xf32, #tpu.memory_space<hbm>>
    tpu.wait_indirect_dma semaphore(%arg11 : memref<!tpu.dma_semaphore, #tpu.memory_space<semaphore_mem>>) src(%dma_wait3A_134 : memref<100096x16xf32, #tpu.memory_space<hbm>>) dst(%dma_wait3A_128 : memref<640x16xf32, #tpu.memory_space<vmem>>)
    %dma_start3A_135 = arith.constant 0 : i32
    %dma_start3A_136 = arith.constant 0 : i32
    %dma_start3A_137 = arith.constant 0 : i32
    %dma_start3A_138 = arith.constant 0 : i32
    %dma_start3A_139 = tpu.memref_slice %arg8[%dma_start3A_135, %dma_start3A_137, %dma_start3A_138] : memref<2x640x16xf32, #tpu.memory_space<vmem>> -> memref<1x640x16xf32, #tpu.memory_space<vmem>>
    %dma_start3A_140 = tpu.memref_squeeze %dma_start3A_139 : memref<1x640x16xf32, #tpu.memory_space<vmem>> -> memref<640x16xf32, #tpu.memory_space<vmem>>
    %dma_start3A_141 = arith.constant 0 : i32
    %dma_start3A_142 = tpu.memref_slice %arg7[%dma_start3A_136, %dma_start3A_141] : memref<2x640xi32, #tpu.memory_space<vmem>> -> memref<1x640xi32, #tpu.memory_space<vmem>>
    %dma_start3A_143 = tpu.memref_squeeze %dma_start3A_142 : memref<1x640xi32, #tpu.memory_space<vmem>> -> memref<640xi32, #tpu.memory_space<vmem>>
    %dma_start3A_144 = arith.constant 0 : i32
    %dma_start3A_145 = arith.constant 0 : i32
    %dma_start3A_146 = tpu.memref_slice %arg10[%dma_start3A_144, %dma_start3A_145] : memref<100096x16xf32, #tpu.memory_space<vmem_shared>> -> memref<100096x16xf32, #tpu.memory_space<vmem_shared>>
    tpu.enqueue_indirect_dma source(%dma_start3A_140 : memref<640x16xf32, #tpu.memory_space<vmem>>) target(%dma_start3A_146 : memref<100096x16xf32, #tpu.memory_space<vmem_shared>>) offsets(%dma_start3A_143 : memref<640xi32, #tpu.memory_space<vmem>>) semaphore(%arg13 : memref<!tpu.dma_semaphore, #tpu.memory_space<semaphore_mem>>) {add = true}
    %dma_wait3A_147 = arith.constant 0 : i32
    %dma_wait3A_148 = arith.constant 1 : i32
    %dma_wait3A_149 = arith.constant 0 : i32
    %dma_wait3A_150 = tpu.memref_slice %arg6[%dma_wait3A_148, %dma_wait3A_149] : memref<2x640xi32, #tpu.memory_space<vmem>> -> memref<1x640xi32, #tpu.memory_space<vmem>>
    %dma_wait3A_151 = tpu.memref_squeeze %dma_wait3A_150 : memref<1x640xi32, #tpu.memory_space<vmem>> -> memref<640xi32, #tpu.memory_space<vmem>>
    %dma_wait3A_152 = arith.constant 0 : i32
    %dma_wait3A_153 = tpu.memref_slice %arg3[%dma_wait3A_147, %dma_wait3A_152] : memref<5000x640xi32, #tpu.memory_space<hbm>> -> memref<1x640xi32, #tpu.memory_space<hbm>>
    %dma_wait3A_154 = tpu.memref_squeeze %dma_wait3A_153 : memref<1x640xi32, #tpu.memory_space<hbm>> -> memref<640xi32, #tpu.memory_space<hbm>>
    %dma_wait3A_155 = arith.constant 0 : i32
    %dma_wait3A_156 = tpu.memref_slice %arg6[%dma_wait3A_148, %dma_wait3A_155] : memref<2x640xi32, #tpu.memory_space<vmem>> -> memref<1x640xi32, #tpu.memory_space<vmem>>
    %dma_wait3A_157 = tpu.memref_squeeze %dma_wait3A_156 : memref<1x640xi32, #tpu.memory_space<vmem>> -> memref<640xi32, #tpu.memory_space<vmem>>
    %dma_wait3A_158 = arith.constant 0 : i32
    %dma_wait3A_159 = tpu.memref_slice %arg3[%dma_wait3A_147, %dma_wait3A_158] : memref<5000x640xi32, #tpu.memory_space<hbm>> -> memref<1x640xi32, #tpu.memory_space<hbm>>
    %dma_wait3A_160 = tpu.memref_squeeze %dma_wait3A_159 : memref<1x640xi32, #tpu.memory_space<hbm>> -> memref<640xi32, #tpu.memory_space<hbm>>
    tpu.wait_dma2 semaphore(%arg16 : memref<!tpu.dma_semaphore, #tpu.memory_space<semaphore_mem>>) src(%dma_wait3A_160 : memref<640xi32, #tpu.memory_space<hbm>>) dst(%dma_wait3A_157 : memref<640xi32, #tpu.memory_space<vmem>>)
    %dma_wait3A_161 = arith.constant 0 : i32
    %dma_wait3A_162 = arith.constant 1 : i32
    %dma_wait3A_163 = arith.constant 0 : i32
    %dma_wait3A_164 = tpu.memref_slice %arg7[%dma_wait3A_162, %dma_wait3A_163] : memref<2x640xi32, #tpu.memory_space<vmem>> -> memref<1x640xi32, #tpu.memory_space<vmem>>
    %dma_wait3A_165 = tpu.memref_squeeze %dma_wait3A_164 : memref<1x640xi32, #tpu.memory_space<vmem>> -> memref<640xi32, #tpu.memory_space<vmem>>
    %dma_wait3A_166 = arith.constant 0 : i32
    %dma_wait3A_167 = tpu.memref_slice %arg4[%dma_wait3A_161, %dma_wait3A_166] : memref<5000x640xi32, #tpu.memory_space<hbm>> -> memref<1x640xi32, #tpu.memory_space<hbm>>
    %dma_wait3A_168 = tpu.memref_squeeze %dma_wait3A_167 : memref<1x640xi32, #tpu.memory_space<hbm>> -> memref<640xi32, #tpu.memory_space<hbm>>
    %dma_wait3A_169 = arith.constant 0 : i32
    %dma_wait3A_170 = tpu.memref_slice %arg7[%dma_wait3A_162, %dma_wait3A_169] : memref<2x640xi32, #tpu.memory_space<vmem>> -> memref<1x640xi32, #tpu.memory_space<vmem>>
    %dma_wait3A_171 = tpu.memref_squeeze %dma_wait3A_170 : memref<1x640xi32, #tpu.memory_space<vmem>> -> memref<640xi32, #tpu.memory_space<vmem>>
    %dma_wait3A_172 = arith.constant 0 : i32
    %dma_wait3A_173 = tpu.memref_slice %arg4[%dma_wait3A_161, %dma_wait3A_172] : memref<5000x640xi32, #tpu.memory_space<hbm>> -> memref<1x640xi32, #tpu.memory_space<hbm>>
    %dma_wait3A_174 = tpu.memref_squeeze %dma_wait3A_173 : memref<1x640xi32, #tpu.memory_space<hbm>> -> memref<640xi32, #tpu.memory_space<hbm>>
    tpu.wait_dma2 semaphore(%arg16 : memref<!tpu.dma_semaphore, #tpu.memory_space<semaphore_mem>>) src(%dma_wait3A_174 : memref<640xi32, #tpu.memory_space<hbm>>) dst(%dma_wait3A_171 : memref<640xi32, #tpu.memory_space<vmem>>)
    %dma_start3A_175 = arith.constant 1 : i32
    %dma_start3A_176 = arith.constant 1 : i32
    %dma_start3A_177 = arith.constant 0 : i32
    %dma_start3A_178 = arith.constant 0 : i32
    %dma_start3A_179 = tpu.memref_slice %arg8[%dma_start3A_176, %dma_start3A_177, %dma_start3A_178] : memref<2x640x16xf32, #tpu.memory_space<vmem>> -> memref<1x640x16xf32, #tpu.memory_space<vmem>>
    %dma_start3A_180 = tpu.memref_squeeze %dma_start3A_179 : memref<1x640x16xf32, #tpu.memory_space<vmem>> -> memref<640x16xf32, #tpu.memory_space<vmem>>
    %dma_start3A_181 = arith.constant 0 : i32
    %dma_start3A_182 = tpu.memref_slice %arg6[%dma_start3A_175, %dma_start3A_181] : memref<2x640xi32, #tpu.memory_space<vmem>> -> memref<1x640xi32, #tpu.memory_space<vmem>>
    %dma_start3A_183 = tpu.memref_squeeze %dma_start3A_182 : memref<1x640xi32, #tpu.memory_space<vmem>> -> memref<640xi32, #tpu.memory_space<vmem>>
    %dma_start3A_184 = arith.constant 0 : i32
    %dma_start3A_185 = arith.constant 0 : i32
    %dma_start3A_186 = tpu.memref_slice %arg2[%dma_start3A_184, %dma_start3A_185] : memref<100096x16xf32, #tpu.memory_space<hbm>> -> memref<100096x16xf32, #tpu.memory_space<hbm>>
    tpu.enqueue_indirect_dma source(%dma_start3A_186 : memref<100096x16xf32, #tpu.memory_space<hbm>>) target(%dma_start3A_180 : memref<640x16xf32, #tpu.memory_space<vmem>>) offsets(%dma_start3A_183 : memref<640xi32, #tpu.memory_space<vmem>>) semaphore(%arg12 : memref<!tpu.dma_semaphore, #tpu.memory_space<semaphore_mem>>)
    %dma_wait3A_187 = arith.constant 0 : i32
    %dma_wait3A_188 = arith.constant 0 : i32
    %dma_wait3A_189 = arith.constant 0 : i32
    %dma_wait3A_190 = arith.constant 0 : i32
    %dma_wait3A_191 = tpu.memref_slice %arg8[%dma_wait3A_187, %dma_wait3A_189, %dma_wait3A_190] : memref<2x640x16xf32, #tpu.memory_space<vmem>> -> memref<1x640x16xf32, #tpu.memory_space<vmem>>
    %dma_wait3A_192 = tpu.memref_squeeze %dma_wait3A_191 : memref<1x640x16xf32, #tpu.memory_space<vmem>> -> memref<640x16xf32, #tpu.memory_space<vmem>>
    %dma_wait3A_193 = arith.constant 0 : i32
    %dma_wait3A_194 = tpu.memref_slice %arg7[%dma_wait3A_188, %dma_wait3A_193] : memref<2x640xi32, #tpu.memory_space<vmem>> -> memref<1x640xi32, #tpu.memory_space<vmem>>
    %dma_wait3A_195 = tpu.memref_squeeze %dma_wait3A_194 : memref<1x640xi32, #tpu.memory_space<vmem>> -> memref<640xi32, #tpu.memory_space<vmem>>
    %dma_wait3A_196 = arith.constant 0 : i32
    %dma_wait3A_197 = arith.constant 0 : i32
    %dma_wait3A_198 = tpu.memref_slice %arg10[%dma_wait3A_196, %dma_wait3A_197] : memref<100096x16xf32, #tpu.memory_space<vmem_shared>> -> memref<100096x16xf32, #tpu.memory_space<vmem_shared>>
    tpu.wait_indirect_dma semaphore(%arg13 : memref<!tpu.dma_semaphore, #tpu.memory_space<semaphore_mem>>) src(%dma_wait3A_192 : memref<640x16xf32, #tpu.memory_space<vmem>>) dst(%dma_wait3A_198 : memref<100096x16xf32, #tpu.memory_space<vmem_shared>>)
    %add3A_199 = arith.constant 2 : i32
    %add3A_200 = arith.addi %add3A_10, %add3A_199 : i32
    %min3A_201 = arith.minsi %add3A_200, %sub3A_13 : i32
    %dma_start3A_202 = arith.constant 0 : i32
    %dma_start3A_203 = arith.constant 0 : i32
    %dma_start3A_204 = tpu.memref_slice %arg6[%dma_start3A_202, %dma_start3A_203] : memref<2x640xi32, #tpu.memory_space<vmem>> -> memref<1x640xi32, #tpu.memory_space<vmem>>
    %dma_start3A_205 = tpu.memref_squeeze %dma_start3A_204 : memref<1x640xi32, #tpu.memory_space<vmem>> -> memref<640xi32, #tpu.memory_space<vmem>>
    %dma_start3A_206 = arith.constant 0 : i32
    %dma_start3A_207 = tpu.memref_slice %arg3[%min3A_201, %dma_start3A_206] : memref<5000x640xi32, #tpu.memory_space<hbm>> -> memref<1x640xi32, #tpu.memory_space<hbm>>
    %dma_start3A_208 = tpu.memref_squeeze %dma_start3A_207 : memref<1x640xi32, #tpu.memory_space<hbm>> -> memref<640xi32, #tpu.memory_space<hbm>>
    %dma_start3A_209 = arith.constant 0 : i32
    %dma_start3A_210 = tpu.memref_slice %arg6[%dma_start3A_202, %dma_start3A_209] : memref<2x640xi32, #tpu.memory_space<vmem>> -> memref<1x640xi32, #tpu.memory_space<vmem>>
    %dma_start3A_211 = tpu.memref_squeeze %dma_start3A_210 : memref<1x640xi32, #tpu.memory_space<vmem>> -> memref<640xi32, #tpu.memory_space<vmem>>
    %dma_start3A_212 = arith.constant 0 : i32
    %dma_start3A_213 = tpu.memref_slice %arg3[%min3A_201, %dma_start3A_212] : memref<5000x640xi32, #tpu.memory_space<hbm>> -> memref<1x640xi32, #tpu.memory_space<hbm>>
    %dma_start3A_214 = tpu.memref_squeeze %dma_start3A_213 : memref<1x640xi32, #tpu.memory_space<hbm>> -> memref<640xi32, #tpu.memory_space<hbm>>
    tpu.enqueue_dma source(%dma_start3A_214 : memref<640xi32, #tpu.memory_space<hbm>>) target(%dma_start3A_211 : memref<640xi32, #tpu.memory_space<vmem>>) target_semaphore(%arg15 : memref<!tpu.dma_semaphore, #tpu.memory_space<semaphore_mem>>)
    %dma_start3A_215 = arith.constant 0 : i32
    %dma_start3A_216 = arith.constant 0 : i32
    %dma_start3A_217 = tpu.memref_slice %arg7[%dma_start3A_215, %dma_start3A_216] : memref<2x640xi32, #tpu.memory_space<vmem>> -> memref<1x640xi32, #tpu.memory_space<vmem>>
    %dma_start3A_218 = tpu.memref_squeeze %dma_start3A_217 : memref<1x640xi32, #tpu.memory_space<vmem>> -> memref<640xi32, #tpu.memory_space<vmem>>
    %dma_start3A_219 = arith.constant 0 : i32
    %dma_start3A_220 = tpu.memref_slice %arg4[%min3A_201, %dma_start3A_219] : memref<5000x640xi32, #tpu.memory_space<hbm>> -> memref<1x640xi32, #tpu.memory_space<hbm>>
    %dma_start3A_221 = tpu.memref_squeeze %dma_start3A_220 : memref<1x640xi32, #tpu.memory_space<hbm>> -> memref<640xi32, #tpu.memory_space<hbm>>
    %dma_start3A_222 = arith.constant 0 : i32
    %dma_start3A_223 = tpu.memref_slice %arg7[%dma_start3A_215, %dma_start3A_222] : memref<2x640xi32, #tpu.memory_space<vmem>> -> memref<1x640xi32, #tpu.memory_space<vmem>>
    %dma_start3A_224 = tpu.memref_squeeze %dma_start3A_223 : memref<1x640xi32, #tpu.memory_space<vmem>> -> memref<640xi32, #tpu.memory_space<vmem>>
    %dma_start3A_225 = arith.constant 0 : i32
    %dma_start3A_226 = tpu.memref_slice %arg4[%min3A_201, %dma_start3A_225] : memref<5000x640xi32, #tpu.memory_space<hbm>> -> memref<1x640xi32, #tpu.memory_space<hbm>>
    %dma_start3A_227 = tpu.memref_squeeze %dma_start3A_226 : memref<1x640xi32, #tpu.memory_space<hbm>> -> memref<640xi32, #tpu.memory_space<hbm>>
    tpu.enqueue_dma source(%dma_start3A_227 : memref<640xi32, #tpu.memory_space<hbm>>) target(%dma_start3A_224 : memref<640xi32, #tpu.memory_space<vmem>>) target_semaphore(%arg15 : memref<!tpu.dma_semaphore, #tpu.memory_space<semaphore_mem>>)
    %dma_wait3A_228 = arith.constant 1 : i32
    %dma_wait3A_229 = arith.constant 1 : i32
    %dma_wait3A_230 = arith.constant 0 : i32
    %dma_wait3A_231 = arith.constant 0 : i32
    %dma_wait3A_232 = tpu.memref_slice %arg8[%dma_wait3A_229, %dma_wait3A_230, %dma_wait3A_231] : memref<2x640x16xf32, #tpu.memory_space<vmem>> -> memref<1x640x16xf32, #tpu.memory_space<vmem>>
    %dma_wait3A_233 = tpu.memref_squeeze %dma_wait3A_232 : memref<1x640x16xf32, #tpu.memory_space<vmem>> -> memref<640x16xf32, #tpu.memory_space<vmem>>
    %dma_wait3A_234 = arith.constant 0 : i32
    %dma_wait3A_235 = tpu.memref_slice %arg6[%dma_wait3A_228, %dma_wait3A_234] : memref<2x640xi32, #tpu.memory_space<vmem>> -> memref<1x640xi32, #tpu.memory_space<vmem>>
    %dma_wait3A_236 = tpu.memref_squeeze %dma_wait3A_235 : memref<1x640xi32, #tpu.memory_space<vmem>> -> memref<640xi32, #tpu.memory_space<vmem>>
    %dma_wait3A_237 = arith.constant 0 : i32
    %dma_wait3A_238 = arith.constant 0 : i32
    %dma_wait3A_239 = tpu.memref_slice %arg2[%dma_wait3A_237, %dma_wait3A_238] : memref<100096x16xf32, #tpu.memory_space<hbm>> -> memref<100096x16xf32, #tpu.memory_space<hbm>>
    tpu.wait_indirect_dma semaphore(%arg12 : memref<!tpu.dma_semaphore, #tpu.memory_space<semaphore_mem>>) src(%dma_wait3A_239 : memref<100096x16xf32, #tpu.memory_space<hbm>>) dst(%dma_wait3A_233 : memref<640x16xf32, #tpu.memory_space<vmem>>)
    %dma_start3A_240 = arith.constant 1 : i32
    %dma_start3A_241 = arith.constant 1 : i32
    %dma_start3A_242 = arith.constant 0 : i32
    %dma_start3A_243 = arith.constant 0 : i32
    %dma_start3A_244 = tpu.memref_slice %arg8[%dma_start3A_240, %dma_start3A_242, %dma_start3A_243] : memref<2x640x16xf32, #tpu.memory_space<vmem>> -> memref<1x640x16xf32, #tpu.memory_space<vmem>>
    %dma_start3A_245 = tpu.memref_squeeze %dma_start3A_244 : memref<1x640x16xf32, #tpu.memory_space<vmem>> -> memref<640x16xf32, #tpu.memory_space<vmem>>
    %dma_start3A_246 = arith.constant 0 : i32
    %dma_start3A_247 = tpu.memref_slice %arg7[%dma_start3A_241, %dma_start3A_246] : memref<2x640xi32, #tpu.memory_space<vmem>> -> memref<1x640xi32, #tpu.memory_space<vmem>>
    %dma_start3A_248 = tpu.memref_squeeze %dma_start3A_247 : memref<1x640xi32, #tpu.memory_space<vmem>> -> memref<640xi32, #tpu.memory_space<vmem>>
    %dma_start3A_249 = arith.constant 0 : i32
    %dma_start3A_250 = arith.constant 0 : i32
    %dma_start3A_251 = tpu.memref_slice %arg10[%dma_start3A_249, %dma_start3A_250] : memref<100096x16xf32, #tpu.memory_space<vmem_shared>> -> memref<100096x16xf32, #tpu.memory_space<vmem_shared>>
    tpu.enqueue_indirect_dma source(%dma_start3A_245 : memref<640x16xf32, #tpu.memory_space<vmem>>) target(%dma_start3A_251 : memref<100096x16xf32, #tpu.memory_space<vmem_shared>>) offsets(%dma_start3A_248 : memref<640xi32, #tpu.memory_space<vmem>>) semaphore(%arg14 : memref<!tpu.dma_semaphore, #tpu.memory_space<semaphore_mem>>) {add = true}
    %sub3A_252 = arith.constant 2 : i32
    %sub3A_253 = arith.subi %sub3A_4, %sub3A_252 : i32
    %jit3A = arith.constant 2 : i32
    %div3A = arith.divsi %sub3A_253, %jit3A : i32
    %sign3A = arith.constant 0 : i32
    %sign3A_254 = arith.cmpi sgt, %sub3A_253, %sign3A : i32
    %sign3A_255 = arith.extui %sign3A_254 : i1 to i32
    %sign3A_256 = arith.constant 0 : i32
    %sign3A_257 = arith.cmpi slt, %sub3A_253, %sign3A_256 : i32
    %sign3A_258 = arith.extui %sign3A_257 : i1 to i32
    %sign3A_259 = arith.subi %sign3A_255, %sign3A_258 : i32
    %sign3A_260 = arith.constant 0 : i32
    %sign3A_261 = arith.cmpi sgt, %jit3A, %sign3A_260 : i32
    %sign3A_262 = arith.extui %sign3A_261 : i1 to i32
    %sign3A_263 = arith.constant 0 : i32
    %sign3A_264 = arith.cmpi slt, %jit3A, %sign3A_263 : i32
    %sign3A_265 = arith.extui %sign3A_264 : i1 to i32
    %sign3A_266 = arith.subi %sign3A_262, %sign3A_265 : i32
    %ne3A = arith.cmpi ne, %sign3A_259, %sign3A_266 : i32
    %rem3A = arith.remsi %sub3A_253, %jit3A : i32
    %ne3A_267 = arith.constant 0 : i32
    %ne3A_268 = arith.cmpi ne, %rem3A, %ne3A_267 : i32
    %and3A = arith.andi %ne3A, %ne3A_268 : i1
    %sub3A_269 = arith.constant 1 : i32
    %sub3A_270 = arith.subi %div3A, %sub3A_269 : i32
    %select_n3A = arith.select %and3A, %sub3A_270, %div3A : i32
    %while3A = arith.constant 0 : i32
    %while3A_271 = arith.constant 0 : i32
    %while3A_272 = arith.subi %select_n3A, %while3A : i32
    %while3A_273 = arith.addi %while3A, %while3A_272 : i32
    %while3A_274 = arith.constant 1 : i32
    %while3A_275 = arith.divsi %while3A_272, %while3A_274 : i32
    %while3A_276 = arith.muli %while3A_275, %while3A_274 : i32
    %while3A_277 = arith.addi %while3A, %while3A_276 : i32
    %while3A_278 = arith.constant 1 : i32
    %while3A_279 = scf.for %while3A_327 = %while3A to %while3A_277 step %while3A_278 iter_args(%while3A_328 = %while3A_271) -> (i32)  : i32 {
      %mul3A_329 = arith.constant 2 : i32
      %mul3A_330 = arith.muli %mul3A_329, %while3A_327 : i32
      %add3A_331 = arith.constant 2 : i32
      %add3A_332 = arith.addi %mul3A_330, %add3A_331 : i32
      %dma_wait3A_333 = arith.constant 0 : i32
      %dma_wait3A_334 = arith.constant 0 : i32
      %dma_wait3A_335 = arith.constant 0 : i32
      %dma_wait3A_336 = tpu.memref_slice %arg6[%dma_wait3A_334, %dma_wait3A_335] : memref<2x640xi32, #tpu.memory_space<vmem>> -> memref<1x640xi32, #tpu.memory_space<vmem>>
      %dma_wait3A_337 = tpu.memref_squeeze %dma_wait3A_336 : memref<1x640xi32, #tpu.memory_space<vmem>> -> memref<640xi32, #tpu.memory_space<vmem>>
      %dma_wait3A_338 = arith.constant 0 : i32
      %dma_wait3A_339 = tpu.memref_slice %arg3[%dma_wait3A_333, %dma_wait3A_338] : memref<5000x640xi32, #tpu.memory_space<hbm>> -> memref<1x640xi32, #tpu.memory_space<hbm>>
      %dma_wait3A_340 = tpu.memref_squeeze %dma_wait3A_339 : memref<1x640xi32, #tpu.memory_space<hbm>> -> memref<640xi32, #tpu.memory_space<hbm>>
      %dma_wait3A_341 = arith.constant 0 : i32
      %dma_wait3A_342 = tpu.memref_slice %arg6[%dma_wait3A_334, %dma_wait3A_341] : memref<2x640xi32, #tpu.memory_space<vmem>> -> memref<1x640xi32, #tpu.memory_space<vmem>>
      %dma_wait3A_343 = tpu.memref_squeeze %dma_wait3A_342 : memref<1x640xi32, #tpu.memory_space<vmem>> -> memref<640xi32, #tpu.memory_space<vmem>>
      %dma_wait3A_344 = arith.constant 0 : i32
      %dma_wait3A_345 = tpu.memref_slice %arg3[%dma_wait3A_333, %dma_wait3A_344] : memref<5000x640xi32, #tpu.memory_space<hbm>> -> memref<1x640xi32, #tpu.memory_space<hbm>>
      %dma_wait3A_346 = tpu.memref_squeeze %dma_wait3A_345 : memref<1x640xi32, #tpu.memory_space<hbm>> -> memref<640xi32, #tpu.memory_space<hbm>>
      tpu.wait_dma2 semaphore(%arg15 : memref<!tpu.dma_semaphore, #tpu.memory_space<semaphore_mem>>) src(%dma_wait3A_346 : memref<640xi32, #tpu.memory_space<hbm>>) dst(%dma_wait3A_343 : memref<640xi32, #tpu.memory_space<vmem>>)
      %dma_wait3A_347 = arith.constant 0 : i32
      %dma_wait3A_348 = arith.constant 0 : i32
      %dma_wait3A_349 = arith.constant 0 : i32
      %dma_wait3A_350 = tpu.memref_slice %arg7[%dma_wait3A_348, %dma_wait3A_349] : memref<2x640xi32, #tpu.memory_space<vmem>> -> memref<1x640xi32, #tpu.memory_space<vmem>>
      %dma_wait3A_351 = tpu.memref_squeeze %dma_wait3A_350 : memref<1x640xi32, #tpu.memory_space<vmem>> -> memref<640xi32, #tpu.memory_space<vmem>>
      %dma_wait3A_352 = arith.constant 0 : i32
      %dma_wait3A_353 = tpu.memref_slice %arg4[%dma_wait3A_347, %dma_wait3A_352] : memref<5000x640xi32, #tpu.memory_space<hbm>> -> memref<1x640xi32, #tpu.memory_space<hbm>>
      %dma_wait3A_354 = tpu.memref_squeeze %dma_wait3A_353 : memref<1x640xi32, #tpu.memory_space<hbm>> -> memref<640xi32, #tpu.memory_space<hbm>>
      %dma_wait3A_355 = arith.constant 0 : i32
      %dma_wait3A_356 = tpu.memref_slice %arg7[%dma_wait3A_348, %dma_wait3A_355] : memref<2x640xi32, #tpu.memory_space<vmem>> -> memref<1x640xi32, #tpu.memory_space<vmem>>
      %dma_wait3A_357 = tpu.memref_squeeze %dma_wait3A_356 : memref<1x640xi32, #tpu.memory_space<vmem>> -> memref<640xi32, #tpu.memory_space<vmem>>
      %dma_wait3A_358 = arith.constant 0 : i32
      %dma_wait3A_359 = tpu.memref_slice %arg4[%dma_wait3A_347, %dma_wait3A_358] : memref<5000x640xi32, #tpu.memory_space<hbm>> -> memref<1x640xi32, #tpu.memory_space<hbm>>
      %dma_wait3A_360 = tpu.memref_squeeze %dma_wait3A_359 : memref<1x640xi32, #tpu.memory_space<hbm>> -> memref<640xi32, #tpu.memory_space<hbm>>
      tpu.wait_dma2 semaphore(%arg15 : memref<!tpu.dma_semaphore, #tpu.memory_space<semaphore_mem>>) src(%dma_wait3A_360 : memref<640xi32, #tpu.memory_space<hbm>>) dst(%dma_wait3A_357 : memref<640xi32, #tpu.memory_space<vmem>>)
      %dma_start3A_361 = arith.constant 0 : i32
      %dma_start3A_362 = arith.constant 0 : i32
      %dma_start3A_363 = arith.constant 0 : i32
      %dma_start3A_364 = arith.constant 0 : i32
      %dma_start3A_365 = tpu.memref_slice %arg8[%dma_start3A_362, %dma_start3A_363, %dma_start3A_364] : memref<2x640x16xf32, #tpu.memory_space<vmem>> -> memref<1x640x16xf32, #tpu.memory_space<vmem>>
      %dma_start3A_366 = tpu.memref_squeeze %dma_start3A_365 : memref<1x640x16xf32, #tpu.memory_space<vmem>> -> memref<640x16xf32, #tpu.memory_space<vmem>>
      %dma_start3A_367 = arith.constant 0 : i32
      %dma_start3A_368 = tpu.memref_slice %arg6[%dma_start3A_361, %dma_start3A_367] : memref<2x640xi32, #tpu.memory_space<vmem>> -> memref<1x640xi32, #tpu.memory_space<vmem>>
      %dma_start3A_369 = tpu.memref_squeeze %dma_start3A_368 : memref<1x640xi32, #tpu.memory_space<vmem>> -> memref<640xi32, #tpu.memory_space<vmem>>
      %dma_start3A_370 = arith.constant 0 : i32
      %dma_start3A_371 = arith.constant 0 : i32
      %dma_start3A_372 = tpu.memref_slice %arg2[%dma_start3A_370, %dma_start3A_371] : memref<100096x16xf32, #tpu.memory_space<hbm>> -> memref<100096x16xf32, #tpu.memory_space<hbm>>
      tpu.enqueue_indirect_dma source(%dma_start3A_372 : memref<100096x16xf32, #tpu.memory_space<hbm>>) target(%dma_start3A_366 : memref<640x16xf32, #tpu.memory_space<vmem>>) offsets(%dma_start3A_369 : memref<640xi32, #tpu.memory_space<vmem>>) semaphore(%arg11 : memref<!tpu.dma_semaphore, #tpu.memory_space<semaphore_mem>>)
      %dma_wait3A_373 = arith.constant 1 : i32
      %dma_wait3A_374 = arith.constant 1 : i32
      %dma_wait3A_375 = arith.constant 0 : i32
      %dma_wait3A_376 = arith.constant 0 : i32
      %dma_wait3A_377 = tpu.memref_slice %arg8[%dma_wait3A_373, %dma_wait3A_375, %dma_wait3A_376] : memref<2x640x16xf32, #tpu.memory_space<vmem>> -> memref<1x640x16xf32, #tpu.memory_space<vmem>>
      %dma_wait3A_378 = tpu.memref_squeeze %dma_wait3A_377 : memref<1x640x16xf32, #tpu.memory_space<vmem>> -> memref<640x16xf32, #tpu.memory_space<vmem>>
      %dma_wait3A_379 = arith.constant 0 : i32
      %dma_wait3A_380 = tpu.memref_slice %arg7[%dma_wait3A_374, %dma_wait3A_379] : memref<2x640xi32, #tpu.memory_space<vmem>> -> memref<1x640xi32, #tpu.memory_space<vmem>>
      %dma_wait3A_381 = tpu.memref_squeeze %dma_wait3A_380 : memref<1x640xi32, #tpu.memory_space<vmem>> -> memref<640xi32, #tpu.memory_space<vmem>>
      %dma_wait3A_382 = arith.constant 0 : i32
      %dma_wait3A_383 = arith.constant 0 : i32
      %dma_wait3A_384 = tpu.memref_slice %arg10[%dma_wait3A_382, %dma_wait3A_383] : memref<100096x16xf32, #tpu.memory_space<vmem_shared>> -> memref<100096x16xf32, #tpu.memory_space<vmem_shared>>
      tpu.wait_indirect_dma semaphore(%arg14 : memref<!tpu.dma_semaphore, #tpu.memory_space<semaphore_mem>>) src(%dma_wait3A_378 : memref<640x16xf32, #tpu.memory_space<vmem>>) dst(%dma_wait3A_384 : memref<100096x16xf32, #tpu.memory_space<vmem_shared>>)
      %add3A_385 = arith.constant 1 : i32
      %add3A_386 = arith.addi %add3A_332, %add3A_385 : i32
      %add3A_387 = arith.addi %add3A_10, %add3A_386 : i32
      %min3A_388 = arith.minsi %add3A_387, %sub3A_13 : i32
      %dma_start3A_389 = arith.constant 1 : i32
      %dma_start3A_390 = arith.constant 0 : i32
      %dma_start3A_391 = tpu.memref_slice %arg6[%dma_start3A_389, %dma_start3A_390] : memref<2x640xi32, #tpu.memory_space<vmem>> -> memref<1x640xi32, #tpu.memory_space<vmem>>
      %dma_start3A_392 = tpu.memref_squeeze %dma_start3A_391 : memref<1x640xi32, #tpu.memory_space<vmem>> -> memref<640xi32, #tpu.memory_space<vmem>>
      %dma_start3A_393 = arith.constant 0 : i32
      %dma_start3A_394 = tpu.memref_slice %arg3[%min3A_388, %dma_start3A_393] : memref<5000x640xi32, #tpu.memory_space<hbm>> -> memref<1x640xi32, #tpu.memory_space<hbm>>
      %dma_start3A_395 = tpu.memref_squeeze %dma_start3A_394 : memref<1x640xi32, #tpu.memory_space<hbm>> -> memref<640xi32, #tpu.memory_space<hbm>>
      %dma_start3A_396 = arith.constant 0 : i32
      %dma_start3A_397 = tpu.memref_slice %arg6[%dma_start3A_389, %dma_start3A_396] : memref<2x640xi32, #tpu.memory_space<vmem>> -> memref<1x640xi32, #tpu.memory_space<vmem>>
      %dma_start3A_398 = tpu.memref_squeeze %dma_start3A_397 : memref<1x640xi32, #tpu.memory_space<vmem>> -> memref<640xi32, #tpu.memory_space<vmem>>
      %dma_start3A_399 = arith.constant 0 : i32
      %dma_start3A_400 = tpu.memref_slice %arg3[%min3A_388, %dma_start3A_399] : memref<5000x640xi32, #tpu.memory_space<hbm>> -> memref<1x640xi32, #tpu.memory_space<hbm>>
      %dma_start3A_401 = tpu.memref_squeeze %dma_start3A_400 : memref<1x640xi32, #tpu.memory_space<hbm>> -> memref<640xi32, #tpu.memory_space<hbm>>
      tpu.enqueue_dma source(%dma_start3A_401 : memref<640xi32, #tpu.memory_space<hbm>>) target(%dma_start3A_398 : memref<640xi32, #tpu.memory_space<vmem>>) target_semaphore(%arg16 : memref<!tpu.dma_semaphore, #tpu.memory_space<semaphore_mem>>)
      %dma_start3A_402 = arith.constant 1 : i32
      %dma_start3A_403 = arith.constant 0 : i32
      %dma_start3A_404 = tpu.memref_slice %arg7[%dma_start3A_402, %dma_start3A_403] : memref<2x640xi32, #tpu.memory_space<vmem>> -> memref<1x640xi32, #tpu.memory_space<vmem>>
      %dma_start3A_405 = tpu.memref_squeeze %dma_start3A_404 : memref<1x640xi32, #tpu.memory_space<vmem>> -> memref<640xi32, #tpu.memory_space<vmem>>
      %dma_start3A_406 = arith.constant 0 : i32
      %dma_start3A_407 = tpu.memref_slice %arg4[%min3A_388, %dma_start3A_406] : memref<5000x640xi32, #tpu.memory_space<hbm>> -> memref<1x640xi32, #tpu.memory_space<hbm>>
      %dma_start3A_408 = tpu.memref_squeeze %dma_start3A_407 : memref<1x640xi32, #tpu.memory_space<hbm>> -> memref<640xi32, #tpu.memory_space<hbm>>
      %dma_start3A_409 = arith.constant 0 : i32
      %dma_start3A_410 = tpu.memref_slice %arg7[%dma_start3A_402, %dma_start3A_409] : memref<2x640xi32, #tpu.memory_space<vmem>> -> memref<1x640xi32, #tpu.memory_space<vmem>>
      %dma_start3A_411 = tpu.memref_squeeze %dma_start3A_410 : memref<1x640xi32, #tpu.memory_space<vmem>> -> memref<640xi32, #tpu.memory_space<vmem>>
      %dma_start3A_412 = arith.constant 0 : i32
      %dma_start3A_413 = tpu.memref_slice %arg4[%min3A_388, %dma_start3A_412] : memref<5000x640xi32, #tpu.memory_space<hbm>> -> memref<1x640xi32, #tpu.memory_space<hbm>>
      %dma_start3A_414 = tpu.memref_squeeze %dma_start3A_413 : memref<1x640xi32, #tpu.memory_space<hbm>> -> memref<640xi32, #tpu.memory_space<hbm>>
      tpu.enqueue_dma source(%dma_start3A_414 : memref<640xi32, #tpu.memory_space<hbm>>) target(%dma_start3A_411 : memref<640xi32, #tpu.memory_space<vmem>>) target_semaphore(%arg16 : memref<!tpu.dma_semaphore, #tpu.memory_space<semaphore_mem>>)
      %dma_wait3A_415 = arith.constant 0 : i32
      %dma_wait3A_416 = arith.constant 0 : i32
      %dma_wait3A_417 = arith.constant 0 : i32
      %dma_wait3A_418 = arith.constant 0 : i32
      %dma_wait3A_419 = tpu.memref_slice %arg8[%dma_wait3A_416, %dma_wait3A_417, %dma_wait3A_418] : memref<2x640x16xf32, #tpu.memory_space<vmem>> -> memref<1x640x16xf32, #tpu.memory_space<vmem>>
      %dma_wait3A_420 = tpu.memref_squeeze %dma_wait3A_419 : memref<1x640x16xf32, #tpu.memory_space<vmem>> -> memref<640x16xf32, #tpu.memory_space<vmem>>
      %dma_wait3A_421 = arith.constant 0 : i32
      %dma_wait3A_422 = tpu.memref_slice %arg6[%dma_wait3A_415, %dma_wait3A_421] : memref<2x640xi32, #tpu.memory_space<vmem>> -> memref<1x640xi32, #tpu.memory_space<vmem>>
      %dma_wait3A_423 = tpu.memref_squeeze %dma_wait3A_422 : memref<1x640xi32, #tpu.memory_space<vmem>> -> memref<640xi32, #tpu.memory_space<vmem>>
      %dma_wait3A_424 = arith.constant 0 : i32
      %dma_wait3A_425 = arith.constant 0 : i32
      %dma_wait3A_426 = tpu.memref_slice %arg2[%dma_wait3A_424, %dma_wait3A_425] : memref<100096x16xf32, #tpu.memory_space<hbm>> -> memref<100096x16xf32, #tpu.memory_space<hbm>>
      tpu.wait_indirect_dma semaphore(%arg11 : memref<!tpu.dma_semaphore, #tpu.memory_space<semaphore_mem>>) src(%dma_wait3A_426 : memref<100096x16xf32, #tpu.memory_space<hbm>>) dst(%dma_wait3A_420 : memref<640x16xf32, #tpu.memory_space<vmem>>)
      %dma_start3A_427 = arith.constant 0 : i32
      %dma_start3A_428 = arith.constant 0 : i32
      %dma_start3A_429 = arith.constant 0 : i32
      %dma_start3A_430 = arith.constant 0 : i32
      %dma_start3A_431 = tpu.memref_slice %arg8[%dma_start3A_427, %dma_start3A_429, %dma_start3A_430] : memref<2x640x16xf32, #tpu.memory_space<vmem>> -> memref<1x640x16xf32, #tpu.memory_space<vmem>>
      %dma_start3A_432 = tpu.memref_squeeze %dma_start3A_431 : memref<1x640x16xf32, #tpu.memory_space<vmem>> -> memref<640x16xf32, #tpu.memory_space<vmem>>
      %dma_start3A_433 = arith.constant 0 : i32
      %dma_start3A_434 = tpu.memref_slice %arg7[%dma_start3A_428, %dma_start3A_433] : memref<2x640xi32, #tpu.memory_space<vmem>> -> memref<1x640xi32, #tpu.memory_space<vmem>>
      %dma_start3A_435 = tpu.memref_squeeze %dma_start3A_434 : memref<1x640xi32, #tpu.memory_space<vmem>> -> memref<640xi32, #tpu.memory_space<vmem>>
      %dma_start3A_436 = arith.constant 0 : i32
      %dma_start3A_437 = arith.constant 0 : i32
      %dma_start3A_438 = tpu.memref_slice %arg10[%dma_start3A_436, %dma_start3A_437] : memref<100096x16xf32, #tpu.memory_space<vmem_shared>> -> memref<100096x16xf32, #tpu.memory_space<vmem_shared>>
      tpu.enqueue_indirect_dma source(%dma_start3A_432 : memref<640x16xf32, #tpu.memory_space<vmem>>) target(%dma_start3A_438 : memref<100096x16xf32, #tpu.memory_space<vmem_shared>>) offsets(%dma_start3A_435 : memref<640xi32, #tpu.memory_space<vmem>>) semaphore(%arg13 : memref<!tpu.dma_semaphore, #tpu.memory_space<semaphore_mem>>) {add = true}
      %dma_wait3A_439 = arith.constant 0 : i32
      %dma_wait3A_440 = arith.constant 1 : i32
      %dma_wait3A_441 = arith.constant 0 : i32
      %dma_wait3A_442 = tpu.memref_slice %arg6[%dma_wait3A_440, %dma_wait3A_441] : memref<2x640xi32, #tpu.memory_space<vmem>> -> memref<1x640xi32, #tpu.memory_space<vmem>>
      %dma_wait3A_443 = tpu.memref_squeeze %dma_wait3A_442 : memref<1x640xi32, #tpu.memory_space<vmem>> -> memref<640xi32, #tpu.memory_space<vmem>>
      %dma_wait3A_444 = arith.constant 0 : i32
      %dma_wait3A_445 = tpu.memref_slice %arg3[%dma_wait3A_439, %dma_wait3A_444] : memref<5000x640xi32, #tpu.memory_space<hbm>> -> memref<1x640xi32, #tpu.memory_space<hbm>>
      %dma_wait3A_446 = tpu.memref_squeeze %dma_wait3A_445 : memref<1x640xi32, #tpu.memory_space<hbm>> -> memref<640xi32, #tpu.memory_space<hbm>>
      %dma_wait3A_447 = arith.constant 0 : i32
      %dma_wait3A_448 = tpu.memref_slice %arg6[%dma_wait3A_440, %dma_wait3A_447] : memref<2x640xi32, #tpu.memory_space<vmem>> -> memref<1x640xi32, #tpu.memory_space<vmem>>
      %dma_wait3A_449 = tpu.memref_squeeze %dma_wait3A_448 : memref<1x640xi32, #tpu.memory_space<vmem>> -> memref<640xi32, #tpu.memory_space<vmem>>
      %dma_wait3A_450 = arith.constant 0 : i32
      %dma_wait3A_451 = tpu.memref_slice %arg3[%dma_wait3A_439, %dma_wait3A_450] : memref<5000x640xi32, #tpu.memory_space<hbm>> -> memref<1x640xi32, #tpu.memory_space<hbm>>
      %dma_wait3A_452 = tpu.memref_squeeze %dma_wait3A_451 : memref<1x640xi32, #tpu.memory_space<hbm>> -> memref<640xi32, #tpu.memory_space<hbm>>
      tpu.wait_dma2 semaphore(%arg16 : memref<!tpu.dma_semaphore, #tpu.memory_space<semaphore_mem>>) src(%dma_wait3A_452 : memref<640xi32, #tpu.memory_space<hbm>>) dst(%dma_wait3A_449 : memref<640xi32, #tpu.memory_space<vmem>>)
      %dma_wait3A_453 = arith.constant 0 : i32
      %dma_wait3A_454 = arith.constant 1 : i32
      %dma_wait3A_455 = arith.constant 0 : i32
      %dma_wait3A_456 = tpu.memref_slice %arg7[%dma_wait3A_454, %dma_wait3A_455] : memref<2x640xi32, #tpu.memory_space<vmem>> -> memref<1x640xi32, #tpu.memory_space<vmem>>
      %dma_wait3A_457 = tpu.memref_squeeze %dma_wait3A_456 : memref<1x640xi32, #tpu.memory_space<vmem>> -> memref<640xi32, #tpu.memory_space<vmem>>
      %dma_wait3A_458 = arith.constant 0 : i32
      %dma_wait3A_459 = tpu.memref_slice %arg4[%dma_wait3A_453, %dma_wait3A_458] : memref<5000x640xi32, #tpu.memory_space<hbm>> -> memref<1x640xi32, #tpu.memory_space<hbm>>
      %dma_wait3A_460 = tpu.memref_squeeze %dma_wait3A_459 : memref<1x640xi32, #tpu.memory_space<hbm>> -> memref<640xi32, #tpu.memory_space<hbm>>
      %dma_wait3A_461 = arith.constant 0 : i32
      %dma_wait3A_462 = tpu.memref_slice %arg7[%dma_wait3A_454, %dma_wait3A_461] : memref<2x640xi32, #tpu.memory_space<vmem>> -> memref<1x640xi32, #tpu.memory_space<vmem>>
      %dma_wait3A_463 = tpu.memref_squeeze %dma_wait3A_462 : memref<1x640xi32, #tpu.memory_space<vmem>> -> memref<640xi32, #tpu.memory_space<vmem>>
      %dma_wait3A_464 = arith.constant 0 : i32
      %dma_wait3A_465 = tpu.memref_slice %arg4[%dma_wait3A_453, %dma_wait3A_464] : memref<5000x640xi32, #tpu.memory_space<hbm>> -> memref<1x640xi32, #tpu.memory_space<hbm>>
      %dma_wait3A_466 = tpu.memref_squeeze %dma_wait3A_465 : memref<1x640xi32, #tpu.memory_space<hbm>> -> memref<640xi32, #tpu.memory_space<hbm>>
      tpu.wait_dma2 semaphore(%arg16 : memref<!tpu.dma_semaphore, #tpu.memory_space<semaphore_mem>>) src(%dma_wait3A_466 : memref<640xi32, #tpu.memory_space<hbm>>) dst(%dma_wait3A_463 : memref<640xi32, #tpu.memory_space<vmem>>)
      %dma_start3A_467 = arith.constant 1 : i32
      %dma_start3A_468 = arith.constant 1 : i32
      %dma_start3A_469 = arith.constant 0 : i32
      %dma_start3A_470 = arith.constant 0 : i32
      %dma_start3A_471 = tpu.memref_slice %arg8[%dma_start3A_468, %dma_start3A_469, %dma_start3A_470] : memref<2x640x16xf32, #tpu.memory_space<vmem>> -> memref<1x640x16xf32, #tpu.memory_space<vmem>>
      %dma_start3A_472 = tpu.memref_squeeze %dma_start3A_471 : memref<1x640x16xf32, #tpu.memory_space<vmem>> -> memref<640x16xf32, #tpu.memory_space<vmem>>
      %dma_start3A_473 = arith.constant 0 : i32
      %dma_start3A_474 = tpu.memref_slice %arg6[%dma_start3A_467, %dma_start3A_473] : memref<2x640xi32, #tpu.memory_space<vmem>> -> memref<1x640xi32, #tpu.memory_space<vmem>>
      %dma_start3A_475 = tpu.memref_squeeze %dma_start3A_474 : memref<1x640xi32, #tpu.memory_space<vmem>> -> memref<640xi32, #tpu.memory_space<vmem>>
      %dma_start3A_476 = arith.constant 0 : i32
      %dma_start3A_477 = arith.constant 0 : i32
      %dma_start3A_478 = tpu.memref_slice %arg2[%dma_start3A_476, %dma_start3A_477] : memref<100096x16xf32, #tpu.memory_space<hbm>> -> memref<100096x16xf32, #tpu.memory_space<hbm>>
      tpu.enqueue_indirect_dma source(%dma_start3A_478 : memref<100096x16xf32, #tpu.memory_space<hbm>>) target(%dma_start3A_472 : memref<640x16xf32, #tpu.memory_space<vmem>>) offsets(%dma_start3A_475 : memref<640xi32, #tpu.memory_space<vmem>>) semaphore(%arg12 : memref<!tpu.dma_semaphore, #tpu.memory_space<semaphore_mem>>)
      %dma_wait3A_479 = arith.constant 0 : i32
      %dma_wait3A_480 = arith.constant 0 : i32
      %dma_wait3A_481 = arith.constant 0 : i32
      %dma_wait3A_482 = arith.constant 0 : i32
      %dma_wait3A_483 = tpu.memref_slice %arg8[%dma_wait3A_479, %dma_wait3A_481, %dma_wait3A_482] : memref<2x640x16xf32, #tpu.memory_space<vmem>> -> memref<1x640x16xf32, #tpu.memory_space<vmem>>
      %dma_wait3A_484 = tpu.memref_squeeze %dma_wait3A_483 : memref<1x640x16xf32, #tpu.memory_space<vmem>> -> memref<640x16xf32, #tpu.memory_space<vmem>>
      %dma_wait3A_485 = arith.constant 0 : i32
      %dma_wait3A_486 = tpu.memref_slice %arg7[%dma_wait3A_480, %dma_wait3A_485] : memref<2x640xi32, #tpu.memory_space<vmem>> -> memref<1x640xi32, #tpu.memory_space<vmem>>
      %dma_wait3A_487 = tpu.memref_squeeze %dma_wait3A_486 : memref<1x640xi32, #tpu.memory_space<vmem>> -> memref<640xi32, #tpu.memory_space<vmem>>
      %dma_wait3A_488 = arith.constant 0 : i32
      %dma_wait3A_489 = arith.constant 0 : i32
      %dma_wait3A_490 = tpu.memref_slice %arg10[%dma_wait3A_488, %dma_wait3A_489] : memref<100096x16xf32, #tpu.memory_space<vmem_shared>> -> memref<100096x16xf32, #tpu.memory_space<vmem_shared>>
      tpu.wait_indirect_dma semaphore(%arg13 : memref<!tpu.dma_semaphore, #tpu.memory_space<semaphore_mem>>) src(%dma_wait3A_484 : memref<640x16xf32, #tpu.memory_space<vmem>>) dst(%dma_wait3A_490 : memref<100096x16xf32, #tpu.memory_space<vmem_shared>>)
      %add3A_491 = arith.constant 2 : i32
      %add3A_492 = arith.addi %add3A_332, %add3A_491 : i32
      %add3A_493 = arith.addi %add3A_10, %add3A_492 : i32
      %min3A_494 = arith.minsi %add3A_493, %sub3A_13 : i32
      %dma_start3A_495 = arith.constant 0 : i32
      %dma_start3A_496 = arith.constant 0 : i32
      %dma_start3A_497 = tpu.memref_slice %arg6[%dma_start3A_495, %dma_start3A_496] : memref<2x640xi32, #tpu.memory_space<vmem>> -> memref<1x640xi32, #tpu.memory_space<vmem>>
      %dma_start3A_498 = tpu.memref_squeeze %dma_start3A_497 : memref<1x640xi32, #tpu.memory_space<vmem>> -> memref<640xi32, #tpu.memory_space<vmem>>
      %dma_start3A_499 = arith.constant 0 : i32
      %dma_start3A_500 = tpu.memref_slice %arg3[%min3A_494, %dma_start3A_499] : memref<5000x640xi32, #tpu.memory_space<hbm>> -> memref<1x640xi32, #tpu.memory_space<hbm>>
      %dma_start3A_501 = tpu.memref_squeeze %dma_start3A_500 : memref<1x640xi32, #tpu.memory_space<hbm>> -> memref<640xi32, #tpu.memory_space<hbm>>
      %dma_start3A_502 = arith.constant 0 : i32
      %dma_start3A_503 = tpu.memref_slice %arg6[%dma_start3A_495, %dma_start3A_502] : memref<2x640xi32, #tpu.memory_space<vmem>> -> memref<1x640xi32, #tpu.memory_space<vmem>>
      %dma_start3A_504 = tpu.memref_squeeze %dma_start3A_503 : memref<1x640xi32, #tpu.memory_space<vmem>> -> memref<640xi32, #tpu.memory_space<vmem>>
      %dma_start3A_505 = arith.constant 0 : i32
      %dma_start3A_506 = tpu.memref_slice %arg3[%min3A_494, %dma_start3A_505] : memref<5000x640xi32, #tpu.memory_space<hbm>> -> memref<1x640xi32, #tpu.memory_space<hbm>>
      %dma_start3A_507 = tpu.memref_squeeze %dma_start3A_506 : memref<1x640xi32, #tpu.memory_space<hbm>> -> memref<640xi32, #tpu.memory_space<hbm>>
      tpu.enqueue_dma source(%dma_start3A_507 : memref<640xi32, #tpu.memory_space<hbm>>) target(%dma_start3A_504 : memref<640xi32, #tpu.memory_space<vmem>>) target_semaphore(%arg15 : memref<!tpu.dma_semaphore, #tpu.memory_space<semaphore_mem>>)
      %dma_start3A_508 = arith.constant 0 : i32
      %dma_start3A_509 = arith.constant 0 : i32
      %dma_start3A_510 = tpu.memref_slice %arg7[%dma_start3A_508, %dma_start3A_509] : memref<2x640xi32, #tpu.memory_space<vmem>> -> memref<1x640xi32, #tpu.memory_space<vmem>>
      %dma_start3A_511 = tpu.memref_squeeze %dma_start3A_510 : memref<1x640xi32, #tpu.memory_space<vmem>> -> memref<640xi32, #tpu.memory_space<vmem>>
      %dma_start3A_512 = arith.constant 0 : i32
      %dma_start3A_513 = tpu.memref_slice %arg4[%min3A_494, %dma_start3A_512] : memref<5000x640xi32, #tpu.memory_space<hbm>> -> memref<1x640xi32, #tpu.memory_space<hbm>>
      %dma_start3A_514 = tpu.memref_squeeze %dma_start3A_513 : memref<1x640xi32, #tpu.memory_space<hbm>> -> memref<640xi32, #tpu.memory_space<hbm>>
      %dma_start3A_515 = arith.constant 0 : i32
      %dma_start3A_516 = tpu.memref_slice %arg7[%dma_start3A_508, %dma_start3A_515] : memref<2x640xi32, #tpu.memory_space<vmem>> -> memref<1x640xi32, #tpu.memory_space<vmem>>
      %dma_start3A_517 = tpu.memref_squeeze %dma_start3A_516 : memref<1x640xi32, #tpu.memory_space<vmem>> -> memref<640xi32, #tpu.memory_space<vmem>>
      %dma_start3A_518 = arith.constant 0 : i32
      %dma_start3A_519 = tpu.memref_slice %arg4[%min3A_494, %dma_start3A_518] : memref<5000x640xi32, #tpu.memory_space<hbm>> -> memref<1x640xi32, #tpu.memory_space<hbm>>
      %dma_start3A_520 = tpu.memref_squeeze %dma_start3A_519 : memref<1x640xi32, #tpu.memory_space<hbm>> -> memref<640xi32, #tpu.memory_space<hbm>>
      tpu.enqueue_dma source(%dma_start3A_520 : memref<640xi32, #tpu.memory_space<hbm>>) target(%dma_start3A_517 : memref<640xi32, #tpu.memory_space<vmem>>) target_semaphore(%arg15 : memref<!tpu.dma_semaphore, #tpu.memory_space<semaphore_mem>>)
      %dma_wait3A_521 = arith.constant 1 : i32
      %dma_wait3A_522 = arith.constant 1 : i32
      %dma_wait3A_523 = arith.constant 0 : i32
      %dma_wait3A_524 = arith.constant 0 : i32
      %dma_wait3A_525 = tpu.memref_slice %arg8[%dma_wait3A_522, %dma_wait3A_523, %dma_wait3A_524] : memref<2x640x16xf32, #tpu.memory_space<vmem>> -> memref<1x640x16xf32, #tpu.memory_space<vmem>>
      %dma_wait3A_526 = tpu.memref_squeeze %dma_wait3A_525 : memref<1x640x16xf32, #tpu.memory_space<vmem>> -> memref<640x16xf32, #tpu.memory_space<vmem>>
      %dma_wait3A_527 = arith.constant 0 : i32
      %dma_wait3A_528 = tpu.memref_slice %arg6[%dma_wait3A_521, %dma_wait3A_527] : memref<2x640xi32, #tpu.memory_space<vmem>> -> memref<1x640xi32, #tpu.memory_space<vmem>>
      %dma_wait3A_529 = tpu.memref_squeeze %dma_wait3A_528 : memref<1x640xi32, #tpu.memory_space<vmem>> -> memref<640xi32, #tpu.memory_space<vmem>>
      %dma_wait3A_530 = arith.constant 0 : i32
      %dma_wait3A_531 = arith.constant 0 : i32
      %dma_wait3A_532 = tpu.memref_slice %arg2[%dma_wait3A_530, %dma_wait3A_531] : memref<100096x16xf32, #tpu.memory_space<hbm>> -> memref<100096x16xf32, #tpu.memory_space<hbm>>
      tpu.wait_indirect_dma semaphore(%arg12 : memref<!tpu.dma_semaphore, #tpu.memory_space<semaphore_mem>>) src(%dma_wait3A_532 : memref<100096x16xf32, #tpu.memory_space<hbm>>) dst(%dma_wait3A_526 : memref<640x16xf32, #tpu.memory_space<vmem>>)
      %dma_start3A_533 = arith.constant 1 : i32
      %dma_start3A_534 = arith.constant 1 : i32
      %dma_start3A_535 = arith.constant 0 : i32
      %dma_start3A_536 = arith.constant 0 : i32
      %dma_start3A_537 = tpu.memref_slice %arg8[%dma_start3A_533, %dma_start3A_535, %dma_start3A_536] : memref<2x640x16xf32, #tpu.memory_space<vmem>> -> memref<1x640x16xf32, #tpu.memory_space<vmem>>
      %dma_start3A_538 = tpu.memref_squeeze %dma_start3A_537 : memref<1x640x16xf32, #tpu.memory_space<vmem>> -> memref<640x16xf32, #tpu.memory_space<vmem>>
      %dma_start3A_539 = arith.constant 0 : i32
      %dma_start3A_540 = tpu.memref_slice %arg7[%dma_start3A_534, %dma_start3A_539] : memref<2x640xi32, #tpu.memory_space<vmem>> -> memref<1x640xi32, #tpu.memory_space<vmem>>
      %dma_start3A_541 = tpu.memref_squeeze %dma_start3A_540 : memref<1x640xi32, #tpu.memory_space<vmem>> -> memref<640xi32, #tpu.memory_space<vmem>>
      %dma_start3A_542 = arith.constant 0 : i32
      %dma_start3A_543 = arith.constant 0 : i32
      %dma_start3A_544 = tpu.memref_slice %arg10[%dma_start3A_542, %dma_start3A_543] : memref<100096x16xf32, #tpu.memory_space<vmem_shared>> -> memref<100096x16xf32, #tpu.memory_space<vmem_shared>>
      tpu.enqueue_indirect_dma source(%dma_start3A_538 : memref<640x16xf32, #tpu.memory_space<vmem>>) target(%dma_start3A_544 : memref<100096x16xf32, #tpu.memory_space<vmem_shared>>) offsets(%dma_start3A_541 : memref<640xi32, #tpu.memory_space<vmem>>) semaphore(%arg14 : memref<!tpu.dma_semaphore, #tpu.memory_space<semaphore_mem>>) {add = true}
      %while3A_545 = arith.constant 0 : i32
      scf.yield %while3A_545 : i32
    }
    %while3A_280 = arith.constant 1 : i32
    %while3A_281 = scf.for %while3A_327 = %while3A_277 to %while3A_273 step %while3A_280 iter_args(%while3A_328 = %while3A_279) -> (i32)  : i32 {
      %mul3A_329 = arith.constant 2 : i32
      %mul3A_330 = arith.muli %mul3A_329, %while3A_327 : i32
      %add3A_331 = arith.constant 2 : i32
      %add3A_332 = arith.addi %mul3A_330, %add3A_331 : i32
      %dma_wait3A_333 = arith.constant 0 : i32
      %dma_wait3A_334 = arith.constant 0 : i32
      %dma_wait3A_335 = arith.constant 0 : i32
      %dma_wait3A_336 = tpu.memref_slice %arg6[%dma_wait3A_334, %dma_wait3A_335] : memref<2x640xi32, #tpu.memory_space<vmem>> -> memref<1x640xi32, #tpu.memory_space<vmem>>
      %dma_wait3A_337 = tpu.memref_squeeze %dma_wait3A_336 : memref<1x640xi32, #tpu.memory_space<vmem>> -> memref<640xi32, #tpu.memory_space<vmem>>
      %dma_wait3A_338 = arith.constant 0 : i32
      %dma_wait3A_339 = tpu.memref_slice %arg3[%dma_wait3A_333, %dma_wait3A_338] : memref<5000x640xi32, #tpu.memory_space<hbm>> -> memref<1x640xi32, #tpu.memory_space<hbm>>
      %dma_wait3A_340 = tpu.memref_squeeze %dma_wait3A_339 : memref<1x640xi32, #tpu.memory_space<hbm>> -> memref<640xi32, #tpu.memory_space<hbm>>
      %dma_wait3A_341 = arith.constant 0 : i32
      %dma_wait3A_342 = tpu.memref_slice %arg6[%dma_wait3A_334, %dma_wait3A_341] : memref<2x640xi32, #tpu.memory_space<vmem>> -> memref<1x640xi32, #tpu.memory_space<vmem>>
      %dma_wait3A_343 = tpu.memref_squeeze %dma_wait3A_342 : memref<1x640xi32, #tpu.memory_space<vmem>> -> memref<640xi32, #tpu.memory_space<vmem>>
      %dma_wait3A_344 = arith.constant 0 : i32
      %dma_wait3A_345 = tpu.memref_slice %arg3[%dma_wait3A_333, %dma_wait3A_344] : memref<5000x640xi32, #tpu.memory_space<hbm>> -> memref<1x640xi32, #tpu.memory_space<hbm>>
      %dma_wait3A_346 = tpu.memref_squeeze %dma_wait3A_345 : memref<1x640xi32, #tpu.memory_space<hbm>> -> memref<640xi32, #tpu.memory_space<hbm>>
      tpu.wait_dma2 semaphore(%arg15 : memref<!tpu.dma_semaphore, #tpu.memory_space<semaphore_mem>>) src(%dma_wait3A_346 : memref<640xi32, #tpu.memory_space<hbm>>) dst(%dma_wait3A_343 : memref<640xi32, #tpu.memory_space<vmem>>)
      %dma_wait3A_347 = arith.constant 0 : i32
      %dma_wait3A_348 = arith.constant 0 : i32
      %dma_wait3A_349 = arith.constant 0 : i32
      %dma_wait3A_350 = tpu.memref_slice %arg7[%dma_wait3A_348, %dma_wait3A_349] : memref<2x640xi32, #tpu.memory_space<vmem>> -> memref<1x640xi32, #tpu.memory_space<vmem>>
      %dma_wait3A_351 = tpu.memref_squeeze %dma_wait3A_350 : memref<1x640xi32, #tpu.memory_space<vmem>> -> memref<640xi32, #tpu.memory_space<vmem>>
      %dma_wait3A_352 = arith.constant 0 : i32
      %dma_wait3A_353 = tpu.memref_slice %arg4[%dma_wait3A_347, %dma_wait3A_352] : memref<5000x640xi32, #tpu.memory_space<hbm>> -> memref<1x640xi32, #tpu.memory_space<hbm>>
      %dma_wait3A_354 = tpu.memref_squeeze %dma_wait3A_353 : memref<1x640xi32, #tpu.memory_space<hbm>> -> memref<640xi32, #tpu.memory_space<hbm>>
      %dma_wait3A_355 = arith.constant 0 : i32
      %dma_wait3A_356 = tpu.memref_slice %arg7[%dma_wait3A_348, %dma_wait3A_355] : memref<2x640xi32, #tpu.memory_space<vmem>> -> memref<1x640xi32, #tpu.memory_space<vmem>>
      %dma_wait3A_357 = tpu.memref_squeeze %dma_wait3A_356 : memref<1x640xi32, #tpu.memory_space<vmem>> -> memref<640xi32, #tpu.memory_space<vmem>>
      %dma_wait3A_358 = arith.constant 0 : i32
      %dma_wait3A_359 = tpu.memref_slice %arg4[%dma_wait3A_347, %dma_wait3A_358] : memref<5000x640xi32, #tpu.memory_space<hbm>> -> memref<1x640xi32, #tpu.memory_space<hbm>>
      %dma_wait3A_360 = tpu.memref_squeeze %dma_wait3A_359 : memref<1x640xi32, #tpu.memory_space<hbm>> -> memref<640xi32, #tpu.memory_space<hbm>>
      tpu.wait_dma2 semaphore(%arg15 : memref<!tpu.dma_semaphore, #tpu.memory_space<semaphore_mem>>) src(%dma_wait3A_360 : memref<640xi32, #tpu.memory_space<hbm>>) dst(%dma_wait3A_357 : memref<640xi32, #tpu.memory_space<vmem>>)
      %dma_start3A_361 = arith.constant 0 : i32
      %dma_start3A_362 = arith.constant 0 : i32
      %dma_start3A_363 = arith.constant 0 : i32
      %dma_start3A_364 = arith.constant 0 : i32
      %dma_start3A_365 = tpu.memref_slice %arg8[%dma_start3A_362, %dma_start3A_363, %dma_start3A_364] : memref<2x640x16xf32, #tpu.memory_space<vmem>> -> memref<1x640x16xf32, #tpu.memory_space<vmem>>
      %dma_start3A_366 = tpu.memref_squeeze %dma_start3A_365 : memref<1x640x16xf32, #tpu.memory_space<vmem>> -> memref<640x16xf32, #tpu.memory_space<vmem>>
      %dma_start3A_367 = arith.constant 0 : i32
      %dma_start3A_368 = tpu.memref_slice %arg6[%dma_start3A_361, %dma_start3A_367] : memref<2x640xi32, #tpu.memory_space<vmem>> -> memref<1x640xi32, #tpu.memory_space<vmem>>
      %dma_start3A_369 = tpu.memref_squeeze %dma_start3A_368 : memref<1x640xi32, #tpu.memory_space<vmem>> -> memref<640xi32, #tpu.memory_space<vmem>>
      %dma_start3A_370 = arith.constant 0 : i32
      %dma_start3A_371 = arith.constant 0 : i32
      %dma_start3A_372 = tpu.memref_slice %arg2[%dma_start3A_370, %dma_start3A_371] : memref<100096x16xf32, #tpu.memory_space<hbm>> -> memref<100096x16xf32, #tpu.memory_space<hbm>>
      tpu.enqueue_indirect_dma source(%dma_start3A_372 : memref<100096x16xf32, #tpu.memory_space<hbm>>) target(%dma_start3A_366 : memref<640x16xf32, #tpu.memory_space<vmem>>) offsets(%dma_start3A_369 : memref<640xi32, #tpu.memory_space<vmem>>) semaphore(%arg11 : memref<!tpu.dma_semaphore, #tpu.memory_space<semaphore_mem>>)
      %dma_wait3A_373 = arith.constant 1 : i32
      %dma_wait3A_374 = arith.constant 1 : i32
      %dma_wait3A_375 = arith.constant 0 : i32
      %dma_wait3A_376 = arith.constant 0 : i32
      %dma_wait3A_377 = tpu.memref_slice %arg8[%dma_wait3A_373, %dma_wait3A_375, %dma_wait3A_376] : memref<2x640x16xf32, #tpu.memory_space<vmem>> -> memref<1x640x16xf32, #tpu.memory_space<vmem>>
      %dma_wait3A_378 = tpu.memref_squeeze %dma_wait3A_377 : memref<1x640x16xf32, #tpu.memory_space<vmem>> -> memref<640x16xf32, #tpu.memory_space<vmem>>
      %dma_wait3A_379 = arith.constant 0 : i32
      %dma_wait3A_380 = tpu.memref_slice %arg7[%dma_wait3A_374, %dma_wait3A_379] : memref<2x640xi32, #tpu.memory_space<vmem>> -> memref<1x640xi32, #tpu.memory_space<vmem>>
      %dma_wait3A_381 = tpu.memref_squeeze %dma_wait3A_380 : memref<1x640xi32, #tpu.memory_space<vmem>> -> memref<640xi32, #tpu.memory_space<vmem>>
      %dma_wait3A_382 = arith.constant 0 : i32
      %dma_wait3A_383 = arith.constant 0 : i32
      %dma_wait3A_384 = tpu.memref_slice %arg10[%dma_wait3A_382, %dma_wait3A_383] : memref<100096x16xf32, #tpu.memory_space<vmem_shared>> -> memref<100096x16xf32, #tpu.memory_space<vmem_shared>>
      tpu.wait_indirect_dma semaphore(%arg14 : memref<!tpu.dma_semaphore, #tpu.memory_space<semaphore_mem>>) src(%dma_wait3A_378 : memref<640x16xf32, #tpu.memory_space<vmem>>) dst(%dma_wait3A_384 : memref<100096x16xf32, #tpu.memory_space<vmem_shared>>)
      %add3A_385 = arith.constant 1 : i32
      %add3A_386 = arith.addi %add3A_332, %add3A_385 : i32
      %add3A_387 = arith.addi %add3A_10, %add3A_386 : i32
      %min3A_388 = arith.minsi %add3A_387, %sub3A_13 : i32
      %dma_start3A_389 = arith.constant 1 : i32
      %dma_start3A_390 = arith.constant 0 : i32
      %dma_start3A_391 = tpu.memref_slice %arg6[%dma_start3A_389, %dma_start3A_390] : memref<2x640xi32, #tpu.memory_space<vmem>> -> memref<1x640xi32, #tpu.memory_space<vmem>>
      %dma_start3A_392 = tpu.memref_squeeze %dma_start3A_391 : memref<1x640xi32, #tpu.memory_space<vmem>> -> memref<640xi32, #tpu.memory_space<vmem>>
      %dma_start3A_393 = arith.constant 0 : i32
      %dma_start3A_394 = tpu.memref_slice %arg3[%min3A_388, %dma_start3A_393] : memref<5000x640xi32, #tpu.memory_space<hbm>> -> memref<1x640xi32, #tpu.memory_space<hbm>>
      %dma_start3A_395 = tpu.memref_squeeze %dma_start3A_394 : memref<1x640xi32, #tpu.memory_space<hbm>> -> memref<640xi32, #tpu.memory_space<hbm>>
      %dma_start3A_396 = arith.constant 0 : i32
      %dma_start3A_397 = tpu.memref_slice %arg6[%dma_start3A_389, %dma_start3A_396] : memref<2x640xi32, #tpu.memory_space<vmem>> -> memref<1x640xi32, #tpu.memory_space<vmem>>
      %dma_start3A_398 = tpu.memref_squeeze %dma_start3A_397 : memref<1x640xi32, #tpu.memory_space<vmem>> -> memref<640xi32, #tpu.memory_space<vmem>>
      %dma_start3A_399 = arith.constant 0 : i32
      %dma_start3A_400 = tpu.memref_slice %arg3[%min3A_388, %dma_start3A_399] : memref<5000x640xi32, #tpu.memory_space<hbm>> -> memref<1x640xi32, #tpu.memory_space<hbm>>
      %dma_start3A_401 = tpu.memref_squeeze %dma_start3A_400 : memref<1x640xi32, #tpu.memory_space<hbm>> -> memref<640xi32, #tpu.memory_space<hbm>>
      tpu.enqueue_dma source(%dma_start3A_401 : memref<640xi32, #tpu.memory_space<hbm>>) target(%dma_start3A_398 : memref<640xi32, #tpu.memory_space<vmem>>) target_semaphore(%arg16 : memref<!tpu.dma_semaphore, #tpu.memory_space<semaphore_mem>>)
      %dma_start3A_402 = arith.constant 1 : i32
      %dma_start3A_403 = arith.constant 0 : i32
      %dma_start3A_404 = tpu.memref_slice %arg7[%dma_start3A_402, %dma_start3A_403] : memref<2x640xi32, #tpu.memory_space<vmem>> -> memref<1x640xi32, #tpu.memory_space<vmem>>
      %dma_start3A_405 = tpu.memref_squeeze %dma_start3A_404 : memref<1x640xi32, #tpu.memory_space<vmem>> -> memref<640xi32, #tpu.memory_space<vmem>>
      %dma_start3A_406 = arith.constant 0 : i32
      %dma_start3A_407 = tpu.memref_slice %arg4[%min3A_388, %dma_start3A_406] : memref<5000x640xi32, #tpu.memory_space<hbm>> -> memref<1x640xi32, #tpu.memory_space<hbm>>
      %dma_start3A_408 = tpu.memref_squeeze %dma_start3A_407 : memref<1x640xi32, #tpu.memory_space<hbm>> -> memref<640xi32, #tpu.memory_space<hbm>>
      %dma_start3A_409 = arith.constant 0 : i32
      %dma_start3A_410 = tpu.memref_slice %arg7[%dma_start3A_402, %dma_start3A_409] : memref<2x640xi32, #tpu.memory_space<vmem>> -> memref<1x640xi32, #tpu.memory_space<vmem>>
      %dma_start3A_411 = tpu.memref_squeeze %dma_start3A_410 : memref<1x640xi32, #tpu.memory_space<vmem>> -> memref<640xi32, #tpu.memory_space<vmem>>
      %dma_start3A_412 = arith.constant 0 : i32
      %dma_start3A_413 = tpu.memref_slice %arg4[%min3A_388, %dma_start3A_412] : memref<5000x640xi32, #tpu.memory_space<hbm>> -> memref<1x640xi32, #tpu.memory_space<hbm>>
      %dma_start3A_414 = tpu.memref_squeeze %dma_start3A_413 : memref<1x640xi32, #tpu.memory_space<hbm>> -> memref<640xi32, #tpu.memory_space<hbm>>
      tpu.enqueue_dma source(%dma_start3A_414 : memref<640xi32, #tpu.memory_space<hbm>>) target(%dma_start3A_411 : memref<640xi32, #tpu.memory_space<vmem>>) target_semaphore(%arg16 : memref<!tpu.dma_semaphore, #tpu.memory_space<semaphore_mem>>)
      %dma_wait3A_415 = arith.constant 0 : i32
      %dma_wait3A_416 = arith.constant 0 : i32
      %dma_wait3A_417 = arith.constant 0 : i32
      %dma_wait3A_418 = arith.constant 0 : i32
      %dma_wait3A_419 = tpu.memref_slice %arg8[%dma_wait3A_416, %dma_wait3A_417, %dma_wait3A_418] : memref<2x640x16xf32, #tpu.memory_space<vmem>> -> memref<1x640x16xf32, #tpu.memory_space<vmem>>
      %dma_wait3A_420 = tpu.memref_squeeze %dma_wait3A_419 : memref<1x640x16xf32, #tpu.memory_space<vmem>> -> memref<640x16xf32, #tpu.memory_space<vmem>>
      %dma_wait3A_421 = arith.constant 0 : i32
      %dma_wait3A_422 = tpu.memref_slice %arg6[%dma_wait3A_415, %dma_wait3A_421] : memref<2x640xi32, #tpu.memory_space<vmem>> -> memref<1x640xi32, #tpu.memory_space<vmem>>
      %dma_wait3A_423 = tpu.memref_squeeze %dma_wait3A_422 : memref<1x640xi32, #tpu.memory_space<vmem>> -> memref<640xi32, #tpu.memory_space<vmem>>
      %dma_wait3A_424 = arith.constant 0 : i32
      %dma_wait3A_425 = arith.constant 0 : i32
      %dma_wait3A_426 = tpu.memref_slice %arg2[%dma_wait3A_424, %dma_wait3A_425] : memref<100096x16xf32, #tpu.memory_space<hbm>> -> memref<100096x16xf32, #tpu.memory_space<hbm>>
      tpu.wait_indirect_dma semaphore(%arg11 : memref<!tpu.dma_semaphore, #tpu.memory_space<semaphore_mem>>) src(%dma_wait3A_426 : memref<100096x16xf32, #tpu.memory_space<hbm>>) dst(%dma_wait3A_420 : memref<640x16xf32, #tpu.memory_space<vmem>>)
      %dma_start3A_427 = arith.constant 0 : i32
      %dma_start3A_428 = arith.constant 0 : i32
      %dma_start3A_429 = arith.constant 0 : i32
      %dma_start3A_430 = arith.constant 0 : i32
      %dma_start3A_431 = tpu.memref_slice %arg8[%dma_start3A_427, %dma_start3A_429, %dma_start3A_430] : memref<2x640x16xf32, #tpu.memory_space<vmem>> -> memref<1x640x16xf32, #tpu.memory_space<vmem>>
      %dma_start3A_432 = tpu.memref_squeeze %dma_start3A_431 : memref<1x640x16xf32, #tpu.memory_space<vmem>> -> memref<640x16xf32, #tpu.memory_space<vmem>>
      %dma_start3A_433 = arith.constant 0 : i32
      %dma_start3A_434 = tpu.memref_slice %arg7[%dma_start3A_428, %dma_start3A_433] : memref<2x640xi32, #tpu.memory_space<vmem>> -> memref<1x640xi32, #tpu.memory_space<vmem>>
      %dma_start3A_435 = tpu.memref_squeeze %dma_start3A_434 : memref<1x640xi32, #tpu.memory_space<vmem>> -> memref<640xi32, #tpu.memory_space<vmem>>
      %dma_start3A_436 = arith.constant 0 : i32
      %dma_start3A_437 = arith.constant 0 : i32
      %dma_start3A_438 = tpu.memref_slice %arg10[%dma_start3A_436, %dma_start3A_437] : memref<100096x16xf32, #tpu.memory_space<vmem_shared>> -> memref<100096x16xf32, #tpu.memory_space<vmem_shared>>
      tpu.enqueue_indirect_dma source(%dma_start3A_432 : memref<640x16xf32, #tpu.memory_space<vmem>>) target(%dma_start3A_438 : memref<100096x16xf32, #tpu.memory_space<vmem_shared>>) offsets(%dma_start3A_435 : memref<640xi32, #tpu.memory_space<vmem>>) semaphore(%arg13 : memref<!tpu.dma_semaphore, #tpu.memory_space<semaphore_mem>>) {add = true}
      %dma_wait3A_439 = arith.constant 0 : i32
      %dma_wait3A_440 = arith.constant 1 : i32
      %dma_wait3A_441 = arith.constant 0 : i32
      %dma_wait3A_442 = tpu.memref_slice %arg6[%dma_wait3A_440, %dma_wait3A_441] : memref<2x640xi32, #tpu.memory_space<vmem>> -> memref<1x640xi32, #tpu.memory_space<vmem>>
      %dma_wait3A_443 = tpu.memref_squeeze %dma_wait3A_442 : memref<1x640xi32, #tpu.memory_space<vmem>> -> memref<640xi32, #tpu.memory_space<vmem>>
      %dma_wait3A_444 = arith.constant 0 : i32
      %dma_wait3A_445 = tpu.memref_slice %arg3[%dma_wait3A_439, %dma_wait3A_444] : memref<5000x640xi32, #tpu.memory_space<hbm>> -> memref<1x640xi32, #tpu.memory_space<hbm>>
      %dma_wait3A_446 = tpu.memref_squeeze %dma_wait3A_445 : memref<1x640xi32, #tpu.memory_space<hbm>> -> memref<640xi32, #tpu.memory_space<hbm>>
      %dma_wait3A_447 = arith.constant 0 : i32
      %dma_wait3A_448 = tpu.memref_slice %arg6[%dma_wait3A_440, %dma_wait3A_447] : memref<2x640xi32, #tpu.memory_space<vmem>> -> memref<1x640xi32, #tpu.memory_space<vmem>>
      %dma_wait3A_449 = tpu.memref_squeeze %dma_wait3A_448 : memref<1x640xi32, #tpu.memory_space<vmem>> -> memref<640xi32, #tpu.memory_space<vmem>>
      %dma_wait3A_450 = arith.constant 0 : i32
      %dma_wait3A_451 = tpu.memref_slice %arg3[%dma_wait3A_439, %dma_wait3A_450] : memref<5000x640xi32, #tpu.memory_space<hbm>> -> memref<1x640xi32, #tpu.memory_space<hbm>>
      %dma_wait3A_452 = tpu.memref_squeeze %dma_wait3A_451 : memref<1x640xi32, #tpu.memory_space<hbm>> -> memref<640xi32, #tpu.memory_space<hbm>>
      tpu.wait_dma2 semaphore(%arg16 : memref<!tpu.dma_semaphore, #tpu.memory_space<semaphore_mem>>) src(%dma_wait3A_452 : memref<640xi32, #tpu.memory_space<hbm>>) dst(%dma_wait3A_449 : memref<640xi32, #tpu.memory_space<vmem>>)
      %dma_wait3A_453 = arith.constant 0 : i32
      %dma_wait3A_454 = arith.constant 1 : i32
      %dma_wait3A_455 = arith.constant 0 : i32
      %dma_wait3A_456 = tpu.memref_slice %arg7[%dma_wait3A_454, %dma_wait3A_455] : memref<2x640xi32, #tpu.memory_space<vmem>> -> memref<1x640xi32, #tpu.memory_space<vmem>>
      %dma_wait3A_457 = tpu.memref_squeeze %dma_wait3A_456 : memref<1x640xi32, #tpu.memory_space<vmem>> -> memref<640xi32, #tpu.memory_space<vmem>>
      %dma_wait3A_458 = arith.constant 0 : i32
      %dma_wait3A_459 = tpu.memref_slice %arg4[%dma_wait3A_453, %dma_wait3A_458] : memref<5000x640xi32, #tpu.memory_space<hbm>> -> memref<1x640xi32, #tpu.memory_space<hbm>>
      %dma_wait3A_460 = tpu.memref_squeeze %dma_wait3A_459 : memref<1x640xi32, #tpu.memory_space<hbm>> -> memref<640xi32, #tpu.memory_space<hbm>>
      %dma_wait3A_461 = arith.constant 0 : i32
      %dma_wait3A_462 = tpu.memref_slice %arg7[%dma_wait3A_454, %dma_wait3A_461] : memref<2x640xi32, #tpu.memory_space<vmem>> -> memref<1x640xi32, #tpu.memory_space<vmem>>
      %dma_wait3A_463 = tpu.memref_squeeze %dma_wait3A_462 : memref<1x640xi32, #tpu.memory_space<vmem>> -> memref<640xi32, #tpu.memory_space<vmem>>
      %dma_wait3A_464 = arith.constant 0 : i32
      %dma_wait3A_465 = tpu.memref_slice %arg4[%dma_wait3A_453, %dma_wait3A_464] : memref<5000x640xi32, #tpu.memory_space<hbm>> -> memref<1x640xi32, #tpu.memory_space<hbm>>
      %dma_wait3A_466 = tpu.memref_squeeze %dma_wait3A_465 : memref<1x640xi32, #tpu.memory_space<hbm>> -> memref<640xi32, #tpu.memory_space<hbm>>
      tpu.wait_dma2 semaphore(%arg16 : memref<!tpu.dma_semaphore, #tpu.memory_space<semaphore_mem>>) src(%dma_wait3A_466 : memref<640xi32, #tpu.memory_space<hbm>>) dst(%dma_wait3A_463 : memref<640xi32, #tpu.memory_space<vmem>>)
      %dma_start3A_467 = arith.constant 1 : i32
      %dma_start3A_468 = arith.constant 1 : i32
      %dma_start3A_469 = arith.constant 0 : i32
      %dma_start3A_470 = arith.constant 0 : i32
      %dma_start3A_471 = tpu.memref_slice %arg8[%dma_start3A_468, %dma_start3A_469, %dma_start3A_470] : memref<2x640x16xf32, #tpu.memory_space<vmem>> -> memref<1x640x16xf32, #tpu.memory_space<vmem>>
      %dma_start3A_472 = tpu.memref_squeeze %dma_start3A_471 : memref<1x640x16xf32, #tpu.memory_space<vmem>> -> memref<640x16xf32, #tpu.memory_space<vmem>>
      %dma_start3A_473 = arith.constant 0 : i32
      %dma_start3A_474 = tpu.memref_slice %arg6[%dma_start3A_467, %dma_start3A_473] : memref<2x640xi32, #tpu.memory_space<vmem>> -> memref<1x640xi32, #tpu.memory_space<vmem>>
      %dma_start3A_475 = tpu.memref_squeeze %dma_start3A_474 : memref<1x640xi32, #tpu.memory_space<vmem>> -> memref<640xi32, #tpu.memory_space<vmem>>
      %dma_start3A_476 = arith.constant 0 : i32
      %dma_start3A_477 = arith.constant 0 : i32
      %dma_start3A_478 = tpu.memref_slice %arg2[%dma_start3A_476, %dma_start3A_477] : memref<100096x16xf32, #tpu.memory_space<hbm>> -> memref<100096x16xf32, #tpu.memory_space<hbm>>
      tpu.enqueue_indirect_dma source(%dma_start3A_478 : memref<100096x16xf32, #tpu.memory_space<hbm>>) target(%dma_start3A_472 : memref<640x16xf32, #tpu.memory_space<vmem>>) offsets(%dma_start3A_475 : memref<640xi32, #tpu.memory_space<vmem>>) semaphore(%arg12 : memref<!tpu.dma_semaphore, #tpu.memory_space<semaphore_mem>>)
      %dma_wait3A_479 = arith.constant 0 : i32
      %dma_wait3A_480 = arith.constant 0 : i32
      %dma_wait3A_481 = arith.constant 0 : i32
      %dma_wait3A_482 = arith.constant 0 : i32
      %dma_wait3A_483 = tpu.memref_slice %arg8[%dma_wait3A_479, %dma_wait3A_481, %dma_wait3A_482] : memref<2x640x16xf32, #tpu.memory_space<vmem>> -> memref<1x640x16xf32, #tpu.memory_space<vmem>>
      %dma_wait3A_484 = tpu.memref_squeeze %dma_wait3A_483 : memref<1x640x16xf32, #tpu.memory_space<vmem>> -> memref<640x16xf32, #tpu.memory_space<vmem>>
      %dma_wait3A_485 = arith.constant 0 : i32
      %dma_wait3A_486 = tpu.memref_slice %arg7[%dma_wait3A_480, %dma_wait3A_485] : memref<2x640xi32, #tpu.memory_space<vmem>> -> memref<1x640xi32, #tpu.memory_space<vmem>>
      %dma_wait3A_487 = tpu.memref_squeeze %dma_wait3A_486 : memref<1x640xi32, #tpu.memory_space<vmem>> -> memref<640xi32, #tpu.memory_space<vmem>>
      %dma_wait3A_488 = arith.constant 0 : i32
      %dma_wait3A_489 = arith.constant 0 : i32
      %dma_wait3A_490 = tpu.memref_slice %arg10[%dma_wait3A_488, %dma_wait3A_489] : memref<100096x16xf32, #tpu.memory_space<vmem_shared>> -> memref<100096x16xf32, #tpu.memory_space<vmem_shared>>
      tpu.wait_indirect_dma semaphore(%arg13 : memref<!tpu.dma_semaphore, #tpu.memory_space<semaphore_mem>>) src(%dma_wait3A_484 : memref<640x16xf32, #tpu.memory_space<vmem>>) dst(%dma_wait3A_490 : memref<100096x16xf32, #tpu.memory_space<vmem_shared>>)
      %add3A_491 = arith.constant 2 : i32
      %add3A_492 = arith.addi %add3A_332, %add3A_491 : i32
      %add3A_493 = arith.addi %add3A_10, %add3A_492 : i32
      %min3A_494 = arith.minsi %add3A_493, %sub3A_13 : i32
      %dma_start3A_495 = arith.constant 0 : i32
      %dma_start3A_496 = arith.constant 0 : i32
      %dma_start3A_497 = tpu.memref_slice %arg6[%dma_start3A_495, %dma_start3A_496] : memref<2x640xi32, #tpu.memory_space<vmem>> -> memref<1x640xi32, #tpu.memory_space<vmem>>
      %dma_start3A_498 = tpu.memref_squeeze %dma_start3A_497 : memref<1x640xi32, #tpu.memory_space<vmem>> -> memref<640xi32, #tpu.memory_space<vmem>>
      %dma_start3A_499 = arith.constant 0 : i32
      %dma_start3A_500 = tpu.memref_slice %arg3[%min3A_494, %dma_start3A_499] : memref<5000x640xi32, #tpu.memory_space<hbm>> -> memref<1x640xi32, #tpu.memory_space<hbm>>
      %dma_start3A_501 = tpu.memref_squeeze %dma_start3A_500 : memref<1x640xi32, #tpu.memory_space<hbm>> -> memref<640xi32, #tpu.memory_space<hbm>>
      %dma_start3A_502 = arith.constant 0 : i32
      %dma_start3A_503 = tpu.memref_slice %arg6[%dma_start3A_495, %dma_start3A_502] : memref<2x640xi32, #tpu.memory_space<vmem>> -> memref<1x640xi32, #tpu.memory_space<vmem>>
      %dma_start3A_504 = tpu.memref_squeeze %dma_start3A_503 : memref<1x640xi32, #tpu.memory_space<vmem>> -> memref<640xi32, #tpu.memory_space<vmem>>
      %dma_start3A_505 = arith.constant 0 : i32
      %dma_start3A_506 = tpu.memref_slice %arg3[%min3A_494, %dma_start3A_505] : memref<5000x640xi32, #tpu.memory_space<hbm>> -> memref<1x640xi32, #tpu.memory_space<hbm>>
      %dma_start3A_507 = tpu.memref_squeeze %dma_start3A_506 : memref<1x640xi32, #tpu.memory_space<hbm>> -> memref<640xi32, #tpu.memory_space<hbm>>
      tpu.enqueue_dma source(%dma_start3A_507 : memref<640xi32, #tpu.memory_space<hbm>>) target(%dma_start3A_504 : memref<640xi32, #tpu.memory_space<vmem>>) target_semaphore(%arg15 : memref<!tpu.dma_semaphore, #tpu.memory_space<semaphore_mem>>)
      %dma_start3A_508 = arith.constant 0 : i32
      %dma_start3A_509 = arith.constant 0 : i32
      %dma_start3A_510 = tpu.memref_slice %arg7[%dma_start3A_508, %dma_start3A_509] : memref<2x640xi32, #tpu.memory_space<vmem>> -> memref<1x640xi32, #tpu.memory_space<vmem>>
      %dma_start3A_511 = tpu.memref_squeeze %dma_start3A_510 : memref<1x640xi32, #tpu.memory_space<vmem>> -> memref<640xi32, #tpu.memory_space<vmem>>
      %dma_start3A_512 = arith.constant 0 : i32
      %dma_start3A_513 = tpu.memref_slice %arg4[%min3A_494, %dma_start3A_512] : memref<5000x640xi32, #tpu.memory_space<hbm>> -> memref<1x640xi32, #tpu.memory_space<hbm>>
      %dma_start3A_514 = tpu.memref_squeeze %dma_start3A_513 : memref<1x640xi32, #tpu.memory_space<hbm>> -> memref<640xi32, #tpu.memory_space<hbm>>
      %dma_start3A_515 = arith.constant 0 : i32
      %dma_start3A_516 = tpu.memref_slice %arg7[%dma_start3A_508, %dma_start3A_515] : memref<2x640xi32, #tpu.memory_space<vmem>> -> memref<1x640xi32, #tpu.memory_space<vmem>>
      %dma_start3A_517 = tpu.memref_squeeze %dma_start3A_516 : memref<1x640xi32, #tpu.memory_space<vmem>> -> memref<640xi32, #tpu.memory_space<vmem>>
      %dma_start3A_518 = arith.constant 0 : i32
      %dma_start3A_519 = tpu.memref_slice %arg4[%min3A_494, %dma_start3A_518] : memref<5000x640xi32, #tpu.memory_space<hbm>> -> memref<1x640xi32, #tpu.memory_space<hbm>>
      %dma_start3A_520 = tpu.memref_squeeze %dma_start3A_519 : memref<1x640xi32, #tpu.memory_space<hbm>> -> memref<640xi32, #tpu.memory_space<hbm>>
      tpu.enqueue_dma source(%dma_start3A_520 : memref<640xi32, #tpu.memory_space<hbm>>) target(%dma_start3A_517 : memref<640xi32, #tpu.memory_space<vmem>>) target_semaphore(%arg15 : memref<!tpu.dma_semaphore, #tpu.memory_space<semaphore_mem>>)
      %dma_wait3A_521 = arith.constant 1 : i32
      %dma_wait3A_522 = arith.constant 1 : i32
      %dma_wait3A_523 = arith.constant 0 : i32
      %dma_wait3A_524 = arith.constant 0 : i32
      %dma_wait3A_525 = tpu.memref_slice %arg8[%dma_wait3A_522, %dma_wait3A_523, %dma_wait3A_524] : memref<2x640x16xf32, #tpu.memory_space<vmem>> -> memref<1x640x16xf32, #tpu.memory_space<vmem>>
      %dma_wait3A_526 = tpu.memref_squeeze %dma_wait3A_525 : memref<1x640x16xf32, #tpu.memory_space<vmem>> -> memref<640x16xf32, #tpu.memory_space<vmem>>
      %dma_wait3A_527 = arith.constant 0 : i32
      %dma_wait3A_528 = tpu.memref_slice %arg6[%dma_wait3A_521, %dma_wait3A_527] : memref<2x640xi32, #tpu.memory_space<vmem>> -> memref<1x640xi32, #tpu.memory_space<vmem>>
      %dma_wait3A_529 = tpu.memref_squeeze %dma_wait3A_528 : memref<1x640xi32, #tpu.memory_space<vmem>> -> memref<640xi32, #tpu.memory_space<vmem>>
      %dma_wait3A_530 = arith.constant 0 : i32
      %dma_wait3A_531 = arith.constant 0 : i32
      %dma_wait3A_532 = tpu.memref_slice %arg2[%dma_wait3A_530, %dma_wait3A_531] : memref<100096x16xf32, #tpu.memory_space<hbm>> -> memref<100096x16xf32, #tpu.memory_space<hbm>>
      tpu.wait_indirect_dma semaphore(%arg12 : memref<!tpu.dma_semaphore, #tpu.memory_space<semaphore_mem>>) src(%dma_wait3A_532 : memref<100096x16xf32, #tpu.memory_space<hbm>>) dst(%dma_wait3A_526 : memref<640x16xf32, #tpu.memory_space<vmem>>)
      %dma_start3A_533 = arith.constant 1 : i32
      %dma_start3A_534 = arith.constant 1 : i32
      %dma_start3A_535 = arith.constant 0 : i32
      %dma_start3A_536 = arith.constant 0 : i32
      %dma_start3A_537 = tpu.memref_slice %arg8[%dma_start3A_533, %dma_start3A_535, %dma_start3A_536] : memref<2x640x16xf32, #tpu.memory_space<vmem>> -> memref<1x640x16xf32, #tpu.memory_space<vmem>>
      %dma_start3A_538 = tpu.memref_squeeze %dma_start3A_537 : memref<1x640x16xf32, #tpu.memory_space<vmem>> -> memref<640x16xf32, #tpu.memory_space<vmem>>
      %dma_start3A_539 = arith.constant 0 : i32
      %dma_start3A_540 = tpu.memref_slice %arg7[%dma_start3A_534, %dma_start3A_539] : memref<2x640xi32, #tpu.memory_space<vmem>> -> memref<1x640xi32, #tpu.memory_space<vmem>>
      %dma_start3A_541 = tpu.memref_squeeze %dma_start3A_540 : memref<1x640xi32, #tpu.memory_space<vmem>> -> memref<640xi32, #tpu.memory_space<vmem>>
      %dma_start3A_542 = arith.constant 0 : i32
      %dma_start3A_543 = arith.constant 0 : i32
      %dma_start3A_544 = tpu.memref_slice %arg10[%dma_start3A_542, %dma_start3A_543] : memref<100096x16xf32, #tpu.memory_space<vmem_shared>> -> memref<100096x16xf32, #tpu.memory_space<vmem_shared>>
      tpu.enqueue_indirect_dma source(%dma_start3A_538 : memref<640x16xf32, #tpu.memory_space<vmem>>) target(%dma_start3A_544 : memref<100096x16xf32, #tpu.memory_space<vmem_shared>>) offsets(%dma_start3A_541 : memref<640xi32, #tpu.memory_space<vmem>>) semaphore(%arg14 : memref<!tpu.dma_semaphore, #tpu.memory_space<semaphore_mem>>) {add = true}
      %while3A_545 = arith.constant 0 : i32
      scf.yield %while3A_545 : i32
    }
    %dma_wait3A_282 = arith.constant 1 : i32
    %dma_wait3A_283 = arith.constant 1 : i32
    %dma_wait3A_284 = arith.constant 0 : i32
    %dma_wait3A_285 = arith.constant 0 : i32
    %dma_wait3A_286 = tpu.memref_slice %arg8[%dma_wait3A_282, %dma_wait3A_284, %dma_wait3A_285] : memref<2x640x16xf32, #tpu.memory_space<vmem>> -> memref<1x640x16xf32, #tpu.memory_space<vmem>>
    %dma_wait3A_287 = tpu.memref_squeeze %dma_wait3A_286 : memref<1x640x16xf32, #tpu.memory_space<vmem>> -> memref<640x16xf32, #tpu.memory_space<vmem>>
    %dma_wait3A_288 = arith.constant 0 : i32
    %dma_wait3A_289 = tpu.memref_slice %arg7[%dma_wait3A_283, %dma_wait3A_288] : memref<2x640xi32, #tpu.memory_space<vmem>> -> memref<1x640xi32, #tpu.memory_space<vmem>>
    %dma_wait3A_290 = tpu.memref_squeeze %dma_wait3A_289 : memref<1x640xi32, #tpu.memory_space<vmem>> -> memref<640xi32, #tpu.memory_space<vmem>>
    %dma_wait3A_291 = arith.constant 0 : i32
    %dma_wait3A_292 = arith.constant 0 : i32
    %dma_wait3A_293 = tpu.memref_slice %arg10[%dma_wait3A_291, %dma_wait3A_292] : memref<100096x16xf32, #tpu.memory_space<vmem_shared>> -> memref<100096x16xf32, #tpu.memory_space<vmem_shared>>
    tpu.wait_indirect_dma semaphore(%arg14 : memref<!tpu.dma_semaphore, #tpu.memory_space<semaphore_mem>>) src(%dma_wait3A_287 : memref<640x16xf32, #tpu.memory_space<vmem>>) dst(%dma_wait3A_293 : memref<100096x16xf32, #tpu.memory_space<vmem_shared>>)
    %dma_wait3A_294 = arith.constant 0 : i32
    %dma_wait3A_295 = arith.constant 0 : i32
    %dma_wait3A_296 = arith.constant 0 : i32
    %dma_wait3A_297 = tpu.memref_slice %arg6[%dma_wait3A_295, %dma_wait3A_296] : memref<2x640xi32, #tpu.memory_space<vmem>> -> memref<1x640xi32, #tpu.memory_space<vmem>>
    %dma_wait3A_298 = tpu.memref_squeeze %dma_wait3A_297 : memref<1x640xi32, #tpu.memory_space<vmem>> -> memref<640xi32, #tpu.memory_space<vmem>>
    %dma_wait3A_299 = arith.constant 0 : i32
    %dma_wait3A_300 = tpu.memref_slice %arg3[%dma_wait3A_294, %dma_wait3A_299] : memref<5000x640xi32, #tpu.memory_space<hbm>> -> memref<1x640xi32, #tpu.memory_space<hbm>>
    %dma_wait3A_301 = tpu.memref_squeeze %dma_wait3A_300 : memref<1x640xi32, #tpu.memory_space<hbm>> -> memref<640xi32, #tpu.memory_space<hbm>>
    %dma_wait3A_302 = arith.constant 0 : i32
    %dma_wait3A_303 = tpu.memref_slice %arg6[%dma_wait3A_295, %dma_wait3A_302] : memref<2x640xi32, #tpu.memory_space<vmem>> -> memref<1x640xi32, #tpu.memory_space<vmem>>
    %dma_wait3A_304 = tpu.memref_squeeze %dma_wait3A_303 : memref<1x640xi32, #tpu.memory_space<vmem>> -> memref<640xi32, #tpu.memory_space<vmem>>
    %dma_wait3A_305 = arith.constant 0 : i32
    %dma_wait3A_306 = tpu.memref_slice %arg3[%dma_wait3A_294, %dma_wait3A_305] : memref<5000x640xi32, #tpu.memory_space<hbm>> -> memref<1x640xi32, #tpu.memory_space<hbm>>
    %dma_wait3A_307 = tpu.memref_squeeze %dma_wait3A_306 : memref<1x640xi32, #tpu.memory_space<hbm>> -> memref<640xi32, #tpu.memory_space<hbm>>
    tpu.wait_dma2 semaphore(%arg15 : memref<!tpu.dma_semaphore, #tpu.memory_space<semaphore_mem>>) src(%dma_wait3A_307 : memref<640xi32, #tpu.memory_space<hbm>>) dst(%dma_wait3A_304 : memref<640xi32, #tpu.memory_space<vmem>>)
    %dma_wait3A_308 = arith.constant 0 : i32
    %dma_wait3A_309 = arith.constant 0 : i32
    %dma_wait3A_310 = arith.constant 0 : i32
    %dma_wait3A_311 = tpu.memref_slice %arg7[%dma_wait3A_309, %dma_wait3A_310] : memref<2x640xi32, #tpu.memory_space<vmem>> -> memref<1x640xi32, #tpu.memory_space<vmem>>
    %dma_wait3A_312 = tpu.memref_squeeze %dma_wait3A_311 : memref<1x640xi32, #tpu.memory_space<vmem>> -> memref<640xi32, #tpu.memory_space<vmem>>
    %dma_wait3A_313 = arith.constant 0 : i32
    %dma_wait3A_314 = tpu.memref_slice %arg4[%dma_wait3A_308, %dma_wait3A_313] : memref<5000x640xi32, #tpu.memory_space<hbm>> -> memref<1x640xi32, #tpu.memory_space<hbm>>
    %dma_wait3A_315 = tpu.memref_squeeze %dma_wait3A_314 : memref<1x640xi32, #tpu.memory_space<hbm>> -> memref<640xi32, #tpu.memory_space<hbm>>
    %dma_wait3A_316 = arith.constant 0 : i32
    %dma_wait3A_317 = tpu.memref_slice %arg7[%dma_wait3A_309, %dma_wait3A_316] : memref<2x640xi32, #tpu.memory_space<vmem>> -> memref<1x640xi32, #tpu.memory_space<vmem>>
    %dma_wait3A_318 = tpu.memref_squeeze %dma_wait3A_317 : memref<1x640xi32, #tpu.memory_space<vmem>> -> memref<640xi32, #tpu.memory_space<vmem>>
    %dma_wait3A_319 = arith.constant 0 : i32
    %dma_wait3A_320 = tpu.memref_slice %arg4[%dma_wait3A_308, %dma_wait3A_319] : memref<5000x640xi32, #tpu.memory_space<hbm>> -> memref<1x640xi32, #tpu.memory_space<hbm>>
    %dma_wait3A_321 = tpu.memref_squeeze %dma_wait3A_320 : memref<1x640xi32, #tpu.memory_space<hbm>> -> memref<640xi32, #tpu.memory_space<hbm>>
    tpu.wait_dma2 semaphore(%arg15 : memref<!tpu.dma_semaphore, #tpu.memory_space<semaphore_mem>>) src(%dma_wait3A_321 : memref<640xi32, #tpu.memory_space<hbm>>) dst(%dma_wait3A_318 : memref<640xi32, #tpu.memory_space<vmem>>)
    %barrier3A_322 = arith.constant 0 : index
    tpu.barrier barrier_id(%barrier3A_322)
    %mul3A_323 = arith.constant 6256 : i32
    %mul3A_324 = arith.muli %arg1, %mul3A_323 : i32
    %mul3A_325 = arith.constant 6256 : i32
    %mul3A_326 = arith.muli %arg1, %mul3A_325 : i32
    "tpu.region"() ({
      %run_scoped3A = tpu.sem_alloc : memref<!tpu.dma_semaphore, #tpu.memory_space<semaphore_mem>>
      %dma_start3A_327 = arith.constant 0 : i32
      %dma_start3A_328 = tpu.memref_slice %arg5[%arg0, %mul3A_326, %dma_start3A_327] : memref<2x100096x16xf32, #tpu.memory_space<hbm>> -> memref<1x6256x16xf32, #tpu.memory_space<hbm>>
      %dma_start3A_329 = tpu.memref_squeeze %dma_start3A_328 : memref<1x6256x16xf32, #tpu.memory_space<hbm>> -> memref<6256x16xf32, #tpu.memory_space<hbm>>
      %dma_start3A_330 = arith.constant 0 : i32
      %dma_start3A_331 = tpu.memref_slice %arg10[%mul3A_324, %dma_start3A_330] : memref<100096x16xf32, #tpu.memory_space<vmem_shared>> -> memref<6256x16xf32, #tpu.memory_space<vmem_shared>>
      tpu.enqueue_dma source(%dma_start3A_331 : memref<6256x16xf32, #tpu.memory_space<vmem_shared>>) target(%dma_start3A_329 : memref<6256x16xf32, #tpu.memory_space<hbm>>) target_semaphore(%run_scoped3A : memref<!tpu.dma_semaphore, #tpu.memory_space<semaphore_mem>>)
      %dma_wait3A_332 = arith.constant 0 : i32
      %dma_wait3A_333 = tpu.memref_slice %arg5[%arg0, %mul3A_326, %dma_wait3A_332] : memref<2x100096x16xf32, #tpu.memory_space<hbm>> -> memref<1x6256x16xf32, #tpu.memory_space<hbm>>
      %dma_wait3A_334 = tpu.memref_squeeze %dma_wait3A_333 : memref<1x6256x16xf32, #tpu.memory_space<hbm>> -> memref<6256x16xf32, #tpu.memory_space<hbm>>
      %dma_wait3A_335 = arith.constant 0 : i32
      %dma_wait3A_336 = tpu.memref_slice %arg10[%mul3A_324, %dma_wait3A_335] : memref<100096x16xf32, #tpu.memory_space<vmem_shared>> -> memref<6256x16xf32, #tpu.memory_space<vmem_shared>>
      tpu.wait_dma2 semaphore(%run_scoped3A : memref<!tpu.dma_semaphore, #tpu.memory_space<semaphore_mem>>) src(%dma_wait3A_336 : memref<6256x16xf32, #tpu.memory_space<vmem_shared>>) dst(%dma_wait3A_334 : memref<6256x16xf32, #tpu.memory_space<hbm>>)
      tpu.yield
    }) : () -> ()
    return
  }
}

module attributes {stable_mosaic.version = 14 : i64} {
  func.func @body(%arg0: i32, %arg1: memref<2x3128x128xf32, #tpu.memory_space<vmem>>, %arg2: memref<3128x128xf32, #tpu.memory_space<vmem>>, %arg3: memref<3128x128xf32, #tpu.memory_space<vmem>>, %arg4: memref<128x128xf32, #tpu.memory_space<vmem>>, %arg5: memref<128x128xf32, #tpu.memory_space<vmem>>, %arg6: memref<1x128xf32, #tpu.memory_space<vmem>>, %arg7: memref<3128x128xf32, #tpu.memory_space<vmem>>, %arg8: memref<3128x128xf32, #tpu.memory_space<vmem>>) attributes {dimension_semantics = [#tpu.dimension_semantics<arbitrary>], iteration_bounds = array<i64: 4>, scalar_prefetch = 0 : i64, scratch_operands = 0 : i64, tpu.core_type = #tpu.core_type<tc>, window_params = [{transform_indices = @transform_0, window_bounds = array<i64: 2, 3128, 128>}, {transform_indices = @transform_1, window_bounds = array<i64: 3128, 128>}, {transform_indices = @transform_2, window_bounds = array<i64: 3128, 128>}, {pipeline_mode = #tpu.pipeline_mode<synchronous>, transform_indices = @transform_3, window_bounds = array<i64: 128, 128>}, {pipeline_mode = #tpu.pipeline_mode<synchronous>, transform_indices = @transform_4, window_bounds = array<i64: 128, 128>}, {pipeline_mode = #tpu.pipeline_mode<synchronous>, transform_indices = @transform_5, window_bounds = array<i64: 1, 128>}, {transform_indices = @transform_6, window_bounds = array<i64: 3128, 128>}, {transform_indices = @transform_7, window_bounds = array<i64: 3128, 128>}]} {
    %get3A = arith.constant 0 : index
    %get3A_0 = arith.constant 0 : index
    %get3A_1 = vector.load %arg2[%get3A, %get3A_0] : memref<3128x128xf32, #tpu.memory_space<vmem>>, vector<3128x128xf32>
    %get3A_2 = arith.constant 0 : index
    %get3A_3 = arith.constant 0 : index
    %get3A_4 = arith.constant 0 : index
    %get3A_5 = vector.load %arg1[%get3A_2, %get3A_3, %get3A_4] : memref<2x3128x128xf32, #tpu.memory_space<vmem>>, vector<1x3128x128xf32>
    %get3A_6 = vector.shape_cast %get3A_5 : vector<1x3128x128xf32> to vector<3128x128xf32>
    %get3A_7 = arith.constant 1 : index
    %get3A_8 = arith.constant 0 : index
    %get3A_9 = arith.constant 0 : index
    %get3A_10 = vector.load %arg1[%get3A_7, %get3A_8, %get3A_9] : memref<2x3128x128xf32, #tpu.memory_space<vmem>>, vector<1x3128x128xf32>
    %get3A_11 = vector.shape_cast %get3A_10 : vector<1x3128x128xf32> to vector<3128x128xf32>
    %add3A = arith.addf %get3A_6, %get3A_11 : vector<3128x128xf32>
    %mul3A = arith.mulf %add3A, %get3A_1 : vector<3128x128xf32>
    %get3A_12 = arith.constant 0 : index
    %get3A_13 = arith.constant 0 : index
    %get3A_14 = vector.load %arg3[%get3A_12, %get3A_13] : memref<3128x128xf32, #tpu.memory_space<vmem>>, vector<3128x128xf32>
    %add3A_15 = arith.addf %mul3A, %get3A_14 : vector<3128x128xf32>
    %max3A = arith.constant 0.000000e+00 : f32
    %max3A_16 = vector.broadcast %max3A : f32 to vector<3128x128xf32>
    %max3A_17 = arith.maximumf %add3A_15, %max3A_16 : vector<3128x128xf32>
    %get3A_18 = arith.constant 0 : index
    %get3A_19 = arith.constant 0 : index
    %get3A_20 = vector.load %arg4[%get3A_18, %get3A_19] : memref<128x128xf32, #tpu.memory_space<vmem>>, vector<128x128xf32>
    %dot_general3A = arith.constant dense<0.000000e+00> : vector<3128x128xf32>
    %dot_general3A_21 = tpu.matmul %max3A_17, %get3A_20, %dot_general3A {dimension_numbers = #tpu.dot_dimension_numbers<[1], [0], [0], [1], [0, 0, 1, 1], [], []>, transpose_lhs_hint = false} : vector<3128x128xf32>, vector<128x128xf32>, vector<3128x128xf32> -> vector<3128x128xf32>
    %mul3A_22 = arith.mulf %dot_general3A_21, %get3A_1 : vector<3128x128xf32>
    %swap3A = arith.constant 0 : index
    %swap3A_23 = arith.constant 0 : index
    %swap3A_24 = vector.load %arg7[%swap3A, %swap3A_23] : memref<3128x128xf32, #tpu.memory_space<vmem>>, vector<3128x128xf32>
    tpu.vector_store %arg7[%swap3A, %swap3A_23], %mul3A_22 {strides = array<i32>} : memref<3128x128xf32, #tpu.memory_space<vmem>>, vector<3128x128xf32>,
    %get3A_25 = arith.constant 0 : index
    %get3A_26 = arith.constant 0 : index
    %get3A_27 = vector.load %arg5[%get3A_25, %get3A_26] : memref<128x128xf32, #tpu.memory_space<vmem>>, vector<128x128xf32>
    %dot_general3A_28 = arith.constant dense<0.000000e+00> : vector<3128x128xf32>
    %dot_general3A_29 = tpu.matmul %max3A_17, %get3A_27, %dot_general3A_28 {dimension_numbers = #tpu.dot_dimension_numbers<[1], [0], [0], [1], [0, 0, 1, 1], [], []>, transpose_lhs_hint = false} : vector<3128x128xf32>, vector<128x128xf32>, vector<3128x128xf32> -> vector<3128x128xf32>
    %get3A_30 = arith.constant 0 : index
    %get3A_31 = arith.constant 0 : index
    %get3A_32 = vector.load %arg6[%get3A_30, %get3A_31] : memref<1x128xf32, #tpu.memory_space<vmem>>, vector<1x128xf32>
    %add3A_33 = vector.broadcast %get3A_32 : vector<1x128xf32> to vector<3128x128xf32>
    %add3A_34 = arith.addf %dot_general3A_29, %add3A_33 : vector<3128x128xf32>
    %swap3A_35 = arith.constant 0 : index
    %swap3A_36 = arith.constant 0 : index
    %swap3A_37 = vector.load %arg8[%swap3A_35, %swap3A_36] : memref<3128x128xf32, #tpu.memory_space<vmem>>, vector<3128x128xf32>
    tpu.vector_store %arg8[%swap3A_35, %swap3A_36], %add3A_34 {strides = array<i32>} : memref<3128x128xf32, #tpu.memory_space<vmem>>, vector<3128x128xf32>,
    return
  }
  func.func @transform_0(%arg0: i32) -> (i32, i32, i32) {
    %c0_i32 = arith.constant 0 : i32
    %c0_i32_0 = arith.constant 0 : i32
    %c0_i32_1 = arith.constant 0 : i32
    return %c0_i32, %arg0, %c0_i32_0 : i32, i32, i32
  }
  func.func @transform_1(%arg0: i32) -> (i32, i32) {
    %c0_i32 = arith.constant 0 : i32
    %c0_i32_0 = arith.constant 0 : i32
    return %arg0, %c0_i32 : i32, i32
  }
  func.func @transform_2(%arg0: i32) -> (i32, i32) {
    %c0_i32 = arith.constant 0 : i32
    %c0_i32_0 = arith.constant 0 : i32
    return %arg0, %c0_i32 : i32, i32
  }
  func.func @transform_3(%arg0: i32) -> (i32, i32) {
    %c0_i32 = arith.constant 0 : i32
    %c0_i32_0 = arith.constant 0 : i32
    %c0_i32_1 = arith.constant 0 : i32
    return %c0_i32, %c0_i32_0 : i32, i32
  }
  func.func @transform_4(%arg0: i32) -> (i32, i32) {
    %c0_i32 = arith.constant 0 : i32
    %c0_i32_0 = arith.constant 0 : i32
    %c0_i32_1 = arith.constant 0 : i32
    return %c0_i32, %c0_i32_0 : i32, i32
  }
  func.func @transform_5(%arg0: i32) -> (i32, i32) {
    %c0_i32 = arith.constant 0 : i32
    %c0_i32_0 = arith.constant 0 : i32
    %c0_i32_1 = arith.constant 0 : i32
    return %c0_i32, %c0_i32_0 : i32, i32
  }
  func.func @transform_6(%arg0: i32) -> (i32, i32) {
    %c0_i32 = arith.constant 0 : i32
    %c0_i32_0 = arith.constant 0 : i32
    return %arg0, %c0_i32 : i32, i32
  }
  func.func @transform_7(%arg0: i32) -> (i32, i32) {
    %c0_i32 = arith.constant 0 : i32
    %c0_i32_0 = arith.constant 0 : i32
    return %arg0, %c0_i32 : i32, i32
  }
}

module attributes {stable_mosaic.version = 14 : i64} {
  func.func @body(%arg0: i32, %arg1: memref<3128x128xf32, #tpu.memory_space<vmem>>, %arg2: memref<2x3128x128xf32, #tpu.memory_space<vmem>>, %arg3: memref<128x128xf32, #tpu.memory_space<vmem>>, %arg4: memref<128x128xf32, #tpu.memory_space<vmem>>, %arg5: memref<1x128xf32, #tpu.memory_space<vmem>>, %arg6: memref<3128x128xf32, #tpu.memory_space<vmem>>, %arg7: memref<3128x128xf32, #tpu.memory_space<vmem>>, %arg8: memref<3128x128xf32, #tpu.memory_space<vmem>>) attributes {dimension_semantics = [#tpu.dimension_semantics<arbitrary>], iteration_bounds = array<i64: 4>, scalar_prefetch = 0 : i64, scratch_operands = 0 : i64, tpu.core_type = #tpu.core_type<tc>, window_params = [{transform_indices = @transform_0, window_bounds = array<i64: 3128, 128>}, {transform_indices = @transform_1, window_bounds = array<i64: 2, 3128, 128>}, {pipeline_mode = #tpu.pipeline_mode<synchronous>, transform_indices = @transform_2, window_bounds = array<i64: 128, 128>}, {pipeline_mode = #tpu.pipeline_mode<synchronous>, transform_indices = @transform_3, window_bounds = array<i64: 128, 128>}, {pipeline_mode = #tpu.pipeline_mode<synchronous>, transform_indices = @transform_4, window_bounds = array<i64: 1, 128>}, {transform_indices = @transform_5, window_bounds = array<i64: 3128, 128>}, {transform_indices = @transform_6, window_bounds = array<i64: 3128, 128>}, {transform_indices = @transform_7, window_bounds = array<i64: 3128, 128>}]} {
    %get3A = arith.constant 0 : index
    %get3A_0 = arith.constant 0 : index
    %get3A_1 = arith.constant 0 : index
    %get3A_2 = vector.load %arg2[%get3A, %get3A_0, %get3A_1] : memref<2x3128x128xf32, #tpu.memory_space<vmem>>, vector<1x3128x128xf32>
    %get3A_3 = vector.shape_cast %get3A_2 : vector<1x3128x128xf32> to vector<3128x128xf32>
    %get3A_4 = arith.constant 1 : index
    %get3A_5 = arith.constant 0 : index
    %get3A_6 = arith.constant 0 : index
    %get3A_7 = vector.load %arg2[%get3A_4, %get3A_5, %get3A_6] : memref<2x3128x128xf32, #tpu.memory_space<vmem>>, vector<1x3128x128xf32>
    %get3A_8 = vector.shape_cast %get3A_7 : vector<1x3128x128xf32> to vector<3128x128xf32>
    %add3A = arith.addf %get3A_3, %get3A_8 : vector<3128x128xf32>
    %gt3A = arith.constant 0.000000e+00 : f32
    %gt3A_9 = vector.broadcast %gt3A : f32 to vector<3128x128xf32>
    %gt3A_10 = arith.cmpf ogt, %add3A, %gt3A_9 : vector<3128x128xf32>
    %max3A = arith.constant 1.000000e+00 : f32
    %max3A_11 = vector.broadcast %max3A : f32 to vector<3128x128xf32>
    %max3A_12 = arith.maximumf %add3A, %max3A_11 : vector<3128x128xf32>
    %rsqrt3A = math.rsqrt %max3A_12 : vector<3128x128xf32>
    %jit3A = arith.constant 0.000000e+00 : f32
    %broadcast_in_dim3A = vector.broadcast %jit3A : f32 to vector<3128x128xf32>
    %select_n3A = arith.select %gt3A_10, %rsqrt3A, %broadcast_in_dim3A : vector<3128x128xi1>, vector<3128x128xf32>
    %get3A_13 = arith.constant 0 : index
    %get3A_14 = arith.constant 0 : index
    %get3A_15 = vector.load %arg1[%get3A_13, %get3A_14] : memref<3128x128xf32, #tpu.memory_space<vmem>>, vector<3128x128xf32>
    %get3A_16 = arith.constant 0 : index
    %get3A_17 = arith.constant 0 : index
    %get3A_18 = vector.load %arg3[%get3A_16, %get3A_17] : memref<128x128xf32, #tpu.memory_space<vmem>>, vector<128x128xf32>
    %dot_general3A = arith.constant dense<0.000000e+00> : vector<3128x128xf32>
    %dot_general3A_19 = tpu.matmul %get3A_15, %get3A_18, %dot_general3A {dimension_numbers = #tpu.dot_dimension_numbers<[1], [0], [0], [1], [0, 0, 1, 1], [], []>, transpose_lhs_hint = false} : vector<3128x128xf32>, vector<128x128xf32>, vector<3128x128xf32> -> vector<3128x128xf32>
    %mul3A = arith.mulf %dot_general3A_19, %select_n3A : vector<3128x128xf32>
    %swap3A = arith.constant 0 : index
    %swap3A_20 = arith.constant 0 : index
    %swap3A_21 = vector.load %arg6[%swap3A, %swap3A_20] : memref<3128x128xf32, #tpu.memory_space<vmem>>, vector<3128x128xf32>
    tpu.vector_store %arg6[%swap3A, %swap3A_20], %mul3A {strides = array<i32>} : memref<3128x128xf32, #tpu.memory_space<vmem>>, vector<3128x128xf32>,
    %get3A_22 = arith.constant 0 : index
    %get3A_23 = arith.constant 0 : index
    %get3A_24 = vector.load %arg4[%get3A_22, %get3A_23] : memref<128x128xf32, #tpu.memory_space<vmem>>, vector<128x128xf32>
    %dot_general3A_25 = arith.constant dense<0.000000e+00> : vector<3128x128xf32>
    %dot_general3A_26 = tpu.matmul %get3A_15, %get3A_24, %dot_general3A_25 {dimension_numbers = #tpu.dot_dimension_numbers<[1], [0], [0], [1], [0, 0, 1, 1], [], []>, transpose_lhs_hint = false} : vector<3128x128xf32>, vector<128x128xf32>, vector<3128x128xf32> -> vector<3128x128xf32>
    %get3A_27 = arith.constant 0 : index
    %get3A_28 = arith.constant 0 : index
    %get3A_29 = vector.load %arg5[%get3A_27, %get3A_28] : memref<1x128xf32, #tpu.memory_space<vmem>>, vector<1x128xf32>
    %add3A_30 = vector.broadcast %get3A_29 : vector<1x128xf32> to vector<3128x128xf32>
    %add3A_31 = arith.addf %dot_general3A_26, %add3A_30 : vector<3128x128xf32>
    %swap3A_32 = arith.constant 0 : index
    %swap3A_33 = arith.constant 0 : index
    %swap3A_34 = vector.load %arg7[%swap3A_32, %swap3A_33] : memref<3128x128xf32, #tpu.memory_space<vmem>>, vector<3128x128xf32>
    tpu.vector_store %arg7[%swap3A_32, %swap3A_33], %add3A_31 {strides = array<i32>} : memref<3128x128xf32, #tpu.memory_space<vmem>>, vector<3128x128xf32>,
    %swap3A_35 = arith.constant 0 : index
    %swap3A_36 = arith.constant 0 : index
    %swap3A_37 = vector.load %arg8[%swap3A_35, %swap3A_36] : memref<3128x128xf32, #tpu.memory_space<vmem>>, vector<3128x128xf32>
    tpu.vector_store %arg8[%swap3A_35, %swap3A_36], %select_n3A {strides = array<i32>} : memref<3128x128xf32, #tpu.memory_space<vmem>>, vector<3128x128xf32>,
    return
  }
  func.func @transform_0(%arg0: i32) -> (i32, i32) {
    %c0_i32 = arith.constant 0 : i32
    %c0_i32_0 = arith.constant 0 : i32
    return %arg0, %c0_i32 : i32, i32
  }
  func.func @transform_1(%arg0: i32) -> (i32, i32, i32) {
    %c0_i32 = arith.constant 0 : i32
    %c0_i32_0 = arith.constant 0 : i32
    %c0_i32_1 = arith.constant 0 : i32
    return %c0_i32, %arg0, %c0_i32_0 : i32, i32, i32
  }
  func.func @transform_2(%arg0: i32) -> (i32, i32) {
    %c0_i32 = arith.constant 0 : i32
    %c0_i32_0 = arith.constant 0 : i32
    %c0_i32_1 = arith.constant 0 : i32
    return %c0_i32, %c0_i32_0 : i32, i32
  }
  func.func @transform_3(%arg0: i32) -> (i32, i32) {
    %c0_i32 = arith.constant 0 : i32
    %c0_i32_0 = arith.constant 0 : i32
    %c0_i32_1 = arith.constant 0 : i32
    return %c0_i32, %c0_i32_0 : i32, i32
  }
  func.func @transform_4(%arg0: i32) -> (i32, i32) {
    %c0_i32 = arith.constant 0 : i32
    %c0_i32_0 = arith.constant 0 : i32
    %c0_i32_1 = arith.constant 0 : i32
    return %c0_i32, %c0_i32_0 : i32, i32
  }
  func.func @transform_5(%arg0: i32) -> (i32, i32) {
    %c0_i32 = arith.constant 0 : i32
    %c0_i32_0 = arith.constant 0 : i32
    return %arg0, %c0_i32 : i32, i32
  }
  func.func @transform_6(%arg0: i32) -> (i32, i32) {
    %c0_i32 = arith.constant 0 : i32
    %c0_i32_0 = arith.constant 0 : i32
    return %arg0, %c0_i32 : i32, i32
  }
  func.func @transform_7(%arg0: i32) -> (i32, i32) {
    %c0_i32 = arith.constant 0 : i32
    %c0_i32_0 = arith.constant 0 : i32
    return %arg0, %c0_i32 : i32, i32
  }
}

module attributes {stable_mosaic.version = 14 : i64} {
  func.func @body(%arg0: i32, %arg1: memref<2x3128x128xf32, #tpu.memory_space<vmem>>, %arg2: memref<3128x128xf32, #tpu.memory_space<vmem>>, %arg3: memref<3128x128xf32, #tpu.memory_space<vmem>>, %arg4: memref<3128x128xf32, #tpu.memory_space<vmem>>) attributes {dimension_semantics = [#tpu.dimension_semantics<arbitrary>], iteration_bounds = array<i64: 4>, scalar_prefetch = 0 : i64, scratch_operands = 0 : i64, tpu.core_type = #tpu.core_type<tc>, window_params = [{transform_indices = @transform_0, window_bounds = array<i64: 2, 3128, 128>}, {transform_indices = @transform_1, window_bounds = array<i64: 3128, 128>}, {transform_indices = @transform_2, window_bounds = array<i64: 3128, 128>}, {transform_indices = @transform_3, window_bounds = array<i64: 3128, 128>}]} {
    %get3A = arith.constant 0 : index
    %get3A_0 = arith.constant 0 : index
    %get3A_1 = arith.constant 0 : index
    %get3A_2 = vector.load %arg1[%get3A, %get3A_0, %get3A_1] : memref<2x3128x128xf32, #tpu.memory_space<vmem>>, vector<1x3128x128xf32>
    %get3A_3 = vector.shape_cast %get3A_2 : vector<1x3128x128xf32> to vector<3128x128xf32>
    %get3A_4 = arith.constant 1 : index
    %get3A_5 = arith.constant 0 : index
    %get3A_6 = arith.constant 0 : index
    %get3A_7 = vector.load %arg1[%get3A_4, %get3A_5, %get3A_6] : memref<2x3128x128xf32, #tpu.memory_space<vmem>>, vector<1x3128x128xf32>
    %get3A_8 = vector.shape_cast %get3A_7 : vector<1x3128x128xf32> to vector<3128x128xf32>
    %add3A = arith.addf %get3A_3, %get3A_8 : vector<3128x128xf32>
    %get3A_9 = arith.constant 0 : index
    %get3A_10 = arith.constant 0 : index
    %get3A_11 = vector.load %arg2[%get3A_9, %get3A_10] : memref<3128x128xf32, #tpu.memory_space<vmem>>, vector<3128x128xf32>
    %mul3A = arith.mulf %add3A, %get3A_11 : vector<3128x128xf32>
    %get3A_12 = arith.constant 0 : index
    %get3A_13 = arith.constant 0 : index
    %get3A_14 = vector.load %arg3[%get3A_12, %get3A_13] : memref<3128x128xf32, #tpu.memory_space<vmem>>, vector<3128x128xf32>
    %add3A_15 = arith.addf %mul3A, %get3A_14 : vector<3128x128xf32>
    %max3A = arith.constant 0.000000e+00 : f32
    %max3A_16 = vector.broadcast %max3A : f32 to vector<3128x128xf32>
    %max3A_17 = arith.maximumf %add3A_15, %max3A_16 : vector<3128x128xf32>
    %swap3A = arith.constant 0 : index
    %swap3A_18 = arith.constant 0 : index
    %swap3A_19 = vector.load %arg4[%swap3A, %swap3A_18] : memref<3128x128xf32, #tpu.memory_space<vmem>>, vector<3128x128xf32>
    tpu.vector_store %arg4[%swap3A, %swap3A_18], %max3A_17 {strides = array<i32>} : memref<3128x128xf32, #tpu.memory_space<vmem>>, vector<3128x128xf32>,
    return
  }
  func.func @transform_0(%arg0: i32) -> (i32, i32, i32) {
    %c0_i32 = arith.constant 0 : i32
    %c0_i32_0 = arith.constant 0 : i32
    %c0_i32_1 = arith.constant 0 : i32
    return %c0_i32, %arg0, %c0_i32_0 : i32, i32, i32
  }
  func.func @transform_1(%arg0: i32) -> (i32, i32) {
    %c0_i32 = arith.constant 0 : i32
    %c0_i32_0 = arith.constant 0 : i32
    return %arg0, %c0_i32 : i32, i32
  }
  func.func @transform_2(%arg0: i32) -> (i32, i32) {
    %c0_i32 = arith.constant 0 : i32
    %c0_i32_0 = arith.constant 0 : i32
    return %arg0, %c0_i32 : i32, i32
  }
  func.func @transform_3(%arg0: i32) -> (i32, i32) {
    %c0_i32 = arith.constant 0 : i32
    %c0_i32_0 = arith.constant 0 : i32
    return %arg0, %c0_i32 : i32, i32
  }
}

</mosaic_0001>

<sc_bundles>
// kernel: kernel.11.cloned.1.call-start
scs
__scs_entry_jumppad:
0x0: {  	(pc) =	sbr.rel $0x88, $3  }
0x1: {  	(tag) =	ssettag $0x0;
	lr =	simm.s32 $0x1  }
0x2: {  	[smem:$0x3F99] =	sst lr;
	_ =	strace $0xD0000000  }
0x3: {  	_ = 	snop  }
0x4: {  	_ = 	snop  }
0x5: {  	_ = 	snop  }
0x6: {  	_ = 	snop  }
0x7: {  	_ = 	snop  }
__scs_overlays_trampoline_lowered:
0x8: {  	[smem:$0x3FA8] =	sst s0  }
0x9: {  	[smem:$0x3FA9] =	sst s1  }
0xa: {  	[smem:$0x3FAA] =	sst s2  }
0xb: {  	[smem:$0x3FAB] =	sst s3  }
0xc: {  	[smem:$0x3FAC] =	sst s4  }
0xd: {  	[smem:$0x3FAD] =	sst s5  }
0xe: {  	[smem:$0x3FAE] =	sst s6  }
0xf: {  	[smem:$0x3FAF] =	sst s7  }
0x10: {  	[smem:$0x3FB0] =	sst s8  }
0x11: {  	[smem:$0x3FB1] =	sst s9;
	s0 =	simm.s32 @!p0 $0x0  }
0x12: {  	s1 =	sld [smem:$0x3F97];
	s0 =	simm.s32 @p0 $0x1  }
0x13: {  	[smem:$0x3FB2] =	sst s0;
	s0 =	simm.s32 @!p1 $0x0  }
0x14: {  	s2 =	sld [smem:$0x3F96];
	s0 =	simm.s32 @p1 $0x1  }
0x15: {  	[smem:$0x3FB3] =	sst s0;
	s0 =	simm.s32 @!p2 $0x0  }
0x16: {  	s3 =	sld [smem:$0x3FDB];
	s0 =	simm.s32 @p2 $0x1  }
0x17: {  	s4 =	simm.s32 $0x1BF5;
	[smem:$0x3FB5] =	sst s0  }
0x18: {  	s0 =	sld [smem:$0x3F98];
	_ =	swait.ge [sflag:s4], $0x0  }
0x19: {  	s7 =	sld [smem:$0x3F99]  }
0x1a: {  	s8 =	sadd.s32 $0xFFFFE003, lr  }
0x1b: {  	s9 =	sadd.s32 $0xFFFFFEF7, lr;
	s5 =	simm.s32 $0xFFFFFFFF;
	p2 =	slt.u32 s8, $0xFFFFF086  }
0x1c: {  	p1 =	slt.u32 s9, $0xF7A;
	s5 =	simm.s32 @!p2 $0x0  }
0x1d: {  	s5 =	simm.s32 @p1 $0x1;
	p0 =	seq.s32 s7, s2  }
0x1e: {  	s7 =	smul.u32 @!p0 $0xF7A, s2;
	p2 =	seq.s32 @!p0 s5, $0x0  }
0x1f: {  	s9 =	smul.u32 $0xF7A, s1;
	s8 =	simm.s32 @!p0 $0x1BF5;
	p2 =	por !p2, p0  }
0x20: {  	[sflag:s8] =	ssyncset.s32 @!p0 $0xFFFFF086;
	s6 =	sadd.s32 @!p0 s3, s7;
	s7 =	simm.s32 @!p0 $0x108  }
0x21: {  	s3 =	sadd.s32 s3, s9;
	s6 =	sadd.s32 @!p0 $0x88, s6;
	s7 =	simm.s32 @p2 $0x1082  }
0x22: {  	[simem:s7], [sflag:s8] =	dma.local @!p0 [hbm:s6], $0xF7A  }
0x23: {  	s9 =	sor.u32 $0xD0000000, s2;
	s6 =	simm.s32 $0x108;
	_ =	swait.ge @!p0 [sflag:s8], $0x0  }
0x24: {  	s3 =	sadd.s32 $0x88, s3;
	s6 =	simm.s32 @!p1 $0x1082;
	[sflag:s4] =	ssyncset.s32 $0xFFFFF086  }
0x25: {  	[simem:s6], [sflag:s4] =	dma.local [hbm:s3], $0xF7A  }
0x26: {  	[smem:$0x3F99] =	sst s1;
	(tag) =	ssettag s2;
	_ =	strace s9  }
0x27: {  	s1 =	sld [smem:$0x3FA9]  }
0x28: {  	s2 =	sld [smem:$0x3FAA]  }
0x29: {  	s4 =	sld [smem:$0x3FAC]  }
0x2a: {  	p0 =	seq.s32 s5, $0x0;
	s5 =	sld [smem:$0x3FAD]  }
0x2b: {  	s6 =	sld [smem:$0x3FAE]  }
0x2c: {  	s7 =	sld [smem:$0x3FAF]  }
0x2d: {  	s3 =	simm.s32 $0x108;
	s8 =	sld [smem:$0x3FB0]  }
0x2e: {  	s3 =	simm.s32 @!p0 $0x1082;
	s9 =	sld [smem:$0x3FB1]  }
0x2f: {  	lr =	sadd.s32 s0, s3;
	s0 =	sld [smem:$0x3FA8]  }
0x30: {  	s3 =	sld [smem:$0x3FAB]  }
0x31: {  	[smem:$0x3FB4] =	sst s10  }
0x32: {  	s10 =	sld [smem:$0x3FB2];
	_ =	sdelay $0x3  }
0x33: {  	p0 =	seq.s32 s10, $0x1;
	s10 =	sld [smem:$0x3FB4];
	_ =	sdelay $0x3  }
0x34: {  	[smem:$0x3FB4] =	sst s10  }
0x35: {  	s10 =	sld [smem:$0x3FB3];
	_ =	sdelay $0x3  }
0x36: {  	p1 =	seq.s32 s10, $0x1;
	s10 =	sld [smem:$0x3FB4];
	_ =	sdelay $0x3  }
0x37: {  	[smem:$0x3FB4] =	sst s10  }
0x38: {  	s10 =	sld [smem:$0x3FB5]  }
0x39: {  	_ = 	snop;
	(pc) =	sbr.ind lr, $3  }
0x3a: {  	_ = 	snop  }
0x3b: {  	_ = 	snop  }
0x3c: {  	p2 =	seq.s32 s10, $0x1;
	s10 =	sld [smem:$0x3FB4]  }
0x3d: {  	_ =	shalt  }
0x3e: {  	_ =	shalt  }
0x3f: {  	_ =	shalt  }
0x40: {  	_ =	shalt  }
0x41: {  	_ =	shalt  }
0x42: {  	_ =	shalt  }
0x43: {  	_ =	shalt  }
0x44: {  	_ =	shalt  }
0x45: {  	_ =	shalt  }
0x46: {  	_ =	shalt  }
0x47: {  	_ =	shalt  }
0x48: {  	_ =	shalt  }
0x49: {  	_ =	shalt  }
0x4a: {  	_ =	shalt  }
0x4b: {  	_ =	shalt  }
0x4c: {  	_ =	shalt  }
0x4d: {  	_ =	shalt  }
0x4e: {  	_ =	shalt  }
0x4f: {  	_ =	shalt  }
0x50: {  	_ =	shalt  }
0x51: {  	_ =	shalt  }
0x52: {  	_ =	shalt  }
0x53: {  	_ =	shalt  }
0x54: {  	_ =	shalt  }
0x55: {  	_ =	shalt  }
0x56: {  	_ =	shalt  }
0x57: {  	_ =	shalt  }
0x58: {  	_ =	shalt  }
0x59: {  	_ =	shalt  }
0x5a: {  	_ =	shalt  }
0x5b: {  	_ =	shalt  }
0x5c: {  	_ =	shalt  }
0x5d: {  	_ =	shalt  }
0x5e: {  	_ =	shalt  }
0x5f: {  	_ =	shalt  }
0x60: {  	_ =	shalt  }
0x61: {  	_ =	shalt  }
0x62: {  	_ =	shalt  }
0x63: {  	_ =	shalt  }
0x64: {  	_ =	shalt  }
0x65: {  	_ =	shalt  }
0x66: {  	_ =	shalt  }
0x67: {  	_ =	shalt  }
0x68: {  	_ =	shalt  }
0x69: {  	_ =	shalt  }
0x6a: {  	_ =	shalt  }
0x6b: {  	_ =	shalt  }
0x6c: {  	_ =	shalt  }
0x6d: {  	_ =	shalt  }
0x6e: {  	_ =	shalt  }
0x6f: {  	_ =	shalt  }
0x70: {  	_ =	shalt  }
0x71: {  	_ =	shalt  }
0x72: {  	_ =	shalt  }
0x73: {  	_ =	shalt  }
0x74: {  	_ =	shalt  }
0x75: {  	_ =	shalt  }
0x76: {  	_ =	shalt  }
0x77: {  	_ =	shalt  }
0x78: {  	_ =	shalt  }
0x79: {  	_ =	shalt  }
0x7a: {  	_ =	shalt  }
0x7b: {  	_ =	shalt  }
0x7c: {  	_ =	shalt  }
0x7d: {  	_ =	shalt  }
0x7e: {  	_ =	shalt  }
0x7f: {  	_ =	shalt  }
0x80: {  	_ =	shalt  }
0x81: {  	_ =	shalt  }
0x82: {  	_ =	shalt  }
0x83: {  	_ =	shalt  }
0x84: {  	_ =	shalt  }
0x85: {  	_ =	shalt  }
0x86: {  	_ =	shalt  }
0x87: {  	_ =	shalt  }
.Lfunc_end0:
.L_simem_size_0:
called_computation.1_lowered:
.L_overlay_start_0:
0x88: {  	s2 =	sld [smem:$0x3FD9]  }
0x89: {  	s3 =	sld [smem:$0x3FFE];
	_ =	sdelay $0x1  }
0x8a: {  	s1 =	srdreg.scid  }
0x8b: {  	s0 =	sand.u32 $0x1, s1  }
0x8c: {  	s17 =	sshll.u32 s0, $0xA;
	s2 =	sadd.s32 s3, s2  }
0x8d: {  	s2 =	sadd.s32 s2, s17  }
0x8e: {  	[smem:$0x3FC0] =	sst s2  }
0x8f: {  	_ = 	snop  }
0x90: {  	s2 =	sld [smem:$0x3FD0];
	(tm) =	ssettm $0x1  }
0x91: {  	s18 =	sld [smem:$0x3FFB];
	_ =	sdelay $0x3  }
0x92: {  	_ =	strace s18  }
0x93: {  	s3 =	sld [smem:$0x3FFC];
	_ =	sdelay $0x3  }
0x94: {  	_ =	strace s3  }
0x95: {  	s3 =	sld [smem:$0x3FFD];
	_ =	sdelay $0x3  }
0x96: {  	_ =	strace s3  }
0x97: {  	_ =	strace $0x8FFFFFFF  }
0x98: {  	s19 =	sld [smem:$0x3FDB];
	_ =	sdelay $0x1  }
0x99: {  	s4 =	simm.s32 $_scs_section_size  }
0x9a: {  	s5 =	simm.s32 $_size__tile_overlayer_lowered;
	s6 =	simm.s32 $_tile_overlayer_lowered  }
0x9b: {  	s22 =	simm.s32 $0x1BFF;
	s21 =	sshll.u32 s6, $0x1;
	s3 =	sadd.s32 s4, s19  }
0x9c: {  	s7 =	simm.s32 $0x0;
	s20 =	sshll.u32 s5, $0x1;
	s5 =	sadd.s32 s21, s3  }
0x9d: {  	[timem:s7], [sflag:s22] =	dma.local [hbm:s5], s20  }
0x9e: {  	_ =	swait.ge [sflag:s22], s20  }
0x9f: {  	s4 =	ssub.s32 $0x0, s20;
	[sflag:s22] =	ssyncset.done $0x0  }
0xa0: {  	[sflag:s22] =	ssyncadd.s32 s4;
	_ =	sdelay $0x1  }
0xa1: {  	s23 =	simm.s32 $0x1B8B  }
0xa2: {  	_ =	swait.ge [sflag:s23], $0x1  }
0xa3: {  	[sflag:s23] =	ssyncset.done $0x0  }
0xa4: {  	s25 =	simm.s32 $0x1B8E;
	s24 =	sld [smem:$0x3FFE];
	[sflag:s23] =	ssyncadd.s32 $0xFFFFFFFF  }
0xa5: {  	s26 =	simm.s32 $execute0_lowered;
	[smem:$0x3FD2] =	sst s25  }
0xa6: {  	s5 =	sshll.u32 s26, $0x1;
	_ =	strace $0x80000049;
	[dreg:$0x1] =	wrdreg $0xFFFFFFFF  }
0xa7: {  	s28 =	simm.s32 $_size_execute0_lowered;
	s3 =	sadd.s32 s3, s5;
	[dreg:$0x0] =	wrdreg $0x0  }
0xa8: {  	s5 =	sshll.u32 s28, $0x1;
	[dreg:$0x2] =	wrdreg s3  }
0xa9: {  	[dreg:$0x3] =	wrdreg s5  }
0xaa: {  	[dreg:$0x4] =	wrdreg $0xC0  }
0xab: {  	_ =	task [dreg:s7], $0x5FFFF  }
0xac: {  	[dreg:$0x1] =	wrdreg $0xFFFFFFFF  }
0xad: {  	[dreg:$0x0] =	wrdreg $0x60  }
0xae: {  	[dreg:$0x2] =	wrdreg s2  }
0xaf: {  	[dreg:$0x3] =	wrdreg s24  }
0xb0: {  	[dreg:$0x4] =	wrdreg $0x72700  }
0xb1: {  	[dreg:$0x5] =	wrdreg $0x9  }
0xb2: {  	_ =	task.clear_ibuf [dreg:s7], $0x6FFFF;
	_ =	strace $0x90000049  }
0xb3: {  	s29 =	simm.s32 $0x9;
	_ =	strace $0x8000004B  }
0xb4: {  	_ =	swait.ge [sflag:s29], $0x1  }
0xb5: {  	[sflag:s29] =	ssyncadd.s32 $0xFFFFFFFF  }
0xb6: {  	_ =	strace $0x9000004B  }
0xb7: {  	_ =	sfence  }
0xb8: {  	s30 =	sld [smem:$0x0];
	_ =	sdelay $0x2  }
0xb9: {  	s31 =	sshll.u32 s1, $0xD;
	s1 =	sshrl.u32 s1, $0x2  }
0xba: {  	s3 =	sand.u32 $0x4000, s31;
	s1 =	sadd.s32 s1, s30  }
0xbb: {  	s0 =	sor.u32 s3, s0;
	s1 =	sshll.u32 s1, $0x11  }
0xbc: {  	s0 =	sor.u32 s1, s0  }
0xbd: {  	s0 =	sadd.s32 $0x8F2B, s0  }
0xbe: {  	[sflag:s0] =	ssyncadd.remote.s32 $0x1  }
0xbf: {  	_ =	sfence.sel $0xFFFF  }
0xc0: {  	[dreg:$0x0] =	wrdreg $0xFFFFFFFF;
	(pc) =	sbr.abs _section_cstart, $3  }
0xc1: {  	[dreg:$0x1] =	wrdreg $0xFFFFFFFF  }
0xc2: {  	_ =	task.clear_ibuf [dreg:s7], $0x2FFFF;
	_ =	strace $0x9FFFFFFF  }
0xc3: {  	(tm) =	ssettm $0x7FFFFFFF  }
tec
execute0_lowered:
.L_overlay_start_1:
0x0: {  	(tag) =	ssettag $0x1  }
0x1: {  	s1 =	rddreg [dreg:$0x0]  }
0x2: {  	s0 =	rddreg [dreg:$0x1]  }
0x3: {  	s3 =	rddreg [dreg:$0x2]  }
0x4: {  	s2 =	srdreg.scid;
	s16 =	stileid.u32  }
0x5: {  	s4 =	simm.s32 $0x0;
	s9 =	simm.s32 $0x0;
	s2 =	sand.u32 $0x1, s2  }
0x6: {  	s6 =	sshll.u32 s16, $0x1;
	[smem:$0x7FF] =	sst s4;
	s8 =	smul.u32 $0x18700, s16  }
0x7: {  	p0 =	slt.u32 s16, $0x2;
	s5 =	smul.u32 $0x187000, s2;
	s6 =	sor.u32 s2, s6  }
0x8: {  	_ =	strace $0x8000004A;
	s7 =	smul.u32 $0x9C, s6;
	s6 =	smin.u32 s6, $0x4  }
0x9: {  	s9 =	simm.s32 @!p0 $0x2;
	s21 =	ssub.s32 $0x2, s2;
	s10 =	sshll.u32 s6, $0x1  }
0xa: {  	s15 =	sshrl.u32 s21, $0x1;
	s19 =	sadd.s32 s8, s5;
	s11 =	sadd.s32 s7, s10  }
0xb: {  	s5 =	sadd.s32 $0x64400, s0;
	s20 =	sshrl.u32 s19, $0x3;
	s12 =	ssub.s32 s11, s9  }
0xc: {  	s6 =	sadd.s32 $0x2800, s0;
	s0 =	sadd.s32 s20, s0;
	s31 =	sadd.s32 $0x9D, s12  }
0xd: {  	s14 =	sor.u32 $0x1, s11;
	s12 =	ssub.s32 s21, s15;
	s13 =	smin.u32 s11, s31  }
0xe: {  	s0 =	sadd.s32 $0xF6E00, s0;
	s14 =	smin.u32 s14, s31;
	s13 =	smul.u32 $0x50, s13  }
0xf: {  	s11 =	sadd.s32 $0x2, s11;
	[dreg:$0xa] =	wrdreg s0;
	s15 =	smax.u32 s12, $0x1  }
0x10: {  	s14 =	smul.u32 $0x50, s14;
	[dreg:$0xb] =	wrdreg s15;
	s22 =	sadd.s32 s5, s13  }
0x11: {  	s11 =	smin.u32 s11, s31;
	s23 =	sadd.s32 s6, s13;
	[dreg:$0x4] =	wrdreg s22  }
0x12: {  	s11 =	smul.u32 $0x50, s11;
	s24 =	sadd.s32 s5, s14;
	[dreg:$0x5] =	wrdreg s23  }
0x13: {  	s28 =	smul.u32 $0x61C00, s16;
	s25 =	sadd.s32 s6, s14;
	[dreg:$0x6] =	wrdreg s24  }
0x14: {  	s8 =	sadd.s32 s8, s3;
	[dreg:$0x7] =	wrdreg s25;
	s26 =	sadd.s32 s5, s11  }
0x15: {  	s13 =	sshrl.u32 s28, $0x2;
	s30 =	sadd.s32 s6, s11;
	[dreg:$0x8] =	wrdreg s26  }
0x16: {  	s17 =	sadd.s32 s13, s3;
	s23 =	sshrl.u32 s8, $0x3;
	[dreg:$0x9] =	wrdreg s30  }
0x17: {  	s2 =	smul.u32 $0x9C, s2;
	s0 =	sadd.s32 $0x1870, s17;
	[dreg:$0x12] =	wrdreg s23  }
0x18: {  	s11 =	smul.u32 $0x138, s16;
	s16 =	sadd.s32 $0x30E0, s17;
	[dreg:$0xc] =	wrdreg s0  }
0x19: {  	s9 =	ssub.s32 $0x9C, s9;
	s19 =	sadd.s32 $0x4950, s17;
	[dreg:$0xd] =	wrdreg s16  }
0x1a: {  	s12 =	simm.s32 $0x780;
	s20 =	sadd.s32 $0x61C0, s17;
	[dreg:$0xe] =	wrdreg s19  }
0x1b: {  	s15 =	simm.s32 $0x7;
	s21 =	sadd.s32 $0x7A30, s17;
	[dreg:$0xf] =	wrdreg s20  }
0x1c: {  	s14 =	sshrl.u32 s9, $0x1;
	s22 =	sadd.s32 $0x92A0, s17;
	[dreg:$0x10] =	wrdreg s21  }
0x1d: {  	s13 =	simm.s32 $0x5A00;
	s24 =	sadd.s32 $0xAB10, s17;
	[dreg:$0x11] =	wrdreg s22  }
0x1e: {  	s25 =	sadd.s32 $0xC380, s17;
	s26 =	sadd.s32 $0xDBF0, s17;
	[dreg:$0x13] =	wrdreg s24  }
0x1f: {  	s28 =	sadd.s32 $0xF460, s17;
	s30 =	sadd.s32 $0x10CD0, s17;
	[dreg:$0x14] =	wrdreg s25  }
0x20: {  	s8 =	sadd.s32 $0x15620, s17;
	s9 =	sadd.s32 $0x16E90, s17;
	[dreg:$0x15] =	wrdreg s26  }
0x21: {  	s23 =	simm.s32 $0x2;
	s18 =	sadd.s32 s2, s11;
	[dreg:$0x16] =	wrdreg s28  }
0x22: {  	[dreg:$0x17] =	wrdreg s30;
	s2 =	sadd.s32 $0x13DB0, s17;
	s11 =	simm.s32 $0x280  }
0x23: {  	s16 =	simm.s32 $0x5;
	s19 =	simm.s32 $0x1;
	s20 =	simm.s32 $0x6  }
0x24: {  	s21 =	simm.s32 $0x3200;
	s22 =	simm.s32 $0x3;
	s25 =	simm.s32 $0x4  }
0x25: {  	s26 =	simm.s32 $0x0;
	s0 =	sadd.s32 s10, s18;
	s10 =	simm.s32 $0x500  }
0x26: {  	v0 =	vimm.f32 $0.0e+00;
	s18 =	simm.s32 $0xA00;
	s29 =	sadd.s32 $0x4, s0;
	s0 =	sadd.s32 $0x12540, s17  }
.LBB2_1:
0x27: {  	s7 =	rddreg [dreg:$0x4]  }
0x28: {  	[tilespmem:s4], [sflag:$0x5] =	stream.linear.gather [hbm4b:s7+s4], $0x280, $0x38;
	[tilespmem:$0x1F970] =	vst v63  }
0x29: {  	s30 =	rddreg [dreg:$0x5]  }
0x2a: {  	[tilespmem:s10], [sflag:$0x5] =	stream.linear.gather [hbm4b:s30+s4], $0x280, $0x38;
	[tilespmem:$0x1F970] =	vst v63  }
0x2b: {  	s24 =	rddreg [dreg:$0x6]  }
0x2c: {  	[tilespmem:s11], [sflag:$0x6] =	stream.linear.gather [hbm4b:s24+s4], $0x280, $0x38;
	[tilespmem:$0x1F970] =	vst v63  }
0x2d: {  	s28 =	simm.s32 $0x0;
	s30 =	rddreg [dreg:$0x7];
	s24 =	simm.s32 $0x40  }
0x2e: {  	[tilespmem:s12], [sflag:$0x6] =	stream.linear.gather [hbm4b:s30+s4], $0x280, $0x38;
	[tilespmem:$0x1F970] =	vst v63  }
.LBB2_2:
0x2f: {  	p0 =	sne.s32 s24, $0x6180;
	[tilespmem:s28+$0x5A00] =	vst v0;
	s28 =	smov.u32 s24;
	s24 =	sadd.s32 $0x40, s24  }
.Ltmp0:
0x30: {  	(pc) =	sbr.rel @p0 .LBB2_2-.Ltmp0, $2  }
0x31: {  	_ =	sdelay $0x2  }
0x32: {  	s28 =	sshra.s32 s28, $0x2  }
0x33: {  	[tilespmem:s28+$0x5A00] =	vst v0  }
0x34: {  	[spmem:s17] =	stream.linear.scatter [tilespmem:s13], [sflag:$0x7], $0x1870, $0x38;
	[tilespmem:$0x1F970] =	vst v63  }
0x35: {  	_ =	swait.ge [sflag:s15], $0x1870  }
0x36: {  	[sflag:s15] =	ssyncset.done $0x0  }
0x37: {  	s7 =	rddreg [dreg:$0xc];
	[sflag:s15] =	ssyncadd.s32 $0xFFFFE790  }
0x38: {  	[spmem:s7] =	stream.linear.scatter [tilespmem:s13], [sflag:$0x7], $0x1870, $0x38;
	[tilespmem:$0x1F970] =	vst v63  }
0x39: {  	_ =	swait.ge [sflag:s15], $0x1870  }
0x3a: {  	[sflag:s15] =	ssyncset.done $0x0  }
0x3b: {  	s24 =	rddreg [dreg:$0xd];
	[sflag:s15] =	ssyncadd.s32 $0xFFFFE790  }
0x3c: {  	[spmem:s24] =	stream.linear.scatter [tilespmem:s13], [sflag:$0x7], $0x1870, $0x38;
	[tilespmem:$0x1F970] =	vst v63  }
0x3d: {  	_ =	swait.ge [sflag:s15], $0x1870  }
0x3e: {  	[sflag:s15] =	ssyncset.done $0x0  }
0x3f: {  	s30 =	rddreg [dreg:$0xe];
	[sflag:s15] =	ssyncadd.s32 $0xFFFFE790  }
0x40: {  	[spmem:s30] =	stream.linear.scatter [tilespmem:s13], [sflag:$0x7], $0x1870, $0x38;
	[tilespmem:$0x1F970] =	vst v63  }
0x41: {  	_ =	swait.ge [sflag:s15], $0x1870  }
0x42: {  	[sflag:s15] =	ssyncset.done $0x0  }
0x43: {  	s24 =	rddreg [dreg:$0xf];
	[sflag:s15] =	ssyncadd.s32 $0xFFFFE790  }
0x44: {  	[spmem:s24] =	stream.linear.scatter [tilespmem:s13], [sflag:$0x7], $0x1870, $0x38;
	[tilespmem:$0x1F970] =	vst v63  }
0x45: {  	_ =	swait.ge [sflag:s15], $0x1870  }
0x46: {  	[sflag:s15] =	ssyncset.done $0x0  }
0x47: {  	s30 =	rddreg [dreg:$0x10];
	[sflag:s15] =	ssyncadd.s32 $0xFFFFE790  }
0x48: {  	[spmem:s30] =	stream.linear.scatter [tilespmem:s13], [sflag:$0x7], $0x1870, $0x38;
	[tilespmem:$0x1F970] =	vst v63  }
0x49: {  	_ =	swait.ge [sflag:s15], $0x1870  }
0x4a: {  	[sflag:s15] =	ssyncset.done $0x0  }
0x4b: {  	s24 =	rddreg [dreg:$0x11];
	[sflag:s15] =	ssyncadd.s32 $0xFFFFE790  }
0x4c: {  	[spmem:s24] =	stream.linear.scatter [tilespmem:s13], [sflag:$0x7], $0x1870, $0x38;
	[tilespmem:$0x1F970] =	vst v63  }
0x4d: {  	_ =	swait.ge [sflag:s15], $0x1870  }
0x4e: {  	[sflag:s15] =	ssyncset.done $0x0  }
0x4f: {  	s30 =	rddreg [dreg:$0x13];
	[sflag:s15] =	ssyncadd.s32 $0xFFFFE790  }
0x50: {  	[spmem:s30] =	stream.linear.scatter [tilespmem:s13], [sflag:$0x7], $0x1870, $0x38;
	[tilespmem:$0x1F970] =	vst v63  }
0x51: {  	_ =	swait.ge [sflag:s15], $0x1870  }
0x52: {  	[sflag:s15] =	ssyncset.done $0x0  }
0x53: {  	s24 =	rddreg [dreg:$0x14];
	[sflag:s15] =	ssyncadd.s32 $0xFFFFE790  }
0x54: {  	[spmem:s24] =	stream.linear.scatter [tilespmem:s13], [sflag:$0x7], $0x1870, $0x38;
	[tilespmem:$0x1F970] =	vst v63  }
0x55: {  	_ =	swait.ge [sflag:s15], $0x1870  }
0x56: {  	[sflag:s15] =	ssyncset.done $0x0  }
0x57: {  	s30 =	rddreg [dreg:$0x15];
	[sflag:s15] =	ssyncadd.s32 $0xFFFFE790  }
0x58: {  	[spmem:s30] =	stream.linear.scatter [tilespmem:s13], [sflag:$0x7], $0x1870, $0x38;
	[tilespmem:$0x1F970] =	vst v63  }
0x59: {  	_ =	swait.ge [sflag:s15], $0x1870  }
0x5a: {  	[sflag:s15] =	ssyncset.done $0x0  }
0x5b: {  	s24 =	rddreg [dreg:$0x16];
	[sflag:s15] =	ssyncadd.s32 $0xFFFFE790  }
0x5c: {  	[spmem:s24] =	stream.linear.scatter [tilespmem:s13], [sflag:$0x7], $0x1870, $0x38;
	[tilespmem:$0x1F970] =	vst v63  }
0x5d: {  	_ =	swait.ge [sflag:s15], $0x1870  }
0x5e: {  	[sflag:s15] =	ssyncset.done $0x0  }
0x5f: {  	s30 =	rddreg [dreg:$0x17];
	[sflag:s15] =	ssyncadd.s32 $0xFFFFE790  }
0x60: {  	[spmem:s30] =	stream.linear.scatter [tilespmem:s13], [sflag:$0x7], $0x1870, $0x38;
	[tilespmem:$0x1F970] =	vst v63  }
0x61: {  	_ =	swait.ge [sflag:s15], $0x1870  }
0x62: {  	[sflag:s15] =	ssyncset.done $0x0  }
0x63: {  	[sflag:s15] =	ssyncadd.s32 $0xFFFFE790  }
0x64: {  	[spmem:s0] =	stream.linear.scatter [tilespmem:s13], [sflag:$0x7], $0x1870, $0x38;
	[tilespmem:$0x1F970] =	vst v63  }
0x65: {  	_ =	swait.ge [sflag:s15], $0x1870  }
0x66: {  	[sflag:s15] =	ssyncset.done $0x0  }
0x67: {  	[sflag:s15] =	ssyncadd.s32 $0xFFFFE790  }
0x68: {  	[spmem:s2] =	stream.linear.scatter [tilespmem:s13], [sflag:$0x7], $0x1870, $0x38;
	[tilespmem:$0x1F970] =	vst v63  }
0x69: {  	_ =	swait.ge [sflag:s15], $0x1870  }
0x6a: {  	[sflag:s15] =	ssyncset.done $0x0  }
0x6b: {  	[sflag:s15] =	ssyncadd.s32 $0xFFFFE790  }
0x6c: {  	[spmem:s8] =	stream.linear.scatter [tilespmem:s13], [sflag:$0x7], $0x1870, $0x38;
	[tilespmem:$0x1F970] =	vst v63  }
0x6d: {  	_ =	swait.ge [sflag:s15], $0x1870  }
0x6e: {  	[sflag:s15] =	ssyncset.done $0x0  }
0x6f: {  	[sflag:s15] =	ssyncadd.s32 $0xFFFFE790  }
0x70: {  	[spmem:s9] =	stream.linear.scatter [tilespmem:s13], [sflag:$0x7], $0x1870, $0x38;
	[tilespmem:$0x1F970] =	vst v63  }
0x71: {  	_ =	swait.ge [sflag:s15], $0x1870  }
0x72: {  	[sflag:s15] =	ssyncset.done $0x0  }
0x73: {  	[sflag:s15] =	ssyncadd.s32 $0xFFFFE790  }
0x74: {  	[bflag:$0x0] =	sbarrier.arrive $0xFFFF  }
0x75: {  	_ =	swait.ge [sflag:s16], $0x280  }
0x76: {  	[sflag:s16] =	ssyncset.done $0x0  }
0x77: {  	[sflag:s16] =	ssyncadd.s32 $0xFFFFFD80  }
0x78: {  	_ =	swait.ge [sflag:s16], $0x280  }
0x79: {  	[sflag:s16] =	ssyncset.done $0x0  }
0x7a: {  	[sflag:s16] =	ssyncadd.s32 $0xFFFFFD80  }
0x7b: {  	[tilespmem:s18], [sflag:$0x1] =	stream.indirect.gather [hbm4b:s1+s11], $0x10, s4, s11, $0xb8;
	[tilespmem:$0x1F970] =	vst v63  }
0x7c: {  	_ =	swait.ge [sflag:s19], $0x2800  }
0x7d: {  	[sflag:s19] =	ssyncset.done $0x0  }
0x7e: {  	[sflag:s19] =	ssyncadd.s32 $0xFFFFD800  }
0x7f: {  	[spmem:s3] =	stream.indirect.scatter.add.f32 [tilespmem:s18], [sflag:$0x3], $0x10, s10, s11, $0xb8;
	[tilespmem:$0x1F970] =	vst v63  }
0x80: {  	_ =	swait.ge [sflag:s20], $0x280  }
0x81: {  	[sflag:s20] =	ssyncset.done $0x0  }
0x82: {  	[sflag:s20] =	ssyncadd.s32 $0xFFFFFD80  }
0x83: {  	_ =	swait.ge [sflag:s20], $0x280  }
0x84: {  	[sflag:s20] =	ssyncset.done $0x0  }
0x85: {  	[sflag:s20] =	ssyncadd.s32 $0xFFFFFD80  }
0x86: {  	[tilespmem:s21], [sflag:$0x2] =	stream.indirect.gather [hbm4b:s1+s11], $0x10, s11, s11, $0xb8;
	[tilespmem:$0x1F970] =	vst v63  }
0x87: {  	_ =	swait.ge [sflag:s22], $0x2800  }
0x88: {  	[sflag:s22] =	ssyncset.done $0x0  }
0x89: {  	s24 =	rddreg [dreg:$0x8];
	[sflag:s22] =	ssyncadd.s32 $0xFFFFD800  }
0x8a: {  	[tilespmem:s4], [sflag:$0x5] =	stream.linear.gather [hbm4b:s24+s4], $0x280, $0x38;
	[tilespmem:$0x1F970] =	vst v63  }
0x8b: {  	s30 =	rddreg [dreg:$0x9]  }
0x8c: {  	[tilespmem:s10], [sflag:$0x5] =	stream.linear.gather [hbm4b:s30+s4], $0x280, $0x38;
	[tilespmem:$0x1F970] =	vst v63  }
0x8d: {  	_ =	swait.ge [sflag:s23], $0x2800  }
0x8e: {  	[sflag:s23] =	ssyncset.done $0x0  }
0x8f: {  	[sflag:s23] =	ssyncadd.s32 $0xFFFFD800  }
0x90: {  	[spmem:s3] =	stream.indirect.scatter.add.f32 [tilespmem:s21], [sflag:$0x4], $0x10, s12, s11, $0xb8;
	[tilespmem:$0x1F970] =	vst v63  }
0x91: {  	_ =	swait.ge [sflag:s16], $0x280  }
0x92: {  	[sflag:s16] =	ssyncset.done $0x0  }
0x93: {  	s24 =	sadd.s32 $0xFFFFFFFF, s29;
	[sflag:s16] =	ssyncadd.s32 $0xFFFFFD80  }
0x94: {  	s28 =	smov.u32 s31;
	p0 =	slt.s32 s24, s31;
	_ =	swait.ge [sflag:s16], $0x280  }
0x95: {  	s28 =	smov.u32 @p0 s24;
	[sflag:s16] =	ssyncset.done $0x0  }
0x96: {  	s24 =	smul.u32 $0x280, s28;
	[sflag:s16] =	ssyncadd.s32 $0xFFFFFD80  }
0x97: {  	[tilespmem:s18], [sflag:$0x1] =	stream.indirect.gather [hbm4b:s1+s11], $0x10, s4, s11, $0xb8;
	[tilespmem:$0x1F970] =	vst v63  }
0x98: {  	_ =	swait.ge [sflag:s25], $0x2800  }
0x99: {  	s24 =	sshrl.u32 s24, $0x3;
	[sflag:s25] =	ssyncset.done $0x0  }
0x9a: {  	s28 =	sadd.s32 s5, s24;
	[sflag:s25] =	ssyncadd.s32 $0xFFFFD800  }
0x9b: {  	[tilespmem:s11], [sflag:$0x6] =	stream.linear.gather [hbm4b:s28+s4], $0x280, $0x38;
	[tilespmem:$0x1F970] =	vst v63  }
0x9c: {  	s24 =	sadd.s32 s6, s24  }
0x9d: {  	[tilespmem:s12], [sflag:$0x6] =	stream.linear.gather [hbm4b:s24+s4], $0x280, $0x38;
	[tilespmem:$0x1F970] =	vst v63  }
0x9e: {  	_ =	swait.ge [sflag:s19], $0x2800  }
0x9f: {  	[sflag:s19] =	ssyncset.done $0x0  }
0xa0: {  	[sflag:s19] =	ssyncadd.s32 $0xFFFFD800  }
0xa1: {  	[spmem:s3] =	stream.indirect.scatter.add.f32 [tilespmem:s18], [sflag:$0x3], $0x10, s10, s11, $0xb8;
	[tilespmem:$0x1F970] =	vst v63  }
0xa2: {  	_ =	swait.ge [sflag:s20], $0x280  }
0xa3: {  	[sflag:s20] =	ssyncset.done $0x0  }
0xa4: {  	[sflag:s20] =	ssyncadd.s32 $0xFFFFFD80  }
0xa5: {  	p0 =	slt.s32 s29, s31;
	s24 =	smov.u32 s31;
	_ =	swait.ge [sflag:s20], $0x280  }
0xa6: {  	s24 =	smov.u32 @p0 s29;
	[sflag:s20] =	ssyncset.done $0x0  }
0xa7: {  	s24 =	smul.u32 $0x280, s24;
	[sflag:s20] =	ssyncadd.s32 $0xFFFFFD80  }
0xa8: {  	[tilespmem:s21], [sflag:$0x2] =	stream.indirect.gather [hbm4b:s1+s11], $0x10, s11, s11, $0xb8;
	[tilespmem:$0x1F970] =	vst v63  }
0xa9: {  	_ =	swait.ge [sflag:s22], $0x2800  }
0xaa: {  	s24 =	sshrl.u32 s24, $0x3;
	[sflag:s22] =	ssyncset.done $0x0  }
0xab: {  	p0 =	sne.s32 s14, $0x1;
	s28 =	sadd.s32 s5, s24;
	[sflag:s22] =	ssyncadd.s32 $0xFFFFD800  }
0xac: {  	[tilespmem:s4], [sflag:$0x5] =	stream.linear.gather [hbm4b:s28+s4], $0x280, $0x38;
	[tilespmem:$0x1F970] =	vst v63  }
.Ltmp1:
0xad: {  	_ = 	snop;
	(pc) =	sbr.rel @!p0 .LBB2_5-.Ltmp1, $4  }
0xae: {  	s24 =	sadd.s32 s6, s24  }
0xaf: {  	[tilespmem:s10], [sflag:$0x5] =	stream.linear.gather [hbm4b:s24+s4], $0x280, $0x38;
	[tilespmem:$0x1F970] =	vst v63  }
0xb0: {  	_ =	swait.ge [sflag:s23], $0x2800  }
0xb1: {  	s28 =	sadd.s32 $0xFFFFFFFF, s14;
	s24 =	smov.u32 s29;
	[sflag:s23] =	ssyncset.done $0x0  }
.LBB2_4:
0xb2: {  	p0 =	sne.s32 s28, $0x1;
	[sflag:s23] =	ssyncadd.s32 $0xFFFFD800;
	s24 =	sadd.s32 $0x2, s24  }
0xb3: {  	[spmem:s3] =	stream.indirect.scatter.add.f32 [tilespmem:s21], [sflag:$0x4], $0x10, s12, s11, $0xb8;
	[tilespmem:$0x1F970] =	vst v63  }
0xb4: {  	s28 =	sadd.s32 $0xFFFFFFFF, s28;
	_ =	swait.ge [sflag:s16], $0x280  }
0xb5: {  	[sflag:s16] =	ssyncset.done $0x0  }
0xb6: {  	[sflag:s16] =	ssyncadd.s32 $0xFFFFFD80  }
0xb7: {  	s30 =	sadd.s32 $0xFFFFFFFF, s24;
	_ =	swait.ge [sflag:s16], $0x280  }
0xb8: {  	s7 =	smov.u32 s31;
	p1 =	slt.s32 s30, s31;
	[sflag:s16] =	ssyncset.done $0x0  }
0xb9: {  	s7 =	smov.u32 @p1 s30;
	[sflag:s16] =	ssyncadd.s32 $0xFFFFFD80  }
0xba: {  	[tilespmem:s18], [sflag:$0x1] =	stream.indirect.gather [hbm4b:s1+s11], $0x10, s4, s11, $0xb8;
	[tilespmem:$0x1F970] =	vst v63  }
0xbb: {  	s7 =	smul.u32 $0x280, s7;
	_ =	swait.ge [sflag:s25], $0x2800  }
0xbc: {  	[sflag:s25] =	ssyncset.done $0x0  }
0xbd: {  	s7 =	sshrl.u32 s7, $0x3;
	[sflag:s25] =	ssyncadd.s32 $0xFFFFD800  }
0xbe: {  	s30 =	sadd.s32 s5, s7;
	s7 =	sadd.s32 s6, s7  }
0xbf: {  	[tilespmem:s11], [sflag:$0x6] =	stream.linear.gather [hbm4b:s30+s4], $0x280, $0x38;
	[tilespmem:$0x1F970] =	vst v63  }
0xc0: {  	_ = 	snop  }
0xc1: {  	[tilespmem:s12], [sflag:$0x6] =	stream.linear.gather [hbm4b:s7+s4], $0x280, $0x38;
	[tilespmem:$0x1F970] =	vst v63  }
0xc2: {  	_ =	swait.ge [sflag:s19], $0x2800  }
0xc3: {  	[sflag:s19] =	ssyncset.done $0x0  }
0xc4: {  	[sflag:s19] =	ssyncadd.s32 $0xFFFFD800  }
0xc5: {  	[spmem:s3] =	stream.indirect.scatter.add.f32 [tilespmem:s18], [sflag:$0x3], $0x10, s10, s11, $0xb8;
	[tilespmem:$0x1F970] =	vst v63  }
0xc6: {  	_ =	swait.ge [sflag:s20], $0x280  }
0xc7: {  	[sflag:s20] =	ssyncset.done $0x0  }
0xc8: {  	[sflag:s20] =	ssyncadd.s32 $0xFFFFFD80  }
0xc9: {  	p1 =	slt.s32 s24, s31;
	s7 =	smov.u32 s31;
	_ =	swait.ge [sflag:s20], $0x280  }
0xca: {  	s7 =	smov.u32 @p1 s24;
	[sflag:s20] =	ssyncset.done $0x0  }
0xcb: {  	s7 =	smul.u32 $0x280, s7;
	[sflag:s20] =	ssyncadd.s32 $0xFFFFFD80  }
0xcc: {  	[tilespmem:s21], [sflag:$0x2] =	stream.indirect.gather [hbm4b:s1+s11], $0x10, s11, s11, $0xb8;
	[tilespmem:$0x1F970] =	vst v63  }
0xcd: {  	s7 =	sshrl.u32 s7, $0x3;
	_ =	swait.ge [sflag:s22], $0x2800  }
0xce: {  	s30 =	sadd.s32 s5, s7;
	[sflag:s22] =	ssyncset.done $0x0  }
0xcf: {  	s7 =	sadd.s32 s6, s7;
	[sflag:s22] =	ssyncadd.s32 $0xFFFFD800  }
0xd0: {  	[tilespmem:s4], [sflag:$0x5] =	stream.linear.gather [hbm4b:s30+s4], $0x280, $0x38;
	[tilespmem:$0x1F970] =	vst v63  }
.Ltmp2:
0xd1: {  	_ = 	snop;
	(pc) =	sbr.rel @p0 .LBB2_4-.Ltmp2, $4  }
0xd2: {  	_ = 	snop  }
0xd3: {  	[tilespmem:s10], [sflag:$0x5] =	stream.linear.gather [hbm4b:s7+s4], $0x280, $0x38;
	[tilespmem:$0x1F970] =	vst v63  }
0xd4: {  	_ =	swait.ge [sflag:s23], $0x2800  }
0xd5: {  	[sflag:s23] =	ssyncset.done $0x0  }
.LBB2_5:
0xd6: {  	[sflag:s23] =	ssyncadd.s32 $0xFFFFD800  }
0xd7: {  	[spmem:s3] =	stream.indirect.scatter.add.f32 [tilespmem:s21], [sflag:$0x4], $0x10, s12, s11, $0xb8;
	[tilespmem:$0x1F970] =	vst v63  }
0xd8: {  	_ =	swait.ge [sflag:s25], $0x2800  }
0xd9: {  	[sflag:s25] =	ssyncset.done $0x0  }
0xda: {  	[sflag:s25] =	ssyncadd.s32 $0xFFFFD800  }
0xdb: {  	_ =	swait.ge [sflag:s16], $0x280  }
0xdc: {  	[sflag:s16] =	ssyncset.done $0x0  }
0xdd: {  	[sflag:s16] =	ssyncadd.s32 $0xFFFFFD80  }
0xde: {  	_ =	swait.ge [sflag:s16], $0x280  }
0xdf: {  	[sflag:s16] =	ssyncset.done $0x0  }
0xe0: {  	[sflag:s16] =	ssyncadd.s32 $0xFFFFFD80  }
0xe1: {  	s7 =	stileid.u32;
	[bflag:$0x0] =	sbarrier.arrive $0xFFFF  }
0xe2: {  	s7 =	sshll.u32 s7, $0x6;
	s24 =	rddreg [dreg:$0xa]  }
0xe3: {  	s7 =	sor.u32 $0x1C07, s7;
	s28 =	rddreg [dreg:$0x12]  }
0xe4: {  	[hbm:s24], [sflag:s7] =	dma.local [spmem:s28], $0x30E0  }
0xe5: {  	_ =	swait.ge [sflag:s15], $0x30E0  }
0xe6: {  	s26 =	sadd.s32 $0x1, s26;
	s30 =	rddreg [dreg:$0xb]  }
0xe7: {  	p0 =	sne.s32 s26, s30  }
.Ltmp3:
0xe8: {  	_ = 	snop;
	(pc) =	sbr.rel @p0 .LBB2_1-.Ltmp3, $3  }
0xe9: {  	_ =	sdelay $0x1  }
0xea: {  	[sflag:s15] =	ssyncset.done $0x0  }
0xeb: {  	[sflag:s15] =	ssyncadd.s32 $0xFFFFCF20  }
0xec: {  	_ =	sfence.sel $0x180000  }
0xed: {  	[bflag:$0x0] =	sbarrier.arrive $0xFFFF  }
0xee: {  	_ =	strace $0x9000004A  }
0xef: {  	s0 =	stileid.u32;
	[bflag:$0x2] =	sbarrier.arrive $0xFFFF  }
0xf0: {  	p0 =	sne.s32 s0, $0x0;
	s0 =	rddreg [dreg:$0x3]  }
0xf1: {  	s0 =	sadd.s32 @!p0 $0x100000, s0  }
0xf2: {  	[sflag:s0] =	ssyncadd.tile.s32 @!p0 $0x1;
	_ =	shalt  }
.Lfunc_end2:
_tile_overlayer_lowered:
.L_overlay_start_2:
0xf3: {  	(tag) =	ssettag $0x2  }
0xf4: {  	s0 =	rddreg [dreg:$0x0];
	s2 =	stileid.u32  }
0xf5: {  	s1 =	rddreg [dreg:$0x1];
	p0 =	sne.s32 s2, $0x0  }
0xf6: {  	s3 =	rddreg [dreg:$0x2];
	[bflag:$0x3] =	sbarrier.arrive $0xFFFF;
	s2 =	simm.s32 @!p0 $0x1C07  }
0xf7: {  	[timem:s3], [sflag:s2] =	dma.local @!p0 [hbm:s0], s1  }
0xf8: {  	s0 =	simm.s32 @!p0 $0x7  }
0xf9: {  	_ =	swait.ge @!p0 [sflag:s0], s1  }
0xfa: {  	s1 =	ssub.s32 @!p0 $0x0, s1;
	[sflag:s0] =	ssyncset.done @!p0 $0x0  }
0xfb: {  	[sflag:s0] =	ssyncadd.s32 @!p0 s1  }
0xfc: {  	[bflag:$0x3] =	sbarrier.arrive $0xFFFF  }
0xfd: {  	_ =	shalt  }

// kernel: kernel.14.cloned.1.call-start
scs
__scs_entry_jumppad:
0x0: {  	(pc) =	sbr.rel $0x88, $3  }
0x1: {  	(tag) =	ssettag $0x0;
	lr =	simm.s32 $0x1  }
0x2: {  	[smem:$0x3F99] =	sst lr;
	_ =	strace $0xD0000000  }
0x3: {  	_ = 	snop  }
0x4: {  	_ = 	snop  }
0x5: {  	_ = 	snop  }
0x6: {  	_ = 	snop  }
0x7: {  	_ = 	snop  }
__scs_overlays_trampoline_lowered:
0x8: {  	[smem:$0x3FA8] =	sst s0  }
0x9: {  	[smem:$0x3FA9] =	sst s1  }
0xa: {  	[smem:$0x3FAA] =	sst s2  }
0xb: {  	[smem:$0x3FAB] =	sst s3  }
0xc: {  	[smem:$0x3FAC] =	sst s4  }
0xd: {  	[smem:$0x3FAD] =	sst s5  }
0xe: {  	[smem:$0x3FAE] =	sst s6  }
0xf: {  	[smem:$0x3FAF] =	sst s7  }
0x10: {  	[smem:$0x3FB0] =	sst s8  }
0x11: {  	[smem:$0x3FB1] =	sst s9;
	s0 =	simm.s32 @!p0 $0x0  }
0x12: {  	s1 =	sld [smem:$0x3F97];
	s0 =	simm.s32 @p0 $0x1  }
0x13: {  	[smem:$0x3FB2] =	sst s0;
	s0 =	simm.s32 @!p1 $0x0  }
0x14: {  	s2 =	sld [smem:$0x3F96];
	s0 =	simm.s32 @p1 $0x1  }
0x15: {  	[smem:$0x3FB3] =	sst s0;
	s0 =	simm.s32 @!p2 $0x0  }
0x16: {  	s3 =	sld [smem:$0x3FDB];
	s0 =	simm.s32 @p2 $0x1  }
0x17: {  	s4 =	simm.s32 $0x1BF5;
	[smem:$0x3FB5] =	sst s0  }
0x18: {  	s0 =	sld [smem:$0x3F98];
	_ =	swait.ge [sflag:s4], $0x0  }
0x19: {  	s7 =	sld [smem:$0x3F99]  }
0x1a: {  	s8 =	sadd.s32 $0xFFFFE003, lr  }
0x1b: {  	s9 =	sadd.s32 $0xFFFFFEF7, lr;
	s5 =	simm.s32 $0xFFFFFFFF;
	p2 =	slt.u32 s8, $0xFFFFF086  }
0x1c: {  	p1 =	slt.u32 s9, $0xF7A;
	s5 =	simm.s32 @!p2 $0x0  }
0x1d: {  	s5 =	simm.s32 @p1 $0x1;
	p0 =	seq.s32 s7, s2  }
0x1e: {  	s7 =	smul.u32 @!p0 $0xF7A, s2;
	p2 =	seq.s32 @!p0 s5, $0x0  }
0x1f: {  	s9 =	smul.u32 $0xF7A, s1;
	s8 =	simm.s32 @!p0 $0x1BF5;
	p2 =	por !p2, p0  }
0x20: {  	[sflag:s8] =	ssyncset.s32 @!p0 $0xFFFFF086;
	s6 =	sadd.s32 @!p0 s3, s7;
	s7 =	simm.s32 @!p0 $0x108  }
0x21: {  	s3 =	sadd.s32 s3, s9;
	s6 =	sadd.s32 @!p0 $0x88, s6;
	s7 =	simm.s32 @p2 $0x1082  }
0x22: {  	[simem:s7], [sflag:s8] =	dma.local @!p0 [hbm:s6], $0xF7A  }
0x23: {  	s9 =	sor.u32 $0xD0000000, s2;
	s6 =	simm.s32 $0x108;
	_ =	swait.ge @!p0 [sflag:s8], $0x0  }
0x24: {  	s3 =	sadd.s32 $0x88, s3;
	s6 =	simm.s32 @!p1 $0x1082;
	[sflag:s4] =	ssyncset.s32 $0xFFFFF086  }
0x25: {  	[simem:s6], [sflag:s4] =	dma.local [hbm:s3], $0xF7A  }
0x26: {  	[smem:$0x3F99] =	sst s1;
	(tag) =	ssettag s2;
	_ =	strace s9  }
0x27: {  	s1 =	sld [smem:$0x3FA9]  }
0x28: {  	s2 =	sld [smem:$0x3FAA]  }
0x29: {  	s4 =	sld [smem:$0x3FAC]  }
0x2a: {  	p0 =	seq.s32 s5, $0x0;
	s5 =	sld [smem:$0x3FAD]  }
0x2b: {  	s6 =	sld [smem:$0x3FAE]  }
0x2c: {  	s7 =	sld [smem:$0x3FAF]  }
0x2d: {  	s3 =	simm.s32 $0x108;
	s8 =	sld [smem:$0x3FB0]  }
0x2e: {  	s3 =	simm.s32 @!p0 $0x1082;
	s9 =	sld [smem:$0x3FB1]  }
0x2f: {  	lr =	sadd.s32 s0, s3;
	s0 =	sld [smem:$0x3FA8]  }
0x30: {  	s3 =	sld [smem:$0x3FAB]  }
0x31: {  	[smem:$0x3FB4] =	sst s10  }
0x32: {  	s10 =	sld [smem:$0x3FB2];
	_ =	sdelay $0x3  }
0x33: {  	p0 =	seq.s32 s10, $0x1;
	s10 =	sld [smem:$0x3FB4];
	_ =	sdelay $0x3  }
0x34: {  	[smem:$0x3FB4] =	sst s10  }
0x35: {  	s10 =	sld [smem:$0x3FB3];
	_ =	sdelay $0x3  }
0x36: {  	p1 =	seq.s32 s10, $0x1;
	s10 =	sld [smem:$0x3FB4];
	_ =	sdelay $0x3  }
0x37: {  	[smem:$0x3FB4] =	sst s10  }
0x38: {  	s10 =	sld [smem:$0x3FB5]  }
0x39: {  	_ = 	snop;
	(pc) =	sbr.ind lr, $3  }
0x3a: {  	_ = 	snop  }
0x3b: {  	_ = 	snop  }
0x3c: {  	p2 =	seq.s32 s10, $0x1;
	s10 =	sld [smem:$0x3FB4]  }
0x3d: {  	_ =	shalt  }
0x3e: {  	_ =	shalt  }
0x3f: {  	_ =	shalt  }
0x40: {  	_ =	shalt  }
0x41: {  	_ =	shalt  }
0x42: {  	_ =	shalt  }
0x43: {  	_ =	shalt  }
0x44: {  	_ =	shalt  }
0x45: {  	_ =	shalt  }
0x46: {  	_ =	shalt  }
0x47: {  	_ =	shalt  }
0x48: {  	_ =	shalt  }
0x49: {  	_ =	shalt  }
0x4a: {  	_ =	shalt  }
0x4b: {  	_ =	shalt  }
0x4c: {  	_ =	shalt  }
0x4d: {  	_ =	shalt  }
0x4e: {  	_ =	shalt  }
0x4f: {  	_ =	shalt  }
0x50: {  	_ =	shalt  }
0x51: {  	_ =	shalt  }
0x52: {  	_ =	shalt  }
0x53: {  	_ =	shalt  }
0x54: {  	_ =	shalt  }
0x55: {  	_ =	shalt  }
0x56: {  	_ =	shalt  }
0x57: {  	_ =	shalt  }
0x58: {  	_ =	shalt  }
0x59: {  	_ =	shalt  }
0x5a: {  	_ =	shalt  }
0x5b: {  	_ =	shalt  }
0x5c: {  	_ =	shalt  }
0x5d: {  	_ =	shalt  }
0x5e: {  	_ =	shalt  }
0x5f: {  	_ =	shalt  }
0x60: {  	_ =	shalt  }
0x61: {  	_ =	shalt  }
0x62: {  	_ =	shalt  }
0x63: {  	_ =	shalt  }
0x64: {  	_ =	shalt  }
0x65: {  	_ =	shalt  }
0x66: {  	_ =	shalt  }
0x67: {  	_ =	shalt  }
0x68: {  	_ =	shalt  }
0x69: {  	_ =	shalt  }
0x6a: {  	_ =	shalt  }
0x6b: {  	_ =	shalt  }
0x6c: {  	_ =	shalt  }
0x6d: {  	_ =	shalt  }
0x6e: {  	_ =	shalt  }
0x6f: {  	_ =	shalt  }
0x70: {  	_ =	shalt  }
0x71: {  	_ =	shalt  }
0x72: {  	_ =	shalt  }
0x73: {  	_ =	shalt  }
0x74: {  	_ =	shalt  }
0x75: {  	_ =	shalt  }
0x76: {  	_ =	shalt  }
0x77: {  	_ =	shalt  }
0x78: {  	_ =	shalt  }
0x79: {  	_ =	shalt  }
0x7a: {  	_ =	shalt  }
0x7b: {  	_ =	shalt  }
0x7c: {  	_ =	shalt  }
0x7d: {  	_ =	shalt  }
0x7e: {  	_ =	shalt  }
0x7f: {  	_ =	shalt  }
0x80: {  	_ =	shalt  }
0x81: {  	_ =	shalt  }
0x82: {  	_ =	shalt  }
0x83: {  	_ =	shalt  }
0x84: {  	_ =	shalt  }
0x85: {  	_ =	shalt  }
0x86: {  	_ =	shalt  }
0x87: {  	_ =	shalt  }
.Lfunc_end0:
.L_simem_size_0:
called_computation.2_lowered:
.L_overlay_start_0:
0x88: {  	s2 =	sld [smem:$0x3FD9]  }
0x89: {  	s3 =	sld [smem:$0x3FFE];
	_ =	sdelay $0x1  }
0x8a: {  	s1 =	srdreg.scid  }
0x8b: {  	s0 =	sand.u32 $0x1, s1  }
0x8c: {  	s17 =	sshll.u32 s0, $0xA;
	s2 =	sadd.s32 s3, s2  }
0x8d: {  	s2 =	sadd.s32 s2, s17  }
0x8e: {  	[smem:$0x3FC0] =	sst s2  }
0x8f: {  	_ = 	snop  }
0x90: {  	s2 =	sld [smem:$0x3FD0];
	(tm) =	ssettm $0x1  }
0x91: {  	s18 =	sld [smem:$0x3FFB];
	_ =	sdelay $0x3  }
0x92: {  	_ =	strace s18  }
0x93: {  	s3 =	sld [smem:$0x3FFC];
	_ =	sdelay $0x3  }
0x94: {  	_ =	strace s3  }
0x95: {  	s3 =	sld [smem:$0x3FFD];
	_ =	sdelay $0x3  }
0x96: {  	_ =	strace s3  }
0x97: {  	_ =	strace $0x8FFFFFFF  }
0x98: {  	s19 =	sld [smem:$0x3FDB];
	_ =	sdelay $0x1  }
0x99: {  	s4 =	simm.s32 $_scs_section_size  }
0x9a: {  	s5 =	simm.s32 $_size__tile_overlayer_lowered;
	s6 =	simm.s32 $_tile_overlayer_lowered  }
0x9b: {  	s22 =	simm.s32 $0x1BFF;
	s21 =	sshll.u32 s6, $0x1;
	s3 =	sadd.s32 s4, s19  }
0x9c: {  	s7 =	simm.s32 $0x0;
	s20 =	sshll.u32 s5, $0x1;
	s5 =	sadd.s32 s21, s3  }
0x9d: {  	[timem:s7], [sflag:s22] =	dma.local [hbm:s5], s20  }
0x9e: {  	_ =	swait.ge [sflag:s22], s20  }
0x9f: {  	s4 =	ssub.s32 $0x0, s20;
	[sflag:s22] =	ssyncset.done $0x0  }
0xa0: {  	[sflag:s22] =	ssyncadd.s32 s4;
	_ =	sdelay $0x1  }
0xa1: {  	s23 =	simm.s32 $0x1B8B  }
0xa2: {  	_ =	swait.ge [sflag:s23], $0x1  }
0xa3: {  	[sflag:s23] =	ssyncset.done $0x0  }
0xa4: {  	s25 =	simm.s32 $0x1B8E;
	s24 =	sld [smem:$0x3FFE];
	[sflag:s23] =	ssyncadd.s32 $0xFFFFFFFF  }
0xa5: {  	s26 =	simm.s32 $execute0_lowered;
	[smem:$0x3FD2] =	sst s25  }
0xa6: {  	s5 =	sshll.u32 s26, $0x1;
	_ =	strace $0x8000004C;
	[dreg:$0x1] =	wrdreg $0xFFFFFFFF  }
0xa7: {  	s28 =	simm.s32 $_size_execute0_lowered;
	s3 =	sadd.s32 s3, s5;
	[dreg:$0x0] =	wrdreg $0x0  }
0xa8: {  	s5 =	sshll.u32 s28, $0x1;
	[dreg:$0x2] =	wrdreg s3  }
0xa9: {  	[dreg:$0x3] =	wrdreg s5  }
0xaa: {  	[dreg:$0x4] =	wrdreg $0xC0  }
0xab: {  	_ =	task [dreg:s7], $0x5FFFF  }
0xac: {  	[dreg:$0x1] =	wrdreg $0xFFFFFFFF  }
0xad: {  	[dreg:$0x0] =	wrdreg $0x60  }
0xae: {  	[dreg:$0x2] =	wrdreg s2  }
0xaf: {  	[dreg:$0x3] =	wrdreg s24  }
0xb0: {  	[dreg:$0x4] =	wrdreg $0x72700  }
0xb1: {  	[dreg:$0x5] =	wrdreg $0x9  }
0xb2: {  	_ =	task.clear_ibuf [dreg:s7], $0x6FFFF;
	_ =	strace $0x9000004C  }
0xb3: {  	s29 =	simm.s32 $0x9;
	_ =	strace $0x8000004E  }
0xb4: {  	_ =	swait.ge [sflag:s29], $0x1  }
0xb5: {  	[sflag:s29] =	ssyncadd.s32 $0xFFFFFFFF  }
0xb6: {  	_ =	strace $0x9000004E  }
0xb7: {  	_ =	sfence  }
0xb8: {  	s30 =	sld [smem:$0x0];
	_ =	sdelay $0x2  }
0xb9: {  	s31 =	sshll.u32 s1, $0xD;
	s1 =	sshrl.u32 s1, $0x2  }
0xba: {  	s3 =	sand.u32 $0x4000, s31;
	s1 =	sadd.s32 s1, s30  }
0xbb: {  	s0 =	sor.u32 s3, s0;
	s1 =	sshll.u32 s1, $0x11  }
0xbc: {  	s0 =	sor.u32 s1, s0  }
0xbd: {  	s0 =	sadd.s32 $0x8F2B, s0  }
0xbe: {  	[sflag:s0] =	ssyncadd.remote.s32 $0x1  }
0xbf: {  	_ =	sfence.sel $0xFFFF  }
0xc0: {  	[dreg:$0x0] =	wrdreg $0xFFFFFFFF;
	(pc) =	sbr.abs _section_cstart, $3  }
0xc1: {  	[dreg:$0x1] =	wrdreg $0xFFFFFFFF  }
0xc2: {  	_ =	task.clear_ibuf [dreg:s7], $0x2FFFF;
	_ =	strace $0x9FFFFFFF  }
0xc3: {  	(tm) =	ssettm $0x7FFFFFFF  }
tec
execute0_lowered:
.L_overlay_start_1:
0x0: {  	(tag) =	ssettag $0x1  }
0x1: {  	s1 =	rddreg [dreg:$0x0]  }
0x2: {  	s0 =	rddreg [dreg:$0x1]  }
0x3: {  	s3 =	rddreg [dreg:$0x2]  }
0x4: {  	s2 =	srdreg.scid;
	s16 =	stileid.u32  }
0x5: {  	s4 =	simm.s32 $0x0;
	s9 =	simm.s32 $0x0;
	s2 =	sand.u32 $0x1, s2  }
0x6: {  	s6 =	sshll.u32 s16, $0x1;
	[smem:$0x7FF] =	sst s4;
	s8 =	smul.u32 $0x18700, s16  }
0x7: {  	p0 =	slt.u32 s16, $0x2;
	s5 =	smul.u32 $0x187000, s2;
	s6 =	sor.u32 s2, s6  }
0x8: {  	_ =	strace $0x8000004D;
	s7 =	smul.u32 $0x9C, s6;
	s6 =	smin.u32 s6, $0x4  }
0x9: {  	s9 =	simm.s32 @!p0 $0x2;
	s21 =	ssub.s32 $0x2, s2;
	s10 =	sshll.u32 s6, $0x1  }
0xa: {  	s15 =	sshrl.u32 s21, $0x1;
	s19 =	sadd.s32 s8, s5;
	s11 =	sadd.s32 s7, s10  }
0xb: {  	s5 =	sadd.s32 $0x64400, s0;
	s20 =	sshrl.u32 s19, $0x3;
	s12 =	ssub.s32 s11, s9  }
0xc: {  	s6 =	sadd.s32 $0x2800, s0;
	s0 =	sadd.s32 s20, s0;
	s31 =	sadd.s32 $0x9D, s12  }
0xd: {  	s14 =	sor.u32 $0x1, s11;
	s12 =	ssub.s32 s21, s15;
	s13 =	smin.u32 s11, s31  }
0xe: {  	s0 =	sadd.s32 $0xC6000, s0;
	s14 =	smin.u32 s14, s31;
	s13 =	smul.u32 $0x50, s13  }
0xf: {  	s11 =	sadd.s32 $0x2, s11;
	[dreg:$0xa] =	wrdreg s0;
	s15 =	smax.u32 s12, $0x1  }
0x10: {  	s14 =	smul.u32 $0x50, s14;
	[dreg:$0xb] =	wrdreg s15;
	s22 =	sadd.s32 s5, s13  }
0x11: {  	s11 =	smin.u32 s11, s31;
	s23 =	sadd.s32 s6, s13;
	[dreg:$0x4] =	wrdreg s22  }
0x12: {  	s11 =	smul.u32 $0x50, s11;
	s24 =	sadd.s32 s5, s14;
	[dreg:$0x5] =	wrdreg s23  }
0x13: {  	s28 =	smul.u32 $0x61C00, s16;
	s25 =	sadd.s32 s6, s14;
	[dreg:$0x6] =	wrdreg s24  }
0x14: {  	s8 =	sadd.s32 s8, s3;
	[dreg:$0x7] =	wrdreg s25;
	s26 =	sadd.s32 s5, s11  }
0x15: {  	s13 =	sshrl.u32 s28, $0x2;
	s30 =	sadd.s32 s6, s11;
	[dreg:$0x8] =	wrdreg s26  }
0x16: {  	s17 =	sadd.s32 s13, s3;
	s23 =	sshrl.u32 s8, $0x3;
	[dreg:$0x9] =	wrdreg s30  }
0x17: {  	s2 =	smul.u32 $0x9C, s2;
	s0 =	sadd.s32 $0x1870, s17;
	[dreg:$0x12] =	wrdreg s23  }
0x18: {  	s11 =	smul.u32 $0x138, s16;
	s16 =	sadd.s32 $0x30E0, s17;
	[dreg:$0xc] =	wrdreg s0  }
0x19: {  	s9 =	ssub.s32 $0x9C, s9;
	s19 =	sadd.s32 $0x4950, s17;
	[dreg:$0xd] =	wrdreg s16  }
0x1a: {  	s12 =	simm.s32 $0x780;
	s20 =	sadd.s32 $0x61C0, s17;
	[dreg:$0xe] =	wrdreg s19  }
0x1b: {  	s15 =	simm.s32 $0x7;
	s21 =	sadd.s32 $0x7A30, s17;
	[dreg:$0xf] =	wrdreg s20  }
0x1c: {  	s14 =	sshrl.u32 s9, $0x1;
	s22 =	sadd.s32 $0x92A0, s17;
	[dreg:$0x10] =	wrdreg s21  }
0x1d: {  	s13 =	simm.s32 $0x5A00;
	s24 =	sadd.s32 $0xAB10, s17;
	[dreg:$0x11] =	wrdreg s22  }
0x1e: {  	s25 =	sadd.s32 $0xC380, s17;
	s26 =	sadd.s32 $0xDBF0, s17;
	[dreg:$0x13] =	wrdreg s24  }
0x1f: {  	s28 =	sadd.s32 $0xF460, s17;
	s30 =	sadd.s32 $0x10CD0, s17;
	[dreg:$0x14] =	wrdreg s25  }
0x20: {  	s8 =	sadd.s32 $0x15620, s17;
	s9 =	sadd.s32 $0x16E90, s17;
	[dreg:$0x15] =	wrdreg s26  }
0x21: {  	s23 =	simm.s32 $0x2;
	s18 =	sadd.s32 s2, s11;
	[dreg:$0x16] =	wrdreg s28  }
0x22: {  	[dreg:$0x17] =	wrdreg s30;
	s2 =	sadd.s32 $0x13DB0, s17;
	s11 =	simm.s32 $0x280  }
0x23: {  	s16 =	simm.s32 $0x5;
	s19 =	simm.s32 $0x1;
	s20 =	simm.s32 $0x6  }
0x24: {  	s21 =	simm.s32 $0x3200;
	s22 =	simm.s32 $0x3;
	s25 =	simm.s32 $0x4  }
0x25: {  	s26 =	simm.s32 $0x0;
	s0 =	sadd.s32 s10, s18;
	s10 =	simm.s32 $0x500  }
0x26: {  	v0 =	vimm.f32 $0.0e+00;
	s18 =	simm.s32 $0xA00;
	s29 =	sadd.s32 $0x4, s0;
	s0 =	sadd.s32 $0x12540, s17  }
.LBB2_1:
0x27: {  	s7 =	rddreg [dreg:$0x4]  }
0x28: {  	[tilespmem:s4], [sflag:$0x5] =	stream.linear.gather [hbm4b:s7+s4], $0x280, $0x38;
	[tilespmem:$0x1F970] =	vst v63  }
0x29: {  	s30 =	rddreg [dreg:$0x5]  }
0x2a: {  	[tilespmem:s10], [sflag:$0x5] =	stream.linear.gather [hbm4b:s30+s4], $0x280, $0x38;
	[tilespmem:$0x1F970] =	vst v63  }
0x2b: {  	s24 =	rddreg [dreg:$0x6]  }
0x2c: {  	[tilespmem:s11], [sflag:$0x6] =	stream.linear.gather [hbm4b:s24+s4], $0x280, $0x38;
	[tilespmem:$0x1F970] =	vst v63  }
0x2d: {  	s28 =	simm.s32 $0x0;
	s30 =	rddreg [dreg:$0x7];
	s24 =	simm.s32 $0x40  }
0x2e: {  	[tilespmem:s12], [sflag:$0x6] =	stream.linear.gather [hbm4b:s30+s4], $0x280, $0x38;
	[tilespmem:$0x1F970] =	vst v63  }
.LBB2_2:
0x2f: {  	p0 =	sne.s32 s24, $0x6180;
	[tilespmem:s28+$0x5A00] =	vst v0;
	s28 =	smov.u32 s24;
	s24 =	sadd.s32 $0x40, s24  }
.Ltmp0:
0x30: {  	(pc) =	sbr.rel @p0 .LBB2_2-.Ltmp0, $2  }
0x31: {  	_ =	sdelay $0x2  }
0x32: {  	s28 =	sshra.s32 s28, $0x2  }
0x33: {  	[tilespmem:s28+$0x5A00] =	vst v0  }
0x34: {  	[spmem:s17] =	stream.linear.scatter [tilespmem:s13], [sflag:$0x7], $0x1870, $0x38;
	[tilespmem:$0x1F970] =	vst v63  }
0x35: {  	_ =	swait.ge [sflag:s15], $0x1870  }
0x36: {  	[sflag:s15] =	ssyncset.done $0x0  }
0x37: {  	s7 =	rddreg [dreg:$0xc];
	[sflag:s15] =	ssyncadd.s32 $0xFFFFE790  }
0x38: {  	[spmem:s7] =	stream.linear.scatter [tilespmem:s13], [sflag:$0x7], $0x1870, $0x38;
	[tilespmem:$0x1F970] =	vst v63  }
0x39: {  	_ =	swait.ge [sflag:s15], $0x1870  }
0x3a: {  	[sflag:s15] =	ssyncset.done $0x0  }
0x3b: {  	s24 =	rddreg [dreg:$0xd];
	[sflag:s15] =	ssyncadd.s32 $0xFFFFE790  }
0x3c: {  	[spmem:s24] =	stream.linear.scatter [tilespmem:s13], [sflag:$0x7], $0x1870, $0x38;
	[tilespmem:$0x1F970] =	vst v63  }
0x3d: {  	_ =	swait.ge [sflag:s15], $0x1870  }
0x3e: {  	[sflag:s15] =	ssyncset.done $0x0  }
0x3f: {  	s30 =	rddreg [dreg:$0xe];
	[sflag:s15] =	ssyncadd.s32 $0xFFFFE790  }
0x40: {  	[spmem:s30] =	stream.linear.scatter [tilespmem:s13], [sflag:$0x7], $0x1870, $0x38;
	[tilespmem:$0x1F970] =	vst v63  }
0x41: {  	_ =	swait.ge [sflag:s15], $0x1870  }
0x42: {  	[sflag:s15] =	ssyncset.done $0x0  }
0x43: {  	s24 =	rddreg [dreg:$0xf];
	[sflag:s15] =	ssyncadd.s32 $0xFFFFE790  }
0x44: {  	[spmem:s24] =	stream.linear.scatter [tilespmem:s13], [sflag:$0x7], $0x1870, $0x38;
	[tilespmem:$0x1F970] =	vst v63  }
0x45: {  	_ =	swait.ge [sflag:s15], $0x1870  }
0x46: {  	[sflag:s15] =	ssyncset.done $0x0  }
0x47: {  	s30 =	rddreg [dreg:$0x10];
	[sflag:s15] =	ssyncadd.s32 $0xFFFFE790  }
0x48: {  	[spmem:s30] =	stream.linear.scatter [tilespmem:s13], [sflag:$0x7], $0x1870, $0x38;
	[tilespmem:$0x1F970] =	vst v63  }
0x49: {  	_ =	swait.ge [sflag:s15], $0x1870  }
0x4a: {  	[sflag:s15] =	ssyncset.done $0x0  }
0x4b: {  	s24 =	rddreg [dreg:$0x11];
	[sflag:s15] =	ssyncadd.s32 $0xFFFFE790  }
0x4c: {  	[spmem:s24] =	stream.linear.scatter [tilespmem:s13], [sflag:$0x7], $0x1870, $0x38;
	[tilespmem:$0x1F970] =	vst v63  }
0x4d: {  	_ =	swait.ge [sflag:s15], $0x1870  }
0x4e: {  	[sflag:s15] =	ssyncset.done $0x0  }
0x4f: {  	s30 =	rddreg [dreg:$0x13];
	[sflag:s15] =	ssyncadd.s32 $0xFFFFE790  }
0x50: {  	[spmem:s30] =	stream.linear.scatter [tilespmem:s13], [sflag:$0x7], $0x1870, $0x38;
	[tilespmem:$0x1F970] =	vst v63  }
0x51: {  	_ =	swait.ge [sflag:s15], $0x1870  }
0x52: {  	[sflag:s15] =	ssyncset.done $0x0  }
0x53: {  	s24 =	rddreg [dreg:$0x14];
	[sflag:s15] =	ssyncadd.s32 $0xFFFFE790  }
0x54: {  	[spmem:s24] =	stream.linear.scatter [tilespmem:s13], [sflag:$0x7], $0x1870, $0x38;
	[tilespmem:$0x1F970] =	vst v63  }
0x55: {  	_ =	swait.ge [sflag:s15], $0x1870  }
0x56: {  	[sflag:s15] =	ssyncset.done $0x0  }
0x57: {  	s30 =	rddreg [dreg:$0x15];
	[sflag:s15] =	ssyncadd.s32 $0xFFFFE790  }
0x58: {  	[spmem:s30] =	stream.linear.scatter [tilespmem:s13], [sflag:$0x7], $0x1870, $0x38;
	[tilespmem:$0x1F970] =	vst v63  }
0x59: {  	_ =	swait.ge [sflag:s15], $0x1870  }
0x5a: {  	[sflag:s15] =	ssyncset.done $0x0  }
0x5b: {  	s24 =	rddreg [dreg:$0x16];
	[sflag:s15] =	ssyncadd.s32 $0xFFFFE790  }
0x5c: {  	[spmem:s24] =	stream.linear.scatter [tilespmem:s13], [sflag:$0x7], $0x1870, $0x38;
	[tilespmem:$0x1F970] =	vst v63  }
0x5d: {  	_ =	swait.ge [sflag:s15], $0x1870  }
0x5e: {  	[sflag:s15] =	ssyncset.done $0x0  }
0x5f: {  	s30 =	rddreg [dreg:$0x17];
	[sflag:s15] =	ssyncadd.s32 $0xFFFFE790  }
0x60: {  	[spmem:s30] =	stream.linear.scatter [tilespmem:s13], [sflag:$0x7], $0x1870, $0x38;
	[tilespmem:$0x1F970] =	vst v63  }
0x61: {  	_ =	swait.ge [sflag:s15], $0x1870  }
0x62: {  	[sflag:s15] =	ssyncset.done $0x0  }
0x63: {  	[sflag:s15] =	ssyncadd.s32 $0xFFFFE790  }
0x64: {  	[spmem:s0] =	stream.linear.scatter [tilespmem:s13], [sflag:$0x7], $0x1870, $0x38;
	[tilespmem:$0x1F970] =	vst v63  }
0x65: {  	_ =	swait.ge [sflag:s15], $0x1870  }
0x66: {  	[sflag:s15] =	ssyncset.done $0x0  }
0x67: {  	[sflag:s15] =	ssyncadd.s32 $0xFFFFE790  }
0x68: {  	[spmem:s2] =	stream.linear.scatter [tilespmem:s13], [sflag:$0x7], $0x1870, $0x38;
	[tilespmem:$0x1F970] =	vst v63  }
0x69: {  	_ =	swait.ge [sflag:s15], $0x1870  }
0x6a: {  	[sflag:s15] =	ssyncset.done $0x0  }
0x6b: {  	[sflag:s15] =	ssyncadd.s32 $0xFFFFE790  }
0x6c: {  	[spmem:s8] =	stream.linear.scatter [tilespmem:s13], [sflag:$0x7], $0x1870, $0x38;
	[tilespmem:$0x1F970] =	vst v63  }
0x6d: {  	_ =	swait.ge [sflag:s15], $0x1870  }
0x6e: {  	[sflag:s15] =	ssyncset.done $0x0  }
0x6f: {  	[sflag:s15] =	ssyncadd.s32 $0xFFFFE790  }
0x70: {  	[spmem:s9] =	stream.linear.scatter [tilespmem:s13], [sflag:$0x7], $0x1870, $0x38;
	[tilespmem:$0x1F970] =	vst v63  }
0x71: {  	_ =	swait.ge [sflag:s15], $0x1870  }
0x72: {  	[sflag:s15] =	ssyncset.done $0x0  }
0x73: {  	[sflag:s15] =	ssyncadd.s32 $0xFFFFE790  }
0x74: {  	[bflag:$0x0] =	sbarrier.arrive $0xFFFF  }
0x75: {  	_ =	swait.ge [sflag:s16], $0x280  }
0x76: {  	[sflag:s16] =	ssyncset.done $0x0  }
0x77: {  	[sflag:s16] =	ssyncadd.s32 $0xFFFFFD80  }
0x78: {  	_ =	swait.ge [sflag:s16], $0x280  }
0x79: {  	[sflag:s16] =	ssyncset.done $0x0  }
0x7a: {  	[sflag:s16] =	ssyncadd.s32 $0xFFFFFD80  }
0x7b: {  	[tilespmem:s18], [sflag:$0x1] =	stream.indirect.gather [hbm4b:s1+s11], $0x10, s4, s11, $0xb8;
	[tilespmem:$0x1F970] =	vst v63  }
0x7c: {  	_ =	swait.ge [sflag:s19], $0x2800  }
0x7d: {  	[sflag:s19] =	ssyncset.done $0x0  }
0x7e: {  	[sflag:s19] =	ssyncadd.s32 $0xFFFFD800  }
0x7f: {  	[spmem:s3] =	stream.indirect.scatter.add.f32 [tilespmem:s18], [sflag:$0x3], $0x10, s10, s11, $0xb8;
	[tilespmem:$0x1F970] =	vst v63  }
0x80: {  	_ =	swait.ge [sflag:s20], $0x280  }
0x81: {  	[sflag:s20] =	ssyncset.done $0x0  }
0x82: {  	[sflag:s20] =	ssyncadd.s32 $0xFFFFFD80  }
0x83: {  	_ =	swait.ge [sflag:s20], $0x280  }
0x84: {  	[sflag:s20] =	ssyncset.done $0x0  }
0x85: {  	[sflag:s20] =	ssyncadd.s32 $0xFFFFFD80  }
0x86: {  	[tilespmem:s21], [sflag:$0x2] =	stream.indirect.gather [hbm4b:s1+s11], $0x10, s11, s11, $0xb8;
	[tilespmem:$0x1F970] =	vst v63  }
0x87: {  	_ =	swait.ge [sflag:s22], $0x2800  }
0x88: {  	[sflag:s22] =	ssyncset.done $0x0  }
0x89: {  	s24 =	rddreg [dreg:$0x8];
	[sflag:s22] =	ssyncadd.s32 $0xFFFFD800  }
0x8a: {  	[tilespmem:s4], [sflag:$0x5] =	stream.linear.gather [hbm4b:s24+s4], $0x280, $0x38;
	[tilespmem:$0x1F970] =	vst v63  }
0x8b: {  	s30 =	rddreg [dreg:$0x9]  }
0x8c: {  	[tilespmem:s10], [sflag:$0x5] =	stream.linear.gather [hbm4b:s30+s4], $0x280, $0x38;
	[tilespmem:$0x1F970] =	vst v63  }
0x8d: {  	_ =	swait.ge [sflag:s23], $0x2800  }
0x8e: {  	[sflag:s23] =	ssyncset.done $0x0  }
0x8f: {  	[sflag:s23] =	ssyncadd.s32 $0xFFFFD800  }
0x90: {  	[spmem:s3] =	stream.indirect.scatter.add.f32 [tilespmem:s21], [sflag:$0x4], $0x10, s12, s11, $0xb8;
	[tilespmem:$0x1F970] =	vst v63  }
0x91: {  	_ =	swait.ge [sflag:s16], $0x280  }
0x92: {  	[sflag:s16] =	ssyncset.done $0x0  }
0x93: {  	s24 =	sadd.s32 $0xFFFFFFFF, s29;
	[sflag:s16] =	ssyncadd.s32 $0xFFFFFD80  }
0x94: {  	s28 =	smov.u32 s31;
	p0 =	slt.s32 s24, s31;
	_ =	swait.ge [sflag:s16], $0x280  }
0x95: {  	s28 =	smov.u32 @p0 s24;
	[sflag:s16] =	ssyncset.done $0x0  }
0x96: {  	s24 =	smul.u32 $0x280, s28;
	[sflag:s16] =	ssyncadd.s32 $0xFFFFFD80  }
0x97: {  	[tilespmem:s18], [sflag:$0x1] =	stream.indirect.gather [hbm4b:s1+s11], $0x10, s4, s11, $0xb8;
	[tilespmem:$0x1F970] =	vst v63  }
0x98: {  	_ =	swait.ge [sflag:s25], $0x2800  }
0x99: {  	s24 =	sshrl.u32 s24, $0x3;
	[sflag:s25] =	ssyncset.done $0x0  }
0x9a: {  	s28 =	sadd.s32 s5, s24;
	[sflag:s25] =	ssyncadd.s32 $0xFFFFD800  }
0x9b: {  	[tilespmem:s11], [sflag:$0x6] =	stream.linear.gather [hbm4b:s28+s4], $0x280, $0x38;
	[tilespmem:$0x1F970] =	vst v63  }
0x9c: {  	s24 =	sadd.s32 s6, s24  }
0x9d: {  	[tilespmem:s12], [sflag:$0x6] =	stream.linear.gather [hbm4b:s24+s4], $0x280, $0x38;
	[tilespmem:$0x1F970] =	vst v63  }
0x9e: {  	_ =	swait.ge [sflag:s19], $0x2800  }
0x9f: {  	[sflag:s19] =	ssyncset.done $0x0  }
0xa0: {  	[sflag:s19] =	ssyncadd.s32 $0xFFFFD800  }
0xa1: {  	[spmem:s3] =	stream.indirect.scatter.add.f32 [tilespmem:s18], [sflag:$0x3], $0x10, s10, s11, $0xb8;
	[tilespmem:$0x1F970] =	vst v63  }
0xa2: {  	_ =	swait.ge [sflag:s20], $0x280  }
0xa3: {  	[sflag:s20] =	ssyncset.done $0x0  }
0xa4: {  	[sflag:s20] =	ssyncadd.s32 $0xFFFFFD80  }
0xa5: {  	p0 =	slt.s32 s29, s31;
	s24 =	smov.u32 s31;
	_ =	swait.ge [sflag:s20], $0x280  }
0xa6: {  	s24 =	smov.u32 @p0 s29;
	[sflag:s20] =	ssyncset.done $0x0  }
0xa7: {  	s24 =	smul.u32 $0x280, s24;
	[sflag:s20] =	ssyncadd.s32 $0xFFFFFD80  }
0xa8: {  	[tilespmem:s21], [sflag:$0x2] =	stream.indirect.gather [hbm4b:s1+s11], $0x10, s11, s11, $0xb8;
	[tilespmem:$0x1F970] =	vst v63  }
0xa9: {  	_ =	swait.ge [sflag:s22], $0x2800  }
0xaa: {  	s24 =	sshrl.u32 s24, $0x3;
	[sflag:s22] =	ssyncset.done $0x0  }
0xab: {  	p0 =	sne.s32 s14, $0x1;
	s28 =	sadd.s32 s5, s24;
	[sflag:s22] =	ssyncadd.s32 $0xFFFFD800  }
0xac: {  	[tilespmem:s4], [sflag:$0x5] =	stream.linear.gather [hbm4b:s28+s4], $0x280, $0x38;
	[tilespmem:$0x1F970] =	vst v63  }
.Ltmp1:
0xad: {  	_ = 	snop;
	(pc) =	sbr.rel @!p0 .LBB2_5-.Ltmp1, $4  }
0xae: {  	s24 =	sadd.s32 s6, s24  }
0xaf: {  	[tilespmem:s10], [sflag:$0x5] =	stream.linear.gather [hbm4b:s24+s4], $0x280, $0x38;
	[tilespmem:$0x1F970] =	vst v63  }
0xb0: {  	_ =	swait.ge [sflag:s23], $0x2800  }
0xb1: {  	s28 =	sadd.s32 $0xFFFFFFFF, s14;
	s24 =	smov.u32 s29;
	[sflag:s23] =	ssyncset.done $0x0  }
.LBB2_4:
0xb2: {  	p0 =	sne.s32 s28, $0x1;
	[sflag:s23] =	ssyncadd.s32 $0xFFFFD800;
	s24 =	sadd.s32 $0x2, s24  }
0xb3: {  	[spmem:s3] =	stream.indirect.scatter.add.f32 [tilespmem:s21], [sflag:$0x4], $0x10, s12, s11, $0xb8;
	[tilespmem:$0x1F970] =	vst v63  }
0xb4: {  	s28 =	sadd.s32 $0xFFFFFFFF, s28;
	_ =	swait.ge [sflag:s16], $0x280  }
0xb5: {  	[sflag:s16] =	ssyncset.done $0x0  }
0xb6: {  	[sflag:s16] =	ssyncadd.s32 $0xFFFFFD80  }
0xb7: {  	s30 =	sadd.s32 $0xFFFFFFFF, s24;
	_ =	swait.ge [sflag:s16], $0x280  }
0xb8: {  	s7 =	smov.u32 s31;
	p1 =	slt.s32 s30, s31;
	[sflag:s16] =	ssyncset.done $0x0  }
0xb9: {  	s7 =	smov.u32 @p1 s30;
	[sflag:s16] =	ssyncadd.s32 $0xFFFFFD80  }
0xba: {  	[tilespmem:s18], [sflag:$0x1] =	stream.indirect.gather [hbm4b:s1+s11], $0x10, s4, s11, $0xb8;
	[tilespmem:$0x1F970] =	vst v63  }
0xbb: {  	s7 =	smul.u32 $0x280, s7;
	_ =	swait.ge [sflag:s25], $0x2800  }
0xbc: {  	[sflag:s25] =	ssyncset.done $0x0  }
0xbd: {  	s7 =	sshrl.u32 s7, $0x3;
	[sflag:s25] =	ssyncadd.s32 $0xFFFFD800  }
0xbe: {  	s30 =	sadd.s32 s5, s7;
	s7 =	sadd.s32 s6, s7  }
0xbf: {  	[tilespmem:s11], [sflag:$0x6] =	stream.linear.gather [hbm4b:s30+s4], $0x280, $0x38;
	[tilespmem:$0x1F970] =	vst v63  }
0xc0: {  	_ = 	snop  }
0xc1: {  	[tilespmem:s12], [sflag:$0x6] =	stream.linear.gather [hbm4b:s7+s4], $0x280, $0x38;
	[tilespmem:$0x1F970] =	vst v63  }
0xc2: {  	_ =	swait.ge [sflag:s19], $0x2800  }
0xc3: {  	[sflag:s19] =	ssyncset.done $0x0  }
0xc4: {  	[sflag:s19] =	ssyncadd.s32 $0xFFFFD800  }
0xc5: {  	[spmem:s3] =	stream.indirect.scatter.add.f32 [tilespmem:s18], [sflag:$0x3], $0x10, s10, s11, $0xb8;
	[tilespmem:$0x1F970] =	vst v63  }
0xc6: {  	_ =	swait.ge [sflag:s20], $0x280  }
0xc7: {  	[sflag:s20] =	ssyncset.done $0x0  }
0xc8: {  	[sflag:s20] =	ssyncadd.s32 $0xFFFFFD80  }
0xc9: {  	p1 =	slt.s32 s24, s31;
	s7 =	smov.u32 s31;
	_ =	swait.ge [sflag:s20], $0x280  }
0xca: {  	s7 =	smov.u32 @p1 s24;
	[sflag:s20] =	ssyncset.done $0x0  }
0xcb: {  	s7 =	smul.u32 $0x280, s7;
	[sflag:s20] =	ssyncadd.s32 $0xFFFFFD80  }
0xcc: {  	[tilespmem:s21], [sflag:$0x2] =	stream.indirect.gather [hbm4b:s1+s11], $0x10, s11, s11, $0xb8;
	[tilespmem:$0x1F970] =	vst v63  }
0xcd: {  	s7 =	sshrl.u32 s7, $0x3;
	_ =	swait.ge [sflag:s22], $0x2800  }
0xce: {  	s30 =	sadd.s32 s5, s7;
	[sflag:s22] =	ssyncset.done $0x0  }
0xcf: {  	s7 =	sadd.s32 s6, s7;
	[sflag:s22] =	ssyncadd.s32 $0xFFFFD800  }
0xd0: {  	[tilespmem:s4], [sflag:$0x5] =	stream.linear.gather [hbm4b:s30+s4], $0x280, $0x38;
	[tilespmem:$0x1F970] =	vst v63  }
.Ltmp2:
0xd1: {  	_ = 	snop;
	(pc) =	sbr.rel @p0 .LBB2_4-.Ltmp2, $4  }
0xd2: {  	_ = 	snop  }
0xd3: {  	[tilespmem:s10], [sflag:$0x5] =	stream.linear.gather [hbm4b:s7+s4], $0x280, $0x38;
	[tilespmem:$0x1F970] =	vst v63  }
0xd4: {  	_ =	swait.ge [sflag:s23], $0x2800  }
0xd5: {  	[sflag:s23] =	ssyncset.done $0x0  }
.LBB2_5:
0xd6: {  	[sflag:s23] =	ssyncadd.s32 $0xFFFFD800  }
0xd7: {  	[spmem:s3] =	stream.indirect.scatter.add.f32 [tilespmem:s21], [sflag:$0x4], $0x10, s12, s11, $0xb8;
	[tilespmem:$0x1F970] =	vst v63  }
0xd8: {  	_ =	swait.ge [sflag:s25], $0x2800  }
0xd9: {  	[sflag:s25] =	ssyncset.done $0x0  }
0xda: {  	[sflag:s25] =	ssyncadd.s32 $0xFFFFD800  }
0xdb: {  	_ =	swait.ge [sflag:s16], $0x280  }
0xdc: {  	[sflag:s16] =	ssyncset.done $0x0  }
0xdd: {  	[sflag:s16] =	ssyncadd.s32 $0xFFFFFD80  }
0xde: {  	_ =	swait.ge [sflag:s16], $0x280  }
0xdf: {  	[sflag:s16] =	ssyncset.done $0x0  }
0xe0: {  	[sflag:s16] =	ssyncadd.s32 $0xFFFFFD80  }
0xe1: {  	s7 =	stileid.u32;
	[bflag:$0x0] =	sbarrier.arrive $0xFFFF  }
0xe2: {  	s7 =	sshll.u32 s7, $0x6;
	s24 =	rddreg [dreg:$0xa]  }
0xe3: {  	s7 =	sor.u32 $0x1C07, s7;
	s28 =	rddreg [dreg:$0x12]  }
0xe4: {  	[hbm:s24], [sflag:s7] =	dma.local [spmem:s28], $0x30E0  }
0xe5: {  	_ =	swait.ge [sflag:s15], $0x30E0  }
0xe6: {  	s26 =	sadd.s32 $0x1, s26;
	s30 =	rddreg [dreg:$0xb]  }
0xe7: {  	p0 =	sne.s32 s26, s30  }
.Ltmp3:
0xe8: {  	_ = 	snop;
	(pc) =	sbr.rel @p0 .LBB2_1-.Ltmp3, $3  }
0xe9: {  	_ =	sdelay $0x1  }
0xea: {  	[sflag:s15] =	ssyncset.done $0x0  }
0xeb: {  	[sflag:s15] =	ssyncadd.s32 $0xFFFFCF20  }
0xec: {  	_ =	sfence.sel $0x180000  }
0xed: {  	[bflag:$0x0] =	sbarrier.arrive $0xFFFF  }
0xee: {  	_ =	strace $0x9000004D  }
0xef: {  	s0 =	stileid.u32;
	[bflag:$0x2] =	sbarrier.arrive $0xFFFF  }
0xf0: {  	p0 =	sne.s32 s0, $0x0;
	s0 =	rddreg [dreg:$0x3]  }
0xf1: {  	s0 =	sadd.s32 @!p0 $0x100000, s0  }
0xf2: {  	[sflag:s0] =	ssyncadd.tile.s32 @!p0 $0x1;
	_ =	shalt  }
.Lfunc_end2:
_tile_overlayer_lowered:
.L_overlay_start_2:
0xf3: {  	(tag) =	ssettag $0x2  }
0xf4: {  	s0 =	rddreg [dreg:$0x0];
	s2 =	stileid.u32  }
0xf5: {  	s1 =	rddreg [dreg:$0x1];
	p0 =	sne.s32 s2, $0x0  }
0xf6: {  	s3 =	rddreg [dreg:$0x2];
	[bflag:$0x3] =	sbarrier.arrive $0xFFFF;
	s2 =	simm.s32 @!p0 $0x1C07  }
0xf7: {  	[timem:s3], [sflag:s2] =	dma.local @!p0 [hbm:s0], s1  }
0xf8: {  	s0 =	simm.s32 @!p0 $0x7  }
0xf9: {  	_ =	swait.ge @!p0 [sflag:s0], s1  }
0xfa: {  	s1 =	ssub.s32 @!p0 $0x0, s1;
	[sflag:s0] =	ssyncset.done @!p0 $0x0  }
0xfb: {  	[sflag:s0] =	ssyncadd.s32 @!p0 s1  }
0xfc: {  	[bflag:$0x3] =	sbarrier.arrive $0xFFFF  }
0xfd: {  	_ =	shalt  }

// kernel: kernel.8.cloned.1.call-start
scs
__scs_entry_jumppad:
0x0: {  	(pc) =	sbr.rel $0x88, $3  }
0x1: {  	(tag) =	ssettag $0x0;
	lr =	simm.s32 $0x1  }
0x2: {  	[smem:$0x3F99] =	sst lr;
	_ =	strace $0xD0000000  }
0x3: {  	_ = 	snop  }
0x4: {  	_ = 	snop  }
0x5: {  	_ = 	snop  }
0x6: {  	_ = 	snop  }
0x7: {  	_ = 	snop  }
__scs_overlays_trampoline_lowered:
0x8: {  	[smem:$0x3FA8] =	sst s0  }
0x9: {  	[smem:$0x3FA9] =	sst s1  }
0xa: {  	[smem:$0x3FAA] =	sst s2  }
0xb: {  	[smem:$0x3FAB] =	sst s3  }
0xc: {  	[smem:$0x3FAC] =	sst s4  }
0xd: {  	[smem:$0x3FAD] =	sst s5  }
0xe: {  	[smem:$0x3FAE] =	sst s6  }
0xf: {  	[smem:$0x3FAF] =	sst s7  }
0x10: {  	[smem:$0x3FB0] =	sst s8  }
0x11: {  	[smem:$0x3FB1] =	sst s9;
	s0 =	simm.s32 @!p0 $0x0  }
0x12: {  	s1 =	sld [smem:$0x3F97];
	s0 =	simm.s32 @p0 $0x1  }
0x13: {  	[smem:$0x3FB2] =	sst s0;
	s0 =	simm.s32 @!p1 $0x0  }
0x14: {  	s2 =	sld [smem:$0x3F96];
	s0 =	simm.s32 @p1 $0x1  }
0x15: {  	[smem:$0x3FB3] =	sst s0;
	s0 =	simm.s32 @!p2 $0x0  }
0x16: {  	s3 =	sld [smem:$0x3FDB];
	s0 =	simm.s32 @p2 $0x1  }
0x17: {  	s4 =	simm.s32 $0x1BF5;
	[smem:$0x3FB5] =	sst s0  }
0x18: {  	s0 =	sld [smem:$0x3F98];
	_ =	swait.ge [sflag:s4], $0x0  }
0x19: {  	s7 =	sld [smem:$0x3F99]  }
0x1a: {  	s8 =	sadd.s32 $0xFFFFE003, lr  }
0x1b: {  	s9 =	sadd.s32 $0xFFFFFEF7, lr;
	s5 =	simm.s32 $0xFFFFFFFF;
	p2 =	slt.u32 s8, $0xFFFFF086  }
0x1c: {  	p1 =	slt.u32 s9, $0xF7A;
	s5 =	simm.s32 @!p2 $0x0  }
0x1d: {  	s5 =	simm.s32 @p1 $0x1;
	p0 =	seq.s32 s7, s2  }
0x1e: {  	s7 =	smul.u32 @!p0 $0xF7A, s2;
	p2 =	seq.s32 @!p0 s5, $0x0  }
0x1f: {  	s9 =	smul.u32 $0xF7A, s1;
	s8 =	simm.s32 @!p0 $0x1BF5;
	p2 =	por !p2, p0  }
0x20: {  	[sflag:s8] =	ssyncset.s32 @!p0 $0xFFFFF086;
	s6 =	sadd.s32 @!p0 s3, s7;
	s7 =	simm.s32 @!p0 $0x108  }
0x21: {  	s3 =	sadd.s32 s3, s9;
	s6 =	sadd.s32 @!p0 $0x88, s6;
	s7 =	simm.s32 @p2 $0x1082  }
0x22: {  	[simem:s7], [sflag:s8] =	dma.local @!p0 [hbm:s6], $0xF7A  }
0x23: {  	s9 =	sor.u32 $0xD0000000, s2;
	s6 =	simm.s32 $0x108;
	_ =	swait.ge @!p0 [sflag:s8], $0x0  }
0x24: {  	s3 =	sadd.s32 $0x88, s3;
	s6 =	simm.s32 @!p1 $0x1082;
	[sflag:s4] =	ssyncset.s32 $0xFFFFF086  }
0x25: {  	[simem:s6], [sflag:s4] =	dma.local [hbm:s3], $0xF7A  }
0x26: {  	[smem:$0x3F99] =	sst s1;
	(tag) =	ssettag s2;
	_ =	strace s9  }
0x27: {  	s1 =	sld [smem:$0x3FA9]  }
0x28: {  	s2 =	sld [smem:$0x3FAA]  }
0x29: {  	s4 =	sld [smem:$0x3FAC]  }
0x2a: {  	p0 =	seq.s32 s5, $0x0;
	s5 =	sld [smem:$0x3FAD]  }
0x2b: {  	s6 =	sld [smem:$0x3FAE]  }
0x2c: {  	s7 =	sld [smem:$0x3FAF]  }
0x2d: {  	s3 =	simm.s32 $0x108;
	s8 =	sld [smem:$0x3FB0]  }
0x2e: {  	s3 =	simm.s32 @!p0 $0x1082;
	s9 =	sld [smem:$0x3FB1]  }
0x2f: {  	lr =	sadd.s32 s0, s3;
	s0 =	sld [smem:$0x3FA8]  }
0x30: {  	s3 =	sld [smem:$0x3FAB]  }
0x31: {  	[smem:$0x3FB4] =	sst s10  }
0x32: {  	s10 =	sld [smem:$0x3FB2];
	_ =	sdelay $0x3  }
0x33: {  	p0 =	seq.s32 s10, $0x1;
	s10 =	sld [smem:$0x3FB4];
	_ =	sdelay $0x3  }
0x34: {  	[smem:$0x3FB4] =	sst s10  }
0x35: {  	s10 =	sld [smem:$0x3FB3];
	_ =	sdelay $0x3  }
0x36: {  	p1 =	seq.s32 s10, $0x1;
	s10 =	sld [smem:$0x3FB4];
	_ =	sdelay $0x3  }
0x37: {  	[smem:$0x3FB4] =	sst s10  }
0x38: {  	s10 =	sld [smem:$0x3FB5]  }
0x39: {  	_ = 	snop;
	(pc) =	sbr.ind lr, $3  }
0x3a: {  	_ = 	snop  }
0x3b: {  	_ = 	snop  }
0x3c: {  	p2 =	seq.s32 s10, $0x1;
	s10 =	sld [smem:$0x3FB4]  }
0x3d: {  	_ =	shalt  }
0x3e: {  	_ =	shalt  }
0x3f: {  	_ =	shalt  }
0x40: {  	_ =	shalt  }
0x41: {  	_ =	shalt  }
0x42: {  	_ =	shalt  }
0x43: {  	_ =	shalt  }
0x44: {  	_ =	shalt  }
0x45: {  	_ =	shalt  }
0x46: {  	_ =	shalt  }
0x47: {  	_ =	shalt  }
0x48: {  	_ =	shalt  }
0x49: {  	_ =	shalt  }
0x4a: {  	_ =	shalt  }
0x4b: {  	_ =	shalt  }
0x4c: {  	_ =	shalt  }
0x4d: {  	_ =	shalt  }
0x4e: {  	_ =	shalt  }
0x4f: {  	_ =	shalt  }
0x50: {  	_ =	shalt  }
0x51: {  	_ =	shalt  }
0x52: {  	_ =	shalt  }
0x53: {  	_ =	shalt  }
0x54: {  	_ =	shalt  }
0x55: {  	_ =	shalt  }
0x56: {  	_ =	shalt  }
0x57: {  	_ =	shalt  }
0x58: {  	_ =	shalt  }
0x59: {  	_ =	shalt  }
0x5a: {  	_ =	shalt  }
0x5b: {  	_ =	shalt  }
0x5c: {  	_ =	shalt  }
0x5d: {  	_ =	shalt  }
0x5e: {  	_ =	shalt  }
0x5f: {  	_ =	shalt  }
0x60: {  	_ =	shalt  }
0x61: {  	_ =	shalt  }
0x62: {  	_ =	shalt  }
0x63: {  	_ =	shalt  }
0x64: {  	_ =	shalt  }
0x65: {  	_ =	shalt  }
0x66: {  	_ =	shalt  }
0x67: {  	_ =	shalt  }
0x68: {  	_ =	shalt  }
0x69: {  	_ =	shalt  }
0x6a: {  	_ =	shalt  }
0x6b: {  	_ =	shalt  }
0x6c: {  	_ =	shalt  }
0x6d: {  	_ =	shalt  }
0x6e: {  	_ =	shalt  }
0x6f: {  	_ =	shalt  }
0x70: {  	_ =	shalt  }
0x71: {  	_ =	shalt  }
0x72: {  	_ =	shalt  }
0x73: {  	_ =	shalt  }
0x74: {  	_ =	shalt  }
0x75: {  	_ =	shalt  }
0x76: {  	_ =	shalt  }
0x77: {  	_ =	shalt  }
0x78: {  	_ =	shalt  }
0x79: {  	_ =	shalt  }
0x7a: {  	_ =	shalt  }
0x7b: {  	_ =	shalt  }
0x7c: {  	_ =	shalt  }
0x7d: {  	_ =	shalt  }
0x7e: {  	_ =	shalt  }
0x7f: {  	_ =	shalt  }
0x80: {  	_ =	shalt  }
0x81: {  	_ =	shalt  }
0x82: {  	_ =	shalt  }
0x83: {  	_ =	shalt  }
0x84: {  	_ =	shalt  }
0x85: {  	_ =	shalt  }
0x86: {  	_ =	shalt  }
0x87: {  	_ =	shalt  }
.Lfunc_end0:
.L_simem_size_0:
called_computation_lowered:
.L_overlay_start_0:
0x88: {  	s2 =	sld [smem:$0x3FD9]  }
0x89: {  	s3 =	sld [smem:$0x3FFE];
	_ =	sdelay $0x1  }
0x8a: {  	s1 =	srdreg.scid  }
0x8b: {  	s0 =	sand.u32 $0x1, s1  }
0x8c: {  	s16 =	sshll.u32 s0, $0xA;
	s2 =	sadd.s32 s3, s2  }
0x8d: {  	s2 =	sadd.s32 s2, s16  }
0x8e: {  	[smem:$0x3FC0] =	sst s2  }
0x8f: {  	_ = 	snop  }
0x90: {  	(tm) =	ssettm $0x1  }
0x91: {  	s17 =	sld [smem:$0x3FFB];
	_ =	sdelay $0x3  }
0x92: {  	_ =	strace s17  }
0x93: {  	s2 =	sld [smem:$0x3FFC];
	_ =	sdelay $0x3  }
0x94: {  	_ =	strace s2  }
0x95: {  	s2 =	sld [smem:$0x3FFD];
	_ =	sdelay $0x3  }
0x96: {  	_ =	strace s2  }
0x97: {  	_ =	strace $0x8FFFFFFF  }
0x98: {  	s18 =	sld [smem:$0x3FDB];
	_ =	sdelay $0x1  }
0x99: {  	s19 =	simm.s32 $_scs_section_size  }
0x9a: {  	s4 =	simm.s32 $_size__tile_overlayer_lowered;
	s5 =	simm.s32 $_tile_overlayer_lowered  }
0x9b: {  	s22 =	simm.s32 $0x1BFF;
	s21 =	sshll.u32 s5, $0x1;
	s2 =	sadd.s32 s19, s18  }
0x9c: {  	s6 =	simm.s32 $0x0;
	s20 =	sshll.u32 s4, $0x1;
	s4 =	sadd.s32 s21, s2  }
0x9d: {  	[timem:s6], [sflag:s22] =	dma.local [hbm:s4], s20  }
0x9e: {  	_ =	swait.ge [sflag:s22], s20  }
0x9f: {  	s3 =	ssub.s32 $0x0, s20;
	[sflag:s22] =	ssyncset.done $0x0  }
0xa0: {  	[sflag:s22] =	ssyncadd.s32 s3;
	_ =	sdelay $0x1  }
0xa1: {  	s23 =	simm.s32 $0x1B8B  }
0xa2: {  	_ =	swait.ge [sflag:s23], $0x1  }
0xa3: {  	[sflag:s23] =	ssyncset.done $0x0  }
0xa4: {  	s25 =	simm.s32 $0x1B8E;
	s24 =	sld [smem:$0x3FFE];
	[sflag:s23] =	ssyncadd.s32 $0xFFFFFFFF  }
0xa5: {  	s26 =	simm.s32 $execute0_lowered;
	[smem:$0x3FD2] =	sst s25  }
0xa6: {  	s4 =	sshll.u32 s26, $0x1;
	_ =	strace $0x80000046;
	[dreg:$0x1] =	wrdreg $0xFFFFFFFF  }
0xa7: {  	s28 =	simm.s32 $_size_execute0_lowered;
	s2 =	sadd.s32 s2, s4;
	[dreg:$0x0] =	wrdreg $0x0  }
0xa8: {  	s4 =	sshll.u32 s28, $0x1;
	[dreg:$0x2] =	wrdreg s2  }
0xa9: {  	[dreg:$0x3] =	wrdreg s4  }
0xaa: {  	[dreg:$0x4] =	wrdreg $0xC0  }
0xab: {  	_ =	task [dreg:s6], $0x5FFFF  }
0xac: {  	[dreg:$0x1] =	wrdreg $0xFFFFFFFF  }
0xad: {  	[dreg:$0x0] =	wrdreg $0x60  }
0xae: {  	[dreg:$0x2] =	wrdreg s24  }
0xaf: {  	[dreg:$0x3] =	wrdreg $0x6D700  }
0xb0: {  	[dreg:$0x4] =	wrdreg $0x9  }
0xb1: {  	_ =	task.clear_ibuf [dreg:s6], $0x5FFFF;
	_ =	strace $0x90000046  }
0xb2: {  	s29 =	simm.s32 $0x9;
	_ =	strace $0x80000048  }
0xb3: {  	_ =	swait.ge [sflag:s29], $0x1  }
0xb4: {  	[sflag:s29] =	ssyncadd.s32 $0xFFFFFFFF  }
0xb5: {  	_ =	strace $0x90000048  }
0xb6: {  	_ =	sfence  }
0xb7: {  	s30 =	sld [smem:$0x0];
	_ =	sdelay $0x2  }
0xb8: {  	s31 =	sshll.u32 s1, $0xD;
	s1 =	sshrl.u32 s1, $0x2  }
0xb9: {  	s3 =	sand.u32 $0x4000, s31;
	s1 =	sadd.s32 s1, s30  }
0xba: {  	s0 =	sor.u32 s3, s0;
	s1 =	sshll.u32 s1, $0x11  }
0xbb: {  	s0 =	sor.u32 s1, s0  }
0xbc: {  	s0 =	sadd.s32 $0x8F2B, s0  }
0xbd: {  	[sflag:s0] =	ssyncadd.remote.s32 $0x1  }
0xbe: {  	_ =	sfence.sel $0xFFFF  }
0xbf: {  	[dreg:$0x0] =	wrdreg $0xFFFFFFFF;
	(pc) =	sbr.abs _section_cstart, $3  }
0xc0: {  	[dreg:$0x1] =	wrdreg $0xFFFFFFFF  }
0xc1: {  	_ =	task.clear_ibuf [dreg:s6], $0x2FFFF;
	_ =	strace $0x9FFFFFFF  }
0xc2: {  	(tm) =	ssettm $0x7FFFFFFF  }
0xc3: {  	_ =	shalt  }
tec
execute0_lowered:
.L_overlay_start_1:
0x0: {  	(tag) =	ssettag $0x1  }
0x1: {  	s0 =	srdreg.scid;
	s15 =	stileid.u32  }
0x2: {  	s1 =	rddreg [dreg:$0x0];
	s6 =	smul.u32 $0x18700, s15  }
0x3: {  	s2 =	rddreg [dreg:$0x1];
	s8 =	simm.s32 $0x0;
	s25 =	smul.u32 $0x61C00, s15  }
0x4: {  	s31 =	simm.s32 $0x280;
	s0 =	sand.u32 $0x1, s0;
	s17 =	smul.u32 $0x138, s15  }
0x5: {  	s3 =	sshll.u32 s15, $0x1;
	p0 =	slt.u32 s15, $0x2;
	s4 =	smul.u32 $0x187000, s0  }
0x6: {  	s5 =	sor.u32 s0, s3;
	s22 =	ssub.s32 $0x2, s0;
	s0 =	smul.u32 $0x9C, s0  }
0x7: {  	s3 =	simm.s32 $0x0;
	s8 =	simm.s32 @!p0 $0x2;
	s7 =	smul.u32 $0x9C, s5  }
0x8: {  	s5 =	smin.u32 s5, $0x4;
	[smem:$0x7FF] =	sst s3;
	s14 =	sshrl.u32 s22, $0x1  }
0x9: {  	s10 =	sshll.u32 s5, $0x1;
	_ =	strace $0x80000047;
	s21 =	sadd.s32 s6, s4  }
0xa: {  	s4 =	sadd.s32 $0x2800, s1;
	s23 =	ssub.s32 s22, s14;
	s14 =	sshrl.u32 s25, $0x2  }
0xb: {  	s0 =	sadd.s32 s0, s17;
	s7 =	sadd.s32 s7, s10;
	s11 =	sshrl.u32 s21, $0x3  }
0xc: {  	s16 =	smax.u32 s23, $0x1;
	s0 =	sadd.s32 s10, s0;
	s10 =	simm.s32 $0x1  }
0xd: {  	s9 =	ssub.s32 s7, s8;
	s13 =	sor.u32 $0x1, s7;
	s1 =	sadd.s32 s11, s1  }
0xe: {  	s8 =	ssub.s32 $0x9C, s8;
	[dreg:$0x7] =	wrdreg s16;
	s20 =	sadd.s32 $0x9D, s9  }
0xf: {  	s15 =	sadd.s32 $0x4, s0;
	s0 =	simm.s32 $0x5;
	s12 =	smin.u32 s7, s20  }
0x10: {  	s13 =	smin.u32 s13, s20;
	s7 =	sadd.s32 $0x2, s7;
	s12 =	smul.u32 $0x50, s12  }
0x11: {  	s1 =	sadd.s32 $0xC6200, s1;
	s13 =	smul.u32 $0x50, s13;
	s7 =	smin.u32 s7, s20  }
0x12: {  	[dreg:$0x6] =	wrdreg s1;
	s7 =	smul.u32 $0x50, s7;
	s24 =	sadd.s32 s4, s12  }
0x13: {  	s11 =	simm.s32 $0x2D00;
	s26 =	sadd.s32 s4, s13;
	[dreg:$0x3] =	wrdreg s24  }
0x14: {  	s12 =	sadd.s32 s14, s2;
	[dreg:$0x4] =	wrdreg s26;
	s9 =	sadd.s32 s4, s7  }
0x15: {  	s1 =	simm.s32 $0x5500;
	s18 =	sadd.s32 $0x1870, s12;
	[dreg:$0x5] =	wrdreg s9  }
0x16: {  	s13 =	sadd.s32 s6, s2;
	s19 =	sadd.s32 $0x30E0, s12;
	[dreg:$0x8] =	wrdreg s18  }
0x17: {  	s6 =	simm.s32 $0x3;
	s21 =	sadd.s32 $0x4950, s12;
	[dreg:$0x9] =	wrdreg s19  }
0x18: {  	s14 =	simm.s32 $0x0;
	s22 =	sadd.s32 $0x61C0, s12;
	[dreg:$0xa] =	wrdreg s21  }
0x19: {  	s23 =	sadd.s32 $0x7A30, s12;
	s24 =	sadd.s32 $0x92A0, s12;
	[dreg:$0xb] =	wrdreg s22  }
0x1a: {  	s25 =	sadd.s32 $0xAB10, s12;
	s26 =	sadd.s32 $0xC380, s12;
	[dreg:$0xc] =	wrdreg s23  }
0x1b: {  	s28 =	sadd.s32 $0x13DB0, s12;
	s29 =	sadd.s32 $0x15620, s12;
	[dreg:$0xd] =	wrdreg s24  }
0x1c: {  	s30 =	sadd.s32 $0x16E90, s12;
	s7 =	simm.s32 $0x500;
	[dreg:$0xe] =	wrdreg s25  }
0x1d: {  	s9 =	sshrl.u32 s8, $0x1;
	[dreg:$0xf] =	wrdreg s26;
	s21 =	sadd.s32 $0xDBF0, s12  }
0x1e: {  	s22 =	sadd.s32 $0xF460, s12;
	s23 =	sadd.s32 $0x10CD0, s12;
	s25 =	sshrl.u32 s13, $0x3  }
0x1f: {  	v0 =	vimm.f32 $0.0e+00;
	v1 =	vimm.f32 $1.000000000e+00;
	s26 =	sadd.s32 $0x12540, s12;
	s8 =	simm.s32 $0x4;
	s13 =	simm.s32 $0x2  }
.LBB2_1:
0x20: {  	s5 =	rddreg [dreg:$0x3]  }
0x21: {  	[tilespmem:s3], [sflag:$0x3] =	stream.linear.gather [hbm4b:s5+s3], $0x280, $0x38;
	[tilespmem:$0x1F470] =	vst v63  }
0x22: {  	s24 =	rddreg [dreg:$0x4];
	s16 =	simm.s32 $0x0  }
0x23: {  	[tilespmem:s31], [sflag:$0x4] =	stream.linear.gather [hbm4b:s24+s3], $0x280, $0x38;
	[tilespmem:$0x1F470] =	vst v63  }
.LBB2_2:
0x24: {  	p0 =	sne.s32 s16, $0x6180  }
.Ltmp0:
0x25: {  	_ = 	snop;
	(pc) =	sbr.rel @p0 .LBB2_2-.Ltmp0, $3  }
0x26: {  	_ =	sdelay $0x1  }
0x27: {  	s17 =	sshra.s32 s16, $0x2  }
0x28: {  	s16 =	sadd.s32 $0x40, s16;
	[tilespmem:s17+$0x5500] =	vst v0  }
0x29: {  	s16 =	simm.s32 $0x40;
	s17 =	simm.s32 $0x0  }
.LBB2_4:
0x2a: {  	p0 =	sne.s32 s16, $0x9FC0;
	[tilespmem:s17+$0x500] =	vst v1;
	s18 =	smov.u32 s16;
	s16 =	sadd.s32 $0x40, s16  }
.Ltmp1:
0x2b: {  	[tilespmem:s17+$0x2D00] =	vst v1;
	(pc) =	sbr.rel @p0 .LBB2_4-.Ltmp1, $2  }
0x2c: {  	_ =	sdelay $0x2  }
0x2d: {  	s17 =	sshra.s32 s18, $0x2  }
0x2e: {  	[tilespmem:s17+$0x500] =	vst v1  }
0x2f: {  	[tilespmem:s17+$0x2D00] =	vst v1  }
0x30: {  	[spmem:s12] =	stream.linear.scatter [tilespmem:s1], [sflag:$0x5], $0x1870, $0x38;
	[tilespmem:$0x1F470] =	vst v63  }
0x31: {  	_ =	swait.ge [sflag:s0], $0x1870  }
0x32: {  	[sflag:s0] =	ssyncset.done $0x0  }
0x33: {  	s5 =	rddreg [dreg:$0x8];
	[sflag:s0] =	ssyncadd.s32 $0xFFFFE790  }
0x34: {  	[spmem:s5] =	stream.linear.scatter [tilespmem:s1], [sflag:$0x5], $0x1870, $0x38;
	[tilespmem:$0x1F470] =	vst v63  }
0x35: {  	_ =	swait.ge [sflag:s0], $0x1870  }
0x36: {  	[sflag:s0] =	ssyncset.done $0x0  }
0x37: {  	s18 =	rddreg [dreg:$0x9];
	[sflag:s0] =	ssyncadd.s32 $0xFFFFE790  }
0x38: {  	[spmem:s18] =	stream.linear.scatter [tilespmem:s1], [sflag:$0x5], $0x1870, $0x38;
	[tilespmem:$0x1F470] =	vst v63  }
0x39: {  	_ =	swait.ge [sflag:s0], $0x1870  }
0x3a: {  	[sflag:s0] =	ssyncset.done $0x0  }
0x3b: {  	s19 =	rddreg [dreg:$0xa];
	[sflag:s0] =	ssyncadd.s32 $0xFFFFE790  }
0x3c: {  	[spmem:s19] =	stream.linear.scatter [tilespmem:s1], [sflag:$0x5], $0x1870, $0x38;
	[tilespmem:$0x1F470] =	vst v63  }
0x3d: {  	_ =	swait.ge [sflag:s0], $0x1870  }
0x3e: {  	[sflag:s0] =	ssyncset.done $0x0  }
0x3f: {  	s24 =	rddreg [dreg:$0xb];
	[sflag:s0] =	ssyncadd.s32 $0xFFFFE790  }
0x40: {  	[spmem:s24] =	stream.linear.scatter [tilespmem:s1], [sflag:$0x5], $0x1870, $0x38;
	[tilespmem:$0x1F470] =	vst v63  }
0x41: {  	_ =	swait.ge [sflag:s0], $0x1870  }
0x42: {  	[sflag:s0] =	ssyncset.done $0x0  }
0x43: {  	s16 =	rddreg [dreg:$0xc];
	[sflag:s0] =	ssyncadd.s32 $0xFFFFE790  }
0x44: {  	[spmem:s16] =	stream.linear.scatter [tilespmem:s1], [sflag:$0x5], $0x1870, $0x38;
	[tilespmem:$0x1F470] =	vst v63  }
0x45: {  	_ =	swait.ge [sflag:s0], $0x1870  }
0x46: {  	[sflag:s0] =	ssyncset.done $0x0  }
0x47: {  	s17 =	rddreg [dreg:$0xd];
	[sflag:s0] =	ssyncadd.s32 $0xFFFFE790  }
0x48: {  	[spmem:s17] =	stream.linear.scatter [tilespmem:s1], [sflag:$0x5], $0x1870, $0x38;
	[tilespmem:$0x1F470] =	vst v63  }
0x49: {  	_ =	swait.ge [sflag:s0], $0x1870  }
0x4a: {  	[sflag:s0] =	ssyncset.done $0x0  }
0x4b: {  	s18 =	rddreg [dreg:$0xe];
	[sflag:s0] =	ssyncadd.s32 $0xFFFFE790  }
0x4c: {  	[spmem:s18] =	stream.linear.scatter [tilespmem:s1], [sflag:$0x5], $0x1870, $0x38;
	[tilespmem:$0x1F470] =	vst v63  }
0x4d: {  	_ =	swait.ge [sflag:s0], $0x1870  }
0x4e: {  	[sflag:s0] =	ssyncset.done $0x0  }
0x4f: {  	s19 =	rddreg [dreg:$0xf];
	[sflag:s0] =	ssyncadd.s32 $0xFFFFE790  }
0x50: {  	[spmem:s19] =	stream.linear.scatter [tilespmem:s1], [sflag:$0x5], $0x1870, $0x38;
	[tilespmem:$0x1F470] =	vst v63  }
0x51: {  	_ =	swait.ge [sflag:s0], $0x1870  }
0x52: {  	[sflag:s0] =	ssyncset.done $0x0  }
0x53: {  	[sflag:s0] =	ssyncadd.s32 $0xFFFFE790  }
0x54: {  	[spmem:s21] =	stream.linear.scatter [tilespmem:s1], [sflag:$0x5], $0x1870, $0x38;
	[tilespmem:$0x1F470] =	vst v63  }
0x55: {  	_ =	swait.ge [sflag:s0], $0x1870  }
0x56: {  	[sflag:s0] =	ssyncset.done $0x0  }
0x57: {  	[sflag:s0] =	ssyncadd.s32 $0xFFFFE790  }
0x58: {  	[spmem:s22] =	stream.linear.scatter [tilespmem:s1], [sflag:$0x5], $0x1870, $0x38;
	[tilespmem:$0x1F470] =	vst v63  }
0x59: {  	_ =	swait.ge [sflag:s0], $0x1870  }
0x5a: {  	[sflag:s0] =	ssyncset.done $0x0  }
0x5b: {  	[sflag:s0] =	ssyncadd.s32 $0xFFFFE790  }
0x5c: {  	[spmem:s23] =	stream.linear.scatter [tilespmem:s1], [sflag:$0x5], $0x1870, $0x38;
	[tilespmem:$0x1F470] =	vst v63  }
0x5d: {  	_ =	swait.ge [sflag:s0], $0x1870  }
0x5e: {  	[sflag:s0] =	ssyncset.done $0x0  }
0x5f: {  	[sflag:s0] =	ssyncadd.s32 $0xFFFFE790  }
0x60: {  	[spmem:s26] =	stream.linear.scatter [tilespmem:s1], [sflag:$0x5], $0x1870, $0x38;
	[tilespmem:$0x1F470] =	vst v63  }
0x61: {  	_ =	swait.ge [sflag:s0], $0x1870  }
0x62: {  	[sflag:s0] =	ssyncset.done $0x0  }
0x63: {  	[sflag:s0] =	ssyncadd.s32 $0xFFFFE790  }
0x64: {  	[spmem:s28] =	stream.linear.scatter [tilespmem:s1], [sflag:$0x5], $0x1870, $0x38;
	[tilespmem:$0x1F470] =	vst v63  }
0x65: {  	_ =	swait.ge [sflag:s0], $0x1870  }
0x66: {  	[sflag:s0] =	ssyncset.done $0x0  }
0x67: {  	[sflag:s0] =	ssyncadd.s32 $0xFFFFE790  }
0x68: {  	[spmem:s29] =	stream.linear.scatter [tilespmem:s1], [sflag:$0x5], $0x1870, $0x38;
	[tilespmem:$0x1F470] =	vst v63  }
0x69: {  	_ =	swait.ge [sflag:s0], $0x1870  }
0x6a: {  	[sflag:s0] =	ssyncset.done $0x0  }
0x6b: {  	[sflag:s0] =	ssyncadd.s32 $0xFFFFE790  }
0x6c: {  	[spmem:s30] =	stream.linear.scatter [tilespmem:s1], [sflag:$0x5], $0x1870, $0x38;
	[tilespmem:$0x1F470] =	vst v63  }
0x6d: {  	_ =	swait.ge [sflag:s0], $0x1870  }
0x6e: {  	[sflag:s0] =	ssyncset.done $0x0  }
0x6f: {  	[sflag:s0] =	ssyncadd.s32 $0xFFFFE790  }
0x70: {  	[bflag:$0x0] =	sbarrier.arrive $0xFFFF  }
0x71: {  	_ =	swait.ge [sflag:s6], $0x280  }
0x72: {  	[sflag:s6] =	ssyncset.done $0x0  }
0x73: {  	[sflag:s6] =	ssyncadd.s32 $0xFFFFFD80  }
0x74: {  	[spmem:s2] =	stream.indirect.scatter.add.f32 [tilespmem:s7], [sflag:$0x1], $0x10, s3, s31, $0xb8;
	[tilespmem:$0x1F470] =	vst v63  }
0x75: {  	_ =	swait.ge [sflag:s8], $0x280  }
0x76: {  	[sflag:s8] =	ssyncset.done $0x0  }
0x77: {  	[sflag:s8] =	ssyncadd.s32 $0xFFFFFD80  }
0x78: {  	p1 =	sne.s32 s9, $0x1;
	_ =	swait.ge [sflag:s10], $0x2800  }
.Ltmp2:
0x79: {  	[sflag:s10] =	ssyncset.done $0x0;
	(pc) =	sbr.rel @!p1 .LBB2_6-.Ltmp2, $4  }
0x7a: {  	p0 =	por $0x0, $0x0;
	s24 =	rddreg [dreg:$0x5];
	[sflag:s10] =	ssyncadd.s32 $0xFFFFD800  }
0x7b: {  	[tilespmem:s3], [sflag:$0x3] =	stream.linear.gather [hbm4b:s24+s3], $0x280, $0x38;
	[tilespmem:$0x1F470] =	vst v63  }
0x7c: {  	s16 =	sadd.s32 $0xFFFFFFFF, s9;
	s18 =	sadd.s32 $0xFFFFFFFF, s15;
	s24 =	sadd.s32 $0x2, s15  }
0x7d: {  	[spmem:s2] =	stream.indirect.scatter.add.f32 [tilespmem:s11], [sflag:$0x2], $0x10, s31, s31, $0xb8;
	[tilespmem:$0x1F470] =	vst v63  }
0x7e: {  	_ =	swait.ge [sflag:s6], $0x280;
	p0 =	slt.s32 s18, s20;
	s17 =	smov.u32 s20  }
0x7f: {  	[sflag:s6] =	ssyncset.done $0x0;
	s17 =	smov.u32 @p0 s18  }
0x80: {  	[sflag:s6] =	ssyncadd.s32 $0xFFFFFD80;
	s17 =	smul.u32 $0x280, s17  }
0x81: {  	_ =	swait.ge [sflag:s13], $0x2800  }
0x82: {  	[sflag:s13] =	ssyncset.done $0x0;
	s17 =	sshrl.u32 s17, $0x3  }
0x83: {  	[sflag:s13] =	ssyncadd.s32 $0xFFFFD800;
	s17 =	sadd.s32 s4, s17  }
0x84: {  	[tilespmem:s31], [sflag:$0x4] =	stream.linear.gather [hbm4b:s17+s3], $0x280, $0x38;
	[tilespmem:$0x1F470] =	vst v63  }
0x85: {  	_ = 	snop  }
0x86: {  	[spmem:s2] =	stream.indirect.scatter.add.f32 [tilespmem:s7], [sflag:$0x1], $0x10, s3, s31, $0xb8;
	[tilespmem:$0x1F470] =	vst v63  }
0x87: {  	p0 =	slt.s32 s15, s20;
	s17 =	smov.u32 s20;
	_ =	swait.ge [sflag:s8], $0x280  }
0x88: {  	s17 =	smov.u32 @p0 s15;
	[sflag:s8] =	ssyncset.done $0x0  }
0x89: {  	p1 =	sne.s32 s16, $0x1;
	s17 =	smul.u32 $0x280, s17;
	[sflag:s8] =	ssyncadd.s32 $0xFFFFFD80  }
.Ltmp3:
0x8a: {  	_ =	swait.ge [sflag:s10], $0x2800;
	(pc) =	sbr.rel @!p1 .LBB2_9-.Ltmp3, $4  }
0x8b: {  	s17 =	sshrl.u32 s17, $0x3;
	[sflag:s10] =	ssyncset.done $0x0  }
0x8c: {  	s16 =	sadd.s32 $0xFFFFFFFF, s16;
	s17 =	sadd.s32 s4, s17;
	[sflag:s10] =	ssyncadd.s32 $0xFFFFD800  }
0x8d: {  	[tilespmem:s3], [sflag:$0x3] =	stream.linear.gather [hbm4b:s17+s3], $0x280, $0x38;
	[tilespmem:$0x1F470] =	vst v63  }
0x8e: {  	s18 =	sadd.s32 $0xFFFFFFFF, s24;
	p0 =	por $0x1, $0x1;
	s17 =	sadd.s32 $0x2, s24  }
.LBB2_8:
0x8f: {  	[spmem:s2] =	stream.indirect.scatter.add.f32 [tilespmem:s11], [sflag:$0x2], $0x10, s31, s31, $0xb8;
	[tilespmem:$0x1F470] =	vst v63  }
0x90: {  	s19 =	sadd.s32 $0xFFFFFFFF, s17  }
0x91: {  	p2 =	slt.s32 s18, s20;
	s5 =	smov.u32 s20;
	_ =	swait.ge [sflag:s6], $0x280  }
0x92: {  	p1 =	sne.s32 s16, $0x1;
	s5 =	smov.u32 @p2 s18;
	[sflag:s6] =	ssyncset.done $0x0  }
0x93: {  	s16 =	sadd.s32 $0xFFFFFFFF, s16;
	s5 =	smul.u32 $0x280, s5;
	[sflag:s6] =	ssyncadd.s32 $0xFFFFFD80  }
0x94: {  	s18 =	smov.u32 s19;
	_ =	swait.ge [sflag:s13], $0x2800  }
0x95: {  	s5 =	sshrl.u32 s5, $0x3;
	[sflag:s13] =	ssyncset.done $0x0  }
0x96: {  	s5 =	sadd.s32 s4, s5;
	[sflag:s13] =	ssyncadd.s32 $0xFFFFD800  }
0x97: {  	[tilespmem:s31], [sflag:$0x4] =	stream.linear.gather [hbm4b:s5+s3], $0x280, $0x38;
	[tilespmem:$0x1F470] =	vst v63  }
0x98: {  	_ = 	snop  }
0x99: {  	[spmem:s2] =	stream.indirect.scatter.add.f32 [tilespmem:s7], [sflag:$0x1], $0x10, s3, s31, $0xb8;
	[tilespmem:$0x1F470] =	vst v63  }
0x9a: {  	p2 =	slt.s32 s24, s20;
	s5 =	smov.u32 s20;
	_ =	swait.ge [sflag:s8], $0x280  }
0x9b: {  	s5 =	smov.u32 @p2 s24;
	s24 =	smov.u32 s17;
	[sflag:s8] =	ssyncset.done $0x0  }
0x9c: {  	s5 =	smul.u32 $0x280, s5;
	[sflag:s8] =	ssyncadd.s32 $0xFFFFFD80  }
.Ltmp4:
0x9d: {  	_ =	swait.ge [sflag:s10], $0x2800;
	(pc) =	sbr.rel @p1 .LBB2_8-.Ltmp4, $4  }
0x9e: {  	s5 =	sshrl.u32 s5, $0x3;
	[sflag:s10] =	ssyncset.done $0x0  }
0x9f: {  	s5 =	sadd.s32 s4, s5;
	[sflag:s10] =	ssyncadd.s32 $0xFFFFD800  }
0xa0: {  	[tilespmem:s3], [sflag:$0x3] =	stream.linear.gather [hbm4b:s5+s3], $0x280, $0x38;
	[tilespmem:$0x1F470] =	vst v63  }
0xa1: {  	s17 =	sadd.s32 $0x2, s17  }
.LBB2_9:
0xa2: {  	[spmem:s2] =	stream.indirect.scatter.add.f32 @p0 [tilespmem:s11], [sflag:$0x2], $0x10, s31, s31, $0xb8;
	[tilespmem:$0x1F470] =	vst v63  }
0xa3: {  	p0 =	slt.s32 s18, s20;
	s5 =	smov.u32 s20;
	_ =	swait.ge [sflag:s6], $0x280  }
0xa4: {  	s5 =	smov.u32 @p0 s18;
	[sflag:s6] =	ssyncset.done $0x0  }
0xa5: {  	s5 =	smul.u32 $0x280, s5;
	[sflag:s6] =	ssyncadd.s32 $0xFFFFFD80  }
0xa6: {  	_ =	swait.ge [sflag:s13], $0x2800  }
0xa7: {  	s5 =	sshrl.u32 s5, $0x3;
	[sflag:s13] =	ssyncset.done $0x0  }
0xa8: {  	s5 =	sadd.s32 s4, s5;
	[sflag:s13] =	ssyncadd.s32 $0xFFFFD800  }
0xa9: {  	[tilespmem:s31], [sflag:$0x4] =	stream.linear.gather [hbm4b:s5+s3], $0x280, $0x38;
	[tilespmem:$0x1F470] =	vst v63  }
0xaa: {  	_ = 	snop  }
0xab: {  	[spmem:s2] =	stream.indirect.scatter.add.f32 [tilespmem:s7], [sflag:$0x1], $0x10, s3, s31, $0xb8;
	[tilespmem:$0x1F470] =	vst v63  }
0xac: {  	p0 =	slt.s32 s24, s20;
	s5 =	smov.u32 s20;
	_ =	swait.ge [sflag:s8], $0x280  }
0xad: {  	s5 =	smov.u32 @p0 s24;
	[sflag:s8] =	ssyncset.done $0x0  }
0xae: {  	s5 =	smul.u32 $0x280, s5;
	[sflag:s8] =	ssyncadd.s32 $0xFFFFFD80  }
0xaf: {  	_ =	swait.ge [sflag:s10], $0x2800  }
0xb0: {  	s5 =	sshrl.u32 s5, $0x3;
	[sflag:s10] =	ssyncset.done $0x0  }
0xb1: {  	s5 =	sadd.s32 s4, s5;
	[sflag:s10] =	ssyncadd.s32 $0xFFFFD800  }
0xb2: {  	[tilespmem:s3], [sflag:$0x3] =	stream.linear.gather [hbm4b:s5+s3], $0x280, $0x38;
	[tilespmem:$0x1F470] =	vst v63  }
0xb3: {  	_ = 	snop  }
0xb4: {  	[spmem:s2] =	stream.indirect.scatter.add.f32 [tilespmem:s11], [sflag:$0x2], $0x10, s31, s31, $0xb8;
	[tilespmem:$0x1F470] =	vst v63  }
0xb5: {  	_ =	swait.ge [sflag:s13], $0x2800  }
0xb6: {  	[sflag:s13] =	ssyncset.done $0x0  }
0xb7: {  	[sflag:s13] =	ssyncadd.s32 $0xFFFFD800  }
0xb8: {  	_ =	swait.ge [sflag:s6], $0x280  }
0xb9: {  	[sflag:s6] =	ssyncset.done $0x0  }
0xba: {  	s19 =	stileid.u32;
	[sflag:s6] =	ssyncadd.s32 $0xFFFFFD80  }
0xbb: {  	s5 =	sshll.u32 s19, $0x6;
	[bflag:$0x0] =	sbarrier.arrive $0xFFFF  }
0xbc: {  	s5 =	sor.u32 $0x1C05, s5;
	s16 =	rddreg [dreg:$0x6]  }
0xbd: {  	[hbm:s16], [sflag:s5] =	dma.local [spmem:s25], $0x30E0  }
0xbe: {  	_ =	swait.ge [sflag:s0], $0x30E0  }
0xbf: {  	s14 =	sadd.s32 $0x1, s14;
	s24 =	rddreg [dreg:$0x7]  }
0xc0: {  	p0 =	sne.s32 s14, s24  }
.Ltmp5:
0xc1: {  	_ = 	snop;
	(pc) =	sbr.rel @p0 .LBB2_1-.Ltmp5, $4  }
.Ltmp6:
0xc2: {  	_ = 	snop;
	(pc) =	sbr.rel @!p0 .LBB2_10-.Ltmp6, $4  }
0xc3: {  	_ = 	snop  }
0xc4: {  	[sflag:s0] =	ssyncset.done $0x0  }
0xc5: {  	[sflag:s0] =	ssyncadd.s32 $0xFFFFCF20  }
0xc6: {  	_ = 	snop  }
.LBB2_6:
.Ltmp7:
0xc7: {  	(pc) =	sbr.rel .LBB2_9-.Ltmp7, $2  }
0xc8: {  	_ =	sdelay $0x2  }
0xc9: {  	s24 =	smov.u32 s15  }
.LBB2_10:
0xca: {  	_ =	sfence.sel $0x180000  }
0xcb: {  	[bflag:$0x0] =	sbarrier.arrive $0xFFFF  }
0xcc: {  	_ =	strace $0x90000047  }
0xcd: {  	s0 =	stileid.u32;
	[bflag:$0x2] =	sbarrier.arrive $0xFFFF  }
0xce: {  	p0 =	sne.s32 s0, $0x0;
	s0 =	rddreg [dreg:$0x2]  }
0xcf: {  	s0 =	sadd.s32 @!p0 $0x100000, s0  }
0xd0: {  	[sflag:s0] =	ssyncadd.tile.s32 @!p0 $0x1;
	_ =	shalt  }
.Lfunc_end2:
_tile_overlayer_lowered:
.L_overlay_start_2:
0xd1: {  	(tag) =	ssettag $0x2  }
0xd2: {  	s0 =	rddreg [dreg:$0x0];
	s2 =	stileid.u32  }
0xd3: {  	s1 =	rddreg [dreg:$0x1];
	p0 =	sne.s32 s2, $0x0  }
0xd4: {  	s3 =	rddreg [dreg:$0x2];
	[bflag:$0x3] =	sbarrier.arrive $0xFFFF;
	s2 =	simm.s32 @!p0 $0x1C05  }
0xd5: {  	[timem:s3], [sflag:s2] =	dma.local @!p0 [hbm:s0], s1  }
0xd6: {  	s0 =	simm.s32 @!p0 $0x5  }
0xd7: {  	_ =	swait.ge @!p0 [sflag:s0], s1  }
0xd8: {  	s1 =	ssub.s32 @!p0 $0x0, s1;
	[sflag:s0] =	ssyncset.done @!p0 $0x0  }
0xd9: {  	[sflag:s0] =	ssyncadd.s32 @!p0 s1  }
0xda: {  	[bflag:$0x3] =	sbarrier.arrive $0xFFFF  }
0xdb: {  	_ =	shalt  }

</sc_bundles>
